<compile_context>
chip_gen: v7x
topology: tpu7x:2x2x1
jax: 0.10.2.dev20260603
libtpu: 0.0.44.dev20260713+nightly
codegen_flags: <defaults>
</compile_context>

<pallas_src>
import functools

import jax
import jax.numpy as jnp
from jax import lax
from jax.experimental import pallas as pl
from jax.experimental.pallas import tpu as pltpu
from jax.experimental.pallas import tpu_sc as plsc

BATCH = 16384
D = 16
NC = 2
NS = 16
NW = NC * NS
BW = BATCH // NW
G = 2
NG = BW // G
NB = 12
NF = NB - 1
GPR = 16 // G

_mesh = plsc.VectorSubcoreMesh(core_axis_name="c", subcore_axis_name="s")


@functools.partial(
    pl.kernel,
    mesh=_mesh,
    out_type=jax.ShapeDtypeStruct((BATCH,), jnp.float32),
    scratch_types=[
        pltpu.VMEM((BW + 16,), jnp.int32),
        pltpu.VMEM((BW + 16,), jnp.int32),
        pltpu.VMEM((NB, G, D, 128), jnp.float32),
        pltpu.VMEM((NB, G, D, 128), jnp.float32),
        pltpu.VMEM((16, D), jnp.float32),
        pltpu.VMEM((BW,), jnp.float32),
    ] + [pltpu.SemaphoreType.DMA] * (1 + NB),
    compiler_params=pltpu.CompilerParams(needs_layout_passes=False),
)
def _mf_sc(xu_hbm, xv_hbm, uT_hbm, vT_hbm, out_hbm,
           xu_f, xv_f, ubuf, vbuf, prods, out_v,
           sem_idx, *ring_sems):
    wid = lax.axis_index("s") * NC + lax.axis_index("c")
    base = pl.multiple_of(wid * BW, 128)

    pltpu.async_copy(xu_hbm.at[pl.ds(base, BW)], xu_f.at[pl.ds(0, BW)],
                     sem_idx).wait()
    pltpu.async_copy(xv_hbm.at[pl.ds(base, BW)], xv_f.at[pl.ds(0, BW)],
                     sem_idx).wait()

    lane_ids = lax.iota(jnp.int32, 16)
    sems = tuple(ring_sems)

    def fire(g, slot):
        xu16 = xu_f[pl.ds(g * G, 16)]
        xv16 = xv_f[pl.ds(g * G, 16)]
        for k in range(G):
            cu0 = pl.multiple_of((xu16[k] >> 7) << 7, 128)
            cv0 = pl.multiple_of((xv16[k] >> 7) << 7, 128)
            pltpu.async_copy(uT_hbm.at[:, pl.ds(cu0, 128)],
                             ubuf.at[slot, k], sems[slot])
            pltpu.async_copy(vT_hbm.at[:, pl.ds(cv0, 128)],
                             vbuf.at[slot, k], sems[slot])

    def drain(slot):
        pltpu.make_async_copy(uT_hbm.at[:, pl.ds(0, 128)],
                              ubuf.at[0], sems[slot]).wait()
        pltpu.make_async_copy(uT_hbm.at[:, pl.ds(0, 128)],
                              vbuf.at[0], sems[slot]).wait()

    def extract(e, slot):
        xu16 = xu_f[pl.ds(e * G, 16)]
        xv16 = xv_f[pl.ds(e * G, 16)]
        prow = lax.rem(e, GPR) * G
        bu = jnp.full((16,), slot, jnp.int32)
        for k in range(G):
            ku = jnp.full((16,), k, jnp.int32)
            cu = jnp.full((16,), xu16[k] & 127, jnp.int32)
            cv = jnp.full((16,), xv16[k] & 127, jnp.int32)
            fu = plsc.load_gather(ubuf, [bu, ku, lane_ids, cu])
            fv = plsc.load_gather(vbuf, [bu, ku, lane_ids, cv])
            prods[prow + k] = fu * fv

    def reduce16(e):
        acc = jnp.zeros((16,), jnp.float32)
        for d in range(D):
            cols = jnp.full((16,), d, jnp.int32)
            acc = acc + plsc.load_gather(prods, [lane_ids, cols])
        out_v[pl.ds((e - (GPR - 1)) * G, 16)] = acc

    for p in range(NF):
        fire(p, p)

    def body(g, carry):
        e = g - NF

        @pl.when(g < NG)
        def _():
            for r in range(NB):
                @pl.when(lax.rem(g, NB) == r)
                def _(r=r):
                    fire(g, r)

        for r in range(NB):
            @pl.when(lax.rem(e, NB) == r)
            def _(r=r):
                drain(r)
        extract(e, lax.rem(e, NB))

        @pl.when(lax.rem(e, GPR) == GPR - 1)
        def _():
            reduce16(e)
        return carry

    lax.fori_loop(NF, NG + NF, body, 0)

    pltpu.sync_copy(out_v, out_hbm.at[pl.ds(base, BW)])


def kernel(X, user_emb, item_emb):
    xu = X[:, 0]
    xv = X[:, 1]
    out = _mf_sc(xu, xv, user_emb.T, item_emb.T)
    return out.reshape(BATCH, 1)

# --- scband reference (transcript-rebuilt; emitter-appended) ---
"""Pipeline reference for scband-mf-3393024163986 (READ-ONLY COPY).

The authoritative reference and input builder live on the scoring server;
editing this copy changes nothing except your own understanding.
"""

import jax, jax.numpy as jnp
import numpy as np

USER_NUM = 1000000
ITEM_NUM = 1000000
EMBED_DIM = 16
BATCH = 16384

def setup_inputs(seed: int = 0) -> dict:
    key = jax.random.key(seed)
    k1, k2, k3 = jax.random.split(key, 3)
    X = jax.random.randint(k1, (BATCH, 2), 0, USER_NUM, dtype=jnp.int64 if jax.config.jax_enable_x64 else jnp.int32).astype(jnp.int32)
    user_emb = jax.random.normal(k2, (USER_NUM, EMBED_DIM), dtype=jnp.float32) * 0.02
    item_emb = jax.random.normal(k3, (ITEM_NUM, EMBED_DIM), dtype=jnp.float32) * 0.02
    return {"X": X, "user_emb": user_emb, "item_emb": item_emb}

def reference(X, user_emb, item_emb):
    # MF forward: dot product of user and item embeddings per example
    u = jnp.take(user_emb, X[:, 0], axis=0)   # [B, D] gather
    v = jnp.take(item_emb, X[:, 1], axis=0)   # [B, D] gather
    return jnp.sum(u * v, axis=1, keepdims=True)  # [B, 1]

if __name__ == "__main__":
    import jax
    _d = setup_inputs()
    print(jax.jit(kernel)(*tuple(_d.values())))

</pallas_src>

<mosaic_0001>
#map = affine_map<(d0, d1) -> (0)>
#map1 = affine_map<(d0, d1) -> (0, 0)>
module attributes {stable_mosaic.version = 14 : i64} {
  func.func @_mf_sc(%arg0: i32, %arg1: i32, %arg2: memref<16384xi32, #tpu.memory_space<hbm>>, %arg3: memref<16384xi32, #tpu.memory_space<hbm>>, %arg4: memref<16x1000000xf32, #tpu.memory_space<hbm>>, %arg5: memref<16x1000000xf32, #tpu.memory_space<hbm>>, %arg6: memref<16384xf32, #tpu.memory_space<hbm>>, %arg7: memref<528xi32, #tpu.memory_space<vmem>>, %arg8: memref<528xi32, #tpu.memory_space<vmem>>, %arg9: memref<12x2x16x128xf32, #tpu.memory_space<vmem>>, %arg10: memref<12x2x16x128xf32, #tpu.memory_space<vmem>>, %arg11: memref<16x16xf32, #tpu.memory_space<vmem>>, %arg12: memref<512xf32, #tpu.memory_space<vmem>>, %arg13: memref<!tpu.dma_semaphore, #tpu.memory_space<semaphore_mem>>, %arg14: memref<!tpu.dma_semaphore, #tpu.memory_space<semaphore_mem>>, %arg15: memref<!tpu.dma_semaphore, #tpu.memory_space<semaphore_mem>>, %arg16: memref<!tpu.dma_semaphore, #tpu.memory_space<semaphore_mem>>, %arg17: memref<!tpu.dma_semaphore, #tpu.memory_space<semaphore_mem>>, %arg18: memref<!tpu.dma_semaphore, #tpu.memory_space<semaphore_mem>>, %arg19: memref<!tpu.dma_semaphore, #tpu.memory_space<semaphore_mem>>, %arg20: memref<!tpu.dma_semaphore, #tpu.memory_space<semaphore_mem>>, %arg21: memref<!tpu.dma_semaphore, #tpu.memory_space<semaphore_mem>>, %arg22: memref<!tpu.dma_semaphore, #tpu.memory_space<semaphore_mem>>, %arg23: memref<!tpu.dma_semaphore, #tpu.memory_space<semaphore_mem>>, %arg24: memref<!tpu.dma_semaphore, #tpu.memory_space<semaphore_mem>>, %arg25: memref<!tpu.dma_semaphore, #tpu.memory_space<semaphore_mem>>) attributes {dimension_semantics = [#tpu.dimension_semantics<core_parallel>, #tpu.dimension_semantics<subcore_parallel>], iteration_bounds = array<i64: 2, 16>, scalar_prefetch = 0 : i64, scratch_operands = 19 : i64, tpu.core_type = #tpu.core_type<sc_vector_subcore>, window_params = [{transform_indices = #map}, {transform_indices = #map}, {transform_indices = #map1}, {transform_indices = #map1}, {transform_indices = #map}]} {
    %mul3A = arith.constant 2 : i32
    %mul3A_0 = arith.muli %arg1, %mul3A : i32
    %add3A = arith.addi %mul3A_0, %arg0 : i32
    %mul3A_1 = arith.constant 512 : i32
    %mul3A_2 = arith.muli %add3A, %mul3A_1 : i32
    %multiple_of3A = tpu.assume_multiple %mul3A_2, 128 : i32
    %dma_start3A = arith.constant 0 : i32
    %dma_start3A_3 = tpu.memref_slice %arg7[%dma_start3A] : memref<528xi32, #tpu.memory_space<vmem>> -> memref<512xi32, #tpu.memory_space<vmem>>
    %dma_start3A_4 = tpu.memref_slice %arg2[%multiple_of3A] : memref<16384xi32, #tpu.memory_space<hbm>> -> memref<512xi32, #tpu.memory_space<hbm>>
    %dma_start3A_5 = arith.constant 0 : i32
    %dma_start3A_6 = tpu.memref_slice %arg7[%dma_start3A_5] : memref<528xi32, #tpu.memory_space<vmem>> -> memref<512xi32, #tpu.memory_space<vmem>>
    %dma_start3A_7 = tpu.memref_slice %arg2[%multiple_of3A] : memref<16384xi32, #tpu.memory_space<hbm>> -> memref<512xi32, #tpu.memory_space<hbm>>
    tpu.enqueue_dma source(%dma_start3A_7 : memref<512xi32, #tpu.memory_space<hbm>>) target(%dma_start3A_6 : memref<512xi32, #tpu.memory_space<vmem>>) target_semaphore(%arg13 : memref<!tpu.dma_semaphore, #tpu.memory_space<semaphore_mem>>)
    %dma_wait3A = arith.constant 0 : i32
    %dma_wait3A_8 = tpu.memref_slice %arg7[%dma_wait3A] : memref<528xi32, #tpu.memory_space<vmem>> -> memref<512xi32, #tpu.memory_space<vmem>>
    %dma_wait3A_9 = tpu.memref_slice %arg2[%multiple_of3A] : memref<16384xi32, #tpu.memory_space<hbm>> -> memref<512xi32, #tpu.memory_space<hbm>>
    %dma_wait3A_10 = arith.constant 0 : i32
    %dma_wait3A_11 = tpu.memref_slice %arg7[%dma_wait3A_10] : memref<528xi32, #tpu.memory_space<vmem>> -> memref<512xi32, #tpu.memory_space<vmem>>
    %dma_wait3A_12 = tpu.memref_slice %arg2[%multiple_of3A] : memref<16384xi32, #tpu.memory_space<hbm>> -> memref<512xi32, #tpu.memory_space<hbm>>
    tpu.wait_dma2 semaphore(%arg13 : memref<!tpu.dma_semaphore, #tpu.memory_space<semaphore_mem>>) src(%dma_wait3A_12 : memref<512xi32, #tpu.memory_space<hbm>>) dst(%dma_wait3A_11 : memref<512xi32, #tpu.memory_space<vmem>>)
    %dma_start3A_13 = arith.constant 0 : i32
    %dma_start3A_14 = tpu.memref_slice %arg8[%dma_start3A_13] : memref<528xi32, #tpu.memory_space<vmem>> -> memref<512xi32, #tpu.memory_space<vmem>>
    %dma_start3A_15 = tpu.memref_slice %arg3[%multiple_of3A] : memref<16384xi32, #tpu.memory_space<hbm>> -> memref<512xi32, #tpu.memory_space<hbm>>
    %dma_start3A_16 = arith.constant 0 : i32
    %dma_start3A_17 = tpu.memref_slice %arg8[%dma_start3A_16] : memref<528xi32, #tpu.memory_space<vmem>> -> memref<512xi32, #tpu.memory_space<vmem>>
    %dma_start3A_18 = tpu.memref_slice %arg3[%multiple_of3A] : memref<16384xi32, #tpu.memory_space<hbm>> -> memref<512xi32, #tpu.memory_space<hbm>>
    tpu.enqueue_dma source(%dma_start3A_18 : memref<512xi32, #tpu.memory_space<hbm>>) target(%dma_start3A_17 : memref<512xi32, #tpu.memory_space<vmem>>) target_semaphore(%arg13 : memref<!tpu.dma_semaphore, #tpu.memory_space<semaphore_mem>>)
    %dma_wait3A_19 = arith.constant 0 : i32
    %dma_wait3A_20 = tpu.memref_slice %arg8[%dma_wait3A_19] : memref<528xi32, #tpu.memory_space<vmem>> -> memref<512xi32, #tpu.memory_space<vmem>>
    %dma_wait3A_21 = tpu.memref_slice %arg3[%multiple_of3A] : memref<16384xi32, #tpu.memory_space<hbm>> -> memref<512xi32, #tpu.memory_space<hbm>>
    %dma_wait3A_22 = arith.constant 0 : i32
    %dma_wait3A_23 = tpu.memref_slice %arg8[%dma_wait3A_22] : memref<528xi32, #tpu.memory_space<vmem>> -> memref<512xi32, #tpu.memory_space<vmem>>
    %dma_wait3A_24 = tpu.memref_slice %arg3[%multiple_of3A] : memref<16384xi32, #tpu.memory_space<hbm>> -> memref<512xi32, #tpu.memory_space<hbm>>
    tpu.wait_dma2 semaphore(%arg13 : memref<!tpu.dma_semaphore, #tpu.memory_space<semaphore_mem>>) src(%dma_wait3A_24 : memref<512xi32, #tpu.memory_space<hbm>>) dst(%dma_wait3A_23 : memref<512xi32, #tpu.memory_space<vmem>>)
    %iota3A = tpu.iota {dimensions = array<i32: 0>} : vector<16xi32>
    %get3A = arith.constant 0 : index
    %get3A_25 = tpu.vector_load %arg7[%get3A] {strides = array<i32>} : memref<528xi32, #tpu.memory_space<vmem>>, vector<16xi32>,
    %get3A_26 = arith.constant 0 : index
    %get3A_27 = tpu.vector_load %arg8[%get3A_26] {strides = array<i32>} : memref<528xi32, #tpu.memory_space<vmem>>, vector<16xi32>,
    %slice3A = vector.extract_strided_slice %get3A_25 {offsets = [0], sizes = [1], strides = [1]} : vector<16xi32> to vector<1xi32>
    %squeeze3A = vector.extract %slice3A[0] : i32 from vector<1xi32>
    %shift_right_arithmetic3A = arith.constant 7 : i32
    %shift_right_arithmetic3A_28 = arith.shrsi %squeeze3A, %shift_right_arithmetic3A : i32
    %shift_left3A = arith.constant 7 : i32
    %shift_left3A_29 = arith.shli %shift_right_arithmetic3A_28, %shift_left3A : i32
    %multiple_of3A_30 = tpu.assume_multiple %shift_left3A_29, 128 : i32
    %slice3A_31 = vector.extract_strided_slice %get3A_27 {offsets = [0], sizes = [1], strides = [1]} : vector<16xi32> to vector<1xi32>
    %squeeze3A_32 = vector.extract %slice3A_31[0] : i32 from vector<1xi32>
    %shift_right_arithmetic3A_33 = arith.constant 7 : i32
    %shift_right_arithmetic3A_34 = arith.shrsi %squeeze3A_32, %shift_right_arithmetic3A_33 : i32
    %shift_left3A_35 = arith.constant 7 : i32
    %shift_left3A_36 = arith.shli %shift_right_arithmetic3A_34, %shift_left3A_35 : i32
    %multiple_of3A_37 = tpu.assume_multiple %shift_left3A_36, 128 : i32
    %dma_start3A_38 = arith.constant 0 : i32
    %dma_start3A_39 = arith.constant 0 : i32
    %dma_start3A_40 = arith.constant 0 : i32
    %dma_start3A_41 = arith.constant 0 : i32
    %dma_start3A_42 = tpu.memref_slice %arg9[%dma_start3A_38, %dma_start3A_39, %dma_start3A_40, %dma_start3A_41] : memref<12x2x16x128xf32, #tpu.memory_space<vmem>> -> memref<1x1x16x128xf32, #tpu.memory_space<vmem>>
    %dma_start3A_43 = tpu.memref_squeeze %dma_start3A_42 : memref<1x1x16x128xf32, #tpu.memory_space<vmem>> -> memref<16x128xf32, #tpu.memory_space<vmem>>
    %dma_start3A_44 = arith.constant 0 : i32
    %dma_start3A_45 = tpu.memref_slice %arg4[%dma_start3A_44, %multiple_of3A_30] : memref<16x1000000xf32, #tpu.memory_space<hbm>> -> memref<16x128xf32, #tpu.memory_space<hbm>>
    %dma_start3A_46 = arith.constant 0 : i32
    %dma_start3A_47 = arith.constant 0 : i32
    %dma_start3A_48 = tpu.memref_slice %arg9[%dma_start3A_38, %dma_start3A_39, %dma_start3A_46, %dma_start3A_47] : memref<12x2x16x128xf32, #tpu.memory_space<vmem>> -> memref<1x1x16x128xf32, #tpu.memory_space<vmem>>
    %dma_start3A_49 = tpu.memref_squeeze %dma_start3A_48 : memref<1x1x16x128xf32, #tpu.memory_space<vmem>> -> memref<16x128xf32, #tpu.memory_space<vmem>>
    %dma_start3A_50 = arith.constant 0 : i32
    %dma_start3A_51 = tpu.memref_slice %arg4[%dma_start3A_50, %multiple_of3A_30] : memref<16x1000000xf32, #tpu.memory_space<hbm>> -> memref<16x128xf32, #tpu.memory_space<hbm>>
    tpu.enqueue_dma source(%dma_start3A_51 : memref<16x128xf32, #tpu.memory_space<hbm>>) target(%dma_start3A_49 : memref<16x128xf32, #tpu.memory_space<vmem>>) target_semaphore(%arg14 : memref<!tpu.dma_semaphore, #tpu.memory_space<semaphore_mem>>)
    %dma_start3A_52 = arith.constant 0 : i32
    %dma_start3A_53 = arith.constant 0 : i32
    %dma_start3A_54 = arith.constant 0 : i32
    %dma_start3A_55 = arith.constant 0 : i32
    %dma_start3A_56 = tpu.memref_slice %arg10[%dma_start3A_52, %dma_start3A_53, %dma_start3A_54, %dma_start3A_55] : memref<12x2x16x128xf32, #tpu.memory_space<vmem>> -> memref<1x1x16x128xf32, #tpu.memory_space<vmem>>
    %dma_start3A_57 = tpu.memref_squeeze %dma_start3A_56 : memref<1x1x16x128xf32, #tpu.memory_space<vmem>> -> memref<16x128xf32, #tpu.memory_space<vmem>>
    %dma_start3A_58 = arith.constant 0 : i32
    %dma_start3A_59 = tpu.memref_slice %arg5[%dma_start3A_58, %multiple_of3A_37] : memref<16x1000000xf32, #tpu.memory_space<hbm>> -> memref<16x128xf32, #tpu.memory_space<hbm>>
    %dma_start3A_60 = arith.constant 0 : i32
    %dma_start3A_61 = arith.constant 0 : i32
    %dma_start3A_62 = tpu.memref_slice %arg10[%dma_start3A_52, %dma_start3A_53, %dma_start3A_60, %dma_start3A_61] : memref<12x2x16x128xf32, #tpu.memory_space<vmem>> -> memref<1x1x16x128xf32, #tpu.memory_space<vmem>>
    %dma_start3A_63 = tpu.memref_squeeze %dma_start3A_62 : memref<1x1x16x128xf32, #tpu.memory_space<vmem>> -> memref<16x128xf32, #tpu.memory_space<vmem>>
    %dma_start3A_64 = arith.constant 0 : i32
    %dma_start3A_65 = tpu.memref_slice %arg5[%dma_start3A_64, %multiple_of3A_37] : memref<16x1000000xf32, #tpu.memory_space<hbm>> -> memref<16x128xf32, #tpu.memory_space<hbm>>
    tpu.enqueue_dma source(%dma_start3A_65 : memref<16x128xf32, #tpu.memory_space<hbm>>) target(%dma_start3A_63 : memref<16x128xf32, #tpu.memory_space<vmem>>) target_semaphore(%arg14 : memref<!tpu.dma_semaphore, #tpu.memory_space<semaphore_mem>>)
    %slice3A_66 = vector.extract_strided_slice %get3A_25 {offsets = [1], sizes = [1], strides = [1]} : vector<16xi32> to vector<1xi32>
    %squeeze3A_67 = vector.extract %slice3A_66[0] : i32 from vector<1xi32>
    %shift_right_arithmetic3A_68 = arith.constant 7 : i32
    %shift_right_arithmetic3A_69 = arith.shrsi %squeeze3A_67, %shift_right_arithmetic3A_68 : i32
    %shift_left3A_70 = arith.constant 7 : i32
    %shift_left3A_71 = arith.shli %shift_right_arithmetic3A_69, %shift_left3A_70 : i32
    %multiple_of3A_72 = tpu.assume_multiple %shift_left3A_71, 128 : i32
    %slice3A_73 = vector.extract_strided_slice %get3A_27 {offsets = [1], sizes = [1], strides = [1]} : vector<16xi32> to vector<1xi32>
    %squeeze3A_74 = vector.extract %slice3A_73[0] : i32 from vector<1xi32>
    %shift_right_arithmetic3A_75 = arith.constant 7 : i32
    %shift_right_arithmetic3A_76 = arith.shrsi %squeeze3A_74, %shift_right_arithmetic3A_75 : i32
    %shift_left3A_77 = arith.constant 7 : i32
    %shift_left3A_78 = arith.shli %shift_right_arithmetic3A_76, %shift_left3A_77 : i32
    %multiple_of3A_79 = tpu.assume_multiple %shift_left3A_78, 128 : i32
    %dma_start3A_80 = arith.constant 0 : i32
    %dma_start3A_81 = arith.constant 1 : i32
    %dma_start3A_82 = arith.constant 0 : i32
    %dma_start3A_83 = arith.constant 0 : i32
    %dma_start3A_84 = tpu.memref_slice %arg9[%dma_start3A_80, %dma_start3A_81, %dma_start3A_82, %dma_start3A_83] : memref<12x2x16x128xf32, #tpu.memory_space<vmem>> -> memref<1x1x16x128xf32, #tpu.memory_space<vmem>>
    %dma_start3A_85 = tpu.memref_squeeze %dma_start3A_84 : memref<1x1x16x128xf32, #tpu.memory_space<vmem>> -> memref<16x128xf32, #tpu.memory_space<vmem>>
    %dma_start3A_86 = arith.constant 0 : i32
    %dma_start3A_87 = tpu.memref_slice %arg4[%dma_start3A_86, %multiple_of3A_72] : memref<16x1000000xf32, #tpu.memory_space<hbm>> -> memref<16x128xf32, #tpu.memory_space<hbm>>
    %dma_start3A_88 = arith.constant 0 : i32
    %dma_start3A_89 = arith.constant 0 : i32
    %dma_start3A_90 = tpu.memref_slice %arg9[%dma_start3A_80, %dma_start3A_81, %dma_start3A_88, %dma_start3A_89] : memref<12x2x16x128xf32, #tpu.memory_space<vmem>> -> memref<1x1x16x128xf32, #tpu.memory_space<vmem>>
    %dma_start3A_91 = tpu.memref_squeeze %dma_start3A_90 : memref<1x1x16x128xf32, #tpu.memory_space<vmem>> -> memref<16x128xf32, #tpu.memory_space<vmem>>
    %dma_start3A_92 = arith.constant 0 : i32
    %dma_start3A_93 = tpu.memref_slice %arg4[%dma_start3A_92, %multiple_of3A_72] : memref<16x1000000xf32, #tpu.memory_space<hbm>> -> memref<16x128xf32, #tpu.memory_space<hbm>>
    tpu.enqueue_dma source(%dma_start3A_93 : memref<16x128xf32, #tpu.memory_space<hbm>>) target(%dma_start3A_91 : memref<16x128xf32, #tpu.memory_space<vmem>>) target_semaphore(%arg14 : memref<!tpu.dma_semaphore, #tpu.memory_space<semaphore_mem>>)
    %dma_start3A_94 = arith.constant 0 : i32
    %dma_start3A_95 = arith.constant 1 : i32
    %dma_start3A_96 = arith.constant 0 : i32
    %dma_start3A_97 = arith.constant 0 : i32
    %dma_start3A_98 = tpu.memref_slice %arg10[%dma_start3A_94, %dma_start3A_95, %dma_start3A_96, %dma_start3A_97] : memref<12x2x16x128xf32, #tpu.memory_space<vmem>> -> memref<1x1x16x128xf32, #tpu.memory_space<vmem>>
    %dma_start3A_99 = tpu.memref_squeeze %dma_start3A_98 : memref<1x1x16x128xf32, #tpu.memory_space<vmem>> -> memref<16x128xf32, #tpu.memory_space<vmem>>
    %dma_start3A_100 = arith.constant 0 : i32
    %dma_start3A_101 = tpu.memref_slice %arg5[%dma_start3A_100, %multiple_of3A_79] : memref<16x1000000xf32, #tpu.memory_space<hbm>> -> memref<16x128xf32, #tpu.memory_space<hbm>>
    %dma_start3A_102 = arith.constant 0 : i32
    %dma_start3A_103 = arith.constant 0 : i32
    %dma_start3A_104 = tpu.memref_slice %arg10[%dma_start3A_94, %dma_start3A_95, %dma_start3A_102, %dma_start3A_103] : memref<12x2x16x128xf32, #tpu.memory_space<vmem>> -> memref<1x1x16x128xf32, #tpu.memory_space<vmem>>
    %dma_start3A_105 = tpu.memref_squeeze %dma_start3A_104 : memref<1x1x16x128xf32, #tpu.memory_space<vmem>> -> memref<16x128xf32, #tpu.memory_space<vmem>>
    %dma_start3A_106 = arith.constant 0 : i32
    %dma_start3A_107 = tpu.memref_slice %arg5[%dma_start3A_106, %multiple_of3A_79] : memref<16x1000000xf32, #tpu.memory_space<hbm>> -> memref<16x128xf32, #tpu.memory_space<hbm>>
    tpu.enqueue_dma source(%dma_start3A_107 : memref<16x128xf32, #tpu.memory_space<hbm>>) target(%dma_start3A_105 : memref<16x128xf32, #tpu.memory_space<vmem>>) target_semaphore(%arg14 : memref<!tpu.dma_semaphore, #tpu.memory_space<semaphore_mem>>)
    %get3A_108 = arith.constant 2 : index
    %get3A_109 = tpu.vector_load %arg7[%get3A_108] {strides = array<i32>} : memref<528xi32, #tpu.memory_space<vmem>>, vector<16xi32>,
    %get3A_110 = arith.constant 2 : index
    %get3A_111 = tpu.vector_load %arg8[%get3A_110] {strides = array<i32>} : memref<528xi32, #tpu.memory_space<vmem>>, vector<16xi32>,
    %slice3A_112 = vector.extract_strided_slice %get3A_109 {offsets = [0], sizes = [1], strides = [1]} : vector<16xi32> to vector<1xi32>
    %squeeze3A_113 = vector.extract %slice3A_112[0] : i32 from vector<1xi32>
    %shift_right_arithmetic3A_114 = arith.constant 7 : i32
    %shift_right_arithmetic3A_115 = arith.shrsi %squeeze3A_113, %shift_right_arithmetic3A_114 : i32
    %shift_left3A_116 = arith.constant 7 : i32
    %shift_left3A_117 = arith.shli %shift_right_arithmetic3A_115, %shift_left3A_116 : i32
    %multiple_of3A_118 = tpu.assume_multiple %shift_left3A_117, 128 : i32
    %slice3A_119 = vector.extract_strided_slice %get3A_111 {offsets = [0], sizes = [1], strides = [1]} : vector<16xi32> to vector<1xi32>
    %squeeze3A_120 = vector.extract %slice3A_119[0] : i32 from vector<1xi32>
    %shift_right_arithmetic3A_121 = arith.constant 7 : i32
    %shift_right_arithmetic3A_122 = arith.shrsi %squeeze3A_120, %shift_right_arithmetic3A_121 : i32
    %shift_left3A_123 = arith.constant 7 : i32
    %shift_left3A_124 = arith.shli %shift_right_arithmetic3A_122, %shift_left3A_123 : i32
    %multiple_of3A_125 = tpu.assume_multiple %shift_left3A_124, 128 : i32
    %dma_start3A_126 = arith.constant 1 : i32
    %dma_start3A_127 = arith.constant 0 : i32
    %dma_start3A_128 = arith.constant 0 : i32
    %dma_start3A_129 = arith.constant 0 : i32
    %dma_start3A_130 = tpu.memref_slice %arg9[%dma_start3A_126, %dma_start3A_127, %dma_start3A_128, %dma_start3A_129] : memref<12x2x16x128xf32, #tpu.memory_space<vmem>> -> memref<1x1x16x128xf32, #tpu.memory_space<vmem>>
    %dma_start3A_131 = tpu.memref_squeeze %dma_start3A_130 : memref<1x1x16x128xf32, #tpu.memory_space<vmem>> -> memref<16x128xf32, #tpu.memory_space<vmem>>
    %dma_start3A_132 = arith.constant 0 : i32
    %dma_start3A_133 = tpu.memref_slice %arg4[%dma_start3A_132, %multiple_of3A_118] : memref<16x1000000xf32, #tpu.memory_space<hbm>> -> memref<16x128xf32, #tpu.memory_space<hbm>>
    %dma_start3A_134 = arith.constant 0 : i32
    %dma_start3A_135 = arith.constant 0 : i32
    %dma_start3A_136 = tpu.memref_slice %arg9[%dma_start3A_126, %dma_start3A_127, %dma_start3A_134, %dma_start3A_135] : memref<12x2x16x128xf32, #tpu.memory_space<vmem>> -> memref<1x1x16x128xf32, #tpu.memory_space<vmem>>
    %dma_start3A_137 = tpu.memref_squeeze %dma_start3A_136 : memref<1x1x16x128xf32, #tpu.memory_space<vmem>> -> memref<16x128xf32, #tpu.memory_space<vmem>>
    %dma_start3A_138 = arith.constant 0 : i32
    %dma_start3A_139 = tpu.memref_slice %arg4[%dma_start3A_138, %multiple_of3A_118] : memref<16x1000000xf32, #tpu.memory_space<hbm>> -> memref<16x128xf32, #tpu.memory_space<hbm>>
    tpu.enqueue_dma source(%dma_start3A_139 : memref<16x128xf32, #tpu.memory_space<hbm>>) target(%dma_start3A_137 : memref<16x128xf32, #tpu.memory_space<vmem>>) target_semaphore(%arg15 : memref<!tpu.dma_semaphore, #tpu.memory_space<semaphore_mem>>)
    %dma_start3A_140 = arith.constant 1 : i32
    %dma_start3A_141 = arith.constant 0 : i32
    %dma_start3A_142 = arith.constant 0 : i32
    %dma_start3A_143 = arith.constant 0 : i32
    %dma_start3A_144 = tpu.memref_slice %arg10[%dma_start3A_140, %dma_start3A_141, %dma_start3A_142, %dma_start3A_143] : memref<12x2x16x128xf32, #tpu.memory_space<vmem>> -> memref<1x1x16x128xf32, #tpu.memory_space<vmem>>
    %dma_start3A_145 = tpu.memref_squeeze %dma_start3A_144 : memref<1x1x16x128xf32, #tpu.memory_space<vmem>> -> memref<16x128xf32, #tpu.memory_space<vmem>>
    %dma_start3A_146 = arith.constant 0 : i32
    %dma_start3A_147 = tpu.memref_slice %arg5[%dma_start3A_146, %multiple_of3A_125] : memref<16x1000000xf32, #tpu.memory_space<hbm>> -> memref<16x128xf32, #tpu.memory_space<hbm>>
    %dma_start3A_148 = arith.constant 0 : i32
    %dma_start3A_149 = arith.constant 0 : i32
    %dma_start3A_150 = tpu.memref_slice %arg10[%dma_start3A_140, %dma_start3A_141, %dma_start3A_148, %dma_start3A_149] : memref<12x2x16x128xf32, #tpu.memory_space<vmem>> -> memref<1x1x16x128xf32, #tpu.memory_space<vmem>>
    %dma_start3A_151 = tpu.memref_squeeze %dma_start3A_150 : memref<1x1x16x128xf32, #tpu.memory_space<vmem>> -> memref<16x128xf32, #tpu.memory_space<vmem>>
    %dma_start3A_152 = arith.constant 0 : i32
    %dma_start3A_153 = tpu.memref_slice %arg5[%dma_start3A_152, %multiple_of3A_125] : memref<16x1000000xf32, #tpu.memory_space<hbm>> -> memref<16x128xf32, #tpu.memory_space<hbm>>
    tpu.enqueue_dma source(%dma_start3A_153 : memref<16x128xf32, #tpu.memory_space<hbm>>) target(%dma_start3A_151 : memref<16x128xf32, #tpu.memory_space<vmem>>) target_semaphore(%arg15 : memref<!tpu.dma_semaphore, #tpu.memory_space<semaphore_mem>>)
    %slice3A_154 = vector.extract_strided_slice %get3A_109 {offsets = [1], sizes = [1], strides = [1]} : vector<16xi32> to vector<1xi32>
    %squeeze3A_155 = vector.extract %slice3A_154[0] : i32 from vector<1xi32>
    %shift_right_arithmetic3A_156 = arith.constant 7 : i32
    %shift_right_arithmetic3A_157 = arith.shrsi %squeeze3A_155, %shift_right_arithmetic3A_156 : i32
    %shift_left3A_158 = arith.constant 7 : i32
    %shift_left3A_159 = arith.shli %shift_right_arithmetic3A_157, %shift_left3A_158 : i32
    %multiple_of3A_160 = tpu.assume_multiple %shift_left3A_159, 128 : i32
    %slice3A_161 = vector.extract_strided_slice %get3A_111 {offsets = [1], sizes = [1], strides = [1]} : vector<16xi32> to vector<1xi32>
    %squeeze3A_162 = vector.extract %slice3A_161[0] : i32 from vector<1xi32>
    %shift_right_arithmetic3A_163 = arith.constant 7 : i32
    %shift_right_arithmetic3A_164 = arith.shrsi %squeeze3A_162, %shift_right_arithmetic3A_163 : i32
    %shift_left3A_165 = arith.constant 7 : i32
    %shift_left3A_166 = arith.shli %shift_right_arithmetic3A_164, %shift_left3A_165 : i32
    %multiple_of3A_167 = tpu.assume_multiple %shift_left3A_166, 128 : i32
    %dma_start3A_168 = arith.constant 1 : i32
    %dma_start3A_169 = arith.constant 1 : i32
    %dma_start3A_170 = arith.constant 0 : i32
    %dma_start3A_171 = arith.constant 0 : i32
    %dma_start3A_172 = tpu.memref_slice %arg9[%dma_start3A_168, %dma_start3A_169, %dma_start3A_170, %dma_start3A_171] : memref<12x2x16x128xf32, #tpu.memory_space<vmem>> -> memref<1x1x16x128xf32, #tpu.memory_space<vmem>>
    %dma_start3A_173 = tpu.memref_squeeze %dma_start3A_172 : memref<1x1x16x128xf32, #tpu.memory_space<vmem>> -> memref<16x128xf32, #tpu.memory_space<vmem>>
    %dma_start3A_174 = arith.constant 0 : i32
    %dma_start3A_175 = tpu.memref_slice %arg4[%dma_start3A_174, %multiple_of3A_160] : memref<16x1000000xf32, #tpu.memory_space<hbm>> -> memref<16x128xf32, #tpu.memory_space<hbm>>
    %dma_start3A_176 = arith.constant 0 : i32
    %dma_start3A_177 = arith.constant 0 : i32
    %dma_start3A_178 = tpu.memref_slice %arg9[%dma_start3A_168, %dma_start3A_169, %dma_start3A_176, %dma_start3A_177] : memref<12x2x16x128xf32, #tpu.memory_space<vmem>> -> memref<1x1x16x128xf32, #tpu.memory_space<vmem>>
    %dma_start3A_179 = tpu.memref_squeeze %dma_start3A_178 : memref<1x1x16x128xf32, #tpu.memory_space<vmem>> -> memref<16x128xf32, #tpu.memory_space<vmem>>
    %dma_start3A_180 = arith.constant 0 : i32
    %dma_start3A_181 = tpu.memref_slice %arg4[%dma_start3A_180, %multiple_of3A_160] : memref<16x1000000xf32, #tpu.memory_space<hbm>> -> memref<16x128xf32, #tpu.memory_space<hbm>>
    tpu.enqueue_dma source(%dma_start3A_181 : memref<16x128xf32, #tpu.memory_space<hbm>>) target(%dma_start3A_179 : memref<16x128xf32, #tpu.memory_space<vmem>>) target_semaphore(%arg15 : memref<!tpu.dma_semaphore, #tpu.memory_space<semaphore_mem>>)
    %dma_start3A_182 = arith.constant 1 : i32
    %dma_start3A_183 = arith.constant 1 : i32
    %dma_start3A_184 = arith.constant 0 : i32
    %dma_start3A_185 = arith.constant 0 : i32
    %dma_start3A_186 = tpu.memref_slice %arg10[%dma_start3A_182, %dma_start3A_183, %dma_start3A_184, %dma_start3A_185] : memref<12x2x16x128xf32, #tpu.memory_space<vmem>> -> memref<1x1x16x128xf32, #tpu.memory_space<vmem>>
    %dma_start3A_187 = tpu.memref_squeeze %dma_start3A_186 : memref<1x1x16x128xf32, #tpu.memory_space<vmem>> -> memref<16x128xf32, #tpu.memory_space<vmem>>
    %dma_start3A_188 = arith.constant 0 : i32
    %dma_start3A_189 = tpu.memref_slice %arg5[%dma_start3A_188, %multiple_of3A_167] : memref<16x1000000xf32, #tpu.memory_space<hbm>> -> memref<16x128xf32, #tpu.memory_space<hbm>>
    %dma_start3A_190 = arith.constant 0 : i32
    %dma_start3A_191 = arith.constant 0 : i32
    %dma_start3A_192 = tpu.memref_slice %arg10[%dma_start3A_182, %dma_start3A_183, %dma_start3A_190, %dma_start3A_191] : memref<12x2x16x128xf32, #tpu.memory_space<vmem>> -> memref<1x1x16x128xf32, #tpu.memory_space<vmem>>
    %dma_start3A_193 = tpu.memref_squeeze %dma_start3A_192 : memref<1x1x16x128xf32, #tpu.memory_space<vmem>> -> memref<16x128xf32, #tpu.memory_space<vmem>>
    %dma_start3A_194 = arith.constant 0 : i32
    %dma_start3A_195 = tpu.memref_slice %arg5[%dma_start3A_194, %multiple_of3A_167] : memref<16x1000000xf32, #tpu.memory_space<hbm>> -> memref<16x128xf32, #tpu.memory_space<hbm>>
    tpu.enqueue_dma source(%dma_start3A_195 : memref<16x128xf32, #tpu.memory_space<hbm>>) target(%dma_start3A_193 : memref<16x128xf32, #tpu.memory_space<vmem>>) target_semaphore(%arg15 : memref<!tpu.dma_semaphore, #tpu.memory_space<semaphore_mem>>)
    %get3A_196 = arith.constant 4 : index
    %get3A_197 = tpu.vector_load %arg7[%get3A_196] {strides = array<i32>} : memref<528xi32, #tpu.memory_space<vmem>>, vector<16xi32>,
    %get3A_198 = arith.constant 4 : index
    %get3A_199 = tpu.vector_load %arg8[%get3A_198] {strides = array<i32>} : memref<528xi32, #tpu.memory_space<vmem>>, vector<16xi32>,
    %slice3A_200 = vector.extract_strided_slice %get3A_197 {offsets = [0], sizes = [1], strides = [1]} : vector<16xi32> to vector<1xi32>
    %squeeze3A_201 = vector.extract %slice3A_200[0] : i32 from vector<1xi32>
    %shift_right_arithmetic3A_202 = arith.constant 7 : i32
    %shift_right_arithmetic3A_203 = arith.shrsi %squeeze3A_201, %shift_right_arithmetic3A_202 : i32
    %shift_left3A_204 = arith.constant 7 : i32
    %shift_left3A_205 = arith.shli %shift_right_arithmetic3A_203, %shift_left3A_204 : i32
    %multiple_of3A_206 = tpu.assume_multiple %shift_left3A_205, 128 : i32
    %slice3A_207 = vector.extract_strided_slice %get3A_199 {offsets = [0], sizes = [1], strides = [1]} : vector<16xi32> to vector<1xi32>
    %squeeze3A_208 = vector.extract %slice3A_207[0] : i32 from vector<1xi32>
    %shift_right_arithmetic3A_209 = arith.constant 7 : i32
    %shift_right_arithmetic3A_210 = arith.shrsi %squeeze3A_208, %shift_right_arithmetic3A_209 : i32
    %shift_left3A_211 = arith.constant 7 : i32
    %shift_left3A_212 = arith.shli %shift_right_arithmetic3A_210, %shift_left3A_211 : i32
    %multiple_of3A_213 = tpu.assume_multiple %shift_left3A_212, 128 : i32
    %dma_start3A_214 = arith.constant 2 : i32
    %dma_start3A_215 = arith.constant 0 : i32
    %dma_start3A_216 = arith.constant 0 : i32
    %dma_start3A_217 = arith.constant 0 : i32
    %dma_start3A_218 = tpu.memref_slice %arg9[%dma_start3A_214, %dma_start3A_215, %dma_start3A_216, %dma_start3A_217] : memref<12x2x16x128xf32, #tpu.memory_space<vmem>> -> memref<1x1x16x128xf32, #tpu.memory_space<vmem>>
    %dma_start3A_219 = tpu.memref_squeeze %dma_start3A_218 : memref<1x1x16x128xf32, #tpu.memory_space<vmem>> -> memref<16x128xf32, #tpu.memory_space<vmem>>
    %dma_start3A_220 = arith.constant 0 : i32
    %dma_start3A_221 = tpu.memref_slice %arg4[%dma_start3A_220, %multiple_of3A_206] : memref<16x1000000xf32, #tpu.memory_space<hbm>> -> memref<16x128xf32, #tpu.memory_space<hbm>>
    %dma_start3A_222 = arith.constant 0 : i32
    %dma_start3A_223 = arith.constant 0 : i32
    %dma_start3A_224 = tpu.memref_slice %arg9[%dma_start3A_214, %dma_start3A_215, %dma_start3A_222, %dma_start3A_223] : memref<12x2x16x128xf32, #tpu.memory_space<vmem>> -> memref<1x1x16x128xf32, #tpu.memory_space<vmem>>
    %dma_start3A_225 = tpu.memref_squeeze %dma_start3A_224 : memref<1x1x16x128xf32, #tpu.memory_space<vmem>> -> memref<16x128xf32, #tpu.memory_space<vmem>>
    %dma_start3A_226 = arith.constant 0 : i32
    %dma_start3A_227 = tpu.memref_slice %arg4[%dma_start3A_226, %multiple_of3A_206] : memref<16x1000000xf32, #tpu.memory_space<hbm>> -> memref<16x128xf32, #tpu.memory_space<hbm>>
    tpu.enqueue_dma source(%dma_start3A_227 : memref<16x128xf32, #tpu.memory_space<hbm>>) target(%dma_start3A_225 : memref<16x128xf32, #tpu.memory_space<vmem>>) target_semaphore(%arg16 : memref<!tpu.dma_semaphore, #tpu.memory_space<semaphore_mem>>)
    %dma_start3A_228 = arith.constant 2 : i32
    %dma_start3A_229 = arith.constant 0 : i32
    %dma_start3A_230 = arith.constant 0 : i32
    %dma_start3A_231 = arith.constant 0 : i32
    %dma_start3A_232 = tpu.memref_slice %arg10[%dma_start3A_228, %dma_start3A_229, %dma_start3A_230, %dma_start3A_231] : memref<12x2x16x128xf32, #tpu.memory_space<vmem>> -> memref<1x1x16x128xf32, #tpu.memory_space<vmem>>
    %dma_start3A_233 = tpu.memref_squeeze %dma_start3A_232 : memref<1x1x16x128xf32, #tpu.memory_space<vmem>> -> memref<16x128xf32, #tpu.memory_space<vmem>>
    %dma_start3A_234 = arith.constant 0 : i32
    %dma_start3A_235 = tpu.memref_slice %arg5[%dma_start3A_234, %multiple_of3A_213] : memref<16x1000000xf32, #tpu.memory_space<hbm>> -> memref<16x128xf32, #tpu.memory_space<hbm>>
    %dma_start3A_236 = arith.constant 0 : i32
    %dma_start3A_237 = arith.constant 0 : i32
    %dma_start3A_238 = tpu.memref_slice %arg10[%dma_start3A_228, %dma_start3A_229, %dma_start3A_236, %dma_start3A_237] : memref<12x2x16x128xf32, #tpu.memory_space<vmem>> -> memref<1x1x16x128xf32, #tpu.memory_space<vmem>>
    %dma_start3A_239 = tpu.memref_squeeze %dma_start3A_238 : memref<1x1x16x128xf32, #tpu.memory_space<vmem>> -> memref<16x128xf32, #tpu.memory_space<vmem>>
    %dma_start3A_240 = arith.constant 0 : i32
    %dma_start3A_241 = tpu.memref_slice %arg5[%dma_start3A_240, %multiple_of3A_213] : memref<16x1000000xf32, #tpu.memory_space<hbm>> -> memref<16x128xf32, #tpu.memory_space<hbm>>
    tpu.enqueue_dma source(%dma_start3A_241 : memref<16x128xf32, #tpu.memory_space<hbm>>) target(%dma_start3A_239 : memref<16x128xf32, #tpu.memory_space<vmem>>) target_semaphore(%arg16 : memref<!tpu.dma_semaphore, #tpu.memory_space<semaphore_mem>>)
    %slice3A_242 = vector.extract_strided_slice %get3A_197 {offsets = [1], sizes = [1], strides = [1]} : vector<16xi32> to vector<1xi32>
    %squeeze3A_243 = vector.extract %slice3A_242[0] : i32 from vector<1xi32>
    %shift_right_arithmetic3A_244 = arith.constant 7 : i32
    %shift_right_arithmetic3A_245 = arith.shrsi %squeeze3A_243, %shift_right_arithmetic3A_244 : i32
    %shift_left3A_246 = arith.constant 7 : i32
    %shift_left3A_247 = arith.shli %shift_right_arithmetic3A_245, %shift_left3A_246 : i32
    %multiple_of3A_248 = tpu.assume_multiple %shift_left3A_247, 128 : i32
    %slice3A_249 = vector.extract_strided_slice %get3A_199 {offsets = [1], sizes = [1], strides = [1]} : vector<16xi32> to vector<1xi32>
    %squeeze3A_250 = vector.extract %slice3A_249[0] : i32 from vector<1xi32>
    %shift_right_arithmetic3A_251 = arith.constant 7 : i32
    %shift_right_arithmetic3A_252 = arith.shrsi %squeeze3A_250, %shift_right_arithmetic3A_251 : i32
    %shift_left3A_253 = arith.constant 7 : i32
    %shift_left3A_254 = arith.shli %shift_right_arithmetic3A_252, %shift_left3A_253 : i32
    %multiple_of3A_255 = tpu.assume_multiple %shift_left3A_254, 128 : i32
    %dma_start3A_256 = arith.constant 2 : i32
    %dma_start3A_257 = arith.constant 1 : i32
    %dma_start3A_258 = arith.constant 0 : i32
    %dma_start3A_259 = arith.constant 0 : i32
    %dma_start3A_260 = tpu.memref_slice %arg9[%dma_start3A_256, %dma_start3A_257, %dma_start3A_258, %dma_start3A_259] : memref<12x2x16x128xf32, #tpu.memory_space<vmem>> -> memref<1x1x16x128xf32, #tpu.memory_space<vmem>>
    %dma_start3A_261 = tpu.memref_squeeze %dma_start3A_260 : memref<1x1x16x128xf32, #tpu.memory_space<vmem>> -> memref<16x128xf32, #tpu.memory_space<vmem>>
    %dma_start3A_262 = arith.constant 0 : i32
    %dma_start3A_263 = tpu.memref_slice %arg4[%dma_start3A_262, %multiple_of3A_248] : memref<16x1000000xf32, #tpu.memory_space<hbm>> -> memref<16x128xf32, #tpu.memory_space<hbm>>
    %dma_start3A_264 = arith.constant 0 : i32
    %dma_start3A_265 = arith.constant 0 : i32
    %dma_start3A_266 = tpu.memref_slice %arg9[%dma_start3A_256, %dma_start3A_257, %dma_start3A_264, %dma_start3A_265] : memref<12x2x16x128xf32, #tpu.memory_space<vmem>> -> memref<1x1x16x128xf32, #tpu.memory_space<vmem>>
    %dma_start3A_267 = tpu.memref_squeeze %dma_start3A_266 : memref<1x1x16x128xf32, #tpu.memory_space<vmem>> -> memref<16x128xf32, #tpu.memory_space<vmem>>
    %dma_start3A_268 = arith.constant 0 : i32
    %dma_start3A_269 = tpu.memref_slice %arg4[%dma_start3A_268, %multiple_of3A_248] : memref<16x1000000xf32, #tpu.memory_space<hbm>> -> memref<16x128xf32, #tpu.memory_space<hbm>>
    tpu.enqueue_dma source(%dma_start3A_269 : memref<16x128xf32, #tpu.memory_space<hbm>>) target(%dma_start3A_267 : memref<16x128xf32, #tpu.memory_space<vmem>>) target_semaphore(%arg16 : memref<!tpu.dma_semaphore, #tpu.memory_space<semaphore_mem>>)
    %dma_start3A_270 = arith.constant 2 : i32
    %dma_start3A_271 = arith.constant 1 : i32
    %dma_start3A_272 = arith.constant 0 : i32
    %dma_start3A_273 = arith.constant 0 : i32
    %dma_start3A_274 = tpu.memref_slice %arg10[%dma_start3A_270, %dma_start3A_271, %dma_start3A_272, %dma_start3A_273] : memref<12x2x16x128xf32, #tpu.memory_space<vmem>> -> memref<1x1x16x128xf32, #tpu.memory_space<vmem>>
    %dma_start3A_275 = tpu.memref_squeeze %dma_start3A_274 : memref<1x1x16x128xf32, #tpu.memory_space<vmem>> -> memref<16x128xf32, #tpu.memory_space<vmem>>
    %dma_start3A_276 = arith.constant 0 : i32
    %dma_start3A_277 = tpu.memref_slice %arg5[%dma_start3A_276, %multiple_of3A_255] : memref<16x1000000xf32, #tpu.memory_space<hbm>> -> memref<16x128xf32, #tpu.memory_space<hbm>>
    %dma_start3A_278 = arith.constant 0 : i32
    %dma_start3A_279 = arith.constant 0 : i32
    %dma_start3A_280 = tpu.memref_slice %arg10[%dma_start3A_270, %dma_start3A_271, %dma_start3A_278, %dma_start3A_279] : memref<12x2x16x128xf32, #tpu.memory_space<vmem>> -> memref<1x1x16x128xf32, #tpu.memory_space<vmem>>
    %dma_start3A_281 = tpu.memref_squeeze %dma_start3A_280 : memref<1x1x16x128xf32, #tpu.memory_space<vmem>> -> memref<16x128xf32, #tpu.memory_space<vmem>>
    %dma_start3A_282 = arith.constant 0 : i32
    %dma_start3A_283 = tpu.memref_slice %arg5[%dma_start3A_282, %multiple_of3A_255] : memref<16x1000000xf32, #tpu.memory_space<hbm>> -> memref<16x128xf32, #tpu.memory_space<hbm>>
    tpu.enqueue_dma source(%dma_start3A_283 : memref<16x128xf32, #tpu.memory_space<hbm>>) target(%dma_start3A_281 : memref<16x128xf32, #tpu.memory_space<vmem>>) target_semaphore(%arg16 : memref<!tpu.dma_semaphore, #tpu.memory_space<semaphore_mem>>)
    %get3A_284 = arith.constant 6 : index
    %get3A_285 = tpu.vector_load %arg7[%get3A_284] {strides = array<i32>} : memref<528xi32, #tpu.memory_space<vmem>>, vector<16xi32>,
    %get3A_286 = arith.constant 6 : index
    %get3A_287 = tpu.vector_load %arg8[%get3A_286] {strides = array<i32>} : memref<528xi32, #tpu.memory_space<vmem>>, vector<16xi32>,
    %slice3A_288 = vector.extract_strided_slice %get3A_285 {offsets = [0], sizes = [1], strides = [1]} : vector<16xi32> to vector<1xi32>
    %squeeze3A_289 = vector.extract %slice3A_288[0] : i32 from vector<1xi32>
    %shift_right_arithmetic3A_290 = arith.constant 7 : i32
    %shift_right_arithmetic3A_291 = arith.shrsi %squeeze3A_289, %shift_right_arithmetic3A_290 : i32
    %shift_left3A_292 = arith.constant 7 : i32
    %shift_left3A_293 = arith.shli %shift_right_arithmetic3A_291, %shift_left3A_292 : i32
    %multiple_of3A_294 = tpu.assume_multiple %shift_left3A_293, 128 : i32
    %slice3A_295 = vector.extract_strided_slice %get3A_287 {offsets = [0], sizes = [1], strides = [1]} : vector<16xi32> to vector<1xi32>
    %squeeze3A_296 = vector.extract %slice3A_295[0] : i32 from vector<1xi32>
    %shift_right_arithmetic3A_297 = arith.constant 7 : i32
    %shift_right_arithmetic3A_298 = arith.shrsi %squeeze3A_296, %shift_right_arithmetic3A_297 : i32
    %shift_left3A_299 = arith.constant 7 : i32
    %shift_left3A_300 = arith.shli %shift_right_arithmetic3A_298, %shift_left3A_299 : i32
    %multiple_of3A_301 = tpu.assume_multiple %shift_left3A_300, 128 : i32
    %dma_start3A_302 = arith.constant 3 : i32
    %dma_start3A_303 = arith.constant 0 : i32
    %dma_start3A_304 = arith.constant 0 : i32
    %dma_start3A_305 = arith.constant 0 : i32
    %dma_start3A_306 = tpu.memref_slice %arg9[%dma_start3A_302, %dma_start3A_303, %dma_start3A_304, %dma_start3A_305] : memref<12x2x16x128xf32, #tpu.memory_space<vmem>> -> memref<1x1x16x128xf32, #tpu.memory_space<vmem>>
    %dma_start3A_307 = tpu.memref_squeeze %dma_start3A_306 : memref<1x1x16x128xf32, #tpu.memory_space<vmem>> -> memref<16x128xf32, #tpu.memory_space<vmem>>
    %dma_start3A_308 = arith.constant 0 : i32
    %dma_start3A_309 = tpu.memref_slice %arg4[%dma_start3A_308, %multiple_of3A_294] : memref<16x1000000xf32, #tpu.memory_space<hbm>> -> memref<16x128xf32, #tpu.memory_space<hbm>>
    %dma_start3A_310 = arith.constant 0 : i32
    %dma_start3A_311 = arith.constant 0 : i32
    %dma_start3A_312 = tpu.memref_slice %arg9[%dma_start3A_302, %dma_start3A_303, %dma_start3A_310, %dma_start3A_311] : memref<12x2x16x128xf32, #tpu.memory_space<vmem>> -> memref<1x1x16x128xf32, #tpu.memory_space<vmem>>
    %dma_start3A_313 = tpu.memref_squeeze %dma_start3A_312 : memref<1x1x16x128xf32, #tpu.memory_space<vmem>> -> memref<16x128xf32, #tpu.memory_space<vmem>>
    %dma_start3A_314 = arith.constant 0 : i32
    %dma_start3A_315 = tpu.memref_slice %arg4[%dma_start3A_314, %multiple_of3A_294] : memref<16x1000000xf32, #tpu.memory_space<hbm>> -> memref<16x128xf32, #tpu.memory_space<hbm>>
    tpu.enqueue_dma source(%dma_start3A_315 : memref<16x128xf32, #tpu.memory_space<hbm>>) target(%dma_start3A_313 : memref<16x128xf32, #tpu.memory_space<vmem>>) target_semaphore(%arg17 : memref<!tpu.dma_semaphore, #tpu.memory_space<semaphore_mem>>)
    %dma_start3A_316 = arith.constant 3 : i32
    %dma_start3A_317 = arith.constant 0 : i32
    %dma_start3A_318 = arith.constant 0 : i32
    %dma_start3A_319 = arith.constant 0 : i32
    %dma_start3A_320 = tpu.memref_slice %arg10[%dma_start3A_316, %dma_start3A_317, %dma_start3A_318, %dma_start3A_319] : memref<12x2x16x128xf32, #tpu.memory_space<vmem>> -> memref<1x1x16x128xf32, #tpu.memory_space<vmem>>
    %dma_start3A_321 = tpu.memref_squeeze %dma_start3A_320 : memref<1x1x16x128xf32, #tpu.memory_space<vmem>> -> memref<16x128xf32, #tpu.memory_space<vmem>>
    %dma_start3A_322 = arith.constant 0 : i32
    %dma_start3A_323 = tpu.memref_slice %arg5[%dma_start3A_322, %multiple_of3A_301] : memref<16x1000000xf32, #tpu.memory_space<hbm>> -> memref<16x128xf32, #tpu.memory_space<hbm>>
    %dma_start3A_324 = arith.constant 0 : i32
    %dma_start3A_325 = arith.constant 0 : i32
    %dma_start3A_326 = tpu.memref_slice %arg10[%dma_start3A_316, %dma_start3A_317, %dma_start3A_324, %dma_start3A_325] : memref<12x2x16x128xf32, #tpu.memory_space<vmem>> -> memref<1x1x16x128xf32, #tpu.memory_space<vmem>>
    %dma_start3A_327 = tpu.memref_squeeze %dma_start3A_326 : memref<1x1x16x128xf32, #tpu.memory_space<vmem>> -> memref<16x128xf32, #tpu.memory_space<vmem>>
    %dma_start3A_328 = arith.constant 0 : i32
    %dma_start3A_329 = tpu.memref_slice %arg5[%dma_start3A_328, %multiple_of3A_301] : memref<16x1000000xf32, #tpu.memory_space<hbm>> -> memref<16x128xf32, #tpu.memory_space<hbm>>
    tpu.enqueue_dma source(%dma_start3A_329 : memref<16x128xf32, #tpu.memory_space<hbm>>) target(%dma_start3A_327 : memref<16x128xf32, #tpu.memory_space<vmem>>) target_semaphore(%arg17 : memref<!tpu.dma_semaphore, #tpu.memory_space<semaphore_mem>>)
    %slice3A_330 = vector.extract_strided_slice %get3A_285 {offsets = [1], sizes = [1], strides = [1]} : vector<16xi32> to vector<1xi32>
    %squeeze3A_331 = vector.extract %slice3A_330[0] : i32 from vector<1xi32>
    %shift_right_arithmetic3A_332 = arith.constant 7 : i32
    %shift_right_arithmetic3A_333 = arith.shrsi %squeeze3A_331, %shift_right_arithmetic3A_332 : i32
    %shift_left3A_334 = arith.constant 7 : i32
    %shift_left3A_335 = arith.shli %shift_right_arithmetic3A_333, %shift_left3A_334 : i32
    %multiple_of3A_336 = tpu.assume_multiple %shift_left3A_335, 128 : i32
    %slice3A_337 = vector.extract_strided_slice %get3A_287 {offsets = [1], sizes = [1], strides = [1]} : vector<16xi32> to vector<1xi32>
    %squeeze3A_338 = vector.extract %slice3A_337[0] : i32 from vector<1xi32>
    %shift_right_arithmetic3A_339 = arith.constant 7 : i32
    %shift_right_arithmetic3A_340 = arith.shrsi %squeeze3A_338, %shift_right_arithmetic3A_339 : i32
    %shift_left3A_341 = arith.constant 7 : i32
    %shift_left3A_342 = arith.shli %shift_right_arithmetic3A_340, %shift_left3A_341 : i32
    %multiple_of3A_343 = tpu.assume_multiple %shift_left3A_342, 128 : i32
    %dma_start3A_344 = arith.constant 3 : i32
    %dma_start3A_345 = arith.constant 1 : i32
    %dma_start3A_346 = arith.constant 0 : i32
    %dma_start3A_347 = arith.constant 0 : i32
    %dma_start3A_348 = tpu.memref_slice %arg9[%dma_start3A_344, %dma_start3A_345, %dma_start3A_346, %dma_start3A_347] : memref<12x2x16x128xf32, #tpu.memory_space<vmem>> -> memref<1x1x16x128xf32, #tpu.memory_space<vmem>>
    %dma_start3A_349 = tpu.memref_squeeze %dma_start3A_348 : memref<1x1x16x128xf32, #tpu.memory_space<vmem>> -> memref<16x128xf32, #tpu.memory_space<vmem>>
    %dma_start3A_350 = arith.constant 0 : i32
    %dma_start3A_351 = tpu.memref_slice %arg4[%dma_start3A_350, %multiple_of3A_336] : memref<16x1000000xf32, #tpu.memory_space<hbm>> -> memref<16x128xf32, #tpu.memory_space<hbm>>
    %dma_start3A_352 = arith.constant 0 : i32
    %dma_start3A_353 = arith.constant 0 : i32
    %dma_start3A_354 = tpu.memref_slice %arg9[%dma_start3A_344, %dma_start3A_345, %dma_start3A_352, %dma_start3A_353] : memref<12x2x16x128xf32, #tpu.memory_space<vmem>> -> memref<1x1x16x128xf32, #tpu.memory_space<vmem>>
    %dma_start3A_355 = tpu.memref_squeeze %dma_start3A_354 : memref<1x1x16x128xf32, #tpu.memory_space<vmem>> -> memref<16x128xf32, #tpu.memory_space<vmem>>
    %dma_start3A_356 = arith.constant 0 : i32
    %dma_start3A_357 = tpu.memref_slice %arg4[%dma_start3A_356, %multiple_of3A_336] : memref<16x1000000xf32, #tpu.memory_space<hbm>> -> memref<16x128xf32, #tpu.memory_space<hbm>>
    tpu.enqueue_dma source(%dma_start3A_357 : memref<16x128xf32, #tpu.memory_space<hbm>>) target(%dma_start3A_355 : memref<16x128xf32, #tpu.memory_space<vmem>>) target_semaphore(%arg17 : memref<!tpu.dma_semaphore, #tpu.memory_space<semaphore_mem>>)
    %dma_start3A_358 = arith.constant 3 : i32
    %dma_start3A_359 = arith.constant 1 : i32
    %dma_start3A_360 = arith.constant 0 : i32
    %dma_start3A_361 = arith.constant 0 : i32
    %dma_start3A_362 = tpu.memref_slice %arg10[%dma_start3A_358, %dma_start3A_359, %dma_start3A_360, %dma_start3A_361] : memref<12x2x16x128xf32, #tpu.memory_space<vmem>> -> memref<1x1x16x128xf32, #tpu.memory_space<vmem>>
    %dma_start3A_363 = tpu.memref_squeeze %dma_start3A_362 : memref<1x1x16x128xf32, #tpu.memory_space<vmem>> -> memref<16x128xf32, #tpu.memory_space<vmem>>
    %dma_start3A_364 = arith.constant 0 : i32
    %dma_start3A_365 = tpu.memref_slice %arg5[%dma_start3A_364, %multiple_of3A_343] : memref<16x1000000xf32, #tpu.memory_space<hbm>> -> memref<16x128xf32, #tpu.memory_space<hbm>>
    %dma_start3A_366 = arith.constant 0 : i32
    %dma_start3A_367 = arith.constant 0 : i32
    %dma_start3A_368 = tpu.memref_slice %arg10[%dma_start3A_358, %dma_start3A_359, %dma_start3A_366, %dma_start3A_367] : memref<12x2x16x128xf32, #tpu.memory_space<vmem>> -> memref<1x1x16x128xf32, #tpu.memory_space<vmem>>
    %dma_start3A_369 = tpu.memref_squeeze %dma_start3A_368 : memref<1x1x16x128xf32, #tpu.memory_space<vmem>> -> memref<16x128xf32, #tpu.memory_space<vmem>>
    %dma_start3A_370 = arith.constant 0 : i32
    %dma_start3A_371 = tpu.memref_slice %arg5[%dma_start3A_370, %multiple_of3A_343] : memref<16x1000000xf32, #tpu.memory_space<hbm>> -> memref<16x128xf32, #tpu.memory_space<hbm>>
    tpu.enqueue_dma source(%dma_start3A_371 : memref<16x128xf32, #tpu.memory_space<hbm>>) target(%dma_start3A_369 : memref<16x128xf32, #tpu.memory_space<vmem>>) target_semaphore(%arg17 : memref<!tpu.dma_semaphore, #tpu.memory_space<semaphore_mem>>)
    %get3A_372 = arith.constant 8 : index
    %get3A_373 = tpu.vector_load %arg7[%get3A_372] {strides = array<i32>} : memref<528xi32, #tpu.memory_space<vmem>>, vector<16xi32>,
    %get3A_374 = arith.constant 8 : index
    %get3A_375 = tpu.vector_load %arg8[%get3A_374] {strides = array<i32>} : memref<528xi32, #tpu.memory_space<vmem>>, vector<16xi32>,
    %slice3A_376 = vector.extract_strided_slice %get3A_373 {offsets = [0], sizes = [1], strides = [1]} : vector<16xi32> to vector<1xi32>
    %squeeze3A_377 = vector.extract %slice3A_376[0] : i32 from vector<1xi32>
    %shift_right_arithmetic3A_378 = arith.constant 7 : i32
    %shift_right_arithmetic3A_379 = arith.shrsi %squeeze3A_377, %shift_right_arithmetic3A_378 : i32
    %shift_left3A_380 = arith.constant 7 : i32
    %shift_left3A_381 = arith.shli %shift_right_arithmetic3A_379, %shift_left3A_380 : i32
    %multiple_of3A_382 = tpu.assume_multiple %shift_left3A_381, 128 : i32
    %slice3A_383 = vector.extract_strided_slice %get3A_375 {offsets = [0], sizes = [1], strides = [1]} : vector<16xi32> to vector<1xi32>
    %squeeze3A_384 = vector.extract %slice3A_383[0] : i32 from vector<1xi32>
    %shift_right_arithmetic3A_385 = arith.constant 7 : i32
    %shift_right_arithmetic3A_386 = arith.shrsi %squeeze3A_384, %shift_right_arithmetic3A_385 : i32
    %shift_left3A_387 = arith.constant 7 : i32
    %shift_left3A_388 = arith.shli %shift_right_arithmetic3A_386, %shift_left3A_387 : i32
    %multiple_of3A_389 = tpu.assume_multiple %shift_left3A_388, 128 : i32
    %dma_start3A_390 = arith.constant 4 : i32
    %dma_start3A_391 = arith.constant 0 : i32
    %dma_start3A_392 = arith.constant 0 : i32
    %dma_start3A_393 = arith.constant 0 : i32
    %dma_start3A_394 = tpu.memref_slice %arg9[%dma_start3A_390, %dma_start3A_391, %dma_start3A_392, %dma_start3A_393] : memref<12x2x16x128xf32, #tpu.memory_space<vmem>> -> memref<1x1x16x128xf32, #tpu.memory_space<vmem>>
    %dma_start3A_395 = tpu.memref_squeeze %dma_start3A_394 : memref<1x1x16x128xf32, #tpu.memory_space<vmem>> -> memref<16x128xf32, #tpu.memory_space<vmem>>
    %dma_start3A_396 = arith.constant 0 : i32
    %dma_start3A_397 = tpu.memref_slice %arg4[%dma_start3A_396, %multiple_of3A_382] : memref<16x1000000xf32, #tpu.memory_space<hbm>> -> memref<16x128xf32, #tpu.memory_space<hbm>>
    %dma_start3A_398 = arith.constant 0 : i32
    %dma_start3A_399 = arith.constant 0 : i32
    %dma_start3A_400 = tpu.memref_slice %arg9[%dma_start3A_390, %dma_start3A_391, %dma_start3A_398, %dma_start3A_399] : memref<12x2x16x128xf32, #tpu.memory_space<vmem>> -> memref<1x1x16x128xf32, #tpu.memory_space<vmem>>
    %dma_start3A_401 = tpu.memref_squeeze %dma_start3A_400 : memref<1x1x16x128xf32, #tpu.memory_space<vmem>> -> memref<16x128xf32, #tpu.memory_space<vmem>>
    %dma_start3A_402 = arith.constant 0 : i32
    %dma_start3A_403 = tpu.memref_slice %arg4[%dma_start3A_402, %multiple_of3A_382] : memref<16x1000000xf32, #tpu.memory_space<hbm>> -> memref<16x128xf32, #tpu.memory_space<hbm>>
    tpu.enqueue_dma source(%dma_start3A_403 : memref<16x128xf32, #tpu.memory_space<hbm>>) target(%dma_start3A_401 : memref<16x128xf32, #tpu.memory_space<vmem>>) target_semaphore(%arg18 : memref<!tpu.dma_semaphore, #tpu.memory_space<semaphore_mem>>)
    %dma_start3A_404 = arith.constant 4 : i32
    %dma_start3A_405 = arith.constant 0 : i32
    %dma_start3A_406 = arith.constant 0 : i32
    %dma_start3A_407 = arith.constant 0 : i32
    %dma_start3A_408 = tpu.memref_slice %arg10[%dma_start3A_404, %dma_start3A_405, %dma_start3A_406, %dma_start3A_407] : memref<12x2x16x128xf32, #tpu.memory_space<vmem>> -> memref<1x1x16x128xf32, #tpu.memory_space<vmem>>
    %dma_start3A_409 = tpu.memref_squeeze %dma_start3A_408 : memref<1x1x16x128xf32, #tpu.memory_space<vmem>> -> memref<16x128xf32, #tpu.memory_space<vmem>>
    %dma_start3A_410 = arith.constant 0 : i32
    %dma_start3A_411 = tpu.memref_slice %arg5[%dma_start3A_410, %multiple_of3A_389] : memref<16x1000000xf32, #tpu.memory_space<hbm>> -> memref<16x128xf32, #tpu.memory_space<hbm>>
    %dma_start3A_412 = arith.constant 0 : i32
    %dma_start3A_413 = arith.constant 0 : i32
    %dma_start3A_414 = tpu.memref_slice %arg10[%dma_start3A_404, %dma_start3A_405, %dma_start3A_412, %dma_start3A_413] : memref<12x2x16x128xf32, #tpu.memory_space<vmem>> -> memref<1x1x16x128xf32, #tpu.memory_space<vmem>>
    %dma_start3A_415 = tpu.memref_squeeze %dma_start3A_414 : memref<1x1x16x128xf32, #tpu.memory_space<vmem>> -> memref<16x128xf32, #tpu.memory_space<vmem>>
    %dma_start3A_416 = arith.constant 0 : i32
    %dma_start3A_417 = tpu.memref_slice %arg5[%dma_start3A_416, %multiple_of3A_389] : memref<16x1000000xf32, #tpu.memory_space<hbm>> -> memref<16x128xf32, #tpu.memory_space<hbm>>
    tpu.enqueue_dma source(%dma_start3A_417 : memref<16x128xf32, #tpu.memory_space<hbm>>) target(%dma_start3A_415 : memref<16x128xf32, #tpu.memory_space<vmem>>) target_semaphore(%arg18 : memref<!tpu.dma_semaphore, #tpu.memory_space<semaphore_mem>>)
    %slice3A_418 = vector.extract_strided_slice %get3A_373 {offsets = [1], sizes = [1], strides = [1]} : vector<16xi32> to vector<1xi32>
    %squeeze3A_419 = vector.extract %slice3A_418[0] : i32 from vector<1xi32>
    %shift_right_arithmetic3A_420 = arith.constant 7 : i32
    %shift_right_arithmetic3A_421 = arith.shrsi %squeeze3A_419, %shift_right_arithmetic3A_420 : i32
    %shift_left3A_422 = arith.constant 7 : i32
    %shift_left3A_423 = arith.shli %shift_right_arithmetic3A_421, %shift_left3A_422 : i32
    %multiple_of3A_424 = tpu.assume_multiple %shift_left3A_423, 128 : i32
    %slice3A_425 = vector.extract_strided_slice %get3A_375 {offsets = [1], sizes = [1], strides = [1]} : vector<16xi32> to vector<1xi32>
    %squeeze3A_426 = vector.extract %slice3A_425[0] : i32 from vector<1xi32>
    %shift_right_arithmetic3A_427 = arith.constant 7 : i32
    %shift_right_arithmetic3A_428 = arith.shrsi %squeeze3A_426, %shift_right_arithmetic3A_427 : i32
    %shift_left3A_429 = arith.constant 7 : i32
    %shift_left3A_430 = arith.shli %shift_right_arithmetic3A_428, %shift_left3A_429 : i32
    %multiple_of3A_431 = tpu.assume_multiple %shift_left3A_430, 128 : i32
    %dma_start3A_432 = arith.constant 4 : i32
    %dma_start3A_433 = arith.constant 1 : i32
    %dma_start3A_434 = arith.constant 0 : i32
    %dma_start3A_435 = arith.constant 0 : i32
    %dma_start3A_436 = tpu.memref_slice %arg9[%dma_start3A_432, %dma_start3A_433, %dma_start3A_434, %dma_start3A_435] : memref<12x2x16x128xf32, #tpu.memory_space<vmem>> -> memref<1x1x16x128xf32, #tpu.memory_space<vmem>>
    %dma_start3A_437 = tpu.memref_squeeze %dma_start3A_436 : memref<1x1x16x128xf32, #tpu.memory_space<vmem>> -> memref<16x128xf32, #tpu.memory_space<vmem>>
    %dma_start3A_438 = arith.constant 0 : i32
    %dma_start3A_439 = tpu.memref_slice %arg4[%dma_start3A_438, %multiple_of3A_424] : memref<16x1000000xf32, #tpu.memory_space<hbm>> -> memref<16x128xf32, #tpu.memory_space<hbm>>
    %dma_start3A_440 = arith.constant 0 : i32
    %dma_start3A_441 = arith.constant 0 : i32
    %dma_start3A_442 = tpu.memref_slice %arg9[%dma_start3A_432, %dma_start3A_433, %dma_start3A_440, %dma_start3A_441] : memref<12x2x16x128xf32, #tpu.memory_space<vmem>> -> memref<1x1x16x128xf32, #tpu.memory_space<vmem>>
    %dma_start3A_443 = tpu.memref_squeeze %dma_start3A_442 : memref<1x1x16x128xf32, #tpu.memory_space<vmem>> -> memref<16x128xf32, #tpu.memory_space<vmem>>
    %dma_start3A_444 = arith.constant 0 : i32
    %dma_start3A_445 = tpu.memref_slice %arg4[%dma_start3A_444, %multiple_of3A_424] : memref<16x1000000xf32, #tpu.memory_space<hbm>> -> memref<16x128xf32, #tpu.memory_space<hbm>>
    tpu.enqueue_dma source(%dma_start3A_445 : memref<16x128xf32, #tpu.memory_space<hbm>>) target(%dma_start3A_443 : memref<16x128xf32, #tpu.memory_space<vmem>>) target_semaphore(%arg18 : memref<!tpu.dma_semaphore, #tpu.memory_space<semaphore_mem>>)
    %dma_start3A_446 = arith.constant 4 : i32
    %dma_start3A_447 = arith.constant 1 : i32
    %dma_start3A_448 = arith.constant 0 : i32
    %dma_start3A_449 = arith.constant 0 : i32
    %dma_start3A_450 = tpu.memref_slice %arg10[%dma_start3A_446, %dma_start3A_447, %dma_start3A_448, %dma_start3A_449] : memref<12x2x16x128xf32, #tpu.memory_space<vmem>> -> memref<1x1x16x128xf32, #tpu.memory_space<vmem>>
    %dma_start3A_451 = tpu.memref_squeeze %dma_start3A_450 : memref<1x1x16x128xf32, #tpu.memory_space<vmem>> -> memref<16x128xf32, #tpu.memory_space<vmem>>
    %dma_start3A_452 = arith.constant 0 : i32
    %dma_start3A_453 = tpu.memref_slice %arg5[%dma_start3A_452, %multiple_of3A_431] : memref<16x1000000xf32, #tpu.memory_space<hbm>> -> memref<16x128xf32, #tpu.memory_space<hbm>>
    %dma_start3A_454 = arith.constant 0 : i32
    %dma_start3A_455 = arith.constant 0 : i32
    %dma_start3A_456 = tpu.memref_slice %arg10[%dma_start3A_446, %dma_start3A_447, %dma_start3A_454, %dma_start3A_455] : memref<12x2x16x128xf32, #tpu.memory_space<vmem>> -> memref<1x1x16x128xf32, #tpu.memory_space<vmem>>
    %dma_start3A_457 = tpu.memref_squeeze %dma_start3A_456 : memref<1x1x16x128xf32, #tpu.memory_space<vmem>> -> memref<16x128xf32, #tpu.memory_space<vmem>>
    %dma_start3A_458 = arith.constant 0 : i32
    %dma_start3A_459 = tpu.memref_slice %arg5[%dma_start3A_458, %multiple_of3A_431] : memref<16x1000000xf32, #tpu.memory_space<hbm>> -> memref<16x128xf32, #tpu.memory_space<hbm>>
    tpu.enqueue_dma source(%dma_start3A_459 : memref<16x128xf32, #tpu.memory_space<hbm>>) target(%dma_start3A_457 : memref<16x128xf32, #tpu.memory_space<vmem>>) target_semaphore(%arg18 : memref<!tpu.dma_semaphore, #tpu.memory_space<semaphore_mem>>)
    %get3A_460 = arith.constant 10 : index
    %get3A_461 = tpu.vector_load %arg7[%get3A_460] {strides = array<i32>} : memref<528xi32, #tpu.memory_space<vmem>>, vector<16xi32>,
    %get3A_462 = arith.constant 10 : index
    %get3A_463 = tpu.vector_load %arg8[%get3A_462] {strides = array<i32>} : memref<528xi32, #tpu.memory_space<vmem>>, vector<16xi32>,
    %slice3A_464 = vector.extract_strided_slice %get3A_461 {offsets = [0], sizes = [1], strides = [1]} : vector<16xi32> to vector<1xi32>
    %squeeze3A_465 = vector.extract %slice3A_464[0] : i32 from vector<1xi32>
    %shift_right_arithmetic3A_466 = arith.constant 7 : i32
    %shift_right_arithmetic3A_467 = arith.shrsi %squeeze3A_465, %shift_right_arithmetic3A_466 : i32
    %shift_left3A_468 = arith.constant 7 : i32
    %shift_left3A_469 = arith.shli %shift_right_arithmetic3A_467, %shift_left3A_468 : i32
    %multiple_of3A_470 = tpu.assume_multiple %shift_left3A_469, 128 : i32
    %slice3A_471 = vector.extract_strided_slice %get3A_463 {offsets = [0], sizes = [1], strides = [1]} : vector<16xi32> to vector<1xi32>
    %squeeze3A_472 = vector.extract %slice3A_471[0] : i32 from vector<1xi32>
    %shift_right_arithmetic3A_473 = arith.constant 7 : i32
    %shift_right_arithmetic3A_474 = arith.shrsi %squeeze3A_472, %shift_right_arithmetic3A_473 : i32
    %shift_left3A_475 = arith.constant 7 : i32
    %shift_left3A_476 = arith.shli %shift_right_arithmetic3A_474, %shift_left3A_475 : i32
    %multiple_of3A_477 = tpu.assume_multiple %shift_left3A_476, 128 : i32
    %dma_start3A_478 = arith.constant 5 : i32
    %dma_start3A_479 = arith.constant 0 : i32
    %dma_start3A_480 = arith.constant 0 : i32
    %dma_start3A_481 = arith.constant 0 : i32
    %dma_start3A_482 = tpu.memref_slice %arg9[%dma_start3A_478, %dma_start3A_479, %dma_start3A_480, %dma_start3A_481] : memref<12x2x16x128xf32, #tpu.memory_space<vmem>> -> memref<1x1x16x128xf32, #tpu.memory_space<vmem>>
    %dma_start3A_483 = tpu.memref_squeeze %dma_start3A_482 : memref<1x1x16x128xf32, #tpu.memory_space<vmem>> -> memref<16x128xf32, #tpu.memory_space<vmem>>
    %dma_start3A_484 = arith.constant 0 : i32
    %dma_start3A_485 = tpu.memref_slice %arg4[%dma_start3A_484, %multiple_of3A_470] : memref<16x1000000xf32, #tpu.memory_space<hbm>> -> memref<16x128xf32, #tpu.memory_space<hbm>>
    %dma_start3A_486 = arith.constant 0 : i32
    %dma_start3A_487 = arith.constant 0 : i32
    %dma_start3A_488 = tpu.memref_slice %arg9[%dma_start3A_478, %dma_start3A_479, %dma_start3A_486, %dma_start3A_487] : memref<12x2x16x128xf32, #tpu.memory_space<vmem>> -> memref<1x1x16x128xf32, #tpu.memory_space<vmem>>
    %dma_start3A_489 = tpu.memref_squeeze %dma_start3A_488 : memref<1x1x16x128xf32, #tpu.memory_space<vmem>> -> memref<16x128xf32, #tpu.memory_space<vmem>>
    %dma_start3A_490 = arith.constant 0 : i32
    %dma_start3A_491 = tpu.memref_slice %arg4[%dma_start3A_490, %multiple_of3A_470] : memref<16x1000000xf32, #tpu.memory_space<hbm>> -> memref<16x128xf32, #tpu.memory_space<hbm>>
    tpu.enqueue_dma source(%dma_start3A_491 : memref<16x128xf32, #tpu.memory_space<hbm>>) target(%dma_start3A_489 : memref<16x128xf32, #tpu.memory_space<vmem>>) target_semaphore(%arg19 : memref<!tpu.dma_semaphore, #tpu.memory_space<semaphore_mem>>)
    %dma_start3A_492 = arith.constant 5 : i32
    %dma_start3A_493 = arith.constant 0 : i32
    %dma_start3A_494 = arith.constant 0 : i32
    %dma_start3A_495 = arith.constant 0 : i32
    %dma_start3A_496 = tpu.memref_slice %arg10[%dma_start3A_492, %dma_start3A_493, %dma_start3A_494, %dma_start3A_495] : memref<12x2x16x128xf32, #tpu.memory_space<vmem>> -> memref<1x1x16x128xf32, #tpu.memory_space<vmem>>
    %dma_start3A_497 = tpu.memref_squeeze %dma_start3A_496 : memref<1x1x16x128xf32, #tpu.memory_space<vmem>> -> memref<16x128xf32, #tpu.memory_space<vmem>>
    %dma_start3A_498 = arith.constant 0 : i32
    %dma_start3A_499 = tpu.memref_slice %arg5[%dma_start3A_498, %multiple_of3A_477] : memref<16x1000000xf32, #tpu.memory_space<hbm>> -> memref<16x128xf32, #tpu.memory_space<hbm>>
    %dma_start3A_500 = arith.constant 0 : i32
    %dma_start3A_501 = arith.constant 0 : i32
    %dma_start3A_502 = tpu.memref_slice %arg10[%dma_start3A_492, %dma_start3A_493, %dma_start3A_500, %dma_start3A_501] : memref<12x2x16x128xf32, #tpu.memory_space<vmem>> -> memref<1x1x16x128xf32, #tpu.memory_space<vmem>>
    %dma_start3A_503 = tpu.memref_squeeze %dma_start3A_502 : memref<1x1x16x128xf32, #tpu.memory_space<vmem>> -> memref<16x128xf32, #tpu.memory_space<vmem>>
    %dma_start3A_504 = arith.constant 0 : i32
    %dma_start3A_505 = tpu.memref_slice %arg5[%dma_start3A_504, %multiple_of3A_477] : memref<16x1000000xf32, #tpu.memory_space<hbm>> -> memref<16x128xf32, #tpu.memory_space<hbm>>
    tpu.enqueue_dma source(%dma_start3A_505 : memref<16x128xf32, #tpu.memory_space<hbm>>) target(%dma_start3A_503 : memref<16x128xf32, #tpu.memory_space<vmem>>) target_semaphore(%arg19 : memref<!tpu.dma_semaphore, #tpu.memory_space<semaphore_mem>>)
    %slice3A_506 = vector.extract_strided_slice %get3A_461 {offsets = [1], sizes = [1], strides = [1]} : vector<16xi32> to vector<1xi32>
    %squeeze3A_507 = vector.extract %slice3A_506[0] : i32 from vector<1xi32>
    %shift_right_arithmetic3A_508 = arith.constant 7 : i32
    %shift_right_arithmetic3A_509 = arith.shrsi %squeeze3A_507, %shift_right_arithmetic3A_508 : i32
    %shift_left3A_510 = arith.constant 7 : i32
    %shift_left3A_511 = arith.shli %shift_right_arithmetic3A_509, %shift_left3A_510 : i32
    %multiple_of3A_512 = tpu.assume_multiple %shift_left3A_511, 128 : i32
    %slice3A_513 = vector.extract_strided_slice %get3A_463 {offsets = [1], sizes = [1], strides = [1]} : vector<16xi32> to vector<1xi32>
    %squeeze3A_514 = vector.extract %slice3A_513[0] : i32 from vector<1xi32>
    %shift_right_arithmetic3A_515 = arith.constant 7 : i32
    %shift_right_arithmetic3A_516 = arith.shrsi %squeeze3A_514, %shift_right_arithmetic3A_515 : i32
    %shift_left3A_517 = arith.constant 7 : i32
    %shift_left3A_518 = arith.shli %shift_right_arithmetic3A_516, %shift_left3A_517 : i32
    %multiple_of3A_519 = tpu.assume_multiple %shift_left3A_518, 128 : i32
    %dma_start3A_520 = arith.constant 5 : i32
    %dma_start3A_521 = arith.constant 1 : i32
    %dma_start3A_522 = arith.constant 0 : i32
    %dma_start3A_523 = arith.constant 0 : i32
    %dma_start3A_524 = tpu.memref_slice %arg9[%dma_start3A_520, %dma_start3A_521, %dma_start3A_522, %dma_start3A_523] : memref<12x2x16x128xf32, #tpu.memory_space<vmem>> -> memref<1x1x16x128xf32, #tpu.memory_space<vmem>>
    %dma_start3A_525 = tpu.memref_squeeze %dma_start3A_524 : memref<1x1x16x128xf32, #tpu.memory_space<vmem>> -> memref<16x128xf32, #tpu.memory_space<vmem>>
    %dma_start3A_526 = arith.constant 0 : i32
    %dma_start3A_527 = tpu.memref_slice %arg4[%dma_start3A_526, %multiple_of3A_512] : memref<16x1000000xf32, #tpu.memory_space<hbm>> -> memref<16x128xf32, #tpu.memory_space<hbm>>
    %dma_start3A_528 = arith.constant 0 : i32
    %dma_start3A_529 = arith.constant 0 : i32
    %dma_start3A_530 = tpu.memref_slice %arg9[%dma_start3A_520, %dma_start3A_521, %dma_start3A_528, %dma_start3A_529] : memref<12x2x16x128xf32, #tpu.memory_space<vmem>> -> memref<1x1x16x128xf32, #tpu.memory_space<vmem>>
    %dma_start3A_531 = tpu.memref_squeeze %dma_start3A_530 : memref<1x1x16x128xf32, #tpu.memory_space<vmem>> -> memref<16x128xf32, #tpu.memory_space<vmem>>
    %dma_start3A_532 = arith.constant 0 : i32
    %dma_start3A_533 = tpu.memref_slice %arg4[%dma_start3A_532, %multiple_of3A_512] : memref<16x1000000xf32, #tpu.memory_space<hbm>> -> memref<16x128xf32, #tpu.memory_space<hbm>>
    tpu.enqueue_dma source(%dma_start3A_533 : memref<16x128xf32, #tpu.memory_space<hbm>>) target(%dma_start3A_531 : memref<16x128xf32, #tpu.memory_space<vmem>>) target_semaphore(%arg19 : memref<!tpu.dma_semaphore, #tpu.memory_space<semaphore_mem>>)
    %dma_start3A_534 = arith.constant 5 : i32
    %dma_start3A_535 = arith.constant 1 : i32
    %dma_start3A_536 = arith.constant 0 : i32
    %dma_start3A_537 = arith.constant 0 : i32
    %dma_start3A_538 = tpu.memref_slice %arg10[%dma_start3A_534, %dma_start3A_535, %dma_start3A_536, %dma_start3A_537] : memref<12x2x16x128xf32, #tpu.memory_space<vmem>> -> memref<1x1x16x128xf32, #tpu.memory_space<vmem>>
    %dma_start3A_539 = tpu.memref_squeeze %dma_start3A_538 : memref<1x1x16x128xf32, #tpu.memory_space<vmem>> -> memref<16x128xf32, #tpu.memory_space<vmem>>
    %dma_start3A_540 = arith.constant 0 : i32
    %dma_start3A_541 = tpu.memref_slice %arg5[%dma_start3A_540, %multiple_of3A_519] : memref<16x1000000xf32, #tpu.memory_space<hbm>> -> memref<16x128xf32, #tpu.memory_space<hbm>>
    %dma_start3A_542 = arith.constant 0 : i32
    %dma_start3A_543 = arith.constant 0 : i32
    %dma_start3A_544 = tpu.memref_slice %arg10[%dma_start3A_534, %dma_start3A_535, %dma_start3A_542, %dma_start3A_543] : memref<12x2x16x128xf32, #tpu.memory_space<vmem>> -> memref<1x1x16x128xf32, #tpu.memory_space<vmem>>
    %dma_start3A_545 = tpu.memref_squeeze %dma_start3A_544 : memref<1x1x16x128xf32, #tpu.memory_space<vmem>> -> memref<16x128xf32, #tpu.memory_space<vmem>>
    %dma_start3A_546 = arith.constant 0 : i32
    %dma_start3A_547 = tpu.memref_slice %arg5[%dma_start3A_546, %multiple_of3A_519] : memref<16x1000000xf32, #tpu.memory_space<hbm>> -> memref<16x128xf32, #tpu.memory_space<hbm>>
    tpu.enqueue_dma source(%dma_start3A_547 : memref<16x128xf32, #tpu.memory_space<hbm>>) target(%dma_start3A_545 : memref<16x128xf32, #tpu.memory_space<vmem>>) target_semaphore(%arg19 : memref<!tpu.dma_semaphore, #tpu.memory_space<semaphore_mem>>)
    %get3A_548 = arith.constant 12 : index
    %get3A_549 = tpu.vector_load %arg7[%get3A_548] {strides = array<i32>} : memref<528xi32, #tpu.memory_space<vmem>>, vector<16xi32>,
    %get3A_550 = arith.constant 12 : index
    %get3A_551 = tpu.vector_load %arg8[%get3A_550] {strides = array<i32>} : memref<528xi32, #tpu.memory_space<vmem>>, vector<16xi32>,
    %slice3A_552 = vector.extract_strided_slice %get3A_549 {offsets = [0], sizes = [1], strides = [1]} : vector<16xi32> to vector<1xi32>
    %squeeze3A_553 = vector.extract %slice3A_552[0] : i32 from vector<1xi32>
    %shift_right_arithmetic3A_554 = arith.constant 7 : i32
    %shift_right_arithmetic3A_555 = arith.shrsi %squeeze3A_553, %shift_right_arithmetic3A_554 : i32
    %shift_left3A_556 = arith.constant 7 : i32
    %shift_left3A_557 = arith.shli %shift_right_arithmetic3A_555, %shift_left3A_556 : i32
    %multiple_of3A_558 = tpu.assume_multiple %shift_left3A_557, 128 : i32
    %slice3A_559 = vector.extract_strided_slice %get3A_551 {offsets = [0], sizes = [1], strides = [1]} : vector<16xi32> to vector<1xi32>
    %squeeze3A_560 = vector.extract %slice3A_559[0] : i32 from vector<1xi32>
    %shift_right_arithmetic3A_561 = arith.constant 7 : i32
    %shift_right_arithmetic3A_562 = arith.shrsi %squeeze3A_560, %shift_right_arithmetic3A_561 : i32
    %shift_left3A_563 = arith.constant 7 : i32
    %shift_left3A_564 = arith.shli %shift_right_arithmetic3A_562, %shift_left3A_563 : i32
    %multiple_of3A_565 = tpu.assume_multiple %shift_left3A_564, 128 : i32
    %dma_start3A_566 = arith.constant 6 : i32
    %dma_start3A_567 = arith.constant 0 : i32
    %dma_start3A_568 = arith.constant 0 : i32
    %dma_start3A_569 = arith.constant 0 : i32
    %dma_start3A_570 = tpu.memref_slice %arg9[%dma_start3A_566, %dma_start3A_567, %dma_start3A_568, %dma_start3A_569] : memref<12x2x16x128xf32, #tpu.memory_space<vmem>> -> memref<1x1x16x128xf32, #tpu.memory_space<vmem>>
    %dma_start3A_571 = tpu.memref_squeeze %dma_start3A_570 : memref<1x1x16x128xf32, #tpu.memory_space<vmem>> -> memref<16x128xf32, #tpu.memory_space<vmem>>
    %dma_start3A_572 = arith.constant 0 : i32
    %dma_start3A_573 = tpu.memref_slice %arg4[%dma_start3A_572, %multiple_of3A_558] : memref<16x1000000xf32, #tpu.memory_space<hbm>> -> memref<16x128xf32, #tpu.memory_space<hbm>>
    %dma_start3A_574 = arith.constant 0 : i32
    %dma_start3A_575 = arith.constant 0 : i32
    %dma_start3A_576 = tpu.memref_slice %arg9[%dma_start3A_566, %dma_start3A_567, %dma_start3A_574, %dma_start3A_575] : memref<12x2x16x128xf32, #tpu.memory_space<vmem>> -> memref<1x1x16x128xf32, #tpu.memory_space<vmem>>
    %dma_start3A_577 = tpu.memref_squeeze %dma_start3A_576 : memref<1x1x16x128xf32, #tpu.memory_space<vmem>> -> memref<16x128xf32, #tpu.memory_space<vmem>>
    %dma_start3A_578 = arith.constant 0 : i32
    %dma_start3A_579 = tpu.memref_slice %arg4[%dma_start3A_578, %multiple_of3A_558] : memref<16x1000000xf32, #tpu.memory_space<hbm>> -> memref<16x128xf32, #tpu.memory_space<hbm>>
    tpu.enqueue_dma source(%dma_start3A_579 : memref<16x128xf32, #tpu.memory_space<hbm>>) target(%dma_start3A_577 : memref<16x128xf32, #tpu.memory_space<vmem>>) target_semaphore(%arg20 : memref<!tpu.dma_semaphore, #tpu.memory_space<semaphore_mem>>)
    %dma_start3A_580 = arith.constant 6 : i32
    %dma_start3A_581 = arith.constant 0 : i32
    %dma_start3A_582 = arith.constant 0 : i32
    %dma_start3A_583 = arith.constant 0 : i32
    %dma_start3A_584 = tpu.memref_slice %arg10[%dma_start3A_580, %dma_start3A_581, %dma_start3A_582, %dma_start3A_583] : memref<12x2x16x128xf32, #tpu.memory_space<vmem>> -> memref<1x1x16x128xf32, #tpu.memory_space<vmem>>
    %dma_start3A_585 = tpu.memref_squeeze %dma_start3A_584 : memref<1x1x16x128xf32, #tpu.memory_space<vmem>> -> memref<16x128xf32, #tpu.memory_space<vmem>>
    %dma_start3A_586 = arith.constant 0 : i32
    %dma_start3A_587 = tpu.memref_slice %arg5[%dma_start3A_586, %multiple_of3A_565] : memref<16x1000000xf32, #tpu.memory_space<hbm>> -> memref<16x128xf32, #tpu.memory_space<hbm>>
    %dma_start3A_588 = arith.constant 0 : i32
    %dma_start3A_589 = arith.constant 0 : i32
    %dma_start3A_590 = tpu.memref_slice %arg10[%dma_start3A_580, %dma_start3A_581, %dma_start3A_588, %dma_start3A_589] : memref<12x2x16x128xf32, #tpu.memory_space<vmem>> -> memref<1x1x16x128xf32, #tpu.memory_space<vmem>>
    %dma_start3A_591 = tpu.memref_squeeze %dma_start3A_590 : memref<1x1x16x128xf32, #tpu.memory_space<vmem>> -> memref<16x128xf32, #tpu.memory_space<vmem>>
    %dma_start3A_592 = arith.constant 0 : i32
    %dma_start3A_593 = tpu.memref_slice %arg5[%dma_start3A_592, %multiple_of3A_565] : memref<16x1000000xf32, #tpu.memory_space<hbm>> -> memref<16x128xf32, #tpu.memory_space<hbm>>
    tpu.enqueue_dma source(%dma_start3A_593 : memref<16x128xf32, #tpu.memory_space<hbm>>) target(%dma_start3A_591 : memref<16x128xf32, #tpu.memory_space<vmem>>) target_semaphore(%arg20 : memref<!tpu.dma_semaphore, #tpu.memory_space<semaphore_mem>>)
    %slice3A_594 = vector.extract_strided_slice %get3A_549 {offsets = [1], sizes = [1], strides = [1]} : vector<16xi32> to vector<1xi32>
    %squeeze3A_595 = vector.extract %slice3A_594[0] : i32 from vector<1xi32>
    %shift_right_arithmetic3A_596 = arith.constant 7 : i32
    %shift_right_arithmetic3A_597 = arith.shrsi %squeeze3A_595, %shift_right_arithmetic3A_596 : i32
    %shift_left3A_598 = arith.constant 7 : i32
    %shift_left3A_599 = arith.shli %shift_right_arithmetic3A_597, %shift_left3A_598 : i32
    %multiple_of3A_600 = tpu.assume_multiple %shift_left3A_599, 128 : i32
    %slice3A_601 = vector.extract_strided_slice %get3A_551 {offsets = [1], sizes = [1], strides = [1]} : vector<16xi32> to vector<1xi32>
    %squeeze3A_602 = vector.extract %slice3A_601[0] : i32 from vector<1xi32>
    %shift_right_arithmetic3A_603 = arith.constant 7 : i32
    %shift_right_arithmetic3A_604 = arith.shrsi %squeeze3A_602, %shift_right_arithmetic3A_603 : i32
    %shift_left3A_605 = arith.constant 7 : i32
    %shift_left3A_606 = arith.shli %shift_right_arithmetic3A_604, %shift_left3A_605 : i32
    %multiple_of3A_607 = tpu.assume_multiple %shift_left3A_606, 128 : i32
    %dma_start3A_608 = arith.constant 6 : i32
    %dma_start3A_609 = arith.constant 1 : i32
    %dma_start3A_610 = arith.constant 0 : i32
    %dma_start3A_611 = arith.constant 0 : i32
    %dma_start3A_612 = tpu.memref_slice %arg9[%dma_start3A_608, %dma_start3A_609, %dma_start3A_610, %dma_start3A_611] : memref<12x2x16x128xf32, #tpu.memory_space<vmem>> -> memref<1x1x16x128xf32, #tpu.memory_space<vmem>>
    %dma_start3A_613 = tpu.memref_squeeze %dma_start3A_612 : memref<1x1x16x128xf32, #tpu.memory_space<vmem>> -> memref<16x128xf32, #tpu.memory_space<vmem>>
    %dma_start3A_614 = arith.constant 0 : i32
    %dma_start3A_615 = tpu.memref_slice %arg4[%dma_start3A_614, %multiple_of3A_600] : memref<16x1000000xf32, #tpu.memory_space<hbm>> -> memref<16x128xf32, #tpu.memory_space<hbm>>
    %dma_start3A_616 = arith.constant 0 : i32
    %dma_start3A_617 = arith.constant 0 : i32
    %dma_start3A_618 = tpu.memref_slice %arg9[%dma_start3A_608, %dma_start3A_609, %dma_start3A_616, %dma_start3A_617] : memref<12x2x16x128xf32, #tpu.memory_space<vmem>> -> memref<1x1x16x128xf32, #tpu.memory_space<vmem>>
    %dma_start3A_619 = tpu.memref_squeeze %dma_start3A_618 : memref<1x1x16x128xf32, #tpu.memory_space<vmem>> -> memref<16x128xf32, #tpu.memory_space<vmem>>
    %dma_start3A_620 = arith.constant 0 : i32
    %dma_start3A_621 = tpu.memref_slice %arg4[%dma_start3A_620, %multiple_of3A_600] : memref<16x1000000xf32, #tpu.memory_space<hbm>> -> memref<16x128xf32, #tpu.memory_space<hbm>>
    tpu.enqueue_dma source(%dma_start3A_621 : memref<16x128xf32, #tpu.memory_space<hbm>>) target(%dma_start3A_619 : memref<16x128xf32, #tpu.memory_space<vmem>>) target_semaphore(%arg20 : memref<!tpu.dma_semaphore, #tpu.memory_space<semaphore_mem>>)
    %dma_start3A_622 = arith.constant 6 : i32
    %dma_start3A_623 = arith.constant 1 : i32
    %dma_start3A_624 = arith.constant 0 : i32
    %dma_start3A_625 = arith.constant 0 : i32
    %dma_start3A_626 = tpu.memref_slice %arg10[%dma_start3A_622, %dma_start3A_623, %dma_start3A_624, %dma_start3A_625] : memref<12x2x16x128xf32, #tpu.memory_space<vmem>> -> memref<1x1x16x128xf32, #tpu.memory_space<vmem>>
    %dma_start3A_627 = tpu.memref_squeeze %dma_start3A_626 : memref<1x1x16x128xf32, #tpu.memory_space<vmem>> -> memref<16x128xf32, #tpu.memory_space<vmem>>
    %dma_start3A_628 = arith.constant 0 : i32
    %dma_start3A_629 = tpu.memref_slice %arg5[%dma_start3A_628, %multiple_of3A_607] : memref<16x1000000xf32, #tpu.memory_space<hbm>> -> memref<16x128xf32, #tpu.memory_space<hbm>>
    %dma_start3A_630 = arith.constant 0 : i32
    %dma_start3A_631 = arith.constant 0 : i32
    %dma_start3A_632 = tpu.memref_slice %arg10[%dma_start3A_622, %dma_start3A_623, %dma_start3A_630, %dma_start3A_631] : memref<12x2x16x128xf32, #tpu.memory_space<vmem>> -> memref<1x1x16x128xf32, #tpu.memory_space<vmem>>
    %dma_start3A_633 = tpu.memref_squeeze %dma_start3A_632 : memref<1x1x16x128xf32, #tpu.memory_space<vmem>> -> memref<16x128xf32, #tpu.memory_space<vmem>>
    %dma_start3A_634 = arith.constant 0 : i32
    %dma_start3A_635 = tpu.memref_slice %arg5[%dma_start3A_634, %multiple_of3A_607] : memref<16x1000000xf32, #tpu.memory_space<hbm>> -> memref<16x128xf32, #tpu.memory_space<hbm>>
    tpu.enqueue_dma source(%dma_start3A_635 : memref<16x128xf32, #tpu.memory_space<hbm>>) target(%dma_start3A_633 : memref<16x128xf32, #tpu.memory_space<vmem>>) target_semaphore(%arg20 : memref<!tpu.dma_semaphore, #tpu.memory_space<semaphore_mem>>)
    %get3A_636 = arith.constant 14 : index
    %get3A_637 = tpu.vector_load %arg7[%get3A_636] {strides = array<i32>} : memref<528xi32, #tpu.memory_space<vmem>>, vector<16xi32>,
    %get3A_638 = arith.constant 14 : index
    %get3A_639 = tpu.vector_load %arg8[%get3A_638] {strides = array<i32>} : memref<528xi32, #tpu.memory_space<vmem>>, vector<16xi32>,
    %slice3A_640 = vector.extract_strided_slice %get3A_637 {offsets = [0], sizes = [1], strides = [1]} : vector<16xi32> to vector<1xi32>
    %squeeze3A_641 = vector.extract %slice3A_640[0] : i32 from vector<1xi32>
    %shift_right_arithmetic3A_642 = arith.constant 7 : i32
    %shift_right_arithmetic3A_643 = arith.shrsi %squeeze3A_641, %shift_right_arithmetic3A_642 : i32
    %shift_left3A_644 = arith.constant 7 : i32
    %shift_left3A_645 = arith.shli %shift_right_arithmetic3A_643, %shift_left3A_644 : i32
    %multiple_of3A_646 = tpu.assume_multiple %shift_left3A_645, 128 : i32
    %slice3A_647 = vector.extract_strided_slice %get3A_639 {offsets = [0], sizes = [1], strides = [1]} : vector<16xi32> to vector<1xi32>
    %squeeze3A_648 = vector.extract %slice3A_647[0] : i32 from vector<1xi32>
    %shift_right_arithmetic3A_649 = arith.constant 7 : i32
    %shift_right_arithmetic3A_650 = arith.shrsi %squeeze3A_648, %shift_right_arithmetic3A_649 : i32
    %shift_left3A_651 = arith.constant 7 : i32
    %shift_left3A_652 = arith.shli %shift_right_arithmetic3A_650, %shift_left3A_651 : i32
    %multiple_of3A_653 = tpu.assume_multiple %shift_left3A_652, 128 : i32
    %dma_start3A_654 = arith.constant 7 : i32
    %dma_start3A_655 = arith.constant 0 : i32
    %dma_start3A_656 = arith.constant 0 : i32
    %dma_start3A_657 = arith.constant 0 : i32
    %dma_start3A_658 = tpu.memref_slice %arg9[%dma_start3A_654, %dma_start3A_655, %dma_start3A_656, %dma_start3A_657] : memref<12x2x16x128xf32, #tpu.memory_space<vmem>> -> memref<1x1x16x128xf32, #tpu.memory_space<vmem>>
    %dma_start3A_659 = tpu.memref_squeeze %dma_start3A_658 : memref<1x1x16x128xf32, #tpu.memory_space<vmem>> -> memref<16x128xf32, #tpu.memory_space<vmem>>
    %dma_start3A_660 = arith.constant 0 : i32
    %dma_start3A_661 = tpu.memref_slice %arg4[%dma_start3A_660, %multiple_of3A_646] : memref<16x1000000xf32, #tpu.memory_space<hbm>> -> memref<16x128xf32, #tpu.memory_space<hbm>>
    %dma_start3A_662 = arith.constant 0 : i32
    %dma_start3A_663 = arith.constant 0 : i32
    %dma_start3A_664 = tpu.memref_slice %arg9[%dma_start3A_654, %dma_start3A_655, %dma_start3A_662, %dma_start3A_663] : memref<12x2x16x128xf32, #tpu.memory_space<vmem>> -> memref<1x1x16x128xf32, #tpu.memory_space<vmem>>
    %dma_start3A_665 = tpu.memref_squeeze %dma_start3A_664 : memref<1x1x16x128xf32, #tpu.memory_space<vmem>> -> memref<16x128xf32, #tpu.memory_space<vmem>>
    %dma_start3A_666 = arith.constant 0 : i32
    %dma_start3A_667 = tpu.memref_slice %arg4[%dma_start3A_666, %multiple_of3A_646] : memref<16x1000000xf32, #tpu.memory_space<hbm>> -> memref<16x128xf32, #tpu.memory_space<hbm>>
    tpu.enqueue_dma source(%dma_start3A_667 : memref<16x128xf32, #tpu.memory_space<hbm>>) target(%dma_start3A_665 : memref<16x128xf32, #tpu.memory_space<vmem>>) target_semaphore(%arg21 : memref<!tpu.dma_semaphore, #tpu.memory_space<semaphore_mem>>)
    %dma_start3A_668 = arith.constant 7 : i32
    %dma_start3A_669 = arith.constant 0 : i32
    %dma_start3A_670 = arith.constant 0 : i32
    %dma_start3A_671 = arith.constant 0 : i32
    %dma_start3A_672 = tpu.memref_slice %arg10[%dma_start3A_668, %dma_start3A_669, %dma_start3A_670, %dma_start3A_671] : memref<12x2x16x128xf32, #tpu.memory_space<vmem>> -> memref<1x1x16x128xf32, #tpu.memory_space<vmem>>
    %dma_start3A_673 = tpu.memref_squeeze %dma_start3A_672 : memref<1x1x16x128xf32, #tpu.memory_space<vmem>> -> memref<16x128xf32, #tpu.memory_space<vmem>>
    %dma_start3A_674 = arith.constant 0 : i32
    %dma_start3A_675 = tpu.memref_slice %arg5[%dma_start3A_674, %multiple_of3A_653] : memref<16x1000000xf32, #tpu.memory_space<hbm>> -> memref<16x128xf32, #tpu.memory_space<hbm>>
    %dma_start3A_676 = arith.constant 0 : i32
    %dma_start3A_677 = arith.constant 0 : i32
    %dma_start3A_678 = tpu.memref_slice %arg10[%dma_start3A_668, %dma_start3A_669, %dma_start3A_676, %dma_start3A_677] : memref<12x2x16x128xf32, #tpu.memory_space<vmem>> -> memref<1x1x16x128xf32, #tpu.memory_space<vmem>>
    %dma_start3A_679 = tpu.memref_squeeze %dma_start3A_678 : memref<1x1x16x128xf32, #tpu.memory_space<vmem>> -> memref<16x128xf32, #tpu.memory_space<vmem>>
    %dma_start3A_680 = arith.constant 0 : i32
    %dma_start3A_681 = tpu.memref_slice %arg5[%dma_start3A_680, %multiple_of3A_653] : memref<16x1000000xf32, #tpu.memory_space<hbm>> -> memref<16x128xf32, #tpu.memory_space<hbm>>
    tpu.enqueue_dma source(%dma_start3A_681 : memref<16x128xf32, #tpu.memory_space<hbm>>) target(%dma_start3A_679 : memref<16x128xf32, #tpu.memory_space<vmem>>) target_semaphore(%arg21 : memref<!tpu.dma_semaphore, #tpu.memory_space<semaphore_mem>>)
    %slice3A_682 = vector.extract_strided_slice %get3A_637 {offsets = [1], sizes = [1], strides = [1]} : vector<16xi32> to vector<1xi32>
    %squeeze3A_683 = vector.extract %slice3A_682[0] : i32 from vector<1xi32>
    %shift_right_arithmetic3A_684 = arith.constant 7 : i32
    %shift_right_arithmetic3A_685 = arith.shrsi %squeeze3A_683, %shift_right_arithmetic3A_684 : i32
    %shift_left3A_686 = arith.constant 7 : i32
    %shift_left3A_687 = arith.shli %shift_right_arithmetic3A_685, %shift_left3A_686 : i32
    %multiple_of3A_688 = tpu.assume_multiple %shift_left3A_687, 128 : i32
    %slice3A_689 = vector.extract_strided_slice %get3A_639 {offsets = [1], sizes = [1], strides = [1]} : vector<16xi32> to vector<1xi32>
    %squeeze3A_690 = vector.extract %slice3A_689[0] : i32 from vector<1xi32>
    %shift_right_arithmetic3A_691 = arith.constant 7 : i32
    %shift_right_arithmetic3A_692 = arith.shrsi %squeeze3A_690, %shift_right_arithmetic3A_691 : i32
    %shift_left3A_693 = arith.constant 7 : i32
    %shift_left3A_694 = arith.shli %shift_right_arithmetic3A_692, %shift_left3A_693 : i32
    %multiple_of3A_695 = tpu.assume_multiple %shift_left3A_694, 128 : i32
    %dma_start3A_696 = arith.constant 7 : i32
    %dma_start3A_697 = arith.constant 1 : i32
    %dma_start3A_698 = arith.constant 0 : i32
    %dma_start3A_699 = arith.constant 0 : i32
    %dma_start3A_700 = tpu.memref_slice %arg9[%dma_start3A_696, %dma_start3A_697, %dma_start3A_698, %dma_start3A_699] : memref<12x2x16x128xf32, #tpu.memory_space<vmem>> -> memref<1x1x16x128xf32, #tpu.memory_space<vmem>>
    %dma_start3A_701 = tpu.memref_squeeze %dma_start3A_700 : memref<1x1x16x128xf32, #tpu.memory_space<vmem>> -> memref<16x128xf32, #tpu.memory_space<vmem>>
    %dma_start3A_702 = arith.constant 0 : i32
    %dma_start3A_703 = tpu.memref_slice %arg4[%dma_start3A_702, %multiple_of3A_688] : memref<16x1000000xf32, #tpu.memory_space<hbm>> -> memref<16x128xf32, #tpu.memory_space<hbm>>
    %dma_start3A_704 = arith.constant 0 : i32
    %dma_start3A_705 = arith.constant 0 : i32
    %dma_start3A_706 = tpu.memref_slice %arg9[%dma_start3A_696, %dma_start3A_697, %dma_start3A_704, %dma_start3A_705] : memref<12x2x16x128xf32, #tpu.memory_space<vmem>> -> memref<1x1x16x128xf32, #tpu.memory_space<vmem>>
    %dma_start3A_707 = tpu.memref_squeeze %dma_start3A_706 : memref<1x1x16x128xf32, #tpu.memory_space<vmem>> -> memref<16x128xf32, #tpu.memory_space<vmem>>
    %dma_start3A_708 = arith.constant 0 : i32
    %dma_start3A_709 = tpu.memref_slice %arg4[%dma_start3A_708, %multiple_of3A_688] : memref<16x1000000xf32, #tpu.memory_space<hbm>> -> memref<16x128xf32, #tpu.memory_space<hbm>>
    tpu.enqueue_dma source(%dma_start3A_709 : memref<16x128xf32, #tpu.memory_space<hbm>>) target(%dma_start3A_707 : memref<16x128xf32, #tpu.memory_space<vmem>>) target_semaphore(%arg21 : memref<!tpu.dma_semaphore, #tpu.memory_space<semaphore_mem>>)
    %dma_start3A_710 = arith.constant 7 : i32
    %dma_start3A_711 = arith.constant 1 : i32
    %dma_start3A_712 = arith.constant 0 : i32
    %dma_start3A_713 = arith.constant 0 : i32
    %dma_start3A_714 = tpu.memref_slice %arg10[%dma_start3A_710, %dma_start3A_711, %dma_start3A_712, %dma_start3A_713] : memref<12x2x16x128xf32, #tpu.memory_space<vmem>> -> memref<1x1x16x128xf32, #tpu.memory_space<vmem>>
    %dma_start3A_715 = tpu.memref_squeeze %dma_start3A_714 : memref<1x1x16x128xf32, #tpu.memory_space<vmem>> -> memref<16x128xf32, #tpu.memory_space<vmem>>
    %dma_start3A_716 = arith.constant 0 : i32
    %dma_start3A_717 = tpu.memref_slice %arg5[%dma_start3A_716, %multiple_of3A_695] : memref<16x1000000xf32, #tpu.memory_space<hbm>> -> memref<16x128xf32, #tpu.memory_space<hbm>>
    %dma_start3A_718 = arith.constant 0 : i32
    %dma_start3A_719 = arith.constant 0 : i32
    %dma_start3A_720 = tpu.memref_slice %arg10[%dma_start3A_710, %dma_start3A_711, %dma_start3A_718, %dma_start3A_719] : memref<12x2x16x128xf32, #tpu.memory_space<vmem>> -> memref<1x1x16x128xf32, #tpu.memory_space<vmem>>
    %dma_start3A_721 = tpu.memref_squeeze %dma_start3A_720 : memref<1x1x16x128xf32, #tpu.memory_space<vmem>> -> memref<16x128xf32, #tpu.memory_space<vmem>>
    %dma_start3A_722 = arith.constant 0 : i32
    %dma_start3A_723 = tpu.memref_slice %arg5[%dma_start3A_722, %multiple_of3A_695] : memref<16x1000000xf32, #tpu.memory_space<hbm>> -> memref<16x128xf32, #tpu.memory_space<hbm>>
    tpu.enqueue_dma source(%dma_start3A_723 : memref<16x128xf32, #tpu.memory_space<hbm>>) target(%dma_start3A_721 : memref<16x128xf32, #tpu.memory_space<vmem>>) target_semaphore(%arg21 : memref<!tpu.dma_semaphore, #tpu.memory_space<semaphore_mem>>)
    %get3A_724 = arith.constant 16 : index
    %get3A_725 = tpu.vector_load %arg7[%get3A_724] {strides = array<i32>} : memref<528xi32, #tpu.memory_space<vmem>>, vector<16xi32>,
    %get3A_726 = arith.constant 16 : index
    %get3A_727 = tpu.vector_load %arg8[%get3A_726] {strides = array<i32>} : memref<528xi32, #tpu.memory_space<vmem>>, vector<16xi32>,
    %slice3A_728 = vector.extract_strided_slice %get3A_725 {offsets = [0], sizes = [1], strides = [1]} : vector<16xi32> to vector<1xi32>
    %squeeze3A_729 = vector.extract %slice3A_728[0] : i32 from vector<1xi32>
    %shift_right_arithmetic3A_730 = arith.constant 7 : i32
    %shift_right_arithmetic3A_731 = arith.shrsi %squeeze3A_729, %shift_right_arithmetic3A_730 : i32
    %shift_left3A_732 = arith.constant 7 : i32
    %shift_left3A_733 = arith.shli %shift_right_arithmetic3A_731, %shift_left3A_732 : i32
    %multiple_of3A_734 = tpu.assume_multiple %shift_left3A_733, 128 : i32
    %slice3A_735 = vector.extract_strided_slice %get3A_727 {offsets = [0], sizes = [1], strides = [1]} : vector<16xi32> to vector<1xi32>
    %squeeze3A_736 = vector.extract %slice3A_735[0] : i32 from vector<1xi32>
    %shift_right_arithmetic3A_737 = arith.constant 7 : i32
    %shift_right_arithmetic3A_738 = arith.shrsi %squeeze3A_736, %shift_right_arithmetic3A_737 : i32
    %shift_left3A_739 = arith.constant 7 : i32
    %shift_left3A_740 = arith.shli %shift_right_arithmetic3A_738, %shift_left3A_739 : i32
    %multiple_of3A_741 = tpu.assume_multiple %shift_left3A_740, 128 : i32
    %dma_start3A_742 = arith.constant 8 : i32
    %dma_start3A_743 = arith.constant 0 : i32
    %dma_start3A_744 = arith.constant 0 : i32
    %dma_start3A_745 = arith.constant 0 : i32
    %dma_start3A_746 = tpu.memref_slice %arg9[%dma_start3A_742, %dma_start3A_743, %dma_start3A_744, %dma_start3A_745] : memref<12x2x16x128xf32, #tpu.memory_space<vmem>> -> memref<1x1x16x128xf32, #tpu.memory_space<vmem>>
    %dma_start3A_747 = tpu.memref_squeeze %dma_start3A_746 : memref<1x1x16x128xf32, #tpu.memory_space<vmem>> -> memref<16x128xf32, #tpu.memory_space<vmem>>
    %dma_start3A_748 = arith.constant 0 : i32
    %dma_start3A_749 = tpu.memref_slice %arg4[%dma_start3A_748, %multiple_of3A_734] : memref<16x1000000xf32, #tpu.memory_space<hbm>> -> memref<16x128xf32, #tpu.memory_space<hbm>>
    %dma_start3A_750 = arith.constant 0 : i32
    %dma_start3A_751 = arith.constant 0 : i32
    %dma_start3A_752 = tpu.memref_slice %arg9[%dma_start3A_742, %dma_start3A_743, %dma_start3A_750, %dma_start3A_751] : memref<12x2x16x128xf32, #tpu.memory_space<vmem>> -> memref<1x1x16x128xf32, #tpu.memory_space<vmem>>
    %dma_start3A_753 = tpu.memref_squeeze %dma_start3A_752 : memref<1x1x16x128xf32, #tpu.memory_space<vmem>> -> memref<16x128xf32, #tpu.memory_space<vmem>>
    %dma_start3A_754 = arith.constant 0 : i32
    %dma_start3A_755 = tpu.memref_slice %arg4[%dma_start3A_754, %multiple_of3A_734] : memref<16x1000000xf32, #tpu.memory_space<hbm>> -> memref<16x128xf32, #tpu.memory_space<hbm>>
    tpu.enqueue_dma source(%dma_start3A_755 : memref<16x128xf32, #tpu.memory_space<hbm>>) target(%dma_start3A_753 : memref<16x128xf32, #tpu.memory_space<vmem>>) target_semaphore(%arg22 : memref<!tpu.dma_semaphore, #tpu.memory_space<semaphore_mem>>)
    %dma_start3A_756 = arith.constant 8 : i32
    %dma_start3A_757 = arith.constant 0 : i32
    %dma_start3A_758 = arith.constant 0 : i32
    %dma_start3A_759 = arith.constant 0 : i32
    %dma_start3A_760 = tpu.memref_slice %arg10[%dma_start3A_756, %dma_start3A_757, %dma_start3A_758, %dma_start3A_759] : memref<12x2x16x128xf32, #tpu.memory_space<vmem>> -> memref<1x1x16x128xf32, #tpu.memory_space<vmem>>
    %dma_start3A_761 = tpu.memref_squeeze %dma_start3A_760 : memref<1x1x16x128xf32, #tpu.memory_space<vmem>> -> memref<16x128xf32, #tpu.memory_space<vmem>>
    %dma_start3A_762 = arith.constant 0 : i32
    %dma_start3A_763 = tpu.memref_slice %arg5[%dma_start3A_762, %multiple_of3A_741] : memref<16x1000000xf32, #tpu.memory_space<hbm>> -> memref<16x128xf32, #tpu.memory_space<hbm>>
    %dma_start3A_764 = arith.constant 0 : i32
    %dma_start3A_765 = arith.constant 0 : i32
    %dma_start3A_766 = tpu.memref_slice %arg10[%dma_start3A_756, %dma_start3A_757, %dma_start3A_764, %dma_start3A_765] : memref<12x2x16x128xf32, #tpu.memory_space<vmem>> -> memref<1x1x16x128xf32, #tpu.memory_space<vmem>>
    %dma_start3A_767 = tpu.memref_squeeze %dma_start3A_766 : memref<1x1x16x128xf32, #tpu.memory_space<vmem>> -> memref<16x128xf32, #tpu.memory_space<vmem>>
    %dma_start3A_768 = arith.constant 0 : i32
    %dma_start3A_769 = tpu.memref_slice %arg5[%dma_start3A_768, %multiple_of3A_741] : memref<16x1000000xf32, #tpu.memory_space<hbm>> -> memref<16x128xf32, #tpu.memory_space<hbm>>
    tpu.enqueue_dma source(%dma_start3A_769 : memref<16x128xf32, #tpu.memory_space<hbm>>) target(%dma_start3A_767 : memref<16x128xf32, #tpu.memory_space<vmem>>) target_semaphore(%arg22 : memref<!tpu.dma_semaphore, #tpu.memory_space<semaphore_mem>>)
    %slice3A_770 = vector.extract_strided_slice %get3A_725 {offsets = [1], sizes = [1], strides = [1]} : vector<16xi32> to vector<1xi32>
    %squeeze3A_771 = vector.extract %slice3A_770[0] : i32 from vector<1xi32>
    %shift_right_arithmetic3A_772 = arith.constant 7 : i32
    %shift_right_arithmetic3A_773 = arith.shrsi %squeeze3A_771, %shift_right_arithmetic3A_772 : i32
    %shift_left3A_774 = arith.constant 7 : i32
    %shift_left3A_775 = arith.shli %shift_right_arithmetic3A_773, %shift_left3A_774 : i32
    %multiple_of3A_776 = tpu.assume_multiple %shift_left3A_775, 128 : i32
    %slice3A_777 = vector.extract_strided_slice %get3A_727 {offsets = [1], sizes = [1], strides = [1]} : vector<16xi32> to vector<1xi32>
    %squeeze3A_778 = vector.extract %slice3A_777[0] : i32 from vector<1xi32>
    %shift_right_arithmetic3A_779 = arith.constant 7 : i32
    %shift_right_arithmetic3A_780 = arith.shrsi %squeeze3A_778, %shift_right_arithmetic3A_779 : i32
    %shift_left3A_781 = arith.constant 7 : i32
    %shift_left3A_782 = arith.shli %shift_right_arithmetic3A_780, %shift_left3A_781 : i32
    %multiple_of3A_783 = tpu.assume_multiple %shift_left3A_782, 128 : i32
    %dma_start3A_784 = arith.constant 8 : i32
    %dma_start3A_785 = arith.constant 1 : i32
    %dma_start3A_786 = arith.constant 0 : i32
    %dma_start3A_787 = arith.constant 0 : i32
    %dma_start3A_788 = tpu.memref_slice %arg9[%dma_start3A_784, %dma_start3A_785, %dma_start3A_786, %dma_start3A_787] : memref<12x2x16x128xf32, #tpu.memory_space<vmem>> -> memref<1x1x16x128xf32, #tpu.memory_space<vmem>>
    %dma_start3A_789 = tpu.memref_squeeze %dma_start3A_788 : memref<1x1x16x128xf32, #tpu.memory_space<vmem>> -> memref<16x128xf32, #tpu.memory_space<vmem>>
    %dma_start3A_790 = arith.constant 0 : i32
    %dma_start3A_791 = tpu.memref_slice %arg4[%dma_start3A_790, %multiple_of3A_776] : memref<16x1000000xf32, #tpu.memory_space<hbm>> -> memref<16x128xf32, #tpu.memory_space<hbm>>
    %dma_start3A_792 = arith.constant 0 : i32
    %dma_start3A_793 = arith.constant 0 : i32
    %dma_start3A_794 = tpu.memref_slice %arg9[%dma_start3A_784, %dma_start3A_785, %dma_start3A_792, %dma_start3A_793] : memref<12x2x16x128xf32, #tpu.memory_space<vmem>> -> memref<1x1x16x128xf32, #tpu.memory_space<vmem>>
    %dma_start3A_795 = tpu.memref_squeeze %dma_start3A_794 : memref<1x1x16x128xf32, #tpu.memory_space<vmem>> -> memref<16x128xf32, #tpu.memory_space<vmem>>
    %dma_start3A_796 = arith.constant 0 : i32
    %dma_start3A_797 = tpu.memref_slice %arg4[%dma_start3A_796, %multiple_of3A_776] : memref<16x1000000xf32, #tpu.memory_space<hbm>> -> memref<16x128xf32, #tpu.memory_space<hbm>>
    tpu.enqueue_dma source(%dma_start3A_797 : memref<16x128xf32, #tpu.memory_space<hbm>>) target(%dma_start3A_795 : memref<16x128xf32, #tpu.memory_space<vmem>>) target_semaphore(%arg22 : memref<!tpu.dma_semaphore, #tpu.memory_space<semaphore_mem>>)
    %dma_start3A_798 = arith.constant 8 : i32
    %dma_start3A_799 = arith.constant 1 : i32
    %dma_start3A_800 = arith.constant 0 : i32
    %dma_start3A_801 = arith.constant 0 : i32
    %dma_start3A_802 = tpu.memref_slice %arg10[%dma_start3A_798, %dma_start3A_799, %dma_start3A_800, %dma_start3A_801] : memref<12x2x16x128xf32, #tpu.memory_space<vmem>> -> memref<1x1x16x128xf32, #tpu.memory_space<vmem>>
    %dma_start3A_803 = tpu.memref_squeeze %dma_start3A_802 : memref<1x1x16x128xf32, #tpu.memory_space<vmem>> -> memref<16x128xf32, #tpu.memory_space<vmem>>
    %dma_start3A_804 = arith.constant 0 : i32
    %dma_start3A_805 = tpu.memref_slice %arg5[%dma_start3A_804, %multiple_of3A_783] : memref<16x1000000xf32, #tpu.memory_space<hbm>> -> memref<16x128xf32, #tpu.memory_space<hbm>>
    %dma_start3A_806 = arith.constant 0 : i32
    %dma_start3A_807 = arith.constant 0 : i32
    %dma_start3A_808 = tpu.memref_slice %arg10[%dma_start3A_798, %dma_start3A_799, %dma_start3A_806, %dma_start3A_807] : memref<12x2x16x128xf32, #tpu.memory_space<vmem>> -> memref<1x1x16x128xf32, #tpu.memory_space<vmem>>
    %dma_start3A_809 = tpu.memref_squeeze %dma_start3A_808 : memref<1x1x16x128xf32, #tpu.memory_space<vmem>> -> memref<16x128xf32, #tpu.memory_space<vmem>>
    %dma_start3A_810 = arith.constant 0 : i32
    %dma_start3A_811 = tpu.memref_slice %arg5[%dma_start3A_810, %multiple_of3A_783] : memref<16x1000000xf32, #tpu.memory_space<hbm>> -> memref<16x128xf32, #tpu.memory_space<hbm>>
    tpu.enqueue_dma source(%dma_start3A_811 : memref<16x128xf32, #tpu.memory_space<hbm>>) target(%dma_start3A_809 : memref<16x128xf32, #tpu.memory_space<vmem>>) target_semaphore(%arg22 : memref<!tpu.dma_semaphore, #tpu.memory_space<semaphore_mem>>)
    %get3A_812 = arith.constant 18 : index
    %get3A_813 = tpu.vector_load %arg7[%get3A_812] {strides = array<i32>} : memref<528xi32, #tpu.memory_space<vmem>>, vector<16xi32>,
    %get3A_814 = arith.constant 18 : index
    %get3A_815 = tpu.vector_load %arg8[%get3A_814] {strides = array<i32>} : memref<528xi32, #tpu.memory_space<vmem>>, vector<16xi32>,
    %slice3A_816 = vector.extract_strided_slice %get3A_813 {offsets = [0], sizes = [1], strides = [1]} : vector<16xi32> to vector<1xi32>
    %squeeze3A_817 = vector.extract %slice3A_816[0] : i32 from vector<1xi32>
    %shift_right_arithmetic3A_818 = arith.constant 7 : i32
    %shift_right_arithmetic3A_819 = arith.shrsi %squeeze3A_817, %shift_right_arithmetic3A_818 : i32
    %shift_left3A_820 = arith.constant 7 : i32
    %shift_left3A_821 = arith.shli %shift_right_arithmetic3A_819, %shift_left3A_820 : i32
    %multiple_of3A_822 = tpu.assume_multiple %shift_left3A_821, 128 : i32
    %slice3A_823 = vector.extract_strided_slice %get3A_815 {offsets = [0], sizes = [1], strides = [1]} : vector<16xi32> to vector<1xi32>
    %squeeze3A_824 = vector.extract %slice3A_823[0] : i32 from vector<1xi32>
    %shift_right_arithmetic3A_825 = arith.constant 7 : i32
    %shift_right_arithmetic3A_826 = arith.shrsi %squeeze3A_824, %shift_right_arithmetic3A_825 : i32
    %shift_left3A_827 = arith.constant 7 : i32
    %shift_left3A_828 = arith.shli %shift_right_arithmetic3A_826, %shift_left3A_827 : i32
    %multiple_of3A_829 = tpu.assume_multiple %shift_left3A_828, 128 : i32
    %dma_start3A_830 = arith.constant 9 : i32
    %dma_start3A_831 = arith.constant 0 : i32
    %dma_start3A_832 = arith.constant 0 : i32
    %dma_start3A_833 = arith.constant 0 : i32
    %dma_start3A_834 = tpu.memref_slice %arg9[%dma_start3A_830, %dma_start3A_831, %dma_start3A_832, %dma_start3A_833] : memref<12x2x16x128xf32, #tpu.memory_space<vmem>> -> memref<1x1x16x128xf32, #tpu.memory_space<vmem>>
    %dma_start3A_835 = tpu.memref_squeeze %dma_start3A_834 : memref<1x1x16x128xf32, #tpu.memory_space<vmem>> -> memref<16x128xf32, #tpu.memory_space<vmem>>
    %dma_start3A_836 = arith.constant 0 : i32
    %dma_start3A_837 = tpu.memref_slice %arg4[%dma_start3A_836, %multiple_of3A_822] : memref<16x1000000xf32, #tpu.memory_space<hbm>> -> memref<16x128xf32, #tpu.memory_space<hbm>>
    %dma_start3A_838 = arith.constant 0 : i32
    %dma_start3A_839 = arith.constant 0 : i32
    %dma_start3A_840 = tpu.memref_slice %arg9[%dma_start3A_830, %dma_start3A_831, %dma_start3A_838, %dma_start3A_839] : memref<12x2x16x128xf32, #tpu.memory_space<vmem>> -> memref<1x1x16x128xf32, #tpu.memory_space<vmem>>
    %dma_start3A_841 = tpu.memref_squeeze %dma_start3A_840 : memref<1x1x16x128xf32, #tpu.memory_space<vmem>> -> memref<16x128xf32, #tpu.memory_space<vmem>>
    %dma_start3A_842 = arith.constant 0 : i32
    %dma_start3A_843 = tpu.memref_slice %arg4[%dma_start3A_842, %multiple_of3A_822] : memref<16x1000000xf32, #tpu.memory_space<hbm>> -> memref<16x128xf32, #tpu.memory_space<hbm>>
    tpu.enqueue_dma source(%dma_start3A_843 : memref<16x128xf32, #tpu.memory_space<hbm>>) target(%dma_start3A_841 : memref<16x128xf32, #tpu.memory_space<vmem>>) target_semaphore(%arg23 : memref<!tpu.dma_semaphore, #tpu.memory_space<semaphore_mem>>)
    %dma_start3A_844 = arith.constant 9 : i32
    %dma_start3A_845 = arith.constant 0 : i32
    %dma_start3A_846 = arith.constant 0 : i32
    %dma_start3A_847 = arith.constant 0 : i32
    %dma_start3A_848 = tpu.memref_slice %arg10[%dma_start3A_844, %dma_start3A_845, %dma_start3A_846, %dma_start3A_847] : memref<12x2x16x128xf32, #tpu.memory_space<vmem>> -> memref<1x1x16x128xf32, #tpu.memory_space<vmem>>
    %dma_start3A_849 = tpu.memref_squeeze %dma_start3A_848 : memref<1x1x16x128xf32, #tpu.memory_space<vmem>> -> memref<16x128xf32, #tpu.memory_space<vmem>>
    %dma_start3A_850 = arith.constant 0 : i32
    %dma_start3A_851 = tpu.memref_slice %arg5[%dma_start3A_850, %multiple_of3A_829] : memref<16x1000000xf32, #tpu.memory_space<hbm>> -> memref<16x128xf32, #tpu.memory_space<hbm>>
    %dma_start3A_852 = arith.constant 0 : i32
    %dma_start3A_853 = arith.constant 0 : i32
    %dma_start3A_854 = tpu.memref_slice %arg10[%dma_start3A_844, %dma_start3A_845, %dma_start3A_852, %dma_start3A_853] : memref<12x2x16x128xf32, #tpu.memory_space<vmem>> -> memref<1x1x16x128xf32, #tpu.memory_space<vmem>>
    %dma_start3A_855 = tpu.memref_squeeze %dma_start3A_854 : memref<1x1x16x128xf32, #tpu.memory_space<vmem>> -> memref<16x128xf32, #tpu.memory_space<vmem>>
    %dma_start3A_856 = arith.constant 0 : i32
    %dma_start3A_857 = tpu.memref_slice %arg5[%dma_start3A_856, %multiple_of3A_829] : memref<16x1000000xf32, #tpu.memory_space<hbm>> -> memref<16x128xf32, #tpu.memory_space<hbm>>
    tpu.enqueue_dma source(%dma_start3A_857 : memref<16x128xf32, #tpu.memory_space<hbm>>) target(%dma_start3A_855 : memref<16x128xf32, #tpu.memory_space<vmem>>) target_semaphore(%arg23 : memref<!tpu.dma_semaphore, #tpu.memory_space<semaphore_mem>>)
    %slice3A_858 = vector.extract_strided_slice %get3A_813 {offsets = [1], sizes = [1], strides = [1]} : vector<16xi32> to vector<1xi32>
    %squeeze3A_859 = vector.extract %slice3A_858[0] : i32 from vector<1xi32>
    %shift_right_arithmetic3A_860 = arith.constant 7 : i32
    %shift_right_arithmetic3A_861 = arith.shrsi %squeeze3A_859, %shift_right_arithmetic3A_860 : i32
    %shift_left3A_862 = arith.constant 7 : i32
    %shift_left3A_863 = arith.shli %shift_right_arithmetic3A_861, %shift_left3A_862 : i32
    %multiple_of3A_864 = tpu.assume_multiple %shift_left3A_863, 128 : i32
    %slice3A_865 = vector.extract_strided_slice %get3A_815 {offsets = [1], sizes = [1], strides = [1]} : vector<16xi32> to vector<1xi32>
    %squeeze3A_866 = vector.extract %slice3A_865[0] : i32 from vector<1xi32>
    %shift_right_arithmetic3A_867 = arith.constant 7 : i32
    %shift_right_arithmetic3A_868 = arith.shrsi %squeeze3A_866, %shift_right_arithmetic3A_867 : i32
    %shift_left3A_869 = arith.constant 7 : i32
    %shift_left3A_870 = arith.shli %shift_right_arithmetic3A_868, %shift_left3A_869 : i32
    %multiple_of3A_871 = tpu.assume_multiple %shift_left3A_870, 128 : i32
    %dma_start3A_872 = arith.constant 9 : i32
    %dma_start3A_873 = arith.constant 1 : i32
    %dma_start3A_874 = arith.constant 0 : i32
    %dma_start3A_875 = arith.constant 0 : i32
    %dma_start3A_876 = tpu.memref_slice %arg9[%dma_start3A_872, %dma_start3A_873, %dma_start3A_874, %dma_start3A_875] : memref<12x2x16x128xf32, #tpu.memory_space<vmem>> -> memref<1x1x16x128xf32, #tpu.memory_space<vmem>>
    %dma_start3A_877 = tpu.memref_squeeze %dma_start3A_876 : memref<1x1x16x128xf32, #tpu.memory_space<vmem>> -> memref<16x128xf32, #tpu.memory_space<vmem>>
    %dma_start3A_878 = arith.constant 0 : i32
    %dma_start3A_879 = tpu.memref_slice %arg4[%dma_start3A_878, %multiple_of3A_864] : memref<16x1000000xf32, #tpu.memory_space<hbm>> -> memref<16x128xf32, #tpu.memory_space<hbm>>
    %dma_start3A_880 = arith.constant 0 : i32
    %dma_start3A_881 = arith.constant 0 : i32
    %dma_start3A_882 = tpu.memref_slice %arg9[%dma_start3A_872, %dma_start3A_873, %dma_start3A_880, %dma_start3A_881] : memref<12x2x16x128xf32, #tpu.memory_space<vmem>> -> memref<1x1x16x128xf32, #tpu.memory_space<vmem>>
    %dma_start3A_883 = tpu.memref_squeeze %dma_start3A_882 : memref<1x1x16x128xf32, #tpu.memory_space<vmem>> -> memref<16x128xf32, #tpu.memory_space<vmem>>
    %dma_start3A_884 = arith.constant 0 : i32
    %dma_start3A_885 = tpu.memref_slice %arg4[%dma_start3A_884, %multiple_of3A_864] : memref<16x1000000xf32, #tpu.memory_space<hbm>> -> memref<16x128xf32, #tpu.memory_space<hbm>>
    tpu.enqueue_dma source(%dma_start3A_885 : memref<16x128xf32, #tpu.memory_space<hbm>>) target(%dma_start3A_883 : memref<16x128xf32, #tpu.memory_space<vmem>>) target_semaphore(%arg23 : memref<!tpu.dma_semaphore, #tpu.memory_space<semaphore_mem>>)
    %dma_start3A_886 = arith.constant 9 : i32
    %dma_start3A_887 = arith.constant 1 : i32
    %dma_start3A_888 = arith.constant 0 : i32
    %dma_start3A_889 = arith.constant 0 : i32
    %dma_start3A_890 = tpu.memref_slice %arg10[%dma_start3A_886, %dma_start3A_887, %dma_start3A_888, %dma_start3A_889] : memref<12x2x16x128xf32, #tpu.memory_space<vmem>> -> memref<1x1x16x128xf32, #tpu.memory_space<vmem>>
    %dma_start3A_891 = tpu.memref_squeeze %dma_start3A_890 : memref<1x1x16x128xf32, #tpu.memory_space<vmem>> -> memref<16x128xf32, #tpu.memory_space<vmem>>
    %dma_start3A_892 = arith.constant 0 : i32
    %dma_start3A_893 = tpu.memref_slice %arg5[%dma_start3A_892, %multiple_of3A_871] : memref<16x1000000xf32, #tpu.memory_space<hbm>> -> memref<16x128xf32, #tpu.memory_space<hbm>>
    %dma_start3A_894 = arith.constant 0 : i32
    %dma_start3A_895 = arith.constant 0 : i32
    %dma_start3A_896 = tpu.memref_slice %arg10[%dma_start3A_886, %dma_start3A_887, %dma_start3A_894, %dma_start3A_895] : memref<12x2x16x128xf32, #tpu.memory_space<vmem>> -> memref<1x1x16x128xf32, #tpu.memory_space<vmem>>
    %dma_start3A_897 = tpu.memref_squeeze %dma_start3A_896 : memref<1x1x16x128xf32, #tpu.memory_space<vmem>> -> memref<16x128xf32, #tpu.memory_space<vmem>>
    %dma_start3A_898 = arith.constant 0 : i32
    %dma_start3A_899 = tpu.memref_slice %arg5[%dma_start3A_898, %multiple_of3A_871] : memref<16x1000000xf32, #tpu.memory_space<hbm>> -> memref<16x128xf32, #tpu.memory_space<hbm>>
    tpu.enqueue_dma source(%dma_start3A_899 : memref<16x128xf32, #tpu.memory_space<hbm>>) target(%dma_start3A_897 : memref<16x128xf32, #tpu.memory_space<vmem>>) target_semaphore(%arg23 : memref<!tpu.dma_semaphore, #tpu.memory_space<semaphore_mem>>)
    %get3A_900 = arith.constant 20 : index
    %get3A_901 = tpu.vector_load %arg7[%get3A_900] {strides = array<i32>} : memref<528xi32, #tpu.memory_space<vmem>>, vector<16xi32>,
    %get3A_902 = arith.constant 20 : index
    %get3A_903 = tpu.vector_load %arg8[%get3A_902] {strides = array<i32>} : memref<528xi32, #tpu.memory_space<vmem>>, vector<16xi32>,
    %slice3A_904 = vector.extract_strided_slice %get3A_901 {offsets = [0], sizes = [1], strides = [1]} : vector<16xi32> to vector<1xi32>
    %squeeze3A_905 = vector.extract %slice3A_904[0] : i32 from vector<1xi32>
    %shift_right_arithmetic3A_906 = arith.constant 7 : i32
    %shift_right_arithmetic3A_907 = arith.shrsi %squeeze3A_905, %shift_right_arithmetic3A_906 : i32
    %shift_left3A_908 = arith.constant 7 : i32
    %shift_left3A_909 = arith.shli %shift_right_arithmetic3A_907, %shift_left3A_908 : i32
    %multiple_of3A_910 = tpu.assume_multiple %shift_left3A_909, 128 : i32
    %slice3A_911 = vector.extract_strided_slice %get3A_903 {offsets = [0], sizes = [1], strides = [1]} : vector<16xi32> to vector<1xi32>
    %squeeze3A_912 = vector.extract %slice3A_911[0] : i32 from vector<1xi32>
    %shift_right_arithmetic3A_913 = arith.constant 7 : i32
    %shift_right_arithmetic3A_914 = arith.shrsi %squeeze3A_912, %shift_right_arithmetic3A_913 : i32
    %shift_left3A_915 = arith.constant 7 : i32
    %shift_left3A_916 = arith.shli %shift_right_arithmetic3A_914, %shift_left3A_915 : i32
    %multiple_of3A_917 = tpu.assume_multiple %shift_left3A_916, 128 : i32
    %dma_start3A_918 = arith.constant 10 : i32
    %dma_start3A_919 = arith.constant 0 : i32
    %dma_start3A_920 = arith.constant 0 : i32
    %dma_start3A_921 = arith.constant 0 : i32
    %dma_start3A_922 = tpu.memref_slice %arg9[%dma_start3A_918, %dma_start3A_919, %dma_start3A_920, %dma_start3A_921] : memref<12x2x16x128xf32, #tpu.memory_space<vmem>> -> memref<1x1x16x128xf32, #tpu.memory_space<vmem>>
    %dma_start3A_923 = tpu.memref_squeeze %dma_start3A_922 : memref<1x1x16x128xf32, #tpu.memory_space<vmem>> -> memref<16x128xf32, #tpu.memory_space<vmem>>
    %dma_start3A_924 = arith.constant 0 : i32
    %dma_start3A_925 = tpu.memref_slice %arg4[%dma_start3A_924, %multiple_of3A_910] : memref<16x1000000xf32, #tpu.memory_space<hbm>> -> memref<16x128xf32, #tpu.memory_space<hbm>>
    %dma_start3A_926 = arith.constant 0 : i32
    %dma_start3A_927 = arith.constant 0 : i32
    %dma_start3A_928 = tpu.memref_slice %arg9[%dma_start3A_918, %dma_start3A_919, %dma_start3A_926, %dma_start3A_927] : memref<12x2x16x128xf32, #tpu.memory_space<vmem>> -> memref<1x1x16x128xf32, #tpu.memory_space<vmem>>
    %dma_start3A_929 = tpu.memref_squeeze %dma_start3A_928 : memref<1x1x16x128xf32, #tpu.memory_space<vmem>> -> memref<16x128xf32, #tpu.memory_space<vmem>>
    %dma_start3A_930 = arith.constant 0 : i32
    %dma_start3A_931 = tpu.memref_slice %arg4[%dma_start3A_930, %multiple_of3A_910] : memref<16x1000000xf32, #tpu.memory_space<hbm>> -> memref<16x128xf32, #tpu.memory_space<hbm>>
    tpu.enqueue_dma source(%dma_start3A_931 : memref<16x128xf32, #tpu.memory_space<hbm>>) target(%dma_start3A_929 : memref<16x128xf32, #tpu.memory_space<vmem>>) target_semaphore(%arg24 : memref<!tpu.dma_semaphore, #tpu.memory_space<semaphore_mem>>)
    %dma_start3A_932 = arith.constant 10 : i32
    %dma_start3A_933 = arith.constant 0 : i32
    %dma_start3A_934 = arith.constant 0 : i32
    %dma_start3A_935 = arith.constant 0 : i32
    %dma_start3A_936 = tpu.memref_slice %arg10[%dma_start3A_932, %dma_start3A_933, %dma_start3A_934, %dma_start3A_935] : memref<12x2x16x128xf32, #tpu.memory_space<vmem>> -> memref<1x1x16x128xf32, #tpu.memory_space<vmem>>
    %dma_start3A_937 = tpu.memref_squeeze %dma_start3A_936 : memref<1x1x16x128xf32, #tpu.memory_space<vmem>> -> memref<16x128xf32, #tpu.memory_space<vmem>>
    %dma_start3A_938 = arith.constant 0 : i32
    %dma_start3A_939 = tpu.memref_slice %arg5[%dma_start3A_938, %multiple_of3A_917] : memref<16x1000000xf32, #tpu.memory_space<hbm>> -> memref<16x128xf32, #tpu.memory_space<hbm>>
    %dma_start3A_940 = arith.constant 0 : i32
    %dma_start3A_941 = arith.constant 0 : i32
    %dma_start3A_942 = tpu.memref_slice %arg10[%dma_start3A_932, %dma_start3A_933, %dma_start3A_940, %dma_start3A_941] : memref<12x2x16x128xf32, #tpu.memory_space<vmem>> -> memref<1x1x16x128xf32, #tpu.memory_space<vmem>>
    %dma_start3A_943 = tpu.memref_squeeze %dma_start3A_942 : memref<1x1x16x128xf32, #tpu.memory_space<vmem>> -> memref<16x128xf32, #tpu.memory_space<vmem>>
    %dma_start3A_944 = arith.constant 0 : i32
    %dma_start3A_945 = tpu.memref_slice %arg5[%dma_start3A_944, %multiple_of3A_917] : memref<16x1000000xf32, #tpu.memory_space<hbm>> -> memref<16x128xf32, #tpu.memory_space<hbm>>
    tpu.enqueue_dma source(%dma_start3A_945 : memref<16x128xf32, #tpu.memory_space<hbm>>) target(%dma_start3A_943 : memref<16x128xf32, #tpu.memory_space<vmem>>) target_semaphore(%arg24 : memref<!tpu.dma_semaphore, #tpu.memory_space<semaphore_mem>>)
    %slice3A_946 = vector.extract_strided_slice %get3A_901 {offsets = [1], sizes = [1], strides = [1]} : vector<16xi32> to vector<1xi32>
    %squeeze3A_947 = vector.extract %slice3A_946[0] : i32 from vector<1xi32>
    %shift_right_arithmetic3A_948 = arith.constant 7 : i32
    %shift_right_arithmetic3A_949 = arith.shrsi %squeeze3A_947, %shift_right_arithmetic3A_948 : i32
    %shift_left3A_950 = arith.constant 7 : i32
    %shift_left3A_951 = arith.shli %shift_right_arithmetic3A_949, %shift_left3A_950 : i32
    %multiple_of3A_952 = tpu.assume_multiple %shift_left3A_951, 128 : i32
    %slice3A_953 = vector.extract_strided_slice %get3A_903 {offsets = [1], sizes = [1], strides = [1]} : vector<16xi32> to vector<1xi32>
    %squeeze3A_954 = vector.extract %slice3A_953[0] : i32 from vector<1xi32>
    %shift_right_arithmetic3A_955 = arith.constant 7 : i32
    %shift_right_arithmetic3A_956 = arith.shrsi %squeeze3A_954, %shift_right_arithmetic3A_955 : i32
    %shift_left3A_957 = arith.constant 7 : i32
    %shift_left3A_958 = arith.shli %shift_right_arithmetic3A_956, %shift_left3A_957 : i32
    %multiple_of3A_959 = tpu.assume_multiple %shift_left3A_958, 128 : i32
    %dma_start3A_960 = arith.constant 10 : i32
    %dma_start3A_961 = arith.constant 1 : i32
    %dma_start3A_962 = arith.constant 0 : i32
    %dma_start3A_963 = arith.constant 0 : i32
    %dma_start3A_964 = tpu.memref_slice %arg9[%dma_start3A_960, %dma_start3A_961, %dma_start3A_962, %dma_start3A_963] : memref<12x2x16x128xf32, #tpu.memory_space<vmem>> -> memref<1x1x16x128xf32, #tpu.memory_space<vmem>>
    %dma_start3A_965 = tpu.memref_squeeze %dma_start3A_964 : memref<1x1x16x128xf32, #tpu.memory_space<vmem>> -> memref<16x128xf32, #tpu.memory_space<vmem>>
    %dma_start3A_966 = arith.constant 0 : i32
    %dma_start3A_967 = tpu.memref_slice %arg4[%dma_start3A_966, %multiple_of3A_952] : memref<16x1000000xf32, #tpu.memory_space<hbm>> -> memref<16x128xf32, #tpu.memory_space<hbm>>
    %dma_start3A_968 = arith.constant 0 : i32
    %dma_start3A_969 = arith.constant 0 : i32
    %dma_start3A_970 = tpu.memref_slice %arg9[%dma_start3A_960, %dma_start3A_961, %dma_start3A_968, %dma_start3A_969] : memref<12x2x16x128xf32, #tpu.memory_space<vmem>> -> memref<1x1x16x128xf32, #tpu.memory_space<vmem>>
    %dma_start3A_971 = tpu.memref_squeeze %dma_start3A_970 : memref<1x1x16x128xf32, #tpu.memory_space<vmem>> -> memref<16x128xf32, #tpu.memory_space<vmem>>
    %dma_start3A_972 = arith.constant 0 : i32
    %dma_start3A_973 = tpu.memref_slice %arg4[%dma_start3A_972, %multiple_of3A_952] : memref<16x1000000xf32, #tpu.memory_space<hbm>> -> memref<16x128xf32, #tpu.memory_space<hbm>>
    tpu.enqueue_dma source(%dma_start3A_973 : memref<16x128xf32, #tpu.memory_space<hbm>>) target(%dma_start3A_971 : memref<16x128xf32, #tpu.memory_space<vmem>>) target_semaphore(%arg24 : memref<!tpu.dma_semaphore, #tpu.memory_space<semaphore_mem>>)
    %dma_start3A_974 = arith.constant 10 : i32
    %dma_start3A_975 = arith.constant 1 : i32
    %dma_start3A_976 = arith.constant 0 : i32
    %dma_start3A_977 = arith.constant 0 : i32
    %dma_start3A_978 = tpu.memref_slice %arg10[%dma_start3A_974, %dma_start3A_975, %dma_start3A_976, %dma_start3A_977] : memref<12x2x16x128xf32, #tpu.memory_space<vmem>> -> memref<1x1x16x128xf32, #tpu.memory_space<vmem>>
    %dma_start3A_979 = tpu.memref_squeeze %dma_start3A_978 : memref<1x1x16x128xf32, #tpu.memory_space<vmem>> -> memref<16x128xf32, #tpu.memory_space<vmem>>
    %dma_start3A_980 = arith.constant 0 : i32
    %dma_start3A_981 = tpu.memref_slice %arg5[%dma_start3A_980, %multiple_of3A_959] : memref<16x1000000xf32, #tpu.memory_space<hbm>> -> memref<16x128xf32, #tpu.memory_space<hbm>>
    %dma_start3A_982 = arith.constant 0 : i32
    %dma_start3A_983 = arith.constant 0 : i32
    %dma_start3A_984 = tpu.memref_slice %arg10[%dma_start3A_974, %dma_start3A_975, %dma_start3A_982, %dma_start3A_983] : memref<12x2x16x128xf32, #tpu.memory_space<vmem>> -> memref<1x1x16x128xf32, #tpu.memory_space<vmem>>
    %dma_start3A_985 = tpu.memref_squeeze %dma_start3A_984 : memref<1x1x16x128xf32, #tpu.memory_space<vmem>> -> memref<16x128xf32, #tpu.memory_space<vmem>>
    %dma_start3A_986 = arith.constant 0 : i32
    %dma_start3A_987 = tpu.memref_slice %arg5[%dma_start3A_986, %multiple_of3A_959] : memref<16x1000000xf32, #tpu.memory_space<hbm>> -> memref<16x128xf32, #tpu.memory_space<hbm>>
    tpu.enqueue_dma source(%dma_start3A_987 : memref<16x128xf32, #tpu.memory_space<hbm>>) target(%dma_start3A_985 : memref<16x128xf32, #tpu.memory_space<vmem>>) target_semaphore(%arg24 : memref<!tpu.dma_semaphore, #tpu.memory_space<semaphore_mem>>)
    %scan3A = arith.constant 0 : i32
    %scan3A_988 = arith.constant 11 : i32
    %scan3A_989 = arith.constant 256 : i32
    %scan3A_990 = arith.addi %scan3A_988, %scan3A_989 : i32
    %scan3A_991 = arith.constant 1 : i32
    scf.for %scan3A_993 = %scan3A_988 to %scan3A_990 step %scan3A_991  : i32 {
      %sub3A = arith.constant 11 : i32
      %sub3A_994 = arith.subi %scan3A_993, %sub3A : i32
      %lt3A = arith.constant 256 : i32
      %lt3A_995 = arith.cmpi slt, %scan3A_993, %lt3A : i32
      %convert_element_type3A = arith.extui %lt3A_995 : i1 to i32
      %cond3A = arith.constant 0 : i32
      %cond3A_996 = arith.cmpi ne, %convert_element_type3A, %cond3A : i32
      scf.if %cond3A_996 {
        %rem3A_1137 = arith.constant 12 : i32
        %rem3A_1138 = arith.remsi %scan3A_993, %rem3A_1137 : i32
        %eq3A_1139 = arith.constant 0 : i32
        %eq3A_1140 = arith.cmpi eq, %rem3A_1138, %eq3A_1139 : i32
        %convert_element_type3A_1141 = arith.extui %eq3A_1140 : i1 to i32
        %cond3A_1142 = arith.constant 0 : i32
        %cond3A_1143 = arith.cmpi ne, %convert_element_type3A_1141, %cond3A_1142 : i32
        scf.if %cond3A_1143 {
          %mul3A_1221 = arith.constant 2 : i32
          %mul3A_1222 = arith.muli %scan3A_993, %mul3A_1221 : i32
          %get3A_1223 = arith.index_cast %mul3A_1222 : i32 to index
          %get3A_1224 = tpu.vector_load %arg7[%get3A_1223] {strides = array<i32>} : memref<528xi32, #tpu.memory_space<vmem>>, vector<16xi32>,
          %mul3A_1225 = arith.constant 2 : i32
          %mul3A_1226 = arith.muli %scan3A_993, %mul3A_1225 : i32
          %get3A_1227 = arith.index_cast %mul3A_1226 : i32 to index
          %get3A_1228 = tpu.vector_load %arg8[%get3A_1227] {strides = array<i32>} : memref<528xi32, #tpu.memory_space<vmem>>, vector<16xi32>,
          %slice3A_1229 = vector.extract_strided_slice %get3A_1224 {offsets = [0], sizes = [1], strides = [1]} : vector<16xi32> to vector<1xi32>
          %squeeze3A_1230 = vector.extract %slice3A_1229[0] : i32 from vector<1xi32>
          %shift_right_arithmetic3A_1231 = arith.constant 7 : i32
          %shift_right_arithmetic3A_1232 = arith.shrsi %squeeze3A_1230, %shift_right_arithmetic3A_1231 : i32
          %shift_left3A_1233 = arith.constant 7 : i32
          %shift_left3A_1234 = arith.shli %shift_right_arithmetic3A_1232, %shift_left3A_1233 : i32
          %multiple_of3A_1235 = tpu.assume_multiple %shift_left3A_1234, 128 : i32
          %slice3A_1236 = vector.extract_strided_slice %get3A_1228 {offsets = [0], sizes = [1], strides = [1]} : vector<16xi32> to vector<1xi32>
          %squeeze3A_1237 = vector.extract %slice3A_1236[0] : i32 from vector<1xi32>
          %shift_right_arithmetic3A_1238 = arith.constant 7 : i32
          %shift_right_arithmetic3A_1239 = arith.shrsi %squeeze3A_1237, %shift_right_arithmetic3A_1238 : i32
          %shift_left3A_1240 = arith.constant 7 : i32
          %shift_left3A_1241 = arith.shli %shift_right_arithmetic3A_1239, %shift_left3A_1240 : i32
          %multiple_of3A_1242 = tpu.assume_multiple %shift_left3A_1241, 128 : i32
          %dma_start3A_1243 = arith.constant 0 : i32
          %dma_start3A_1244 = arith.constant 0 : i32
          %dma_start3A_1245 = arith.constant 0 : i32
          %dma_start3A_1246 = arith.constant 0 : i32
          %dma_start3A_1247 = tpu.memref_slice %arg9[%dma_start3A_1243, %dma_start3A_1244, %dma_start3A_1245, %dma_start3A_1246] : memref<12x2x16x128xf32, #tpu.memory_space<vmem>> -> memref<1x1x16x128xf32, #tpu.memory_space<vmem>>
          %dma_start3A_1248 = tpu.memref_squeeze %dma_start3A_1247 : memref<1x1x16x128xf32, #tpu.memory_space<vmem>> -> memref<16x128xf32, #tpu.memory_space<vmem>>
          %dma_start3A_1249 = arith.constant 0 : i32
          %dma_start3A_1250 = tpu.memref_slice %arg4[%dma_start3A_1249, %multiple_of3A_1235] : memref<16x1000000xf32, #tpu.memory_space<hbm>> -> memref<16x128xf32, #tpu.memory_space<hbm>>
          %dma_start3A_1251 = arith.constant 0 : i32
          %dma_start3A_1252 = arith.constant 0 : i32
          %dma_start3A_1253 = tpu.memref_slice %arg9[%dma_start3A_1243, %dma_start3A_1244, %dma_start3A_1251, %dma_start3A_1252] : memref<12x2x16x128xf32, #tpu.memory_space<vmem>> -> memref<1x1x16x128xf32, #tpu.memory_space<vmem>>
          %dma_start3A_1254 = tpu.memref_squeeze %dma_start3A_1253 : memref<1x1x16x128xf32, #tpu.memory_space<vmem>> -> memref<16x128xf32, #tpu.memory_space<vmem>>
          %dma_start3A_1255 = arith.constant 0 : i32
          %dma_start3A_1256 = tpu.memref_slice %arg4[%dma_start3A_1255, %multiple_of3A_1235] : memref<16x1000000xf32, #tpu.memory_space<hbm>> -> memref<16x128xf32, #tpu.memory_space<hbm>>
          tpu.enqueue_dma source(%dma_start3A_1256 : memref<16x128xf32, #tpu.memory_space<hbm>>) target(%dma_start3A_1254 : memref<16x128xf32, #tpu.memory_space<vmem>>) target_semaphore(%arg14 : memref<!tpu.dma_semaphore, #tpu.memory_space<semaphore_mem>>)
          %dma_start3A_1257 = arith.constant 0 : i32
          %dma_start3A_1258 = arith.constant 0 : i32
          %dma_start3A_1259 = arith.constant 0 : i32
          %dma_start3A_1260 = arith.constant 0 : i32
          %dma_start3A_1261 = tpu.memref_slice %arg10[%dma_start3A_1257, %dma_start3A_1258, %dma_start3A_1259, %dma_start3A_1260] : memref<12x2x16x128xf32, #tpu.memory_space<vmem>> -> memref<1x1x16x128xf32, #tpu.memory_space<vmem>>
          %dma_start3A_1262 = tpu.memref_squeeze %dma_start3A_1261 : memref<1x1x16x128xf32, #tpu.memory_space<vmem>> -> memref<16x128xf32, #tpu.memory_space<vmem>>
          %dma_start3A_1263 = arith.constant 0 : i32
          %dma_start3A_1264 = tpu.memref_slice %arg5[%dma_start3A_1263, %multiple_of3A_1242] : memref<16x1000000xf32, #tpu.memory_space<hbm>> -> memref<16x128xf32, #tpu.memory_space<hbm>>
          %dma_start3A_1265 = arith.constant 0 : i32
          %dma_start3A_1266 = arith.constant 0 : i32
          %dma_start3A_1267 = tpu.memref_slice %arg10[%dma_start3A_1257, %dma_start3A_1258, %dma_start3A_1265, %dma_start3A_1266] : memref<12x2x16x128xf32, #tpu.memory_space<vmem>> -> memref<1x1x16x128xf32, #tpu.memory_space<vmem>>
          %dma_start3A_1268 = tpu.memref_squeeze %dma_start3A_1267 : memref<1x1x16x128xf32, #tpu.memory_space<vmem>> -> memref<16x128xf32, #tpu.memory_space<vmem>>
          %dma_start3A_1269 = arith.constant 0 : i32
          %dma_start3A_1270 = tpu.memref_slice %arg5[%dma_start3A_1269, %multiple_of3A_1242] : memref<16x1000000xf32, #tpu.memory_space<hbm>> -> memref<16x128xf32, #tpu.memory_space<hbm>>
          tpu.enqueue_dma source(%dma_start3A_1270 : memref<16x128xf32, #tpu.memory_space<hbm>>) target(%dma_start3A_1268 : memref<16x128xf32, #tpu.memory_space<vmem>>) target_semaphore(%arg14 : memref<!tpu.dma_semaphore, #tpu.memory_space<semaphore_mem>>)
          %slice3A_1271 = vector.extract_strided_slice %get3A_1224 {offsets = [1], sizes = [1], strides = [1]} : vector<16xi32> to vector<1xi32>
          %squeeze3A_1272 = vector.extract %slice3A_1271[0] : i32 from vector<1xi32>
          %shift_right_arithmetic3A_1273 = arith.constant 7 : i32
          %shift_right_arithmetic3A_1274 = arith.shrsi %squeeze3A_1272, %shift_right_arithmetic3A_1273 : i32
          %shift_left3A_1275 = arith.constant 7 : i32
          %shift_left3A_1276 = arith.shli %shift_right_arithmetic3A_1274, %shift_left3A_1275 : i32
          %multiple_of3A_1277 = tpu.assume_multiple %shift_left3A_1276, 128 : i32
          %slice3A_1278 = vector.extract_strided_slice %get3A_1228 {offsets = [1], sizes = [1], strides = [1]} : vector<16xi32> to vector<1xi32>
          %squeeze3A_1279 = vector.extract %slice3A_1278[0] : i32 from vector<1xi32>
          %shift_right_arithmetic3A_1280 = arith.constant 7 : i32
          %shift_right_arithmetic3A_1281 = arith.shrsi %squeeze3A_1279, %shift_right_arithmetic3A_1280 : i32
          %shift_left3A_1282 = arith.constant 7 : i32
          %shift_left3A_1283 = arith.shli %shift_right_arithmetic3A_1281, %shift_left3A_1282 : i32
          %multiple_of3A_1284 = tpu.assume_multiple %shift_left3A_1283, 128 : i32
          %dma_start3A_1285 = arith.constant 0 : i32
          %dma_start3A_1286 = arith.constant 1 : i32
          %dma_start3A_1287 = arith.constant 0 : i32
          %dma_start3A_1288 = arith.constant 0 : i32
          %dma_start3A_1289 = tpu.memref_slice %arg9[%dma_start3A_1285, %dma_start3A_1286, %dma_start3A_1287, %dma_start3A_1288] : memref<12x2x16x128xf32, #tpu.memory_space<vmem>> -> memref<1x1x16x128xf32, #tpu.memory_space<vmem>>
          %dma_start3A_1290 = tpu.memref_squeeze %dma_start3A_1289 : memref<1x1x16x128xf32, #tpu.memory_space<vmem>> -> memref<16x128xf32, #tpu.memory_space<vmem>>
          %dma_start3A_1291 = arith.constant 0 : i32
          %dma_start3A_1292 = tpu.memref_slice %arg4[%dma_start3A_1291, %multiple_of3A_1277] : memref<16x1000000xf32, #tpu.memory_space<hbm>> -> memref<16x128xf32, #tpu.memory_space<hbm>>
          %dma_start3A_1293 = arith.constant 0 : i32
          %dma_start3A_1294 = arith.constant 0 : i32
          %dma_start3A_1295 = tpu.memref_slice %arg9[%dma_start3A_1285, %dma_start3A_1286, %dma_start3A_1293, %dma_start3A_1294] : memref<12x2x16x128xf32, #tpu.memory_space<vmem>> -> memref<1x1x16x128xf32, #tpu.memory_space<vmem>>
          %dma_start3A_1296 = tpu.memref_squeeze %dma_start3A_1295 : memref<1x1x16x128xf32, #tpu.memory_space<vmem>> -> memref<16x128xf32, #tpu.memory_space<vmem>>
          %dma_start3A_1297 = arith.constant 0 : i32
          %dma_start3A_1298 = tpu.memref_slice %arg4[%dma_start3A_1297, %multiple_of3A_1277] : memref<16x1000000xf32, #tpu.memory_space<hbm>> -> memref<16x128xf32, #tpu.memory_space<hbm>>
          tpu.enqueue_dma source(%dma_start3A_1298 : memref<16x128xf32, #tpu.memory_space<hbm>>) target(%dma_start3A_1296 : memref<16x128xf32, #tpu.memory_space<vmem>>) target_semaphore(%arg14 : memref<!tpu.dma_semaphore, #tpu.memory_space<semaphore_mem>>)
          %dma_start3A_1299 = arith.constant 0 : i32
          %dma_start3A_1300 = arith.constant 1 : i32
          %dma_start3A_1301 = arith.constant 0 : i32
          %dma_start3A_1302 = arith.constant 0 : i32
          %dma_start3A_1303 = tpu.memref_slice %arg10[%dma_start3A_1299, %dma_start3A_1300, %dma_start3A_1301, %dma_start3A_1302] : memref<12x2x16x128xf32, #tpu.memory_space<vmem>> -> memref<1x1x16x128xf32, #tpu.memory_space<vmem>>
          %dma_start3A_1304 = tpu.memref_squeeze %dma_start3A_1303 : memref<1x1x16x128xf32, #tpu.memory_space<vmem>> -> memref<16x128xf32, #tpu.memory_space<vmem>>
          %dma_start3A_1305 = arith.constant 0 : i32
          %dma_start3A_1306 = tpu.memref_slice %arg5[%dma_start3A_1305, %multiple_of3A_1284] : memref<16x1000000xf32, #tpu.memory_space<hbm>> -> memref<16x128xf32, #tpu.memory_space<hbm>>
          %dma_start3A_1307 = arith.constant 0 : i32
          %dma_start3A_1308 = arith.constant 0 : i32
          %dma_start3A_1309 = tpu.memref_slice %arg10[%dma_start3A_1299, %dma_start3A_1300, %dma_start3A_1307, %dma_start3A_1308] : memref<12x2x16x128xf32, #tpu.memory_space<vmem>> -> memref<1x1x16x128xf32, #tpu.memory_space<vmem>>
          %dma_start3A_1310 = tpu.memref_squeeze %dma_start3A_1309 : memref<1x1x16x128xf32, #tpu.memory_space<vmem>> -> memref<16x128xf32, #tpu.memory_space<vmem>>
          %dma_start3A_1311 = arith.constant 0 : i32
          %dma_start3A_1312 = tpu.memref_slice %arg5[%dma_start3A_1311, %multiple_of3A_1284] : memref<16x1000000xf32, #tpu.memory_space<hbm>> -> memref<16x128xf32, #tpu.memory_space<hbm>>
          tpu.enqueue_dma source(%dma_start3A_1312 : memref<16x128xf32, #tpu.memory_space<hbm>>) target(%dma_start3A_1310 : memref<16x128xf32, #tpu.memory_space<vmem>>) target_semaphore(%arg14 : memref<!tpu.dma_semaphore, #tpu.memory_space<semaphore_mem>>)
        } else {
        }
        %rem3A_1144 = arith.constant 12 : i32
        %rem3A_1145 = arith.remsi %scan3A_993, %rem3A_1144 : i32
        %eq3A_1146 = arith.constant 1 : i32
        %eq3A_1147 = arith.cmpi eq, %rem3A_1145, %eq3A_1146 : i32
        %convert_element_type3A_1148 = arith.extui %eq3A_1147 : i1 to i32
        %cond3A_1149 = arith.constant 0 : i32
        %cond3A_1150 = arith.cmpi ne, %convert_element_type3A_1148, %cond3A_1149 : i32
        scf.if %cond3A_1150 {
          %mul3A_1221 = arith.constant 2 : i32
          %mul3A_1222 = arith.muli %scan3A_993, %mul3A_1221 : i32
          %get3A_1223 = arith.index_cast %mul3A_1222 : i32 to index
          %get3A_1224 = tpu.vector_load %arg7[%get3A_1223] {strides = array<i32>} : memref<528xi32, #tpu.memory_space<vmem>>, vector<16xi32>,
          %mul3A_1225 = arith.constant 2 : i32
          %mul3A_1226 = arith.muli %scan3A_993, %mul3A_1225 : i32
          %get3A_1227 = arith.index_cast %mul3A_1226 : i32 to index
          %get3A_1228 = tpu.vector_load %arg8[%get3A_1227] {strides = array<i32>} : memref<528xi32, #tpu.memory_space<vmem>>, vector<16xi32>,
          %slice3A_1229 = vector.extract_strided_slice %get3A_1224 {offsets = [0], sizes = [1], strides = [1]} : vector<16xi32> to vector<1xi32>
          %squeeze3A_1230 = vector.extract %slice3A_1229[0] : i32 from vector<1xi32>
          %shift_right_arithmetic3A_1231 = arith.constant 7 : i32
          %shift_right_arithmetic3A_1232 = arith.shrsi %squeeze3A_1230, %shift_right_arithmetic3A_1231 : i32
          %shift_left3A_1233 = arith.constant 7 : i32
          %shift_left3A_1234 = arith.shli %shift_right_arithmetic3A_1232, %shift_left3A_1233 : i32
          %multiple_of3A_1235 = tpu.assume_multiple %shift_left3A_1234, 128 : i32
          %slice3A_1236 = vector.extract_strided_slice %get3A_1228 {offsets = [0], sizes = [1], strides = [1]} : vector<16xi32> to vector<1xi32>
          %squeeze3A_1237 = vector.extract %slice3A_1236[0] : i32 from vector<1xi32>
          %shift_right_arithmetic3A_1238 = arith.constant 7 : i32
          %shift_right_arithmetic3A_1239 = arith.shrsi %squeeze3A_1237, %shift_right_arithmetic3A_1238 : i32
          %shift_left3A_1240 = arith.constant 7 : i32
          %shift_left3A_1241 = arith.shli %shift_right_arithmetic3A_1239, %shift_left3A_1240 : i32
          %multiple_of3A_1242 = tpu.assume_multiple %shift_left3A_1241, 128 : i32
          %dma_start3A_1243 = arith.constant 1 : i32
          %dma_start3A_1244 = arith.constant 0 : i32
          %dma_start3A_1245 = arith.constant 0 : i32
          %dma_start3A_1246 = arith.constant 0 : i32
          %dma_start3A_1247 = tpu.memref_slice %arg9[%dma_start3A_1243, %dma_start3A_1244, %dma_start3A_1245, %dma_start3A_1246] : memref<12x2x16x128xf32, #tpu.memory_space<vmem>> -> memref<1x1x16x128xf32, #tpu.memory_space<vmem>>
          %dma_start3A_1248 = tpu.memref_squeeze %dma_start3A_1247 : memref<1x1x16x128xf32, #tpu.memory_space<vmem>> -> memref<16x128xf32, #tpu.memory_space<vmem>>
          %dma_start3A_1249 = arith.constant 0 : i32
          %dma_start3A_1250 = tpu.memref_slice %arg4[%dma_start3A_1249, %multiple_of3A_1235] : memref<16x1000000xf32, #tpu.memory_space<hbm>> -> memref<16x128xf32, #tpu.memory_space<hbm>>
          %dma_start3A_1251 = arith.constant 0 : i32
          %dma_start3A_1252 = arith.constant 0 : i32
          %dma_start3A_1253 = tpu.memref_slice %arg9[%dma_start3A_1243, %dma_start3A_1244, %dma_start3A_1251, %dma_start3A_1252] : memref<12x2x16x128xf32, #tpu.memory_space<vmem>> -> memref<1x1x16x128xf32, #tpu.memory_space<vmem>>
          %dma_start3A_1254 = tpu.memref_squeeze %dma_start3A_1253 : memref<1x1x16x128xf32, #tpu.memory_space<vmem>> -> memref<16x128xf32, #tpu.memory_space<vmem>>
          %dma_start3A_1255 = arith.constant 0 : i32
          %dma_start3A_1256 = tpu.memref_slice %arg4[%dma_start3A_1255, %multiple_of3A_1235] : memref<16x1000000xf32, #tpu.memory_space<hbm>> -> memref<16x128xf32, #tpu.memory_space<hbm>>
          tpu.enqueue_dma source(%dma_start3A_1256 : memref<16x128xf32, #tpu.memory_space<hbm>>) target(%dma_start3A_1254 : memref<16x128xf32, #tpu.memory_space<vmem>>) target_semaphore(%arg15 : memref<!tpu.dma_semaphore, #tpu.memory_space<semaphore_mem>>)
          %dma_start3A_1257 = arith.constant 1 : i32
          %dma_start3A_1258 = arith.constant 0 : i32
          %dma_start3A_1259 = arith.constant 0 : i32
          %dma_start3A_1260 = arith.constant 0 : i32
          %dma_start3A_1261 = tpu.memref_slice %arg10[%dma_start3A_1257, %dma_start3A_1258, %dma_start3A_1259, %dma_start3A_1260] : memref<12x2x16x128xf32, #tpu.memory_space<vmem>> -> memref<1x1x16x128xf32, #tpu.memory_space<vmem>>
          %dma_start3A_1262 = tpu.memref_squeeze %dma_start3A_1261 : memref<1x1x16x128xf32, #tpu.memory_space<vmem>> -> memref<16x128xf32, #tpu.memory_space<vmem>>
          %dma_start3A_1263 = arith.constant 0 : i32
          %dma_start3A_1264 = tpu.memref_slice %arg5[%dma_start3A_1263, %multiple_of3A_1242] : memref<16x1000000xf32, #tpu.memory_space<hbm>> -> memref<16x128xf32, #tpu.memory_space<hbm>>
          %dma_start3A_1265 = arith.constant 0 : i32
          %dma_start3A_1266 = arith.constant 0 : i32
          %dma_start3A_1267 = tpu.memref_slice %arg10[%dma_start3A_1257, %dma_start3A_1258, %dma_start3A_1265, %dma_start3A_1266] : memref<12x2x16x128xf32, #tpu.memory_space<vmem>> -> memref<1x1x16x128xf32, #tpu.memory_space<vmem>>
          %dma_start3A_1268 = tpu.memref_squeeze %dma_start3A_1267 : memref<1x1x16x128xf32, #tpu.memory_space<vmem>> -> memref<16x128xf32, #tpu.memory_space<vmem>>
          %dma_start3A_1269 = arith.constant 0 : i32
          %dma_start3A_1270 = tpu.memref_slice %arg5[%dma_start3A_1269, %multiple_of3A_1242] : memref<16x1000000xf32, #tpu.memory_space<hbm>> -> memref<16x128xf32, #tpu.memory_space<hbm>>
          tpu.enqueue_dma source(%dma_start3A_1270 : memref<16x128xf32, #tpu.memory_space<hbm>>) target(%dma_start3A_1268 : memref<16x128xf32, #tpu.memory_space<vmem>>) target_semaphore(%arg15 : memref<!tpu.dma_semaphore, #tpu.memory_space<semaphore_mem>>)
          %slice3A_1271 = vector.extract_strided_slice %get3A_1224 {offsets = [1], sizes = [1], strides = [1]} : vector<16xi32> to vector<1xi32>
          %squeeze3A_1272 = vector.extract %slice3A_1271[0] : i32 from vector<1xi32>
          %shift_right_arithmetic3A_1273 = arith.constant 7 : i32
          %shift_right_arithmetic3A_1274 = arith.shrsi %squeeze3A_1272, %shift_right_arithmetic3A_1273 : i32
          %shift_left3A_1275 = arith.constant 7 : i32
          %shift_left3A_1276 = arith.shli %shift_right_arithmetic3A_1274, %shift_left3A_1275 : i32
          %multiple_of3A_1277 = tpu.assume_multiple %shift_left3A_1276, 128 : i32
          %slice3A_1278 = vector.extract_strided_slice %get3A_1228 {offsets = [1], sizes = [1], strides = [1]} : vector<16xi32> to vector<1xi32>
          %squeeze3A_1279 = vector.extract %slice3A_1278[0] : i32 from vector<1xi32>
          %shift_right_arithmetic3A_1280 = arith.constant 7 : i32
          %shift_right_arithmetic3A_1281 = arith.shrsi %squeeze3A_1279, %shift_right_arithmetic3A_1280 : i32
          %shift_left3A_1282 = arith.constant 7 : i32
          %shift_left3A_1283 = arith.shli %shift_right_arithmetic3A_1281, %shift_left3A_1282 : i32
          %multiple_of3A_1284 = tpu.assume_multiple %shift_left3A_1283, 128 : i32
          %dma_start3A_1285 = arith.constant 1 : i32
          %dma_start3A_1286 = arith.constant 1 : i32
          %dma_start3A_1287 = arith.constant 0 : i32
          %dma_start3A_1288 = arith.constant 0 : i32
          %dma_start3A_1289 = tpu.memref_slice %arg9[%dma_start3A_1285, %dma_start3A_1286, %dma_start3A_1287, %dma_start3A_1288] : memref<12x2x16x128xf32, #tpu.memory_space<vmem>> -> memref<1x1x16x128xf32, #tpu.memory_space<vmem>>
          %dma_start3A_1290 = tpu.memref_squeeze %dma_start3A_1289 : memref<1x1x16x128xf32, #tpu.memory_space<vmem>> -> memref<16x128xf32, #tpu.memory_space<vmem>>
          %dma_start3A_1291 = arith.constant 0 : i32
          %dma_start3A_1292 = tpu.memref_slice %arg4[%dma_start3A_1291, %multiple_of3A_1277] : memref<16x1000000xf32, #tpu.memory_space<hbm>> -> memref<16x128xf32, #tpu.memory_space<hbm>>
          %dma_start3A_1293 = arith.constant 0 : i32
          %dma_start3A_1294 = arith.constant 0 : i32
          %dma_start3A_1295 = tpu.memref_slice %arg9[%dma_start3A_1285, %dma_start3A_1286, %dma_start3A_1293, %dma_start3A_1294] : memref<12x2x16x128xf32, #tpu.memory_space<vmem>> -> memref<1x1x16x128xf32, #tpu.memory_space<vmem>>
          %dma_start3A_1296 = tpu.memref_squeeze %dma_start3A_1295 : memref<1x1x16x128xf32, #tpu.memory_space<vmem>> -> memref<16x128xf32, #tpu.memory_space<vmem>>
          %dma_start3A_1297 = arith.constant 0 : i32
          %dma_start3A_1298 = tpu.memref_slice %arg4[%dma_start3A_1297, %multiple_of3A_1277] : memref<16x1000000xf32, #tpu.memory_space<hbm>> -> memref<16x128xf32, #tpu.memory_space<hbm>>
          tpu.enqueue_dma source(%dma_start3A_1298 : memref<16x128xf32, #tpu.memory_space<hbm>>) target(%dma_start3A_1296 : memref<16x128xf32, #tpu.memory_space<vmem>>) target_semaphore(%arg15 : memref<!tpu.dma_semaphore, #tpu.memory_space<semaphore_mem>>)
          %dma_start3A_1299 = arith.constant 1 : i32
          %dma_start3A_1300 = arith.constant 1 : i32
          %dma_start3A_1301 = arith.constant 0 : i32
          %dma_start3A_1302 = arith.constant 0 : i32
          %dma_start3A_1303 = tpu.memref_slice %arg10[%dma_start3A_1299, %dma_start3A_1300, %dma_start3A_1301, %dma_start3A_1302] : memref<12x2x16x128xf32, #tpu.memory_space<vmem>> -> memref<1x1x16x128xf32, #tpu.memory_space<vmem>>
          %dma_start3A_1304 = tpu.memref_squeeze %dma_start3A_1303 : memref<1x1x16x128xf32, #tpu.memory_space<vmem>> -> memref<16x128xf32, #tpu.memory_space<vmem>>
          %dma_start3A_1305 = arith.constant 0 : i32
          %dma_start3A_1306 = tpu.memref_slice %arg5[%dma_start3A_1305, %multiple_of3A_1284] : memref<16x1000000xf32, #tpu.memory_space<hbm>> -> memref<16x128xf32, #tpu.memory_space<hbm>>
          %dma_start3A_1307 = arith.constant 0 : i32
          %dma_start3A_1308 = arith.constant 0 : i32
          %dma_start3A_1309 = tpu.memref_slice %arg10[%dma_start3A_1299, %dma_start3A_1300, %dma_start3A_1307, %dma_start3A_1308] : memref<12x2x16x128xf32, #tpu.memory_space<vmem>> -> memref<1x1x16x128xf32, #tpu.memory_space<vmem>>
          %dma_start3A_1310 = tpu.memref_squeeze %dma_start3A_1309 : memref<1x1x16x128xf32, #tpu.memory_space<vmem>> -> memref<16x128xf32, #tpu.memory_space<vmem>>
          %dma_start3A_1311 = arith.constant 0 : i32
          %dma_start3A_1312 = tpu.memref_slice %arg5[%dma_start3A_1311, %multiple_of3A_1284] : memref<16x1000000xf32, #tpu.memory_space<hbm>> -> memref<16x128xf32, #tpu.memory_space<hbm>>
          tpu.enqueue_dma source(%dma_start3A_1312 : memref<16x128xf32, #tpu.memory_space<hbm>>) target(%dma_start3A_1310 : memref<16x128xf32, #tpu.memory_space<vmem>>) target_semaphore(%arg15 : memref<!tpu.dma_semaphore, #tpu.memory_space<semaphore_mem>>)
        } else {
        }
        %rem3A_1151 = arith.constant 12 : i32
        %rem3A_1152 = arith.remsi %scan3A_993, %rem3A_1151 : i32
        %eq3A_1153 = arith.constant 2 : i32
        %eq3A_1154 = arith.cmpi eq, %rem3A_1152, %eq3A_1153 : i32
        %convert_element_type3A_1155 = arith.extui %eq3A_1154 : i1 to i32
        %cond3A_1156 = arith.constant 0 : i32
        %cond3A_1157 = arith.cmpi ne, %convert_element_type3A_1155, %cond3A_1156 : i32
        scf.if %cond3A_1157 {
          %mul3A_1221 = arith.constant 2 : i32
          %mul3A_1222 = arith.muli %scan3A_993, %mul3A_1221 : i32
          %get3A_1223 = arith.index_cast %mul3A_1222 : i32 to index
          %get3A_1224 = tpu.vector_load %arg7[%get3A_1223] {strides = array<i32>} : memref<528xi32, #tpu.memory_space<vmem>>, vector<16xi32>,
          %mul3A_1225 = arith.constant 2 : i32
          %mul3A_1226 = arith.muli %scan3A_993, %mul3A_1225 : i32
          %get3A_1227 = arith.index_cast %mul3A_1226 : i32 to index
          %get3A_1228 = tpu.vector_load %arg8[%get3A_1227] {strides = array<i32>} : memref<528xi32, #tpu.memory_space<vmem>>, vector<16xi32>,
          %slice3A_1229 = vector.extract_strided_slice %get3A_1224 {offsets = [0], sizes = [1], strides = [1]} : vector<16xi32> to vector<1xi32>
          %squeeze3A_1230 = vector.extract %slice3A_1229[0] : i32 from vector<1xi32>
          %shift_right_arithmetic3A_1231 = arith.constant 7 : i32
          %shift_right_arithmetic3A_1232 = arith.shrsi %squeeze3A_1230, %shift_right_arithmetic3A_1231 : i32
          %shift_left3A_1233 = arith.constant 7 : i32
          %shift_left3A_1234 = arith.shli %shift_right_arithmetic3A_1232, %shift_left3A_1233 : i32
          %multiple_of3A_1235 = tpu.assume_multiple %shift_left3A_1234, 128 : i32
          %slice3A_1236 = vector.extract_strided_slice %get3A_1228 {offsets = [0], sizes = [1], strides = [1]} : vector<16xi32> to vector<1xi32>
          %squeeze3A_1237 = vector.extract %slice3A_1236[0] : i32 from vector<1xi32>
          %shift_right_arithmetic3A_1238 = arith.constant 7 : i32
          %shift_right_arithmetic3A_1239 = arith.shrsi %squeeze3A_1237, %shift_right_arithmetic3A_1238 : i32
          %shift_left3A_1240 = arith.constant 7 : i32
          %shift_left3A_1241 = arith.shli %shift_right_arithmetic3A_1239, %shift_left3A_1240 : i32
          %multiple_of3A_1242 = tpu.assume_multiple %shift_left3A_1241, 128 : i32
          %dma_start3A_1243 = arith.constant 2 : i32
          %dma_start3A_1244 = arith.constant 0 : i32
          %dma_start3A_1245 = arith.constant 0 : i32
          %dma_start3A_1246 = arith.constant 0 : i32
          %dma_start3A_1247 = tpu.memref_slice %arg9[%dma_start3A_1243, %dma_start3A_1244, %dma_start3A_1245, %dma_start3A_1246] : memref<12x2x16x128xf32, #tpu.memory_space<vmem>> -> memref<1x1x16x128xf32, #tpu.memory_space<vmem>>
          %dma_start3A_1248 = tpu.memref_squeeze %dma_start3A_1247 : memref<1x1x16x128xf32, #tpu.memory_space<vmem>> -> memref<16x128xf32, #tpu.memory_space<vmem>>
          %dma_start3A_1249 = arith.constant 0 : i32
          %dma_start3A_1250 = tpu.memref_slice %arg4[%dma_start3A_1249, %multiple_of3A_1235] : memref<16x1000000xf32, #tpu.memory_space<hbm>> -> memref<16x128xf32, #tpu.memory_space<hbm>>
          %dma_start3A_1251 = arith.constant 0 : i32
          %dma_start3A_1252 = arith.constant 0 : i32
          %dma_start3A_1253 = tpu.memref_slice %arg9[%dma_start3A_1243, %dma_start3A_1244, %dma_start3A_1251, %dma_start3A_1252] : memref<12x2x16x128xf32, #tpu.memory_space<vmem>> -> memref<1x1x16x128xf32, #tpu.memory_space<vmem>>
          %dma_start3A_1254 = tpu.memref_squeeze %dma_start3A_1253 : memref<1x1x16x128xf32, #tpu.memory_space<vmem>> -> memref<16x128xf32, #tpu.memory_space<vmem>>
          %dma_start3A_1255 = arith.constant 0 : i32
          %dma_start3A_1256 = tpu.memref_slice %arg4[%dma_start3A_1255, %multiple_of3A_1235] : memref<16x1000000xf32, #tpu.memory_space<hbm>> -> memref<16x128xf32, #tpu.memory_space<hbm>>
          tpu.enqueue_dma source(%dma_start3A_1256 : memref<16x128xf32, #tpu.memory_space<hbm>>) target(%dma_start3A_1254 : memref<16x128xf32, #tpu.memory_space<vmem>>) target_semaphore(%arg16 : memref<!tpu.dma_semaphore, #tpu.memory_space<semaphore_mem>>)
          %dma_start3A_1257 = arith.constant 2 : i32
          %dma_start3A_1258 = arith.constant 0 : i32
          %dma_start3A_1259 = arith.constant 0 : i32
          %dma_start3A_1260 = arith.constant 0 : i32
          %dma_start3A_1261 = tpu.memref_slice %arg10[%dma_start3A_1257, %dma_start3A_1258, %dma_start3A_1259, %dma_start3A_1260] : memref<12x2x16x128xf32, #tpu.memory_space<vmem>> -> memref<1x1x16x128xf32, #tpu.memory_space<vmem>>
          %dma_start3A_1262 = tpu.memref_squeeze %dma_start3A_1261 : memref<1x1x16x128xf32, #tpu.memory_space<vmem>> -> memref<16x128xf32, #tpu.memory_space<vmem>>
          %dma_start3A_1263 = arith.constant 0 : i32
          %dma_start3A_1264 = tpu.memref_slice %arg5[%dma_start3A_1263, %multiple_of3A_1242] : memref<16x1000000xf32, #tpu.memory_space<hbm>> -> memref<16x128xf32, #tpu.memory_space<hbm>>
          %dma_start3A_1265 = arith.constant 0 : i32
          %dma_start3A_1266 = arith.constant 0 : i32
          %dma_start3A_1267 = tpu.memref_slice %arg10[%dma_start3A_1257, %dma_start3A_1258, %dma_start3A_1265, %dma_start3A_1266] : memref<12x2x16x128xf32, #tpu.memory_space<vmem>> -> memref<1x1x16x128xf32, #tpu.memory_space<vmem>>
          %dma_start3A_1268 = tpu.memref_squeeze %dma_start3A_1267 : memref<1x1x16x128xf32, #tpu.memory_space<vmem>> -> memref<16x128xf32, #tpu.memory_space<vmem>>
          %dma_start3A_1269 = arith.constant 0 : i32
          %dma_start3A_1270 = tpu.memref_slice %arg5[%dma_start3A_1269, %multiple_of3A_1242] : memref<16x1000000xf32, #tpu.memory_space<hbm>> -> memref<16x128xf32, #tpu.memory_space<hbm>>
          tpu.enqueue_dma source(%dma_start3A_1270 : memref<16x128xf32, #tpu.memory_space<hbm>>) target(%dma_start3A_1268 : memref<16x128xf32, #tpu.memory_space<vmem>>) target_semaphore(%arg16 : memref<!tpu.dma_semaphore, #tpu.memory_space<semaphore_mem>>)
          %slice3A_1271 = vector.extract_strided_slice %get3A_1224 {offsets = [1], sizes = [1], strides = [1]} : vector<16xi32> to vector<1xi32>
          %squeeze3A_1272 = vector.extract %slice3A_1271[0] : i32 from vector<1xi32>
          %shift_right_arithmetic3A_1273 = arith.constant 7 : i32
          %shift_right_arithmetic3A_1274 = arith.shrsi %squeeze3A_1272, %shift_right_arithmetic3A_1273 : i32
          %shift_left3A_1275 = arith.constant 7 : i32
          %shift_left3A_1276 = arith.shli %shift_right_arithmetic3A_1274, %shift_left3A_1275 : i32
          %multiple_of3A_1277 = tpu.assume_multiple %shift_left3A_1276, 128 : i32
          %slice3A_1278 = vector.extract_strided_slice %get3A_1228 {offsets = [1], sizes = [1], strides = [1]} : vector<16xi32> to vector<1xi32>
          %squeeze3A_1279 = vector.extract %slice3A_1278[0] : i32 from vector<1xi32>
          %shift_right_arithmetic3A_1280 = arith.constant 7 : i32
          %shift_right_arithmetic3A_1281 = arith.shrsi %squeeze3A_1279, %shift_right_arithmetic3A_1280 : i32
          %shift_left3A_1282 = arith.constant 7 : i32
          %shift_left3A_1283 = arith.shli %shift_right_arithmetic3A_1281, %shift_left3A_1282 : i32
          %multiple_of3A_1284 = tpu.assume_multiple %shift_left3A_1283, 128 : i32
          %dma_start3A_1285 = arith.constant 2 : i32
          %dma_start3A_1286 = arith.constant 1 : i32
          %dma_start3A_1287 = arith.constant 0 : i32
          %dma_start3A_1288 = arith.constant 0 : i32
          %dma_start3A_1289 = tpu.memref_slice %arg9[%dma_start3A_1285, %dma_start3A_1286, %dma_start3A_1287, %dma_start3A_1288] : memref<12x2x16x128xf32, #tpu.memory_space<vmem>> -> memref<1x1x16x128xf32, #tpu.memory_space<vmem>>
          %dma_start3A_1290 = tpu.memref_squeeze %dma_start3A_1289 : memref<1x1x16x128xf32, #tpu.memory_space<vmem>> -> memref<16x128xf32, #tpu.memory_space<vmem>>
          %dma_start3A_1291 = arith.constant 0 : i32
          %dma_start3A_1292 = tpu.memref_slice %arg4[%dma_start3A_1291, %multiple_of3A_1277] : memref<16x1000000xf32, #tpu.memory_space<hbm>> -> memref<16x128xf32, #tpu.memory_space<hbm>>
          %dma_start3A_1293 = arith.constant 0 : i32
          %dma_start3A_1294 = arith.constant 0 : i32
          %dma_start3A_1295 = tpu.memref_slice %arg9[%dma_start3A_1285, %dma_start3A_1286, %dma_start3A_1293, %dma_start3A_1294] : memref<12x2x16x128xf32, #tpu.memory_space<vmem>> -> memref<1x1x16x128xf32, #tpu.memory_space<vmem>>
          %dma_start3A_1296 = tpu.memref_squeeze %dma_start3A_1295 : memref<1x1x16x128xf32, #tpu.memory_space<vmem>> -> memref<16x128xf32, #tpu.memory_space<vmem>>
          %dma_start3A_1297 = arith.constant 0 : i32
          %dma_start3A_1298 = tpu.memref_slice %arg4[%dma_start3A_1297, %multiple_of3A_1277] : memref<16x1000000xf32, #tpu.memory_space<hbm>> -> memref<16x128xf32, #tpu.memory_space<hbm>>
          tpu.enqueue_dma source(%dma_start3A_1298 : memref<16x128xf32, #tpu.memory_space<hbm>>) target(%dma_start3A_1296 : memref<16x128xf32, #tpu.memory_space<vmem>>) target_semaphore(%arg16 : memref<!tpu.dma_semaphore, #tpu.memory_space<semaphore_mem>>)
          %dma_start3A_1299 = arith.constant 2 : i32
          %dma_start3A_1300 = arith.constant 1 : i32
          %dma_start3A_1301 = arith.constant 0 : i32
          %dma_start3A_1302 = arith.constant 0 : i32
          %dma_start3A_1303 = tpu.memref_slice %arg10[%dma_start3A_1299, %dma_start3A_1300, %dma_start3A_1301, %dma_start3A_1302] : memref<12x2x16x128xf32, #tpu.memory_space<vmem>> -> memref<1x1x16x128xf32, #tpu.memory_space<vmem>>
          %dma_start3A_1304 = tpu.memref_squeeze %dma_start3A_1303 : memref<1x1x16x128xf32, #tpu.memory_space<vmem>> -> memref<16x128xf32, #tpu.memory_space<vmem>>
          %dma_start3A_1305 = arith.constant 0 : i32
          %dma_start3A_1306 = tpu.memref_slice %arg5[%dma_start3A_1305, %multiple_of3A_1284] : memref<16x1000000xf32, #tpu.memory_space<hbm>> -> memref<16x128xf32, #tpu.memory_space<hbm>>
          %dma_start3A_1307 = arith.constant 0 : i32
          %dma_start3A_1308 = arith.constant 0 : i32
          %dma_start3A_1309 = tpu.memref_slice %arg10[%dma_start3A_1299, %dma_start3A_1300, %dma_start3A_1307, %dma_start3A_1308] : memref<12x2x16x128xf32, #tpu.memory_space<vmem>> -> memref<1x1x16x128xf32, #tpu.memory_space<vmem>>
          %dma_start3A_1310 = tpu.memref_squeeze %dma_start3A_1309 : memref<1x1x16x128xf32, #tpu.memory_space<vmem>> -> memref<16x128xf32, #tpu.memory_space<vmem>>
          %dma_start3A_1311 = arith.constant 0 : i32
          %dma_start3A_1312 = tpu.memref_slice %arg5[%dma_start3A_1311, %multiple_of3A_1284] : memref<16x1000000xf32, #tpu.memory_space<hbm>> -> memref<16x128xf32, #tpu.memory_space<hbm>>
          tpu.enqueue_dma source(%dma_start3A_1312 : memref<16x128xf32, #tpu.memory_space<hbm>>) target(%dma_start3A_1310 : memref<16x128xf32, #tpu.memory_space<vmem>>) target_semaphore(%arg16 : memref<!tpu.dma_semaphore, #tpu.memory_space<semaphore_mem>>)
        } else {
        }
        %rem3A_1158 = arith.constant 12 : i32
        %rem3A_1159 = arith.remsi %scan3A_993, %rem3A_1158 : i32
        %eq3A_1160 = arith.constant 3 : i32
        %eq3A_1161 = arith.cmpi eq, %rem3A_1159, %eq3A_1160 : i32
        %convert_element_type3A_1162 = arith.extui %eq3A_1161 : i1 to i32
        %cond3A_1163 = arith.constant 0 : i32
        %cond3A_1164 = arith.cmpi ne, %convert_element_type3A_1162, %cond3A_1163 : i32
        scf.if %cond3A_1164 {
          %mul3A_1221 = arith.constant 2 : i32
          %mul3A_1222 = arith.muli %scan3A_993, %mul3A_1221 : i32
          %get3A_1223 = arith.index_cast %mul3A_1222 : i32 to index
          %get3A_1224 = tpu.vector_load %arg7[%get3A_1223] {strides = array<i32>} : memref<528xi32, #tpu.memory_space<vmem>>, vector<16xi32>,
          %mul3A_1225 = arith.constant 2 : i32
          %mul3A_1226 = arith.muli %scan3A_993, %mul3A_1225 : i32
          %get3A_1227 = arith.index_cast %mul3A_1226 : i32 to index
          %get3A_1228 = tpu.vector_load %arg8[%get3A_1227] {strides = array<i32>} : memref<528xi32, #tpu.memory_space<vmem>>, vector<16xi32>,
          %slice3A_1229 = vector.extract_strided_slice %get3A_1224 {offsets = [0], sizes = [1], strides = [1]} : vector<16xi32> to vector<1xi32>
          %squeeze3A_1230 = vector.extract %slice3A_1229[0] : i32 from vector<1xi32>
          %shift_right_arithmetic3A_1231 = arith.constant 7 : i32
          %shift_right_arithmetic3A_1232 = arith.shrsi %squeeze3A_1230, %shift_right_arithmetic3A_1231 : i32
          %shift_left3A_1233 = arith.constant 7 : i32
          %shift_left3A_1234 = arith.shli %shift_right_arithmetic3A_1232, %shift_left3A_1233 : i32
          %multiple_of3A_1235 = tpu.assume_multiple %shift_left3A_1234, 128 : i32
          %slice3A_1236 = vector.extract_strided_slice %get3A_1228 {offsets = [0], sizes = [1], strides = [1]} : vector<16xi32> to vector<1xi32>
          %squeeze3A_1237 = vector.extract %slice3A_1236[0] : i32 from vector<1xi32>
          %shift_right_arithmetic3A_1238 = arith.constant 7 : i32
          %shift_right_arithmetic3A_1239 = arith.shrsi %squeeze3A_1237, %shift_right_arithmetic3A_1238 : i32
          %shift_left3A_1240 = arith.constant 7 : i32
          %shift_left3A_1241 = arith.shli %shift_right_arithmetic3A_1239, %shift_left3A_1240 : i32
          %multiple_of3A_1242 = tpu.assume_multiple %shift_left3A_1241, 128 : i32
          %dma_start3A_1243 = arith.constant 3 : i32
          %dma_start3A_1244 = arith.constant 0 : i32
          %dma_start3A_1245 = arith.constant 0 : i32
          %dma_start3A_1246 = arith.constant 0 : i32
          %dma_start3A_1247 = tpu.memref_slice %arg9[%dma_start3A_1243, %dma_start3A_1244, %dma_start3A_1245, %dma_start3A_1246] : memref<12x2x16x128xf32, #tpu.memory_space<vmem>> -> memref<1x1x16x128xf32, #tpu.memory_space<vmem>>
          %dma_start3A_1248 = tpu.memref_squeeze %dma_start3A_1247 : memref<1x1x16x128xf32, #tpu.memory_space<vmem>> -> memref<16x128xf32, #tpu.memory_space<vmem>>
          %dma_start3A_1249 = arith.constant 0 : i32
          %dma_start3A_1250 = tpu.memref_slice %arg4[%dma_start3A_1249, %multiple_of3A_1235] : memref<16x1000000xf32, #tpu.memory_space<hbm>> -> memref<16x128xf32, #tpu.memory_space<hbm>>
          %dma_start3A_1251 = arith.constant 0 : i32
          %dma_start3A_1252 = arith.constant 0 : i32
          %dma_start3A_1253 = tpu.memref_slice %arg9[%dma_start3A_1243, %dma_start3A_1244, %dma_start3A_1251, %dma_start3A_1252] : memref<12x2x16x128xf32, #tpu.memory_space<vmem>> -> memref<1x1x16x128xf32, #tpu.memory_space<vmem>>
          %dma_start3A_1254 = tpu.memref_squeeze %dma_start3A_1253 : memref<1x1x16x128xf32, #tpu.memory_space<vmem>> -> memref<16x128xf32, #tpu.memory_space<vmem>>
          %dma_start3A_1255 = arith.constant 0 : i32
          %dma_start3A_1256 = tpu.memref_slice %arg4[%dma_start3A_1255, %multiple_of3A_1235] : memref<16x1000000xf32, #tpu.memory_space<hbm>> -> memref<16x128xf32, #tpu.memory_space<hbm>>
          tpu.enqueue_dma source(%dma_start3A_1256 : memref<16x128xf32, #tpu.memory_space<hbm>>) target(%dma_start3A_1254 : memref<16x128xf32, #tpu.memory_space<vmem>>) target_semaphore(%arg17 : memref<!tpu.dma_semaphore, #tpu.memory_space<semaphore_mem>>)
          %dma_start3A_1257 = arith.constant 3 : i32
          %dma_start3A_1258 = arith.constant 0 : i32
          %dma_start3A_1259 = arith.constant 0 : i32
          %dma_start3A_1260 = arith.constant 0 : i32
          %dma_start3A_1261 = tpu.memref_slice %arg10[%dma_start3A_1257, %dma_start3A_1258, %dma_start3A_1259, %dma_start3A_1260] : memref<12x2x16x128xf32, #tpu.memory_space<vmem>> -> memref<1x1x16x128xf32, #tpu.memory_space<vmem>>
          %dma_start3A_1262 = tpu.memref_squeeze %dma_start3A_1261 : memref<1x1x16x128xf32, #tpu.memory_space<vmem>> -> memref<16x128xf32, #tpu.memory_space<vmem>>
          %dma_start3A_1263 = arith.constant 0 : i32
          %dma_start3A_1264 = tpu.memref_slice %arg5[%dma_start3A_1263, %multiple_of3A_1242] : memref<16x1000000xf32, #tpu.memory_space<hbm>> -> memref<16x128xf32, #tpu.memory_space<hbm>>
          %dma_start3A_1265 = arith.constant 0 : i32
          %dma_start3A_1266 = arith.constant 0 : i32
          %dma_start3A_1267 = tpu.memref_slice %arg10[%dma_start3A_1257, %dma_start3A_1258, %dma_start3A_1265, %dma_start3A_1266] : memref<12x2x16x128xf32, #tpu.memory_space<vmem>> -> memref<1x1x16x128xf32, #tpu.memory_space<vmem>>
          %dma_start3A_1268 = tpu.memref_squeeze %dma_start3A_1267 : memref<1x1x16x128xf32, #tpu.memory_space<vmem>> -> memref<16x128xf32, #tpu.memory_space<vmem>>
          %dma_start3A_1269 = arith.constant 0 : i32
          %dma_start3A_1270 = tpu.memref_slice %arg5[%dma_start3A_1269, %multiple_of3A_1242] : memref<16x1000000xf32, #tpu.memory_space<hbm>> -> memref<16x128xf32, #tpu.memory_space<hbm>>
          tpu.enqueue_dma source(%dma_start3A_1270 : memref<16x128xf32, #tpu.memory_space<hbm>>) target(%dma_start3A_1268 : memref<16x128xf32, #tpu.memory_space<vmem>>) target_semaphore(%arg17 : memref<!tpu.dma_semaphore, #tpu.memory_space<semaphore_mem>>)
          %slice3A_1271 = vector.extract_strided_slice %get3A_1224 {offsets = [1], sizes = [1], strides = [1]} : vector<16xi32> to vector<1xi32>
          %squeeze3A_1272 = vector.extract %slice3A_1271[0] : i32 from vector<1xi32>
          %shift_right_arithmetic3A_1273 = arith.constant 7 : i32
          %shift_right_arithmetic3A_1274 = arith.shrsi %squeeze3A_1272, %shift_right_arithmetic3A_1273 : i32
          %shift_left3A_1275 = arith.constant 7 : i32
          %shift_left3A_1276 = arith.shli %shift_right_arithmetic3A_1274, %shift_left3A_1275 : i32
          %multiple_of3A_1277 = tpu.assume_multiple %shift_left3A_1276, 128 : i32
          %slice3A_1278 = vector.extract_strided_slice %get3A_1228 {offsets = [1], sizes = [1], strides = [1]} : vector<16xi32> to vector<1xi32>
          %squeeze3A_1279 = vector.extract %slice3A_1278[0] : i32 from vector<1xi32>
          %shift_right_arithmetic3A_1280 = arith.constant 7 : i32
          %shift_right_arithmetic3A_1281 = arith.shrsi %squeeze3A_1279, %shift_right_arithmetic3A_1280 : i32
          %shift_left3A_1282 = arith.constant 7 : i32
          %shift_left3A_1283 = arith.shli %shift_right_arithmetic3A_1281, %shift_left3A_1282 : i32
          %multiple_of3A_1284 = tpu.assume_multiple %shift_left3A_1283, 128 : i32
          %dma_start3A_1285 = arith.constant 3 : i32
          %dma_start3A_1286 = arith.constant 1 : i32
          %dma_start3A_1287 = arith.constant 0 : i32
          %dma_start3A_1288 = arith.constant 0 : i32
          %dma_start3A_1289 = tpu.memref_slice %arg9[%dma_start3A_1285, %dma_start3A_1286, %dma_start3A_1287, %dma_start3A_1288] : memref<12x2x16x128xf32, #tpu.memory_space<vmem>> -> memref<1x1x16x128xf32, #tpu.memory_space<vmem>>
          %dma_start3A_1290 = tpu.memref_squeeze %dma_start3A_1289 : memref<1x1x16x128xf32, #tpu.memory_space<vmem>> -> memref<16x128xf32, #tpu.memory_space<vmem>>
          %dma_start3A_1291 = arith.constant 0 : i32
          %dma_start3A_1292 = tpu.memref_slice %arg4[%dma_start3A_1291, %multiple_of3A_1277] : memref<16x1000000xf32, #tpu.memory_space<hbm>> -> memref<16x128xf32, #tpu.memory_space<hbm>>
          %dma_start3A_1293 = arith.constant 0 : i32
          %dma_start3A_1294 = arith.constant 0 : i32
          %dma_start3A_1295 = tpu.memref_slice %arg9[%dma_start3A_1285, %dma_start3A_1286, %dma_start3A_1293, %dma_start3A_1294] : memref<12x2x16x128xf32, #tpu.memory_space<vmem>> -> memref<1x1x16x128xf32, #tpu.memory_space<vmem>>
          %dma_start3A_1296 = tpu.memref_squeeze %dma_start3A_1295 : memref<1x1x16x128xf32, #tpu.memory_space<vmem>> -> memref<16x128xf32, #tpu.memory_space<vmem>>
          %dma_start3A_1297 = arith.constant 0 : i32
          %dma_start3A_1298 = tpu.memref_slice %arg4[%dma_start3A_1297, %multiple_of3A_1277] : memref<16x1000000xf32, #tpu.memory_space<hbm>> -> memref<16x128xf32, #tpu.memory_space<hbm>>
          tpu.enqueue_dma source(%dma_start3A_1298 : memref<16x128xf32, #tpu.memory_space<hbm>>) target(%dma_start3A_1296 : memref<16x128xf32, #tpu.memory_space<vmem>>) target_semaphore(%arg17 : memref<!tpu.dma_semaphore, #tpu.memory_space<semaphore_mem>>)
          %dma_start3A_1299 = arith.constant 3 : i32
          %dma_start3A_1300 = arith.constant 1 : i32
          %dma_start3A_1301 = arith.constant 0 : i32
          %dma_start3A_1302 = arith.constant 0 : i32
          %dma_start3A_1303 = tpu.memref_slice %arg10[%dma_start3A_1299, %dma_start3A_1300, %dma_start3A_1301, %dma_start3A_1302] : memref<12x2x16x128xf32, #tpu.memory_space<vmem>> -> memref<1x1x16x128xf32, #tpu.memory_space<vmem>>
          %dma_start3A_1304 = tpu.memref_squeeze %dma_start3A_1303 : memref<1x1x16x128xf32, #tpu.memory_space<vmem>> -> memref<16x128xf32, #tpu.memory_space<vmem>>
          %dma_start3A_1305 = arith.constant 0 : i32
          %dma_start3A_1306 = tpu.memref_slice %arg5[%dma_start3A_1305, %multiple_of3A_1284] : memref<16x1000000xf32, #tpu.memory_space<hbm>> -> memref<16x128xf32, #tpu.memory_space<hbm>>
          %dma_start3A_1307 = arith.constant 0 : i32
          %dma_start3A_1308 = arith.constant 0 : i32
          %dma_start3A_1309 = tpu.memref_slice %arg10[%dma_start3A_1299, %dma_start3A_1300, %dma_start3A_1307, %dma_start3A_1308] : memref<12x2x16x128xf32, #tpu.memory_space<vmem>> -> memref<1x1x16x128xf32, #tpu.memory_space<vmem>>
          %dma_start3A_1310 = tpu.memref_squeeze %dma_start3A_1309 : memref<1x1x16x128xf32, #tpu.memory_space<vmem>> -> memref<16x128xf32, #tpu.memory_space<vmem>>
          %dma_start3A_1311 = arith.constant 0 : i32
          %dma_start3A_1312 = tpu.memref_slice %arg5[%dma_start3A_1311, %multiple_of3A_1284] : memref<16x1000000xf32, #tpu.memory_space<hbm>> -> memref<16x128xf32, #tpu.memory_space<hbm>>
          tpu.enqueue_dma source(%dma_start3A_1312 : memref<16x128xf32, #tpu.memory_space<hbm>>) target(%dma_start3A_1310 : memref<16x128xf32, #tpu.memory_space<vmem>>) target_semaphore(%arg17 : memref<!tpu.dma_semaphore, #tpu.memory_space<semaphore_mem>>)
        } else {
        }
        %rem3A_1165 = arith.constant 12 : i32
        %rem3A_1166 = arith.remsi %scan3A_993, %rem3A_1165 : i32
        %eq3A_1167 = arith.constant 4 : i32
        %eq3A_1168 = arith.cmpi eq, %rem3A_1166, %eq3A_1167 : i32
        %convert_element_type3A_1169 = arith.extui %eq3A_1168 : i1 to i32
        %cond3A_1170 = arith.constant 0 : i32
        %cond3A_1171 = arith.cmpi ne, %convert_element_type3A_1169, %cond3A_1170 : i32
        scf.if %cond3A_1171 {
          %mul3A_1221 = arith.constant 2 : i32
          %mul3A_1222 = arith.muli %scan3A_993, %mul3A_1221 : i32
          %get3A_1223 = arith.index_cast %mul3A_1222 : i32 to index
          %get3A_1224 = tpu.vector_load %arg7[%get3A_1223] {strides = array<i32>} : memref<528xi32, #tpu.memory_space<vmem>>, vector<16xi32>,
          %mul3A_1225 = arith.constant 2 : i32
          %mul3A_1226 = arith.muli %scan3A_993, %mul3A_1225 : i32
          %get3A_1227 = arith.index_cast %mul3A_1226 : i32 to index
          %get3A_1228 = tpu.vector_load %arg8[%get3A_1227] {strides = array<i32>} : memref<528xi32, #tpu.memory_space<vmem>>, vector<16xi32>,
          %slice3A_1229 = vector.extract_strided_slice %get3A_1224 {offsets = [0], sizes = [1], strides = [1]} : vector<16xi32> to vector<1xi32>
          %squeeze3A_1230 = vector.extract %slice3A_1229[0] : i32 from vector<1xi32>
          %shift_right_arithmetic3A_1231 = arith.constant 7 : i32
          %shift_right_arithmetic3A_1232 = arith.shrsi %squeeze3A_1230, %shift_right_arithmetic3A_1231 : i32
          %shift_left3A_1233 = arith.constant 7 : i32
          %shift_left3A_1234 = arith.shli %shift_right_arithmetic3A_1232, %shift_left3A_1233 : i32
          %multiple_of3A_1235 = tpu.assume_multiple %shift_left3A_1234, 128 : i32
          %slice3A_1236 = vector.extract_strided_slice %get3A_1228 {offsets = [0], sizes = [1], strides = [1]} : vector<16xi32> to vector<1xi32>
          %squeeze3A_1237 = vector.extract %slice3A_1236[0] : i32 from vector<1xi32>
          %shift_right_arithmetic3A_1238 = arith.constant 7 : i32
          %shift_right_arithmetic3A_1239 = arith.shrsi %squeeze3A_1237, %shift_right_arithmetic3A_1238 : i32
          %shift_left3A_1240 = arith.constant 7 : i32
          %shift_left3A_1241 = arith.shli %shift_right_arithmetic3A_1239, %shift_left3A_1240 : i32
          %multiple_of3A_1242 = tpu.assume_multiple %shift_left3A_1241, 128 : i32
          %dma_start3A_1243 = arith.constant 4 : i32
          %dma_start3A_1244 = arith.constant 0 : i32
          %dma_start3A_1245 = arith.constant 0 : i32
          %dma_start3A_1246 = arith.constant 0 : i32
          %dma_start3A_1247 = tpu.memref_slice %arg9[%dma_start3A_1243, %dma_start3A_1244, %dma_start3A_1245, %dma_start3A_1246] : memref<12x2x16x128xf32, #tpu.memory_space<vmem>> -> memref<1x1x16x128xf32, #tpu.memory_space<vmem>>
          %dma_start3A_1248 = tpu.memref_squeeze %dma_start3A_1247 : memref<1x1x16x128xf32, #tpu.memory_space<vmem>> -> memref<16x128xf32, #tpu.memory_space<vmem>>
          %dma_start3A_1249 = arith.constant 0 : i32
          %dma_start3A_1250 = tpu.memref_slice %arg4[%dma_start3A_1249, %multiple_of3A_1235] : memref<16x1000000xf32, #tpu.memory_space<hbm>> -> memref<16x128xf32, #tpu.memory_space<hbm>>
          %dma_start3A_1251 = arith.constant 0 : i32
          %dma_start3A_1252 = arith.constant 0 : i32
          %dma_start3A_1253 = tpu.memref_slice %arg9[%dma_start3A_1243, %dma_start3A_1244, %dma_start3A_1251, %dma_start3A_1252] : memref<12x2x16x128xf32, #tpu.memory_space<vmem>> -> memref<1x1x16x128xf32, #tpu.memory_space<vmem>>
          %dma_start3A_1254 = tpu.memref_squeeze %dma_start3A_1253 : memref<1x1x16x128xf32, #tpu.memory_space<vmem>> -> memref<16x128xf32, #tpu.memory_space<vmem>>
          %dma_start3A_1255 = arith.constant 0 : i32
          %dma_start3A_1256 = tpu.memref_slice %arg4[%dma_start3A_1255, %multiple_of3A_1235] : memref<16x1000000xf32, #tpu.memory_space<hbm>> -> memref<16x128xf32, #tpu.memory_space<hbm>>
          tpu.enqueue_dma source(%dma_start3A_1256 : memref<16x128xf32, #tpu.memory_space<hbm>>) target(%dma_start3A_1254 : memref<16x128xf32, #tpu.memory_space<vmem>>) target_semaphore(%arg18 : memref<!tpu.dma_semaphore, #tpu.memory_space<semaphore_mem>>)
          %dma_start3A_1257 = arith.constant 4 : i32
          %dma_start3A_1258 = arith.constant 0 : i32
          %dma_start3A_1259 = arith.constant 0 : i32
          %dma_start3A_1260 = arith.constant 0 : i32
          %dma_start3A_1261 = tpu.memref_slice %arg10[%dma_start3A_1257, %dma_start3A_1258, %dma_start3A_1259, %dma_start3A_1260] : memref<12x2x16x128xf32, #tpu.memory_space<vmem>> -> memref<1x1x16x128xf32, #tpu.memory_space<vmem>>
          %dma_start3A_1262 = tpu.memref_squeeze %dma_start3A_1261 : memref<1x1x16x128xf32, #tpu.memory_space<vmem>> -> memref<16x128xf32, #tpu.memory_space<vmem>>
          %dma_start3A_1263 = arith.constant 0 : i32
          %dma_start3A_1264 = tpu.memref_slice %arg5[%dma_start3A_1263, %multiple_of3A_1242] : memref<16x1000000xf32, #tpu.memory_space<hbm>> -> memref<16x128xf32, #tpu.memory_space<hbm>>
          %dma_start3A_1265 = arith.constant 0 : i32
          %dma_start3A_1266 = arith.constant 0 : i32
          %dma_start3A_1267 = tpu.memref_slice %arg10[%dma_start3A_1257, %dma_start3A_1258, %dma_start3A_1265, %dma_start3A_1266] : memref<12x2x16x128xf32, #tpu.memory_space<vmem>> -> memref<1x1x16x128xf32, #tpu.memory_space<vmem>>
          %dma_start3A_1268 = tpu.memref_squeeze %dma_start3A_1267 : memref<1x1x16x128xf32, #tpu.memory_space<vmem>> -> memref<16x128xf32, #tpu.memory_space<vmem>>
          %dma_start3A_1269 = arith.constant 0 : i32
          %dma_start3A_1270 = tpu.memref_slice %arg5[%dma_start3A_1269, %multiple_of3A_1242] : memref<16x1000000xf32, #tpu.memory_space<hbm>> -> memref<16x128xf32, #tpu.memory_space<hbm>>
          tpu.enqueue_dma source(%dma_start3A_1270 : memref<16x128xf32, #tpu.memory_space<hbm>>) target(%dma_start3A_1268 : memref<16x128xf32, #tpu.memory_space<vmem>>) target_semaphore(%arg18 : memref<!tpu.dma_semaphore, #tpu.memory_space<semaphore_mem>>)
          %slice3A_1271 = vector.extract_strided_slice %get3A_1224 {offsets = [1], sizes = [1], strides = [1]} : vector<16xi32> to vector<1xi32>
          %squeeze3A_1272 = vector.extract %slice3A_1271[0] : i32 from vector<1xi32>
          %shift_right_arithmetic3A_1273 = arith.constant 7 : i32
          %shift_right_arithmetic3A_1274 = arith.shrsi %squeeze3A_1272, %shift_right_arithmetic3A_1273 : i32
          %shift_left3A_1275 = arith.constant 7 : i32
          %shift_left3A_1276 = arith.shli %shift_right_arithmetic3A_1274, %shift_left3A_1275 : i32
          %multiple_of3A_1277 = tpu.assume_multiple %shift_left3A_1276, 128 : i32
          %slice3A_1278 = vector.extract_strided_slice %get3A_1228 {offsets = [1], sizes = [1], strides = [1]} : vector<16xi32> to vector<1xi32>
          %squeeze3A_1279 = vector.extract %slice3A_1278[0] : i32 from vector<1xi32>
          %shift_right_arithmetic3A_1280 = arith.constant 7 : i32
          %shift_right_arithmetic3A_1281 = arith.shrsi %squeeze3A_1279, %shift_right_arithmetic3A_1280 : i32
          %shift_left3A_1282 = arith.constant 7 : i32
          %shift_left3A_1283 = arith.shli %shift_right_arithmetic3A_1281, %shift_left3A_1282 : i32
          %multiple_of3A_1284 = tpu.assume_multiple %shift_left3A_1283, 128 : i32
          %dma_start3A_1285 = arith.constant 4 : i32
          %dma_start3A_1286 = arith.constant 1 : i32
          %dma_start3A_1287 = arith.constant 0 : i32
          %dma_start3A_1288 = arith.constant 0 : i32
          %dma_start3A_1289 = tpu.memref_slice %arg9[%dma_start3A_1285, %dma_start3A_1286, %dma_start3A_1287, %dma_start3A_1288] : memref<12x2x16x128xf32, #tpu.memory_space<vmem>> -> memref<1x1x16x128xf32, #tpu.memory_space<vmem>>
          %dma_start3A_1290 = tpu.memref_squeeze %dma_start3A_1289 : memref<1x1x16x128xf32, #tpu.memory_space<vmem>> -> memref<16x128xf32, #tpu.memory_space<vmem>>
          %dma_start3A_1291 = arith.constant 0 : i32
          %dma_start3A_1292 = tpu.memref_slice %arg4[%dma_start3A_1291, %multiple_of3A_1277] : memref<16x1000000xf32, #tpu.memory_space<hbm>> -> memref<16x128xf32, #tpu.memory_space<hbm>>
          %dma_start3A_1293 = arith.constant 0 : i32
          %dma_start3A_1294 = arith.constant 0 : i32
          %dma_start3A_1295 = tpu.memref_slice %arg9[%dma_start3A_1285, %dma_start3A_1286, %dma_start3A_1293, %dma_start3A_1294] : memref<12x2x16x128xf32, #tpu.memory_space<vmem>> -> memref<1x1x16x128xf32, #tpu.memory_space<vmem>>
          %dma_start3A_1296 = tpu.memref_squeeze %dma_start3A_1295 : memref<1x1x16x128xf32, #tpu.memory_space<vmem>> -> memref<16x128xf32, #tpu.memory_space<vmem>>
          %dma_start3A_1297 = arith.constant 0 : i32
          %dma_start3A_1298 = tpu.memref_slice %arg4[%dma_start3A_1297, %multiple_of3A_1277] : memref<16x1000000xf32, #tpu.memory_space<hbm>> -> memref<16x128xf32, #tpu.memory_space<hbm>>
          tpu.enqueue_dma source(%dma_start3A_1298 : memref<16x128xf32, #tpu.memory_space<hbm>>) target(%dma_start3A_1296 : memref<16x128xf32, #tpu.memory_space<vmem>>) target_semaphore(%arg18 : memref<!tpu.dma_semaphore, #tpu.memory_space<semaphore_mem>>)
          %dma_start3A_1299 = arith.constant 4 : i32
          %dma_start3A_1300 = arith.constant 1 : i32
          %dma_start3A_1301 = arith.constant 0 : i32
          %dma_start3A_1302 = arith.constant 0 : i32
          %dma_start3A_1303 = tpu.memref_slice %arg10[%dma_start3A_1299, %dma_start3A_1300, %dma_start3A_1301, %dma_start3A_1302] : memref<12x2x16x128xf32, #tpu.memory_space<vmem>> -> memref<1x1x16x128xf32, #tpu.memory_space<vmem>>
          %dma_start3A_1304 = tpu.memref_squeeze %dma_start3A_1303 : memref<1x1x16x128xf32, #tpu.memory_space<vmem>> -> memref<16x128xf32, #tpu.memory_space<vmem>>
          %dma_start3A_1305 = arith.constant 0 : i32
          %dma_start3A_1306 = tpu.memref_slice %arg5[%dma_start3A_1305, %multiple_of3A_1284] : memref<16x1000000xf32, #tpu.memory_space<hbm>> -> memref<16x128xf32, #tpu.memory_space<hbm>>
          %dma_start3A_1307 = arith.constant 0 : i32
          %dma_start3A_1308 = arith.constant 0 : i32
          %dma_start3A_1309 = tpu.memref_slice %arg10[%dma_start3A_1299, %dma_start3A_1300, %dma_start3A_1307, %dma_start3A_1308] : memref<12x2x16x128xf32, #tpu.memory_space<vmem>> -> memref<1x1x16x128xf32, #tpu.memory_space<vmem>>
          %dma_start3A_1310 = tpu.memref_squeeze %dma_start3A_1309 : memref<1x1x16x128xf32, #tpu.memory_space<vmem>> -> memref<16x128xf32, #tpu.memory_space<vmem>>
          %dma_start3A_1311 = arith.constant 0 : i32
          %dma_start3A_1312 = tpu.memref_slice %arg5[%dma_start3A_1311, %multiple_of3A_1284] : memref<16x1000000xf32, #tpu.memory_space<hbm>> -> memref<16x128xf32, #tpu.memory_space<hbm>>
          tpu.enqueue_dma source(%dma_start3A_1312 : memref<16x128xf32, #tpu.memory_space<hbm>>) target(%dma_start3A_1310 : memref<16x128xf32, #tpu.memory_space<vmem>>) target_semaphore(%arg18 : memref<!tpu.dma_semaphore, #tpu.memory_space<semaphore_mem>>)
        } else {
        }
        %rem3A_1172 = arith.constant 12 : i32
        %rem3A_1173 = arith.remsi %scan3A_993, %rem3A_1172 : i32
        %eq3A_1174 = arith.constant 5 : i32
        %eq3A_1175 = arith.cmpi eq, %rem3A_1173, %eq3A_1174 : i32
        %convert_element_type3A_1176 = arith.extui %eq3A_1175 : i1 to i32
        %cond3A_1177 = arith.constant 0 : i32
        %cond3A_1178 = arith.cmpi ne, %convert_element_type3A_1176, %cond3A_1177 : i32
        scf.if %cond3A_1178 {
          %mul3A_1221 = arith.constant 2 : i32
          %mul3A_1222 = arith.muli %scan3A_993, %mul3A_1221 : i32
          %get3A_1223 = arith.index_cast %mul3A_1222 : i32 to index
          %get3A_1224 = tpu.vector_load %arg7[%get3A_1223] {strides = array<i32>} : memref<528xi32, #tpu.memory_space<vmem>>, vector<16xi32>,
          %mul3A_1225 = arith.constant 2 : i32
          %mul3A_1226 = arith.muli %scan3A_993, %mul3A_1225 : i32
          %get3A_1227 = arith.index_cast %mul3A_1226 : i32 to index
          %get3A_1228 = tpu.vector_load %arg8[%get3A_1227] {strides = array<i32>} : memref<528xi32, #tpu.memory_space<vmem>>, vector<16xi32>,
          %slice3A_1229 = vector.extract_strided_slice %get3A_1224 {offsets = [0], sizes = [1], strides = [1]} : vector<16xi32> to vector<1xi32>
          %squeeze3A_1230 = vector.extract %slice3A_1229[0] : i32 from vector<1xi32>
          %shift_right_arithmetic3A_1231 = arith.constant 7 : i32
          %shift_right_arithmetic3A_1232 = arith.shrsi %squeeze3A_1230, %shift_right_arithmetic3A_1231 : i32
          %shift_left3A_1233 = arith.constant 7 : i32
          %shift_left3A_1234 = arith.shli %shift_right_arithmetic3A_1232, %shift_left3A_1233 : i32
          %multiple_of3A_1235 = tpu.assume_multiple %shift_left3A_1234, 128 : i32
          %slice3A_1236 = vector.extract_strided_slice %get3A_1228 {offsets = [0], sizes = [1], strides = [1]} : vector<16xi32> to vector<1xi32>
          %squeeze3A_1237 = vector.extract %slice3A_1236[0] : i32 from vector<1xi32>
          %shift_right_arithmetic3A_1238 = arith.constant 7 : i32
          %shift_right_arithmetic3A_1239 = arith.shrsi %squeeze3A_1237, %shift_right_arithmetic3A_1238 : i32
          %shift_left3A_1240 = arith.constant 7 : i32
          %shift_left3A_1241 = arith.shli %shift_right_arithmetic3A_1239, %shift_left3A_1240 : i32
          %multiple_of3A_1242 = tpu.assume_multiple %shift_left3A_1241, 128 : i32
          %dma_start3A_1243 = arith.constant 5 : i32
          %dma_start3A_1244 = arith.constant 0 : i32
          %dma_start3A_1245 = arith.constant 0 : i32
          %dma_start3A_1246 = arith.constant 0 : i32
          %dma_start3A_1247 = tpu.memref_slice %arg9[%dma_start3A_1243, %dma_start3A_1244, %dma_start3A_1245, %dma_start3A_1246] : memref<12x2x16x128xf32, #tpu.memory_space<vmem>> -> memref<1x1x16x128xf32, #tpu.memory_space<vmem>>
          %dma_start3A_1248 = tpu.memref_squeeze %dma_start3A_1247 : memref<1x1x16x128xf32, #tpu.memory_space<vmem>> -> memref<16x128xf32, #tpu.memory_space<vmem>>
          %dma_start3A_1249 = arith.constant 0 : i32
          %dma_start3A_1250 = tpu.memref_slice %arg4[%dma_start3A_1249, %multiple_of3A_1235] : memref<16x1000000xf32, #tpu.memory_space<hbm>> -> memref<16x128xf32, #tpu.memory_space<hbm>>
          %dma_start3A_1251 = arith.constant 0 : i32
          %dma_start3A_1252 = arith.constant 0 : i32
          %dma_start3A_1253 = tpu.memref_slice %arg9[%dma_start3A_1243, %dma_start3A_1244, %dma_start3A_1251, %dma_start3A_1252] : memref<12x2x16x128xf32, #tpu.memory_space<vmem>> -> memref<1x1x16x128xf32, #tpu.memory_space<vmem>>
          %dma_start3A_1254 = tpu.memref_squeeze %dma_start3A_1253 : memref<1x1x16x128xf32, #tpu.memory_space<vmem>> -> memref<16x128xf32, #tpu.memory_space<vmem>>
          %dma_start3A_1255 = arith.constant 0 : i32
          %dma_start3A_1256 = tpu.memref_slice %arg4[%dma_start3A_1255, %multiple_of3A_1235] : memref<16x1000000xf32, #tpu.memory_space<hbm>> -> memref<16x128xf32, #tpu.memory_space<hbm>>
          tpu.enqueue_dma source(%dma_start3A_1256 : memref<16x128xf32, #tpu.memory_space<hbm>>) target(%dma_start3A_1254 : memref<16x128xf32, #tpu.memory_space<vmem>>) target_semaphore(%arg19 : memref<!tpu.dma_semaphore, #tpu.memory_space<semaphore_mem>>)
          %dma_start3A_1257 = arith.constant 5 : i32
          %dma_start3A_1258 = arith.constant 0 : i32
          %dma_start3A_1259 = arith.constant 0 : i32
          %dma_start3A_1260 = arith.constant 0 : i32
          %dma_start3A_1261 = tpu.memref_slice %arg10[%dma_start3A_1257, %dma_start3A_1258, %dma_start3A_1259, %dma_start3A_1260] : memref<12x2x16x128xf32, #tpu.memory_space<vmem>> -> memref<1x1x16x128xf32, #tpu.memory_space<vmem>>
          %dma_start3A_1262 = tpu.memref_squeeze %dma_start3A_1261 : memref<1x1x16x128xf32, #tpu.memory_space<vmem>> -> memref<16x128xf32, #tpu.memory_space<vmem>>
          %dma_start3A_1263 = arith.constant 0 : i32
          %dma_start3A_1264 = tpu.memref_slice %arg5[%dma_start3A_1263, %multiple_of3A_1242] : memref<16x1000000xf32, #tpu.memory_space<hbm>> -> memref<16x128xf32, #tpu.memory_space<hbm>>
          %dma_start3A_1265 = arith.constant 0 : i32
          %dma_start3A_1266 = arith.constant 0 : i32
          %dma_start3A_1267 = tpu.memref_slice %arg10[%dma_start3A_1257, %dma_start3A_1258, %dma_start3A_1265, %dma_start3A_1266] : memref<12x2x16x128xf32, #tpu.memory_space<vmem>> -> memref<1x1x16x128xf32, #tpu.memory_space<vmem>>
          %dma_start3A_1268 = tpu.memref_squeeze %dma_start3A_1267 : memref<1x1x16x128xf32, #tpu.memory_space<vmem>> -> memref<16x128xf32, #tpu.memory_space<vmem>>
          %dma_start3A_1269 = arith.constant 0 : i32
          %dma_start3A_1270 = tpu.memref_slice %arg5[%dma_start3A_1269, %multiple_of3A_1242] : memref<16x1000000xf32, #tpu.memory_space<hbm>> -> memref<16x128xf32, #tpu.memory_space<hbm>>
          tpu.enqueue_dma source(%dma_start3A_1270 : memref<16x128xf32, #tpu.memory_space<hbm>>) target(%dma_start3A_1268 : memref<16x128xf32, #tpu.memory_space<vmem>>) target_semaphore(%arg19 : memref<!tpu.dma_semaphore, #tpu.memory_space<semaphore_mem>>)
          %slice3A_1271 = vector.extract_strided_slice %get3A_1224 {offsets = [1], sizes = [1], strides = [1]} : vector<16xi32> to vector<1xi32>
          %squeeze3A_1272 = vector.extract %slice3A_1271[0] : i32 from vector<1xi32>
          %shift_right_arithmetic3A_1273 = arith.constant 7 : i32
          %shift_right_arithmetic3A_1274 = arith.shrsi %squeeze3A_1272, %shift_right_arithmetic3A_1273 : i32
          %shift_left3A_1275 = arith.constant 7 : i32
          %shift_left3A_1276 = arith.shli %shift_right_arithmetic3A_1274, %shift_left3A_1275 : i32
          %multiple_of3A_1277 = tpu.assume_multiple %shift_left3A_1276, 128 : i32
          %slice3A_1278 = vector.extract_strided_slice %get3A_1228 {offsets = [1], sizes = [1], strides = [1]} : vector<16xi32> to vector<1xi32>
          %squeeze3A_1279 = vector.extract %slice3A_1278[0] : i32 from vector<1xi32>
          %shift_right_arithmetic3A_1280 = arith.constant 7 : i32
          %shift_right_arithmetic3A_1281 = arith.shrsi %squeeze3A_1279, %shift_right_arithmetic3A_1280 : i32
          %shift_left3A_1282 = arith.constant 7 : i32
          %shift_left3A_1283 = arith.shli %shift_right_arithmetic3A_1281, %shift_left3A_1282 : i32
          %multiple_of3A_1284 = tpu.assume_multiple %shift_left3A_1283, 128 : i32
          %dma_start3A_1285 = arith.constant 5 : i32
          %dma_start3A_1286 = arith.constant 1 : i32
          %dma_start3A_1287 = arith.constant 0 : i32
          %dma_start3A_1288 = arith.constant 0 : i32
          %dma_start3A_1289 = tpu.memref_slice %arg9[%dma_start3A_1285, %dma_start3A_1286, %dma_start3A_1287, %dma_start3A_1288] : memref<12x2x16x128xf32, #tpu.memory_space<vmem>> -> memref<1x1x16x128xf32, #tpu.memory_space<vmem>>
          %dma_start3A_1290 = tpu.memref_squeeze %dma_start3A_1289 : memref<1x1x16x128xf32, #tpu.memory_space<vmem>> -> memref<16x128xf32, #tpu.memory_space<vmem>>
          %dma_start3A_1291 = arith.constant 0 : i32
          %dma_start3A_1292 = tpu.memref_slice %arg4[%dma_start3A_1291, %multiple_of3A_1277] : memref<16x1000000xf32, #tpu.memory_space<hbm>> -> memref<16x128xf32, #tpu.memory_space<hbm>>
          %dma_start3A_1293 = arith.constant 0 : i32
          %dma_start3A_1294 = arith.constant 0 : i32
          %dma_start3A_1295 = tpu.memref_slice %arg9[%dma_start3A_1285, %dma_start3A_1286, %dma_start3A_1293, %dma_start3A_1294] : memref<12x2x16x128xf32, #tpu.memory_space<vmem>> -> memref<1x1x16x128xf32, #tpu.memory_space<vmem>>
          %dma_start3A_1296 = tpu.memref_squeeze %dma_start3A_1295 : memref<1x1x16x128xf32, #tpu.memory_space<vmem>> -> memref<16x128xf32, #tpu.memory_space<vmem>>
          %dma_start3A_1297 = arith.constant 0 : i32
          %dma_start3A_1298 = tpu.memref_slice %arg4[%dma_start3A_1297, %multiple_of3A_1277] : memref<16x1000000xf32, #tpu.memory_space<hbm>> -> memref<16x128xf32, #tpu.memory_space<hbm>>
          tpu.enqueue_dma source(%dma_start3A_1298 : memref<16x128xf32, #tpu.memory_space<hbm>>) target(%dma_start3A_1296 : memref<16x128xf32, #tpu.memory_space<vmem>>) target_semaphore(%arg19 : memref<!tpu.dma_semaphore, #tpu.memory_space<semaphore_mem>>)
          %dma_start3A_1299 = arith.constant 5 : i32
          %dma_start3A_1300 = arith.constant 1 : i32
          %dma_start3A_1301 = arith.constant 0 : i32
          %dma_start3A_1302 = arith.constant 0 : i32
          %dma_start3A_1303 = tpu.memref_slice %arg10[%dma_start3A_1299, %dma_start3A_1300, %dma_start3A_1301, %dma_start3A_1302] : memref<12x2x16x128xf32, #tpu.memory_space<vmem>> -> memref<1x1x16x128xf32, #tpu.memory_space<vmem>>
          %dma_start3A_1304 = tpu.memref_squeeze %dma_start3A_1303 : memref<1x1x16x128xf32, #tpu.memory_space<vmem>> -> memref<16x128xf32, #tpu.memory_space<vmem>>
          %dma_start3A_1305 = arith.constant 0 : i32
          %dma_start3A_1306 = tpu.memref_slice %arg5[%dma_start3A_1305, %multiple_of3A_1284] : memref<16x1000000xf32, #tpu.memory_space<hbm>> -> memref<16x128xf32, #tpu.memory_space<hbm>>
          %dma_start3A_1307 = arith.constant 0 : i32
          %dma_start3A_1308 = arith.constant 0 : i32
          %dma_start3A_1309 = tpu.memref_slice %arg10[%dma_start3A_1299, %dma_start3A_1300, %dma_start3A_1307, %dma_start3A_1308] : memref<12x2x16x128xf32, #tpu.memory_space<vmem>> -> memref<1x1x16x128xf32, #tpu.memory_space<vmem>>
          %dma_start3A_1310 = tpu.memref_squeeze %dma_start3A_1309 : memref<1x1x16x128xf32, #tpu.memory_space<vmem>> -> memref<16x128xf32, #tpu.memory_space<vmem>>
          %dma_start3A_1311 = arith.constant 0 : i32
          %dma_start3A_1312 = tpu.memref_slice %arg5[%dma_start3A_1311, %multiple_of3A_1284] : memref<16x1000000xf32, #tpu.memory_space<hbm>> -> memref<16x128xf32, #tpu.memory_space<hbm>>
          tpu.enqueue_dma source(%dma_start3A_1312 : memref<16x128xf32, #tpu.memory_space<hbm>>) target(%dma_start3A_1310 : memref<16x128xf32, #tpu.memory_space<vmem>>) target_semaphore(%arg19 : memref<!tpu.dma_semaphore, #tpu.memory_space<semaphore_mem>>)
        } else {
        }
        %rem3A_1179 = arith.constant 12 : i32
        %rem3A_1180 = arith.remsi %scan3A_993, %rem3A_1179 : i32
        %eq3A_1181 = arith.constant 6 : i32
        %eq3A_1182 = arith.cmpi eq, %rem3A_1180, %eq3A_1181 : i32
        %convert_element_type3A_1183 = arith.extui %eq3A_1182 : i1 to i32
        %cond3A_1184 = arith.constant 0 : i32
        %cond3A_1185 = arith.cmpi ne, %convert_element_type3A_1183, %cond3A_1184 : i32
        scf.if %cond3A_1185 {
          %mul3A_1221 = arith.constant 2 : i32
          %mul3A_1222 = arith.muli %scan3A_993, %mul3A_1221 : i32
          %get3A_1223 = arith.index_cast %mul3A_1222 : i32 to index
          %get3A_1224 = tpu.vector_load %arg7[%get3A_1223] {strides = array<i32>} : memref<528xi32, #tpu.memory_space<vmem>>, vector<16xi32>,
          %mul3A_1225 = arith.constant 2 : i32
          %mul3A_1226 = arith.muli %scan3A_993, %mul3A_1225 : i32
          %get3A_1227 = arith.index_cast %mul3A_1226 : i32 to index
          %get3A_1228 = tpu.vector_load %arg8[%get3A_1227] {strides = array<i32>} : memref<528xi32, #tpu.memory_space<vmem>>, vector<16xi32>,
          %slice3A_1229 = vector.extract_strided_slice %get3A_1224 {offsets = [0], sizes = [1], strides = [1]} : vector<16xi32> to vector<1xi32>
          %squeeze3A_1230 = vector.extract %slice3A_1229[0] : i32 from vector<1xi32>
          %shift_right_arithmetic3A_1231 = arith.constant 7 : i32
          %shift_right_arithmetic3A_1232 = arith.shrsi %squeeze3A_1230, %shift_right_arithmetic3A_1231 : i32
          %shift_left3A_1233 = arith.constant 7 : i32
          %shift_left3A_1234 = arith.shli %shift_right_arithmetic3A_1232, %shift_left3A_1233 : i32
          %multiple_of3A_1235 = tpu.assume_multiple %shift_left3A_1234, 128 : i32
          %slice3A_1236 = vector.extract_strided_slice %get3A_1228 {offsets = [0], sizes = [1], strides = [1]} : vector<16xi32> to vector<1xi32>
          %squeeze3A_1237 = vector.extract %slice3A_1236[0] : i32 from vector<1xi32>
          %shift_right_arithmetic3A_1238 = arith.constant 7 : i32
          %shift_right_arithmetic3A_1239 = arith.shrsi %squeeze3A_1237, %shift_right_arithmetic3A_1238 : i32
          %shift_left3A_1240 = arith.constant 7 : i32
          %shift_left3A_1241 = arith.shli %shift_right_arithmetic3A_1239, %shift_left3A_1240 : i32
          %multiple_of3A_1242 = tpu.assume_multiple %shift_left3A_1241, 128 : i32
          %dma_start3A_1243 = arith.constant 6 : i32
          %dma_start3A_1244 = arith.constant 0 : i32
          %dma_start3A_1245 = arith.constant 0 : i32
          %dma_start3A_1246 = arith.constant 0 : i32
          %dma_start3A_1247 = tpu.memref_slice %arg9[%dma_start3A_1243, %dma_start3A_1244, %dma_start3A_1245, %dma_start3A_1246] : memref<12x2x16x128xf32, #tpu.memory_space<vmem>> -> memref<1x1x16x128xf32, #tpu.memory_space<vmem>>
          %dma_start3A_1248 = tpu.memref_squeeze %dma_start3A_1247 : memref<1x1x16x128xf32, #tpu.memory_space<vmem>> -> memref<16x128xf32, #tpu.memory_space<vmem>>
          %dma_start3A_1249 = arith.constant 0 : i32
          %dma_start3A_1250 = tpu.memref_slice %arg4[%dma_start3A_1249, %multiple_of3A_1235] : memref<16x1000000xf32, #tpu.memory_space<hbm>> -> memref<16x128xf32, #tpu.memory_space<hbm>>
          %dma_start3A_1251 = arith.constant 0 : i32
          %dma_start3A_1252 = arith.constant 0 : i32
          %dma_start3A_1253 = tpu.memref_slice %arg9[%dma_start3A_1243, %dma_start3A_1244, %dma_start3A_1251, %dma_start3A_1252] : memref<12x2x16x128xf32, #tpu.memory_space<vmem>> -> memref<1x1x16x128xf32, #tpu.memory_space<vmem>>
          %dma_start3A_1254 = tpu.memref_squeeze %dma_start3A_1253 : memref<1x1x16x128xf32, #tpu.memory_space<vmem>> -> memref<16x128xf32, #tpu.memory_space<vmem>>
          %dma_start3A_1255 = arith.constant 0 : i32
          %dma_start3A_1256 = tpu.memref_slice %arg4[%dma_start3A_1255, %multiple_of3A_1235] : memref<16x1000000xf32, #tpu.memory_space<hbm>> -> memref<16x128xf32, #tpu.memory_space<hbm>>
          tpu.enqueue_dma source(%dma_start3A_1256 : memref<16x128xf32, #tpu.memory_space<hbm>>) target(%dma_start3A_1254 : memref<16x128xf32, #tpu.memory_space<vmem>>) target_semaphore(%arg20 : memref<!tpu.dma_semaphore, #tpu.memory_space<semaphore_mem>>)
          %dma_start3A_1257 = arith.constant 6 : i32
          %dma_start3A_1258 = arith.constant 0 : i32
          %dma_start3A_1259 = arith.constant 0 : i32
          %dma_start3A_1260 = arith.constant 0 : i32
          %dma_start3A_1261 = tpu.memref_slice %arg10[%dma_start3A_1257, %dma_start3A_1258, %dma_start3A_1259, %dma_start3A_1260] : memref<12x2x16x128xf32, #tpu.memory_space<vmem>> -> memref<1x1x16x128xf32, #tpu.memory_space<vmem>>
          %dma_start3A_1262 = tpu.memref_squeeze %dma_start3A_1261 : memref<1x1x16x128xf32, #tpu.memory_space<vmem>> -> memref<16x128xf32, #tpu.memory_space<vmem>>
          %dma_start3A_1263 = arith.constant 0 : i32
          %dma_start3A_1264 = tpu.memref_slice %arg5[%dma_start3A_1263, %multiple_of3A_1242] : memref<16x1000000xf32, #tpu.memory_space<hbm>> -> memref<16x128xf32, #tpu.memory_space<hbm>>
          %dma_start3A_1265 = arith.constant 0 : i32
          %dma_start3A_1266 = arith.constant 0 : i32
          %dma_start3A_1267 = tpu.memref_slice %arg10[%dma_start3A_1257, %dma_start3A_1258, %dma_start3A_1265, %dma_start3A_1266] : memref<12x2x16x128xf32, #tpu.memory_space<vmem>> -> memref<1x1x16x128xf32, #tpu.memory_space<vmem>>
          %dma_start3A_1268 = tpu.memref_squeeze %dma_start3A_1267 : memref<1x1x16x128xf32, #tpu.memory_space<vmem>> -> memref<16x128xf32, #tpu.memory_space<vmem>>
          %dma_start3A_1269 = arith.constant 0 : i32
          %dma_start3A_1270 = tpu.memref_slice %arg5[%dma_start3A_1269, %multiple_of3A_1242] : memref<16x1000000xf32, #tpu.memory_space<hbm>> -> memref<16x128xf32, #tpu.memory_space<hbm>>
          tpu.enqueue_dma source(%dma_start3A_1270 : memref<16x128xf32, #tpu.memory_space<hbm>>) target(%dma_start3A_1268 : memref<16x128xf32, #tpu.memory_space<vmem>>) target_semaphore(%arg20 : memref<!tpu.dma_semaphore, #tpu.memory_space<semaphore_mem>>)
          %slice3A_1271 = vector.extract_strided_slice %get3A_1224 {offsets = [1], sizes = [1], strides = [1]} : vector<16xi32> to vector<1xi32>
          %squeeze3A_1272 = vector.extract %slice3A_1271[0] : i32 from vector<1xi32>
          %shift_right_arithmetic3A_1273 = arith.constant 7 : i32
          %shift_right_arithmetic3A_1274 = arith.shrsi %squeeze3A_1272, %shift_right_arithmetic3A_1273 : i32
          %shift_left3A_1275 = arith.constant 7 : i32
          %shift_left3A_1276 = arith.shli %shift_right_arithmetic3A_1274, %shift_left3A_1275 : i32
          %multiple_of3A_1277 = tpu.assume_multiple %shift_left3A_1276, 128 : i32
          %slice3A_1278 = vector.extract_strided_slice %get3A_1228 {offsets = [1], sizes = [1], strides = [1]} : vector<16xi32> to vector<1xi32>
          %squeeze3A_1279 = vector.extract %slice3A_1278[0] : i32 from vector<1xi32>
          %shift_right_arithmetic3A_1280 = arith.constant 7 : i32
          %shift_right_arithmetic3A_1281 = arith.shrsi %squeeze3A_1279, %shift_right_arithmetic3A_1280 : i32
          %shift_left3A_1282 = arith.constant 7 : i32
          %shift_left3A_1283 = arith.shli %shift_right_arithmetic3A_1281, %shift_left3A_1282 : i32
          %multiple_of3A_1284 = tpu.assume_multiple %shift_left3A_1283, 128 : i32
          %dma_start3A_1285 = arith.constant 6 : i32
          %dma_start3A_1286 = arith.constant 1 : i32
          %dma_start3A_1287 = arith.constant 0 : i32
          %dma_start3A_1288 = arith.constant 0 : i32
          %dma_start3A_1289 = tpu.memref_slice %arg9[%dma_start3A_1285, %dma_start3A_1286, %dma_start3A_1287, %dma_start3A_1288] : memref<12x2x16x128xf32, #tpu.memory_space<vmem>> -> memref<1x1x16x128xf32, #tpu.memory_space<vmem>>
          %dma_start3A_1290 = tpu.memref_squeeze %dma_start3A_1289 : memref<1x1x16x128xf32, #tpu.memory_space<vmem>> -> memref<16x128xf32, #tpu.memory_space<vmem>>
          %dma_start3A_1291 = arith.constant 0 : i32
          %dma_start3A_1292 = tpu.memref_slice %arg4[%dma_start3A_1291, %multiple_of3A_1277] : memref<16x1000000xf32, #tpu.memory_space<hbm>> -> memref<16x128xf32, #tpu.memory_space<hbm>>
          %dma_start3A_1293 = arith.constant 0 : i32
          %dma_start3A_1294 = arith.constant 0 : i32
          %dma_start3A_1295 = tpu.memref_slice %arg9[%dma_start3A_1285, %dma_start3A_1286, %dma_start3A_1293, %dma_start3A_1294] : memref<12x2x16x128xf32, #tpu.memory_space<vmem>> -> memref<1x1x16x128xf32, #tpu.memory_space<vmem>>
          %dma_start3A_1296 = tpu.memref_squeeze %dma_start3A_1295 : memref<1x1x16x128xf32, #tpu.memory_space<vmem>> -> memref<16x128xf32, #tpu.memory_space<vmem>>
          %dma_start3A_1297 = arith.constant 0 : i32
          %dma_start3A_1298 = tpu.memref_slice %arg4[%dma_start3A_1297, %multiple_of3A_1277] : memref<16x1000000xf32, #tpu.memory_space<hbm>> -> memref<16x128xf32, #tpu.memory_space<hbm>>
          tpu.enqueue_dma source(%dma_start3A_1298 : memref<16x128xf32, #tpu.memory_space<hbm>>) target(%dma_start3A_1296 : memref<16x128xf32, #tpu.memory_space<vmem>>) target_semaphore(%arg20 : memref<!tpu.dma_semaphore, #tpu.memory_space<semaphore_mem>>)
          %dma_start3A_1299 = arith.constant 6 : i32
          %dma_start3A_1300 = arith.constant 1 : i32
          %dma_start3A_1301 = arith.constant 0 : i32
          %dma_start3A_1302 = arith.constant 0 : i32
          %dma_start3A_1303 = tpu.memref_slice %arg10[%dma_start3A_1299, %dma_start3A_1300, %dma_start3A_1301, %dma_start3A_1302] : memref<12x2x16x128xf32, #tpu.memory_space<vmem>> -> memref<1x1x16x128xf32, #tpu.memory_space<vmem>>
          %dma_start3A_1304 = tpu.memref_squeeze %dma_start3A_1303 : memref<1x1x16x128xf32, #tpu.memory_space<vmem>> -> memref<16x128xf32, #tpu.memory_space<vmem>>
          %dma_start3A_1305 = arith.constant 0 : i32
          %dma_start3A_1306 = tpu.memref_slice %arg5[%dma_start3A_1305, %multiple_of3A_1284] : memref<16x1000000xf32, #tpu.memory_space<hbm>> -> memref<16x128xf32, #tpu.memory_space<hbm>>
          %dma_start3A_1307 = arith.constant 0 : i32
          %dma_start3A_1308 = arith.constant 0 : i32
          %dma_start3A_1309 = tpu.memref_slice %arg10[%dma_start3A_1299, %dma_start3A_1300, %dma_start3A_1307, %dma_start3A_1308] : memref<12x2x16x128xf32, #tpu.memory_space<vmem>> -> memref<1x1x16x128xf32, #tpu.memory_space<vmem>>
          %dma_start3A_1310 = tpu.memref_squeeze %dma_start3A_1309 : memref<1x1x16x128xf32, #tpu.memory_space<vmem>> -> memref<16x128xf32, #tpu.memory_space<vmem>>
          %dma_start3A_1311 = arith.constant 0 : i32
          %dma_start3A_1312 = tpu.memref_slice %arg5[%dma_start3A_1311, %multiple_of3A_1284] : memref<16x1000000xf32, #tpu.memory_space<hbm>> -> memref<16x128xf32, #tpu.memory_space<hbm>>
          tpu.enqueue_dma source(%dma_start3A_1312 : memref<16x128xf32, #tpu.memory_space<hbm>>) target(%dma_start3A_1310 : memref<16x128xf32, #tpu.memory_space<vmem>>) target_semaphore(%arg20 : memref<!tpu.dma_semaphore, #tpu.memory_space<semaphore_mem>>)
        } else {
        }
        %rem3A_1186 = arith.constant 12 : i32
        %rem3A_1187 = arith.remsi %scan3A_993, %rem3A_1186 : i32
        %eq3A_1188 = arith.constant 7 : i32
        %eq3A_1189 = arith.cmpi eq, %rem3A_1187, %eq3A_1188 : i32
        %convert_element_type3A_1190 = arith.extui %eq3A_1189 : i1 to i32
        %cond3A_1191 = arith.constant 0 : i32
        %cond3A_1192 = arith.cmpi ne, %convert_element_type3A_1190, %cond3A_1191 : i32
        scf.if %cond3A_1192 {
          %mul3A_1221 = arith.constant 2 : i32
          %mul3A_1222 = arith.muli %scan3A_993, %mul3A_1221 : i32
          %get3A_1223 = arith.index_cast %mul3A_1222 : i32 to index
          %get3A_1224 = tpu.vector_load %arg7[%get3A_1223] {strides = array<i32>} : memref<528xi32, #tpu.memory_space<vmem>>, vector<16xi32>,
          %mul3A_1225 = arith.constant 2 : i32
          %mul3A_1226 = arith.muli %scan3A_993, %mul3A_1225 : i32
          %get3A_1227 = arith.index_cast %mul3A_1226 : i32 to index
          %get3A_1228 = tpu.vector_load %arg8[%get3A_1227] {strides = array<i32>} : memref<528xi32, #tpu.memory_space<vmem>>, vector<16xi32>,
          %slice3A_1229 = vector.extract_strided_slice %get3A_1224 {offsets = [0], sizes = [1], strides = [1]} : vector<16xi32> to vector<1xi32>
          %squeeze3A_1230 = vector.extract %slice3A_1229[0] : i32 from vector<1xi32>
          %shift_right_arithmetic3A_1231 = arith.constant 7 : i32
          %shift_right_arithmetic3A_1232 = arith.shrsi %squeeze3A_1230, %shift_right_arithmetic3A_1231 : i32
          %shift_left3A_1233 = arith.constant 7 : i32
          %shift_left3A_1234 = arith.shli %shift_right_arithmetic3A_1232, %shift_left3A_1233 : i32
          %multiple_of3A_1235 = tpu.assume_multiple %shift_left3A_1234, 128 : i32
          %slice3A_1236 = vector.extract_strided_slice %get3A_1228 {offsets = [0], sizes = [1], strides = [1]} : vector<16xi32> to vector<1xi32>
          %squeeze3A_1237 = vector.extract %slice3A_1236[0] : i32 from vector<1xi32>
          %shift_right_arithmetic3A_1238 = arith.constant 7 : i32
          %shift_right_arithmetic3A_1239 = arith.shrsi %squeeze3A_1237, %shift_right_arithmetic3A_1238 : i32
          %shift_left3A_1240 = arith.constant 7 : i32
          %shift_left3A_1241 = arith.shli %shift_right_arithmetic3A_1239, %shift_left3A_1240 : i32
          %multiple_of3A_1242 = tpu.assume_multiple %shift_left3A_1241, 128 : i32
          %dma_start3A_1243 = arith.constant 7 : i32
          %dma_start3A_1244 = arith.constant 0 : i32
          %dma_start3A_1245 = arith.constant 0 : i32
          %dma_start3A_1246 = arith.constant 0 : i32
          %dma_start3A_1247 = tpu.memref_slice %arg9[%dma_start3A_1243, %dma_start3A_1244, %dma_start3A_1245, %dma_start3A_1246] : memref<12x2x16x128xf32, #tpu.memory_space<vmem>> -> memref<1x1x16x128xf32, #tpu.memory_space<vmem>>
          %dma_start3A_1248 = tpu.memref_squeeze %dma_start3A_1247 : memref<1x1x16x128xf32, #tpu.memory_space<vmem>> -> memref<16x128xf32, #tpu.memory_space<vmem>>
          %dma_start3A_1249 = arith.constant 0 : i32
          %dma_start3A_1250 = tpu.memref_slice %arg4[%dma_start3A_1249, %multiple_of3A_1235] : memref<16x1000000xf32, #tpu.memory_space<hbm>> -> memref<16x128xf32, #tpu.memory_space<hbm>>
          %dma_start3A_1251 = arith.constant 0 : i32
          %dma_start3A_1252 = arith.constant 0 : i32
          %dma_start3A_1253 = tpu.memref_slice %arg9[%dma_start3A_1243, %dma_start3A_1244, %dma_start3A_1251, %dma_start3A_1252] : memref<12x2x16x128xf32, #tpu.memory_space<vmem>> -> memref<1x1x16x128xf32, #tpu.memory_space<vmem>>
          %dma_start3A_1254 = tpu.memref_squeeze %dma_start3A_1253 : memref<1x1x16x128xf32, #tpu.memory_space<vmem>> -> memref<16x128xf32, #tpu.memory_space<vmem>>
          %dma_start3A_1255 = arith.constant 0 : i32
          %dma_start3A_1256 = tpu.memref_slice %arg4[%dma_start3A_1255, %multiple_of3A_1235] : memref<16x1000000xf32, #tpu.memory_space<hbm>> -> memref<16x128xf32, #tpu.memory_space<hbm>>
          tpu.enqueue_dma source(%dma_start3A_1256 : memref<16x128xf32, #tpu.memory_space<hbm>>) target(%dma_start3A_1254 : memref<16x128xf32, #tpu.memory_space<vmem>>) target_semaphore(%arg21 : memref<!tpu.dma_semaphore, #tpu.memory_space<semaphore_mem>>)
          %dma_start3A_1257 = arith.constant 7 : i32
          %dma_start3A_1258 = arith.constant 0 : i32
          %dma_start3A_1259 = arith.constant 0 : i32
          %dma_start3A_1260 = arith.constant 0 : i32
          %dma_start3A_1261 = tpu.memref_slice %arg10[%dma_start3A_1257, %dma_start3A_1258, %dma_start3A_1259, %dma_start3A_1260] : memref<12x2x16x128xf32, #tpu.memory_space<vmem>> -> memref<1x1x16x128xf32, #tpu.memory_space<vmem>>
          %dma_start3A_1262 = tpu.memref_squeeze %dma_start3A_1261 : memref<1x1x16x128xf32, #tpu.memory_space<vmem>> -> memref<16x128xf32, #tpu.memory_space<vmem>>
          %dma_start3A_1263 = arith.constant 0 : i32
          %dma_start3A_1264 = tpu.memref_slice %arg5[%dma_start3A_1263, %multiple_of3A_1242] : memref<16x1000000xf32, #tpu.memory_space<hbm>> -> memref<16x128xf32, #tpu.memory_space<hbm>>
          %dma_start3A_1265 = arith.constant 0 : i32
          %dma_start3A_1266 = arith.constant 0 : i32
          %dma_start3A_1267 = tpu.memref_slice %arg10[%dma_start3A_1257, %dma_start3A_1258, %dma_start3A_1265, %dma_start3A_1266] : memref<12x2x16x128xf32, #tpu.memory_space<vmem>> -> memref<1x1x16x128xf32, #tpu.memory_space<vmem>>
          %dma_start3A_1268 = tpu.memref_squeeze %dma_start3A_1267 : memref<1x1x16x128xf32, #tpu.memory_space<vmem>> -> memref<16x128xf32, #tpu.memory_space<vmem>>
          %dma_start3A_1269 = arith.constant 0 : i32
          %dma_start3A_1270 = tpu.memref_slice %arg5[%dma_start3A_1269, %multiple_of3A_1242] : memref<16x1000000xf32, #tpu.memory_space<hbm>> -> memref<16x128xf32, #tpu.memory_space<hbm>>
          tpu.enqueue_dma source(%dma_start3A_1270 : memref<16x128xf32, #tpu.memory_space<hbm>>) target(%dma_start3A_1268 : memref<16x128xf32, #tpu.memory_space<vmem>>) target_semaphore(%arg21 : memref<!tpu.dma_semaphore, #tpu.memory_space<semaphore_mem>>)
          %slice3A_1271 = vector.extract_strided_slice %get3A_1224 {offsets = [1], sizes = [1], strides = [1]} : vector<16xi32> to vector<1xi32>
          %squeeze3A_1272 = vector.extract %slice3A_1271[0] : i32 from vector<1xi32>
          %shift_right_arithmetic3A_1273 = arith.constant 7 : i32
          %shift_right_arithmetic3A_1274 = arith.shrsi %squeeze3A_1272, %shift_right_arithmetic3A_1273 : i32
          %shift_left3A_1275 = arith.constant 7 : i32
          %shift_left3A_1276 = arith.shli %shift_right_arithmetic3A_1274, %shift_left3A_1275 : i32
          %multiple_of3A_1277 = tpu.assume_multiple %shift_left3A_1276, 128 : i32
          %slice3A_1278 = vector.extract_strided_slice %get3A_1228 {offsets = [1], sizes = [1], strides = [1]} : vector<16xi32> to vector<1xi32>
          %squeeze3A_1279 = vector.extract %slice3A_1278[0] : i32 from vector<1xi32>
          %shift_right_arithmetic3A_1280 = arith.constant 7 : i32
          %shift_right_arithmetic3A_1281 = arith.shrsi %squeeze3A_1279, %shift_right_arithmetic3A_1280 : i32
          %shift_left3A_1282 = arith.constant 7 : i32
          %shift_left3A_1283 = arith.shli %shift_right_arithmetic3A_1281, %shift_left3A_1282 : i32
          %multiple_of3A_1284 = tpu.assume_multiple %shift_left3A_1283, 128 : i32
          %dma_start3A_1285 = arith.constant 7 : i32
          %dma_start3A_1286 = arith.constant 1 : i32
          %dma_start3A_1287 = arith.constant 0 : i32
          %dma_start3A_1288 = arith.constant 0 : i32
          %dma_start3A_1289 = tpu.memref_slice %arg9[%dma_start3A_1285, %dma_start3A_1286, %dma_start3A_1287, %dma_start3A_1288] : memref<12x2x16x128xf32, #tpu.memory_space<vmem>> -> memref<1x1x16x128xf32, #tpu.memory_space<vmem>>
          %dma_start3A_1290 = tpu.memref_squeeze %dma_start3A_1289 : memref<1x1x16x128xf32, #tpu.memory_space<vmem>> -> memref<16x128xf32, #tpu.memory_space<vmem>>
          %dma_start3A_1291 = arith.constant 0 : i32
          %dma_start3A_1292 = tpu.memref_slice %arg4[%dma_start3A_1291, %multiple_of3A_1277] : memref<16x1000000xf32, #tpu.memory_space<hbm>> -> memref<16x128xf32, #tpu.memory_space<hbm>>
          %dma_start3A_1293 = arith.constant 0 : i32
          %dma_start3A_1294 = arith.constant 0 : i32
          %dma_start3A_1295 = tpu.memref_slice %arg9[%dma_start3A_1285, %dma_start3A_1286, %dma_start3A_1293, %dma_start3A_1294] : memref<12x2x16x128xf32, #tpu.memory_space<vmem>> -> memref<1x1x16x128xf32, #tpu.memory_space<vmem>>
          %dma_start3A_1296 = tpu.memref_squeeze %dma_start3A_1295 : memref<1x1x16x128xf32, #tpu.memory_space<vmem>> -> memref<16x128xf32, #tpu.memory_space<vmem>>
          %dma_start3A_1297 = arith.constant 0 : i32
          %dma_start3A_1298 = tpu.memref_slice %arg4[%dma_start3A_1297, %multiple_of3A_1277] : memref<16x1000000xf32, #tpu.memory_space<hbm>> -> memref<16x128xf32, #tpu.memory_space<hbm>>
          tpu.enqueue_dma source(%dma_start3A_1298 : memref<16x128xf32, #tpu.memory_space<hbm>>) target(%dma_start3A_1296 : memref<16x128xf32, #tpu.memory_space<vmem>>) target_semaphore(%arg21 : memref<!tpu.dma_semaphore, #tpu.memory_space<semaphore_mem>>)
          %dma_start3A_1299 = arith.constant 7 : i32
          %dma_start3A_1300 = arith.constant 1 : i32
          %dma_start3A_1301 = arith.constant 0 : i32
          %dma_start3A_1302 = arith.constant 0 : i32
          %dma_start3A_1303 = tpu.memref_slice %arg10[%dma_start3A_1299, %dma_start3A_1300, %dma_start3A_1301, %dma_start3A_1302] : memref<12x2x16x128xf32, #tpu.memory_space<vmem>> -> memref<1x1x16x128xf32, #tpu.memory_space<vmem>>
          %dma_start3A_1304 = tpu.memref_squeeze %dma_start3A_1303 : memref<1x1x16x128xf32, #tpu.memory_space<vmem>> -> memref<16x128xf32, #tpu.memory_space<vmem>>
          %dma_start3A_1305 = arith.constant 0 : i32
          %dma_start3A_1306 = tpu.memref_slice %arg5[%dma_start3A_1305, %multiple_of3A_1284] : memref<16x1000000xf32, #tpu.memory_space<hbm>> -> memref<16x128xf32, #tpu.memory_space<hbm>>
          %dma_start3A_1307 = arith.constant 0 : i32
          %dma_start3A_1308 = arith.constant 0 : i32
          %dma_start3A_1309 = tpu.memref_slice %arg10[%dma_start3A_1299, %dma_start3A_1300, %dma_start3A_1307, %dma_start3A_1308] : memref<12x2x16x128xf32, #tpu.memory_space<vmem>> -> memref<1x1x16x128xf32, #tpu.memory_space<vmem>>
          %dma_start3A_1310 = tpu.memref_squeeze %dma_start3A_1309 : memref<1x1x16x128xf32, #tpu.memory_space<vmem>> -> memref<16x128xf32, #tpu.memory_space<vmem>>
          %dma_start3A_1311 = arith.constant 0 : i32
          %dma_start3A_1312 = tpu.memref_slice %arg5[%dma_start3A_1311, %multiple_of3A_1284] : memref<16x1000000xf32, #tpu.memory_space<hbm>> -> memref<16x128xf32, #tpu.memory_space<hbm>>
          tpu.enqueue_dma source(%dma_start3A_1312 : memref<16x128xf32, #tpu.memory_space<hbm>>) target(%dma_start3A_1310 : memref<16x128xf32, #tpu.memory_space<vmem>>) target_semaphore(%arg21 : memref<!tpu.dma_semaphore, #tpu.memory_space<semaphore_mem>>)
        } else {
        }
        %rem3A_1193 = arith.constant 12 : i32
        %rem3A_1194 = arith.remsi %scan3A_993, %rem3A_1193 : i32
        %eq3A_1195 = arith.constant 8 : i32
        %eq3A_1196 = arith.cmpi eq, %rem3A_1194, %eq3A_1195 : i32
        %convert_element_type3A_1197 = arith.extui %eq3A_1196 : i1 to i32
        %cond3A_1198 = arith.constant 0 : i32
        %cond3A_1199 = arith.cmpi ne, %convert_element_type3A_1197, %cond3A_1198 : i32
        scf.if %cond3A_1199 {
          %mul3A_1221 = arith.constant 2 : i32
          %mul3A_1222 = arith.muli %scan3A_993, %mul3A_1221 : i32
          %get3A_1223 = arith.index_cast %mul3A_1222 : i32 to index
          %get3A_1224 = tpu.vector_load %arg7[%get3A_1223] {strides = array<i32>} : memref<528xi32, #tpu.memory_space<vmem>>, vector<16xi32>,
          %mul3A_1225 = arith.constant 2 : i32
          %mul3A_1226 = arith.muli %scan3A_993, %mul3A_1225 : i32
          %get3A_1227 = arith.index_cast %mul3A_1226 : i32 to index
          %get3A_1228 = tpu.vector_load %arg8[%get3A_1227] {strides = array<i32>} : memref<528xi32, #tpu.memory_space<vmem>>, vector<16xi32>,
          %slice3A_1229 = vector.extract_strided_slice %get3A_1224 {offsets = [0], sizes = [1], strides = [1]} : vector<16xi32> to vector<1xi32>
          %squeeze3A_1230 = vector.extract %slice3A_1229[0] : i32 from vector<1xi32>
          %shift_right_arithmetic3A_1231 = arith.constant 7 : i32
          %shift_right_arithmetic3A_1232 = arith.shrsi %squeeze3A_1230, %shift_right_arithmetic3A_1231 : i32
          %shift_left3A_1233 = arith.constant 7 : i32
          %shift_left3A_1234 = arith.shli %shift_right_arithmetic3A_1232, %shift_left3A_1233 : i32
          %multiple_of3A_1235 = tpu.assume_multiple %shift_left3A_1234, 128 : i32
          %slice3A_1236 = vector.extract_strided_slice %get3A_1228 {offsets = [0], sizes = [1], strides = [1]} : vector<16xi32> to vector<1xi32>
          %squeeze3A_1237 = vector.extract %slice3A_1236[0] : i32 from vector<1xi32>
          %shift_right_arithmetic3A_1238 = arith.constant 7 : i32
          %shift_right_arithmetic3A_1239 = arith.shrsi %squeeze3A_1237, %shift_right_arithmetic3A_1238 : i32
          %shift_left3A_1240 = arith.constant 7 : i32
          %shift_left3A_1241 = arith.shli %shift_right_arithmetic3A_1239, %shift_left3A_1240 : i32
          %multiple_of3A_1242 = tpu.assume_multiple %shift_left3A_1241, 128 : i32
          %dma_start3A_1243 = arith.constant 8 : i32
          %dma_start3A_1244 = arith.constant 0 : i32
          %dma_start3A_1245 = arith.constant 0 : i32
          %dma_start3A_1246 = arith.constant 0 : i32
          %dma_start3A_1247 = tpu.memref_slice %arg9[%dma_start3A_1243, %dma_start3A_1244, %dma_start3A_1245, %dma_start3A_1246] : memref<12x2x16x128xf32, #tpu.memory_space<vmem>> -> memref<1x1x16x128xf32, #tpu.memory_space<vmem>>
          %dma_start3A_1248 = tpu.memref_squeeze %dma_start3A_1247 : memref<1x1x16x128xf32, #tpu.memory_space<vmem>> -> memref<16x128xf32, #tpu.memory_space<vmem>>
          %dma_start3A_1249 = arith.constant 0 : i32
          %dma_start3A_1250 = tpu.memref_slice %arg4[%dma_start3A_1249, %multiple_of3A_1235] : memref<16x1000000xf32, #tpu.memory_space<hbm>> -> memref<16x128xf32, #tpu.memory_space<hbm>>
          %dma_start3A_1251 = arith.constant 0 : i32
          %dma_start3A_1252 = arith.constant 0 : i32
          %dma_start3A_1253 = tpu.memref_slice %arg9[%dma_start3A_1243, %dma_start3A_1244, %dma_start3A_1251, %dma_start3A_1252] : memref<12x2x16x128xf32, #tpu.memory_space<vmem>> -> memref<1x1x16x128xf32, #tpu.memory_space<vmem>>
          %dma_start3A_1254 = tpu.memref_squeeze %dma_start3A_1253 : memref<1x1x16x128xf32, #tpu.memory_space<vmem>> -> memref<16x128xf32, #tpu.memory_space<vmem>>
          %dma_start3A_1255 = arith.constant 0 : i32
          %dma_start3A_1256 = tpu.memref_slice %arg4[%dma_start3A_1255, %multiple_of3A_1235] : memref<16x1000000xf32, #tpu.memory_space<hbm>> -> memref<16x128xf32, #tpu.memory_space<hbm>>
          tpu.enqueue_dma source(%dma_start3A_1256 : memref<16x128xf32, #tpu.memory_space<hbm>>) target(%dma_start3A_1254 : memref<16x128xf32, #tpu.memory_space<vmem>>) target_semaphore(%arg22 : memref<!tpu.dma_semaphore, #tpu.memory_space<semaphore_mem>>)
          %dma_start3A_1257 = arith.constant 8 : i32
          %dma_start3A_1258 = arith.constant 0 : i32
          %dma_start3A_1259 = arith.constant 0 : i32
          %dma_start3A_1260 = arith.constant 0 : i32
          %dma_start3A_1261 = tpu.memref_slice %arg10[%dma_start3A_1257, %dma_start3A_1258, %dma_start3A_1259, %dma_start3A_1260] : memref<12x2x16x128xf32, #tpu.memory_space<vmem>> -> memref<1x1x16x128xf32, #tpu.memory_space<vmem>>
          %dma_start3A_1262 = tpu.memref_squeeze %dma_start3A_1261 : memref<1x1x16x128xf32, #tpu.memory_space<vmem>> -> memref<16x128xf32, #tpu.memory_space<vmem>>
          %dma_start3A_1263 = arith.constant 0 : i32
          %dma_start3A_1264 = tpu.memref_slice %arg5[%dma_start3A_1263, %multiple_of3A_1242] : memref<16x1000000xf32, #tpu.memory_space<hbm>> -> memref<16x128xf32, #tpu.memory_space<hbm>>
          %dma_start3A_1265 = arith.constant 0 : i32
          %dma_start3A_1266 = arith.constant 0 : i32
          %dma_start3A_1267 = tpu.memref_slice %arg10[%dma_start3A_1257, %dma_start3A_1258, %dma_start3A_1265, %dma_start3A_1266] : memref<12x2x16x128xf32, #tpu.memory_space<vmem>> -> memref<1x1x16x128xf32, #tpu.memory_space<vmem>>
          %dma_start3A_1268 = tpu.memref_squeeze %dma_start3A_1267 : memref<1x1x16x128xf32, #tpu.memory_space<vmem>> -> memref<16x128xf32, #tpu.memory_space<vmem>>
          %dma_start3A_1269 = arith.constant 0 : i32
          %dma_start3A_1270 = tpu.memref_slice %arg5[%dma_start3A_1269, %multiple_of3A_1242] : memref<16x1000000xf32, #tpu.memory_space<hbm>> -> memref<16x128xf32, #tpu.memory_space<hbm>>
          tpu.enqueue_dma source(%dma_start3A_1270 : memref<16x128xf32, #tpu.memory_space<hbm>>) target(%dma_start3A_1268 : memref<16x128xf32, #tpu.memory_space<vmem>>) target_semaphore(%arg22 : memref<!tpu.dma_semaphore, #tpu.memory_space<semaphore_mem>>)
          %slice3A_1271 = vector.extract_strided_slice %get3A_1224 {offsets = [1], sizes = [1], strides = [1]} : vector<16xi32> to vector<1xi32>
          %squeeze3A_1272 = vector.extract %slice3A_1271[0] : i32 from vector<1xi32>
          %shift_right_arithmetic3A_1273 = arith.constant 7 : i32
          %shift_right_arithmetic3A_1274 = arith.shrsi %squeeze3A_1272, %shift_right_arithmetic3A_1273 : i32
          %shift_left3A_1275 = arith.constant 7 : i32
          %shift_left3A_1276 = arith.shli %shift_right_arithmetic3A_1274, %shift_left3A_1275 : i32
          %multiple_of3A_1277 = tpu.assume_multiple %shift_left3A_1276, 128 : i32
          %slice3A_1278 = vector.extract_strided_slice %get3A_1228 {offsets = [1], sizes = [1], strides = [1]} : vector<16xi32> to vector<1xi32>
          %squeeze3A_1279 = vector.extract %slice3A_1278[0] : i32 from vector<1xi32>
          %shift_right_arithmetic3A_1280 = arith.constant 7 : i32
          %shift_right_arithmetic3A_1281 = arith.shrsi %squeeze3A_1279, %shift_right_arithmetic3A_1280 : i32
          %shift_left3A_1282 = arith.constant 7 : i32
          %shift_left3A_1283 = arith.shli %shift_right_arithmetic3A_1281, %shift_left3A_1282 : i32
          %multiple_of3A_1284 = tpu.assume_multiple %shift_left3A_1283, 128 : i32
          %dma_start3A_1285 = arith.constant 8 : i32
          %dma_start3A_1286 = arith.constant 1 : i32
          %dma_start3A_1287 = arith.constant 0 : i32
          %dma_start3A_1288 = arith.constant 0 : i32
          %dma_start3A_1289 = tpu.memref_slice %arg9[%dma_start3A_1285, %dma_start3A_1286, %dma_start3A_1287, %dma_start3A_1288] : memref<12x2x16x128xf32, #tpu.memory_space<vmem>> -> memref<1x1x16x128xf32, #tpu.memory_space<vmem>>
          %dma_start3A_1290 = tpu.memref_squeeze %dma_start3A_1289 : memref<1x1x16x128xf32, #tpu.memory_space<vmem>> -> memref<16x128xf32, #tpu.memory_space<vmem>>
          %dma_start3A_1291 = arith.constant 0 : i32
          %dma_start3A_1292 = tpu.memref_slice %arg4[%dma_start3A_1291, %multiple_of3A_1277] : memref<16x1000000xf32, #tpu.memory_space<hbm>> -> memref<16x128xf32, #tpu.memory_space<hbm>>
          %dma_start3A_1293 = arith.constant 0 : i32
          %dma_start3A_1294 = arith.constant 0 : i32
          %dma_start3A_1295 = tpu.memref_slice %arg9[%dma_start3A_1285, %dma_start3A_1286, %dma_start3A_1293, %dma_start3A_1294] : memref<12x2x16x128xf32, #tpu.memory_space<vmem>> -> memref<1x1x16x128xf32, #tpu.memory_space<vmem>>
          %dma_start3A_1296 = tpu.memref_squeeze %dma_start3A_1295 : memref<1x1x16x128xf32, #tpu.memory_space<vmem>> -> memref<16x128xf32, #tpu.memory_space<vmem>>
          %dma_start3A_1297 = arith.constant 0 : i32
          %dma_start3A_1298 = tpu.memref_slice %arg4[%dma_start3A_1297, %multiple_of3A_1277] : memref<16x1000000xf32, #tpu.memory_space<hbm>> -> memref<16x128xf32, #tpu.memory_space<hbm>>
          tpu.enqueue_dma source(%dma_start3A_1298 : memref<16x128xf32, #tpu.memory_space<hbm>>) target(%dma_start3A_1296 : memref<16x128xf32, #tpu.memory_space<vmem>>) target_semaphore(%arg22 : memref<!tpu.dma_semaphore, #tpu.memory_space<semaphore_mem>>)
          %dma_start3A_1299 = arith.constant 8 : i32
          %dma_start3A_1300 = arith.constant 1 : i32
          %dma_start3A_1301 = arith.constant 0 : i32
          %dma_start3A_1302 = arith.constant 0 : i32
          %dma_start3A_1303 = tpu.memref_slice %arg10[%dma_start3A_1299, %dma_start3A_1300, %dma_start3A_1301, %dma_start3A_1302] : memref<12x2x16x128xf32, #tpu.memory_space<vmem>> -> memref<1x1x16x128xf32, #tpu.memory_space<vmem>>
          %dma_start3A_1304 = tpu.memref_squeeze %dma_start3A_1303 : memref<1x1x16x128xf32, #tpu.memory_space<vmem>> -> memref<16x128xf32, #tpu.memory_space<vmem>>
          %dma_start3A_1305 = arith.constant 0 : i32
          %dma_start3A_1306 = tpu.memref_slice %arg5[%dma_start3A_1305, %multiple_of3A_1284] : memref<16x1000000xf32, #tpu.memory_space<hbm>> -> memref<16x128xf32, #tpu.memory_space<hbm>>
          %dma_start3A_1307 = arith.constant 0 : i32
          %dma_start3A_1308 = arith.constant 0 : i32
          %dma_start3A_1309 = tpu.memref_slice %arg10[%dma_start3A_1299, %dma_start3A_1300, %dma_start3A_1307, %dma_start3A_1308] : memref<12x2x16x128xf32, #tpu.memory_space<vmem>> -> memref<1x1x16x128xf32, #tpu.memory_space<vmem>>
          %dma_start3A_1310 = tpu.memref_squeeze %dma_start3A_1309 : memref<1x1x16x128xf32, #tpu.memory_space<vmem>> -> memref<16x128xf32, #tpu.memory_space<vmem>>
          %dma_start3A_1311 = arith.constant 0 : i32
          %dma_start3A_1312 = tpu.memref_slice %arg5[%dma_start3A_1311, %multiple_of3A_1284] : memref<16x1000000xf32, #tpu.memory_space<hbm>> -> memref<16x128xf32, #tpu.memory_space<hbm>>
          tpu.enqueue_dma source(%dma_start3A_1312 : memref<16x128xf32, #tpu.memory_space<hbm>>) target(%dma_start3A_1310 : memref<16x128xf32, #tpu.memory_space<vmem>>) target_semaphore(%arg22 : memref<!tpu.dma_semaphore, #tpu.memory_space<semaphore_mem>>)
        } else {
        }
        %rem3A_1200 = arith.constant 12 : i32
        %rem3A_1201 = arith.remsi %scan3A_993, %rem3A_1200 : i32
        %eq3A_1202 = arith.constant 9 : i32
        %eq3A_1203 = arith.cmpi eq, %rem3A_1201, %eq3A_1202 : i32
        %convert_element_type3A_1204 = arith.extui %eq3A_1203 : i1 to i32
        %cond3A_1205 = arith.constant 0 : i32
        %cond3A_1206 = arith.cmpi ne, %convert_element_type3A_1204, %cond3A_1205 : i32
        scf.if %cond3A_1206 {
          %mul3A_1221 = arith.constant 2 : i32
          %mul3A_1222 = arith.muli %scan3A_993, %mul3A_1221 : i32
          %get3A_1223 = arith.index_cast %mul3A_1222 : i32 to index
          %get3A_1224 = tpu.vector_load %arg7[%get3A_1223] {strides = array<i32>} : memref<528xi32, #tpu.memory_space<vmem>>, vector<16xi32>,
          %mul3A_1225 = arith.constant 2 : i32
          %mul3A_1226 = arith.muli %scan3A_993, %mul3A_1225 : i32
          %get3A_1227 = arith.index_cast %mul3A_1226 : i32 to index
          %get3A_1228 = tpu.vector_load %arg8[%get3A_1227] {strides = array<i32>} : memref<528xi32, #tpu.memory_space<vmem>>, vector<16xi32>,
          %slice3A_1229 = vector.extract_strided_slice %get3A_1224 {offsets = [0], sizes = [1], strides = [1]} : vector<16xi32> to vector<1xi32>
          %squeeze3A_1230 = vector.extract %slice3A_1229[0] : i32 from vector<1xi32>
          %shift_right_arithmetic3A_1231 = arith.constant 7 : i32
          %shift_right_arithmetic3A_1232 = arith.shrsi %squeeze3A_1230, %shift_right_arithmetic3A_1231 : i32
          %shift_left3A_1233 = arith.constant 7 : i32
          %shift_left3A_1234 = arith.shli %shift_right_arithmetic3A_1232, %shift_left3A_1233 : i32
          %multiple_of3A_1235 = tpu.assume_multiple %shift_left3A_1234, 128 : i32
          %slice3A_1236 = vector.extract_strided_slice %get3A_1228 {offsets = [0], sizes = [1], strides = [1]} : vector<16xi32> to vector<1xi32>
          %squeeze3A_1237 = vector.extract %slice3A_1236[0] : i32 from vector<1xi32>
          %shift_right_arithmetic3A_1238 = arith.constant 7 : i32
          %shift_right_arithmetic3A_1239 = arith.shrsi %squeeze3A_1237, %shift_right_arithmetic3A_1238 : i32
          %shift_left3A_1240 = arith.constant 7 : i32
          %shift_left3A_1241 = arith.shli %shift_right_arithmetic3A_1239, %shift_left3A_1240 : i32
          %multiple_of3A_1242 = tpu.assume_multiple %shift_left3A_1241, 128 : i32
          %dma_start3A_1243 = arith.constant 9 : i32
          %dma_start3A_1244 = arith.constant 0 : i32
          %dma_start3A_1245 = arith.constant 0 : i32
          %dma_start3A_1246 = arith.constant 0 : i32
          %dma_start3A_1247 = tpu.memref_slice %arg9[%dma_start3A_1243, %dma_start3A_1244, %dma_start3A_1245, %dma_start3A_1246] : memref<12x2x16x128xf32, #tpu.memory_space<vmem>> -> memref<1x1x16x128xf32, #tpu.memory_space<vmem>>
          %dma_start3A_1248 = tpu.memref_squeeze %dma_start3A_1247 : memref<1x1x16x128xf32, #tpu.memory_space<vmem>> -> memref<16x128xf32, #tpu.memory_space<vmem>>
          %dma_start3A_1249 = arith.constant 0 : i32
          %dma_start3A_1250 = tpu.memref_slice %arg4[%dma_start3A_1249, %multiple_of3A_1235] : memref<16x1000000xf32, #tpu.memory_space<hbm>> -> memref<16x128xf32, #tpu.memory_space<hbm>>
          %dma_start3A_1251 = arith.constant 0 : i32
          %dma_start3A_1252 = arith.constant 0 : i32
          %dma_start3A_1253 = tpu.memref_slice %arg9[%dma_start3A_1243, %dma_start3A_1244, %dma_start3A_1251, %dma_start3A_1252] : memref<12x2x16x128xf32, #tpu.memory_space<vmem>> -> memref<1x1x16x128xf32, #tpu.memory_space<vmem>>
          %dma_start3A_1254 = tpu.memref_squeeze %dma_start3A_1253 : memref<1x1x16x128xf32, #tpu.memory_space<vmem>> -> memref<16x128xf32, #tpu.memory_space<vmem>>
          %dma_start3A_1255 = arith.constant 0 : i32
          %dma_start3A_1256 = tpu.memref_slice %arg4[%dma_start3A_1255, %multiple_of3A_1235] : memref<16x1000000xf32, #tpu.memory_space<hbm>> -> memref<16x128xf32, #tpu.memory_space<hbm>>
          tpu.enqueue_dma source(%dma_start3A_1256 : memref<16x128xf32, #tpu.memory_space<hbm>>) target(%dma_start3A_1254 : memref<16x128xf32, #tpu.memory_space<vmem>>) target_semaphore(%arg23 : memref<!tpu.dma_semaphore, #tpu.memory_space<semaphore_mem>>)
          %dma_start3A_1257 = arith.constant 9 : i32
          %dma_start3A_1258 = arith.constant 0 : i32
          %dma_start3A_1259 = arith.constant 0 : i32
          %dma_start3A_1260 = arith.constant 0 : i32
          %dma_start3A_1261 = tpu.memref_slice %arg10[%dma_start3A_1257, %dma_start3A_1258, %dma_start3A_1259, %dma_start3A_1260] : memref<12x2x16x128xf32, #tpu.memory_space<vmem>> -> memref<1x1x16x128xf32, #tpu.memory_space<vmem>>
          %dma_start3A_1262 = tpu.memref_squeeze %dma_start3A_1261 : memref<1x1x16x128xf32, #tpu.memory_space<vmem>> -> memref<16x128xf32, #tpu.memory_space<vmem>>
          %dma_start3A_1263 = arith.constant 0 : i32
          %dma_start3A_1264 = tpu.memref_slice %arg5[%dma_start3A_1263, %multiple_of3A_1242] : memref<16x1000000xf32, #tpu.memory_space<hbm>> -> memref<16x128xf32, #tpu.memory_space<hbm>>
          %dma_start3A_1265 = arith.constant 0 : i32
          %dma_start3A_1266 = arith.constant 0 : i32
          %dma_start3A_1267 = tpu.memref_slice %arg10[%dma_start3A_1257, %dma_start3A_1258, %dma_start3A_1265, %dma_start3A_1266] : memref<12x2x16x128xf32, #tpu.memory_space<vmem>> -> memref<1x1x16x128xf32, #tpu.memory_space<vmem>>
          %dma_start3A_1268 = tpu.memref_squeeze %dma_start3A_1267 : memref<1x1x16x128xf32, #tpu.memory_space<vmem>> -> memref<16x128xf32, #tpu.memory_space<vmem>>
          %dma_start3A_1269 = arith.constant 0 : i32
          %dma_start3A_1270 = tpu.memref_slice %arg5[%dma_start3A_1269, %multiple_of3A_1242] : memref<16x1000000xf32, #tpu.memory_space<hbm>> -> memref<16x128xf32, #tpu.memory_space<hbm>>
          tpu.enqueue_dma source(%dma_start3A_1270 : memref<16x128xf32, #tpu.memory_space<hbm>>) target(%dma_start3A_1268 : memref<16x128xf32, #tpu.memory_space<vmem>>) target_semaphore(%arg23 : memref<!tpu.dma_semaphore, #tpu.memory_space<semaphore_mem>>)
          %slice3A_1271 = vector.extract_strided_slice %get3A_1224 {offsets = [1], sizes = [1], strides = [1]} : vector<16xi32> to vector<1xi32>
          %squeeze3A_1272 = vector.extract %slice3A_1271[0] : i32 from vector<1xi32>
          %shift_right_arithmetic3A_1273 = arith.constant 7 : i32
          %shift_right_arithmetic3A_1274 = arith.shrsi %squeeze3A_1272, %shift_right_arithmetic3A_1273 : i32
          %shift_left3A_1275 = arith.constant 7 : i32
          %shift_left3A_1276 = arith.shli %shift_right_arithmetic3A_1274, %shift_left3A_1275 : i32
          %multiple_of3A_1277 = tpu.assume_multiple %shift_left3A_1276, 128 : i32
          %slice3A_1278 = vector.extract_strided_slice %get3A_1228 {offsets = [1], sizes = [1], strides = [1]} : vector<16xi32> to vector<1xi32>
          %squeeze3A_1279 = vector.extract %slice3A_1278[0] : i32 from vector<1xi32>
          %shift_right_arithmetic3A_1280 = arith.constant 7 : i32
          %shift_right_arithmetic3A_1281 = arith.shrsi %squeeze3A_1279, %shift_right_arithmetic3A_1280 : i32
          %shift_left3A_1282 = arith.constant 7 : i32
          %shift_left3A_1283 = arith.shli %shift_right_arithmetic3A_1281, %shift_left3A_1282 : i32
          %multiple_of3A_1284 = tpu.assume_multiple %shift_left3A_1283, 128 : i32
          %dma_start3A_1285 = arith.constant 9 : i32
          %dma_start3A_1286 = arith.constant 1 : i32
          %dma_start3A_1287 = arith.constant 0 : i32
          %dma_start3A_1288 = arith.constant 0 : i32
          %dma_start3A_1289 = tpu.memref_slice %arg9[%dma_start3A_1285, %dma_start3A_1286, %dma_start3A_1287, %dma_start3A_1288] : memref<12x2x16x128xf32, #tpu.memory_space<vmem>> -> memref<1x1x16x128xf32, #tpu.memory_space<vmem>>
          %dma_start3A_1290 = tpu.memref_squeeze %dma_start3A_1289 : memref<1x1x16x128xf32, #tpu.memory_space<vmem>> -> memref<16x128xf32, #tpu.memory_space<vmem>>
          %dma_start3A_1291 = arith.constant 0 : i32
          %dma_start3A_1292 = tpu.memref_slice %arg4[%dma_start3A_1291, %multiple_of3A_1277] : memref<16x1000000xf32, #tpu.memory_space<hbm>> -> memref<16x128xf32, #tpu.memory_space<hbm>>
          %dma_start3A_1293 = arith.constant 0 : i32
          %dma_start3A_1294 = arith.constant 0 : i32
          %dma_start3A_1295 = tpu.memref_slice %arg9[%dma_start3A_1285, %dma_start3A_1286, %dma_start3A_1293, %dma_start3A_1294] : memref<12x2x16x128xf32, #tpu.memory_space<vmem>> -> memref<1x1x16x128xf32, #tpu.memory_space<vmem>>
          %dma_start3A_1296 = tpu.memref_squeeze %dma_start3A_1295 : memref<1x1x16x128xf32, #tpu.memory_space<vmem>> -> memref<16x128xf32, #tpu.memory_space<vmem>>
          %dma_start3A_1297 = arith.constant 0 : i32
          %dma_start3A_1298 = tpu.memref_slice %arg4[%dma_start3A_1297, %multiple_of3A_1277] : memref<16x1000000xf32, #tpu.memory_space<hbm>> -> memref<16x128xf32, #tpu.memory_space<hbm>>
          tpu.enqueue_dma source(%dma_start3A_1298 : memref<16x128xf32, #tpu.memory_space<hbm>>) target(%dma_start3A_1296 : memref<16x128xf32, #tpu.memory_space<vmem>>) target_semaphore(%arg23 : memref<!tpu.dma_semaphore, #tpu.memory_space<semaphore_mem>>)
          %dma_start3A_1299 = arith.constant 9 : i32
          %dma_start3A_1300 = arith.constant 1 : i32
          %dma_start3A_1301 = arith.constant 0 : i32
          %dma_start3A_1302 = arith.constant 0 : i32
          %dma_start3A_1303 = tpu.memref_slice %arg10[%dma_start3A_1299, %dma_start3A_1300, %dma_start3A_1301, %dma_start3A_1302] : memref<12x2x16x128xf32, #tpu.memory_space<vmem>> -> memref<1x1x16x128xf32, #tpu.memory_space<vmem>>
          %dma_start3A_1304 = tpu.memref_squeeze %dma_start3A_1303 : memref<1x1x16x128xf32, #tpu.memory_space<vmem>> -> memref<16x128xf32, #tpu.memory_space<vmem>>
          %dma_start3A_1305 = arith.constant 0 : i32
          %dma_start3A_1306 = tpu.memref_slice %arg5[%dma_start3A_1305, %multiple_of3A_1284] : memref<16x1000000xf32, #tpu.memory_space<hbm>> -> memref<16x128xf32, #tpu.memory_space<hbm>>
          %dma_start3A_1307 = arith.constant 0 : i32
          %dma_start3A_1308 = arith.constant 0 : i32
          %dma_start3A_1309 = tpu.memref_slice %arg10[%dma_start3A_1299, %dma_start3A_1300, %dma_start3A_1307, %dma_start3A_1308] : memref<12x2x16x128xf32, #tpu.memory_space<vmem>> -> memref<1x1x16x128xf32, #tpu.memory_space<vmem>>
          %dma_start3A_1310 = tpu.memref_squeeze %dma_start3A_1309 : memref<1x1x16x128xf32, #tpu.memory_space<vmem>> -> memref<16x128xf32, #tpu.memory_space<vmem>>
          %dma_start3A_1311 = arith.constant 0 : i32
          %dma_start3A_1312 = tpu.memref_slice %arg5[%dma_start3A_1311, %multiple_of3A_1284] : memref<16x1000000xf32, #tpu.memory_space<hbm>> -> memref<16x128xf32, #tpu.memory_space<hbm>>
          tpu.enqueue_dma source(%dma_start3A_1312 : memref<16x128xf32, #tpu.memory_space<hbm>>) target(%dma_start3A_1310 : memref<16x128xf32, #tpu.memory_space<vmem>>) target_semaphore(%arg23 : memref<!tpu.dma_semaphore, #tpu.memory_space<semaphore_mem>>)
        } else {
        }
        %rem3A_1207 = arith.constant 12 : i32
        %rem3A_1208 = arith.remsi %scan3A_993, %rem3A_1207 : i32
        %eq3A_1209 = arith.constant 10 : i32
        %eq3A_1210 = arith.cmpi eq, %rem3A_1208, %eq3A_1209 : i32
        %convert_element_type3A_1211 = arith.extui %eq3A_1210 : i1 to i32
        %cond3A_1212 = arith.constant 0 : i32
        %cond3A_1213 = arith.cmpi ne, %convert_element_type3A_1211, %cond3A_1212 : i32
        scf.if %cond3A_1213 {
          %mul3A_1221 = arith.constant 2 : i32
          %mul3A_1222 = arith.muli %scan3A_993, %mul3A_1221 : i32
          %get3A_1223 = arith.index_cast %mul3A_1222 : i32 to index
          %get3A_1224 = tpu.vector_load %arg7[%get3A_1223] {strides = array<i32>} : memref<528xi32, #tpu.memory_space<vmem>>, vector<16xi32>,
          %mul3A_1225 = arith.constant 2 : i32
          %mul3A_1226 = arith.muli %scan3A_993, %mul3A_1225 : i32
          %get3A_1227 = arith.index_cast %mul3A_1226 : i32 to index
          %get3A_1228 = tpu.vector_load %arg8[%get3A_1227] {strides = array<i32>} : memref<528xi32, #tpu.memory_space<vmem>>, vector<16xi32>,
          %slice3A_1229 = vector.extract_strided_slice %get3A_1224 {offsets = [0], sizes = [1], strides = [1]} : vector<16xi32> to vector<1xi32>
          %squeeze3A_1230 = vector.extract %slice3A_1229[0] : i32 from vector<1xi32>
          %shift_right_arithmetic3A_1231 = arith.constant 7 : i32
          %shift_right_arithmetic3A_1232 = arith.shrsi %squeeze3A_1230, %shift_right_arithmetic3A_1231 : i32
          %shift_left3A_1233 = arith.constant 7 : i32
          %shift_left3A_1234 = arith.shli %shift_right_arithmetic3A_1232, %shift_left3A_1233 : i32
          %multiple_of3A_1235 = tpu.assume_multiple %shift_left3A_1234, 128 : i32
          %slice3A_1236 = vector.extract_strided_slice %get3A_1228 {offsets = [0], sizes = [1], strides = [1]} : vector<16xi32> to vector<1xi32>
          %squeeze3A_1237 = vector.extract %slice3A_1236[0] : i32 from vector<1xi32>
          %shift_right_arithmetic3A_1238 = arith.constant 7 : i32
          %shift_right_arithmetic3A_1239 = arith.shrsi %squeeze3A_1237, %shift_right_arithmetic3A_1238 : i32
          %shift_left3A_1240 = arith.constant 7 : i32
          %shift_left3A_1241 = arith.shli %shift_right_arithmetic3A_1239, %shift_left3A_1240 : i32
          %multiple_of3A_1242 = tpu.assume_multiple %shift_left3A_1241, 128 : i32
          %dma_start3A_1243 = arith.constant 10 : i32
          %dma_start3A_1244 = arith.constant 0 : i32
          %dma_start3A_1245 = arith.constant 0 : i32
          %dma_start3A_1246 = arith.constant 0 : i32
          %dma_start3A_1247 = tpu.memref_slice %arg9[%dma_start3A_1243, %dma_start3A_1244, %dma_start3A_1245, %dma_start3A_1246] : memref<12x2x16x128xf32, #tpu.memory_space<vmem>> -> memref<1x1x16x128xf32, #tpu.memory_space<vmem>>
          %dma_start3A_1248 = tpu.memref_squeeze %dma_start3A_1247 : memref<1x1x16x128xf32, #tpu.memory_space<vmem>> -> memref<16x128xf32, #tpu.memory_space<vmem>>
          %dma_start3A_1249 = arith.constant 0 : i32
          %dma_start3A_1250 = tpu.memref_slice %arg4[%dma_start3A_1249, %multiple_of3A_1235] : memref<16x1000000xf32, #tpu.memory_space<hbm>> -> memref<16x128xf32, #tpu.memory_space<hbm>>
          %dma_start3A_1251 = arith.constant 0 : i32
          %dma_start3A_1252 = arith.constant 0 : i32
          %dma_start3A_1253 = tpu.memref_slice %arg9[%dma_start3A_1243, %dma_start3A_1244, %dma_start3A_1251, %dma_start3A_1252] : memref<12x2x16x128xf32, #tpu.memory_space<vmem>> -> memref<1x1x16x128xf32, #tpu.memory_space<vmem>>
          %dma_start3A_1254 = tpu.memref_squeeze %dma_start3A_1253 : memref<1x1x16x128xf32, #tpu.memory_space<vmem>> -> memref<16x128xf32, #tpu.memory_space<vmem>>
          %dma_start3A_1255 = arith.constant 0 : i32
          %dma_start3A_1256 = tpu.memref_slice %arg4[%dma_start3A_1255, %multiple_of3A_1235] : memref<16x1000000xf32, #tpu.memory_space<hbm>> -> memref<16x128xf32, #tpu.memory_space<hbm>>
          tpu.enqueue_dma source(%dma_start3A_1256 : memref<16x128xf32, #tpu.memory_space<hbm>>) target(%dma_start3A_1254 : memref<16x128xf32, #tpu.memory_space<vmem>>) target_semaphore(%arg24 : memref<!tpu.dma_semaphore, #tpu.memory_space<semaphore_mem>>)
          %dma_start3A_1257 = arith.constant 10 : i32
          %dma_start3A_1258 = arith.constant 0 : i32
          %dma_start3A_1259 = arith.constant 0 : i32
          %dma_start3A_1260 = arith.constant 0 : i32
          %dma_start3A_1261 = tpu.memref_slice %arg10[%dma_start3A_1257, %dma_start3A_1258, %dma_start3A_1259, %dma_start3A_1260] : memref<12x2x16x128xf32, #tpu.memory_space<vmem>> -> memref<1x1x16x128xf32, #tpu.memory_space<vmem>>
          %dma_start3A_1262 = tpu.memref_squeeze %dma_start3A_1261 : memref<1x1x16x128xf32, #tpu.memory_space<vmem>> -> memref<16x128xf32, #tpu.memory_space<vmem>>
          %dma_start3A_1263 = arith.constant 0 : i32
          %dma_start3A_1264 = tpu.memref_slice %arg5[%dma_start3A_1263, %multiple_of3A_1242] : memref<16x1000000xf32, #tpu.memory_space<hbm>> -> memref<16x128xf32, #tpu.memory_space<hbm>>
          %dma_start3A_1265 = arith.constant 0 : i32
          %dma_start3A_1266 = arith.constant 0 : i32
          %dma_start3A_1267 = tpu.memref_slice %arg10[%dma_start3A_1257, %dma_start3A_1258, %dma_start3A_1265, %dma_start3A_1266] : memref<12x2x16x128xf32, #tpu.memory_space<vmem>> -> memref<1x1x16x128xf32, #tpu.memory_space<vmem>>
          %dma_start3A_1268 = tpu.memref_squeeze %dma_start3A_1267 : memref<1x1x16x128xf32, #tpu.memory_space<vmem>> -> memref<16x128xf32, #tpu.memory_space<vmem>>
          %dma_start3A_1269 = arith.constant 0 : i32
          %dma_start3A_1270 = tpu.memref_slice %arg5[%dma_start3A_1269, %multiple_of3A_1242] : memref<16x1000000xf32, #tpu.memory_space<hbm>> -> memref<16x128xf32, #tpu.memory_space<hbm>>
          tpu.enqueue_dma source(%dma_start3A_1270 : memref<16x128xf32, #tpu.memory_space<hbm>>) target(%dma_start3A_1268 : memref<16x128xf32, #tpu.memory_space<vmem>>) target_semaphore(%arg24 : memref<!tpu.dma_semaphore, #tpu.memory_space<semaphore_mem>>)
          %slice3A_1271 = vector.extract_strided_slice %get3A_1224 {offsets = [1], sizes = [1], strides = [1]} : vector<16xi32> to vector<1xi32>
          %squeeze3A_1272 = vector.extract %slice3A_1271[0] : i32 from vector<1xi32>
          %shift_right_arithmetic3A_1273 = arith.constant 7 : i32
          %shift_right_arithmetic3A_1274 = arith.shrsi %squeeze3A_1272, %shift_right_arithmetic3A_1273 : i32
          %shift_left3A_1275 = arith.constant 7 : i32
          %shift_left3A_1276 = arith.shli %shift_right_arithmetic3A_1274, %shift_left3A_1275 : i32
          %multiple_of3A_1277 = tpu.assume_multiple %shift_left3A_1276, 128 : i32
          %slice3A_1278 = vector.extract_strided_slice %get3A_1228 {offsets = [1], sizes = [1], strides = [1]} : vector<16xi32> to vector<1xi32>
          %squeeze3A_1279 = vector.extract %slice3A_1278[0] : i32 from vector<1xi32>
          %shift_right_arithmetic3A_1280 = arith.constant 7 : i32
          %shift_right_arithmetic3A_1281 = arith.shrsi %squeeze3A_1279, %shift_right_arithmetic3A_1280 : i32
          %shift_left3A_1282 = arith.constant 7 : i32
          %shift_left3A_1283 = arith.shli %shift_right_arithmetic3A_1281, %shift_left3A_1282 : i32
          %multiple_of3A_1284 = tpu.assume_multiple %shift_left3A_1283, 128 : i32
          %dma_start3A_1285 = arith.constant 10 : i32
          %dma_start3A_1286 = arith.constant 1 : i32
          %dma_start3A_1287 = arith.constant 0 : i32
          %dma_start3A_1288 = arith.constant 0 : i32
          %dma_start3A_1289 = tpu.memref_slice %arg9[%dma_start3A_1285, %dma_start3A_1286, %dma_start3A_1287, %dma_start3A_1288] : memref<12x2x16x128xf32, #tpu.memory_space<vmem>> -> memref<1x1x16x128xf32, #tpu.memory_space<vmem>>
          %dma_start3A_1290 = tpu.memref_squeeze %dma_start3A_1289 : memref<1x1x16x128xf32, #tpu.memory_space<vmem>> -> memref<16x128xf32, #tpu.memory_space<vmem>>
          %dma_start3A_1291 = arith.constant 0 : i32
          %dma_start3A_1292 = tpu.memref_slice %arg4[%dma_start3A_1291, %multiple_of3A_1277] : memref<16x1000000xf32, #tpu.memory_space<hbm>> -> memref<16x128xf32, #tpu.memory_space<hbm>>
          %dma_start3A_1293 = arith.constant 0 : i32
          %dma_start3A_1294 = arith.constant 0 : i32
          %dma_start3A_1295 = tpu.memref_slice %arg9[%dma_start3A_1285, %dma_start3A_1286, %dma_start3A_1293, %dma_start3A_1294] : memref<12x2x16x128xf32, #tpu.memory_space<vmem>> -> memref<1x1x16x128xf32, #tpu.memory_space<vmem>>
          %dma_start3A_1296 = tpu.memref_squeeze %dma_start3A_1295 : memref<1x1x16x128xf32, #tpu.memory_space<vmem>> -> memref<16x128xf32, #tpu.memory_space<vmem>>
          %dma_start3A_1297 = arith.constant 0 : i32
          %dma_start3A_1298 = tpu.memref_slice %arg4[%dma_start3A_1297, %multiple_of3A_1277] : memref<16x1000000xf32, #tpu.memory_space<hbm>> -> memref<16x128xf32, #tpu.memory_space<hbm>>
          tpu.enqueue_dma source(%dma_start3A_1298 : memref<16x128xf32, #tpu.memory_space<hbm>>) target(%dma_start3A_1296 : memref<16x128xf32, #tpu.memory_space<vmem>>) target_semaphore(%arg24 : memref<!tpu.dma_semaphore, #tpu.memory_space<semaphore_mem>>)
          %dma_start3A_1299 = arith.constant 10 : i32
          %dma_start3A_1300 = arith.constant 1 : i32
          %dma_start3A_1301 = arith.constant 0 : i32
          %dma_start3A_1302 = arith.constant 0 : i32
          %dma_start3A_1303 = tpu.memref_slice %arg10[%dma_start3A_1299, %dma_start3A_1300, %dma_start3A_1301, %dma_start3A_1302] : memref<12x2x16x128xf32, #tpu.memory_space<vmem>> -> memref<1x1x16x128xf32, #tpu.memory_space<vmem>>
          %dma_start3A_1304 = tpu.memref_squeeze %dma_start3A_1303 : memref<1x1x16x128xf32, #tpu.memory_space<vmem>> -> memref<16x128xf32, #tpu.memory_space<vmem>>
          %dma_start3A_1305 = arith.constant 0 : i32
          %dma_start3A_1306 = tpu.memref_slice %arg5[%dma_start3A_1305, %multiple_of3A_1284] : memref<16x1000000xf32, #tpu.memory_space<hbm>> -> memref<16x128xf32, #tpu.memory_space<hbm>>
          %dma_start3A_1307 = arith.constant 0 : i32
          %dma_start3A_1308 = arith.constant 0 : i32
          %dma_start3A_1309 = tpu.memref_slice %arg10[%dma_start3A_1299, %dma_start3A_1300, %dma_start3A_1307, %dma_start3A_1308] : memref<12x2x16x128xf32, #tpu.memory_space<vmem>> -> memref<1x1x16x128xf32, #tpu.memory_space<vmem>>
          %dma_start3A_1310 = tpu.memref_squeeze %dma_start3A_1309 : memref<1x1x16x128xf32, #tpu.memory_space<vmem>> -> memref<16x128xf32, #tpu.memory_space<vmem>>
          %dma_start3A_1311 = arith.constant 0 : i32
          %dma_start3A_1312 = tpu.memref_slice %arg5[%dma_start3A_1311, %multiple_of3A_1284] : memref<16x1000000xf32, #tpu.memory_space<hbm>> -> memref<16x128xf32, #tpu.memory_space<hbm>>
          tpu.enqueue_dma source(%dma_start3A_1312 : memref<16x128xf32, #tpu.memory_space<hbm>>) target(%dma_start3A_1310 : memref<16x128xf32, #tpu.memory_space<vmem>>) target_semaphore(%arg24 : memref<!tpu.dma_semaphore, #tpu.memory_space<semaphore_mem>>)
        } else {
        }
        %rem3A_1214 = arith.constant 12 : i32
        %rem3A_1215 = arith.remsi %scan3A_993, %rem3A_1214 : i32
        %eq3A_1216 = arith.constant 11 : i32
        %eq3A_1217 = arith.cmpi eq, %rem3A_1215, %eq3A_1216 : i32
        %convert_element_type3A_1218 = arith.extui %eq3A_1217 : i1 to i32
        %cond3A_1219 = arith.constant 0 : i32
        %cond3A_1220 = arith.cmpi ne, %convert_element_type3A_1218, %cond3A_1219 : i32
        scf.if %cond3A_1220 {
          %mul3A_1221 = arith.constant 2 : i32
          %mul3A_1222 = arith.muli %scan3A_993, %mul3A_1221 : i32
          %get3A_1223 = arith.index_cast %mul3A_1222 : i32 to index
          %get3A_1224 = tpu.vector_load %arg7[%get3A_1223] {strides = array<i32>} : memref<528xi32, #tpu.memory_space<vmem>>, vector<16xi32>,
          %mul3A_1225 = arith.constant 2 : i32
          %mul3A_1226 = arith.muli %scan3A_993, %mul3A_1225 : i32
          %get3A_1227 = arith.index_cast %mul3A_1226 : i32 to index
          %get3A_1228 = tpu.vector_load %arg8[%get3A_1227] {strides = array<i32>} : memref<528xi32, #tpu.memory_space<vmem>>, vector<16xi32>,
          %slice3A_1229 = vector.extract_strided_slice %get3A_1224 {offsets = [0], sizes = [1], strides = [1]} : vector<16xi32> to vector<1xi32>
          %squeeze3A_1230 = vector.extract %slice3A_1229[0] : i32 from vector<1xi32>
          %shift_right_arithmetic3A_1231 = arith.constant 7 : i32
          %shift_right_arithmetic3A_1232 = arith.shrsi %squeeze3A_1230, %shift_right_arithmetic3A_1231 : i32
          %shift_left3A_1233 = arith.constant 7 : i32
          %shift_left3A_1234 = arith.shli %shift_right_arithmetic3A_1232, %shift_left3A_1233 : i32
          %multiple_of3A_1235 = tpu.assume_multiple %shift_left3A_1234, 128 : i32
          %slice3A_1236 = vector.extract_strided_slice %get3A_1228 {offsets = [0], sizes = [1], strides = [1]} : vector<16xi32> to vector<1xi32>
          %squeeze3A_1237 = vector.extract %slice3A_1236[0] : i32 from vector<1xi32>
          %shift_right_arithmetic3A_1238 = arith.constant 7 : i32
          %shift_right_arithmetic3A_1239 = arith.shrsi %squeeze3A_1237, %shift_right_arithmetic3A_1238 : i32
          %shift_left3A_1240 = arith.constant 7 : i32
          %shift_left3A_1241 = arith.shli %shift_right_arithmetic3A_1239, %shift_left3A_1240 : i32
          %multiple_of3A_1242 = tpu.assume_multiple %shift_left3A_1241, 128 : i32
          %dma_start3A_1243 = arith.constant 11 : i32
          %dma_start3A_1244 = arith.constant 0 : i32
          %dma_start3A_1245 = arith.constant 0 : i32
          %dma_start3A_1246 = arith.constant 0 : i32
          %dma_start3A_1247 = tpu.memref_slice %arg9[%dma_start3A_1243, %dma_start3A_1244, %dma_start3A_1245, %dma_start3A_1246] : memref<12x2x16x128xf32, #tpu.memory_space<vmem>> -> memref<1x1x16x128xf32, #tpu.memory_space<vmem>>
          %dma_start3A_1248 = tpu.memref_squeeze %dma_start3A_1247 : memref<1x1x16x128xf32, #tpu.memory_space<vmem>> -> memref<16x128xf32, #tpu.memory_space<vmem>>
          %dma_start3A_1249 = arith.constant 0 : i32
          %dma_start3A_1250 = tpu.memref_slice %arg4[%dma_start3A_1249, %multiple_of3A_1235] : memref<16x1000000xf32, #tpu.memory_space<hbm>> -> memref<16x128xf32, #tpu.memory_space<hbm>>
          %dma_start3A_1251 = arith.constant 0 : i32
          %dma_start3A_1252 = arith.constant 0 : i32
          %dma_start3A_1253 = tpu.memref_slice %arg9[%dma_start3A_1243, %dma_start3A_1244, %dma_start3A_1251, %dma_start3A_1252] : memref<12x2x16x128xf32, #tpu.memory_space<vmem>> -> memref<1x1x16x128xf32, #tpu.memory_space<vmem>>
          %dma_start3A_1254 = tpu.memref_squeeze %dma_start3A_1253 : memref<1x1x16x128xf32, #tpu.memory_space<vmem>> -> memref<16x128xf32, #tpu.memory_space<vmem>>
          %dma_start3A_1255 = arith.constant 0 : i32
          %dma_start3A_1256 = tpu.memref_slice %arg4[%dma_start3A_1255, %multiple_of3A_1235] : memref<16x1000000xf32, #tpu.memory_space<hbm>> -> memref<16x128xf32, #tpu.memory_space<hbm>>
          tpu.enqueue_dma source(%dma_start3A_1256 : memref<16x128xf32, #tpu.memory_space<hbm>>) target(%dma_start3A_1254 : memref<16x128xf32, #tpu.memory_space<vmem>>) target_semaphore(%arg25 : memref<!tpu.dma_semaphore, #tpu.memory_space<semaphore_mem>>)
          %dma_start3A_1257 = arith.constant 11 : i32
          %dma_start3A_1258 = arith.constant 0 : i32
          %dma_start3A_1259 = arith.constant 0 : i32
          %dma_start3A_1260 = arith.constant 0 : i32
          %dma_start3A_1261 = tpu.memref_slice %arg10[%dma_start3A_1257, %dma_start3A_1258, %dma_start3A_1259, %dma_start3A_1260] : memref<12x2x16x128xf32, #tpu.memory_space<vmem>> -> memref<1x1x16x128xf32, #tpu.memory_space<vmem>>
          %dma_start3A_1262 = tpu.memref_squeeze %dma_start3A_1261 : memref<1x1x16x128xf32, #tpu.memory_space<vmem>> -> memref<16x128xf32, #tpu.memory_space<vmem>>
          %dma_start3A_1263 = arith.constant 0 : i32
          %dma_start3A_1264 = tpu.memref_slice %arg5[%dma_start3A_1263, %multiple_of3A_1242] : memref<16x1000000xf32, #tpu.memory_space<hbm>> -> memref<16x128xf32, #tpu.memory_space<hbm>>
          %dma_start3A_1265 = arith.constant 0 : i32
          %dma_start3A_1266 = arith.constant 0 : i32
          %dma_start3A_1267 = tpu.memref_slice %arg10[%dma_start3A_1257, %dma_start3A_1258, %dma_start3A_1265, %dma_start3A_1266] : memref<12x2x16x128xf32, #tpu.memory_space<vmem>> -> memref<1x1x16x128xf32, #tpu.memory_space<vmem>>
          %dma_start3A_1268 = tpu.memref_squeeze %dma_start3A_1267 : memref<1x1x16x128xf32, #tpu.memory_space<vmem>> -> memref<16x128xf32, #tpu.memory_space<vmem>>
          %dma_start3A_1269 = arith.constant 0 : i32
          %dma_start3A_1270 = tpu.memref_slice %arg5[%dma_start3A_1269, %multiple_of3A_1242] : memref<16x1000000xf32, #tpu.memory_space<hbm>> -> memref<16x128xf32, #tpu.memory_space<hbm>>
          tpu.enqueue_dma source(%dma_start3A_1270 : memref<16x128xf32, #tpu.memory_space<hbm>>) target(%dma_start3A_1268 : memref<16x128xf32, #tpu.memory_space<vmem>>) target_semaphore(%arg25 : memref<!tpu.dma_semaphore, #tpu.memory_space<semaphore_mem>>)
          %slice3A_1271 = vector.extract_strided_slice %get3A_1224 {offsets = [1], sizes = [1], strides = [1]} : vector<16xi32> to vector<1xi32>
          %squeeze3A_1272 = vector.extract %slice3A_1271[0] : i32 from vector<1xi32>
          %shift_right_arithmetic3A_1273 = arith.constant 7 : i32
          %shift_right_arithmetic3A_1274 = arith.shrsi %squeeze3A_1272, %shift_right_arithmetic3A_1273 : i32
          %shift_left3A_1275 = arith.constant 7 : i32
          %shift_left3A_1276 = arith.shli %shift_right_arithmetic3A_1274, %shift_left3A_1275 : i32
          %multiple_of3A_1277 = tpu.assume_multiple %shift_left3A_1276, 128 : i32
          %slice3A_1278 = vector.extract_strided_slice %get3A_1228 {offsets = [1], sizes = [1], strides = [1]} : vector<16xi32> to vector<1xi32>
          %squeeze3A_1279 = vector.extract %slice3A_1278[0] : i32 from vector<1xi32>
          %shift_right_arithmetic3A_1280 = arith.constant 7 : i32
          %shift_right_arithmetic3A_1281 = arith.shrsi %squeeze3A_1279, %shift_right_arithmetic3A_1280 : i32
          %shift_left3A_1282 = arith.constant 7 : i32
          %shift_left3A_1283 = arith.shli %shift_right_arithmetic3A_1281, %shift_left3A_1282 : i32
          %multiple_of3A_1284 = tpu.assume_multiple %shift_left3A_1283, 128 : i32
          %dma_start3A_1285 = arith.constant 11 : i32
          %dma_start3A_1286 = arith.constant 1 : i32
          %dma_start3A_1287 = arith.constant 0 : i32
          %dma_start3A_1288 = arith.constant 0 : i32
          %dma_start3A_1289 = tpu.memref_slice %arg9[%dma_start3A_1285, %dma_start3A_1286, %dma_start3A_1287, %dma_start3A_1288] : memref<12x2x16x128xf32, #tpu.memory_space<vmem>> -> memref<1x1x16x128xf32, #tpu.memory_space<vmem>>
          %dma_start3A_1290 = tpu.memref_squeeze %dma_start3A_1289 : memref<1x1x16x128xf32, #tpu.memory_space<vmem>> -> memref<16x128xf32, #tpu.memory_space<vmem>>
          %dma_start3A_1291 = arith.constant 0 : i32
          %dma_start3A_1292 = tpu.memref_slice %arg4[%dma_start3A_1291, %multiple_of3A_1277] : memref<16x1000000xf32, #tpu.memory_space<hbm>> -> memref<16x128xf32, #tpu.memory_space<hbm>>
          %dma_start3A_1293 = arith.constant 0 : i32
          %dma_start3A_1294 = arith.constant 0 : i32
          %dma_start3A_1295 = tpu.memref_slice %arg9[%dma_start3A_1285, %dma_start3A_1286, %dma_start3A_1293, %dma_start3A_1294] : memref<12x2x16x128xf32, #tpu.memory_space<vmem>> -> memref<1x1x16x128xf32, #tpu.memory_space<vmem>>
          %dma_start3A_1296 = tpu.memref_squeeze %dma_start3A_1295 : memref<1x1x16x128xf32, #tpu.memory_space<vmem>> -> memref<16x128xf32, #tpu.memory_space<vmem>>
          %dma_start3A_1297 = arith.constant 0 : i32
          %dma_start3A_1298 = tpu.memref_slice %arg4[%dma_start3A_1297, %multiple_of3A_1277] : memref<16x1000000xf32, #tpu.memory_space<hbm>> -> memref<16x128xf32, #tpu.memory_space<hbm>>
          tpu.enqueue_dma source(%dma_start3A_1298 : memref<16x128xf32, #tpu.memory_space<hbm>>) target(%dma_start3A_1296 : memref<16x128xf32, #tpu.memory_space<vmem>>) target_semaphore(%arg25 : memref<!tpu.dma_semaphore, #tpu.memory_space<semaphore_mem>>)
          %dma_start3A_1299 = arith.constant 11 : i32
          %dma_start3A_1300 = arith.constant 1 : i32
          %dma_start3A_1301 = arith.constant 0 : i32
          %dma_start3A_1302 = arith.constant 0 : i32
          %dma_start3A_1303 = tpu.memref_slice %arg10[%dma_start3A_1299, %dma_start3A_1300, %dma_start3A_1301, %dma_start3A_1302] : memref<12x2x16x128xf32, #tpu.memory_space<vmem>> -> memref<1x1x16x128xf32, #tpu.memory_space<vmem>>
          %dma_start3A_1304 = tpu.memref_squeeze %dma_start3A_1303 : memref<1x1x16x128xf32, #tpu.memory_space<vmem>> -> memref<16x128xf32, #tpu.memory_space<vmem>>
          %dma_start3A_1305 = arith.constant 0 : i32
          %dma_start3A_1306 = tpu.memref_slice %arg5[%dma_start3A_1305, %multiple_of3A_1284] : memref<16x1000000xf32, #tpu.memory_space<hbm>> -> memref<16x128xf32, #tpu.memory_space<hbm>>
          %dma_start3A_1307 = arith.constant 0 : i32
          %dma_start3A_1308 = arith.constant 0 : i32
          %dma_start3A_1309 = tpu.memref_slice %arg10[%dma_start3A_1299, %dma_start3A_1300, %dma_start3A_1307, %dma_start3A_1308] : memref<12x2x16x128xf32, #tpu.memory_space<vmem>> -> memref<1x1x16x128xf32, #tpu.memory_space<vmem>>
          %dma_start3A_1310 = tpu.memref_squeeze %dma_start3A_1309 : memref<1x1x16x128xf32, #tpu.memory_space<vmem>> -> memref<16x128xf32, #tpu.memory_space<vmem>>
          %dma_start3A_1311 = arith.constant 0 : i32
          %dma_start3A_1312 = tpu.memref_slice %arg5[%dma_start3A_1311, %multiple_of3A_1284] : memref<16x1000000xf32, #tpu.memory_space<hbm>> -> memref<16x128xf32, #tpu.memory_space<hbm>>
          tpu.enqueue_dma source(%dma_start3A_1312 : memref<16x128xf32, #tpu.memory_space<hbm>>) target(%dma_start3A_1310 : memref<16x128xf32, #tpu.memory_space<vmem>>) target_semaphore(%arg25 : memref<!tpu.dma_semaphore, #tpu.memory_space<semaphore_mem>>)
        } else {
        }
      } else {
      }
      %rem3A = arith.constant 12 : i32
      %rem3A_997 = arith.remsi %sub3A_994, %rem3A : i32
      %eq3A = arith.constant 0 : i32
      %eq3A_998 = arith.cmpi eq, %rem3A_997, %eq3A : i32
      %convert_element_type3A_999 = arith.extui %eq3A_998 : i1 to i32
      %cond3A_1000 = arith.constant 0 : i32
      %cond3A_1001 = arith.cmpi ne, %convert_element_type3A_999, %cond3A_1000 : i32
      scf.if %cond3A_1001 {
        %dma_wait3A_1137 = arith.constant 0 : i32
        %dma_wait3A_1138 = arith.constant 0 : i32
        %dma_wait3A_1139 = arith.constant 0 : i32
        %dma_wait3A_1140 = arith.constant 0 : i32
        %dma_wait3A_1141 = tpu.memref_slice %arg9[%dma_wait3A_1137, %dma_wait3A_1138, %dma_wait3A_1139, %dma_wait3A_1140] : memref<12x2x16x128xf32, #tpu.memory_space<vmem>> -> memref<1x2x16x128xf32, #tpu.memory_space<vmem>>
        %dma_wait3A_1142 = tpu.memref_squeeze %dma_wait3A_1141 : memref<1x2x16x128xf32, #tpu.memory_space<vmem>> -> memref<2x16x128xf32, #tpu.memory_space<vmem>>
        %dma_wait3A_1143 = arith.constant 0 : i32
        %dma_wait3A_1144 = arith.constant 0 : i32
        %dma_wait3A_1145 = tpu.memref_slice %arg4[%dma_wait3A_1143, %dma_wait3A_1144] : memref<16x1000000xf32, #tpu.memory_space<hbm>> -> memref<16x128xf32, #tpu.memory_space<hbm>>
        %dma_wait3A_1146 = arith.constant 0 : i32
        %dma_wait3A_1147 = arith.constant 0 : i32
        %dma_wait3A_1148 = arith.constant 0 : i32
        %dma_wait3A_1149 = tpu.memref_slice %arg9[%dma_wait3A_1137, %dma_wait3A_1146, %dma_wait3A_1147, %dma_wait3A_1148] : memref<12x2x16x128xf32, #tpu.memory_space<vmem>> -> memref<1x2x16x128xf32, #tpu.memory_space<vmem>>
        %dma_wait3A_1150 = tpu.memref_squeeze %dma_wait3A_1149 : memref<1x2x16x128xf32, #tpu.memory_space<vmem>> -> memref<2x16x128xf32, #tpu.memory_space<vmem>>
        %dma_wait3A_1151 = arith.constant 0 : i32
        %dma_wait3A_1152 = arith.constant 0 : i32
        %dma_wait3A_1153 = tpu.memref_slice %arg4[%dma_wait3A_1151, %dma_wait3A_1152] : memref<16x1000000xf32, #tpu.memory_space<hbm>> -> memref<16x128xf32, #tpu.memory_space<hbm>>
        tpu.wait_dma2 semaphore(%arg14 : memref<!tpu.dma_semaphore, #tpu.memory_space<semaphore_mem>>) src(%dma_wait3A_1153 : memref<16x128xf32, #tpu.memory_space<hbm>>) dst(%dma_wait3A_1150 : memref<2x16x128xf32, #tpu.memory_space<vmem>>)
        %dma_wait3A_1154 = arith.constant 0 : i32
        %dma_wait3A_1155 = arith.constant 0 : i32
        %dma_wait3A_1156 = arith.constant 0 : i32
        %dma_wait3A_1157 = arith.constant 0 : i32
        %dma_wait3A_1158 = tpu.memref_slice %arg10[%dma_wait3A_1154, %dma_wait3A_1155, %dma_wait3A_1156, %dma_wait3A_1157] : memref<12x2x16x128xf32, #tpu.memory_space<vmem>> -> memref<1x2x16x128xf32, #tpu.memory_space<vmem>>
        %dma_wait3A_1159 = tpu.memref_squeeze %dma_wait3A_1158 : memref<1x2x16x128xf32, #tpu.memory_space<vmem>> -> memref<2x16x128xf32, #tpu.memory_space<vmem>>
        %dma_wait3A_1160 = arith.constant 0 : i32
        %dma_wait3A_1161 = arith.constant 0 : i32
        %dma_wait3A_1162 = tpu.memref_slice %arg4[%dma_wait3A_1160, %dma_wait3A_1161] : memref<16x1000000xf32, #tpu.memory_space<hbm>> -> memref<16x128xf32, #tpu.memory_space<hbm>>
        %dma_wait3A_1163 = arith.constant 0 : i32
        %dma_wait3A_1164 = arith.constant 0 : i32
        %dma_wait3A_1165 = arith.constant 0 : i32
        %dma_wait3A_1166 = tpu.memref_slice %arg10[%dma_wait3A_1154, %dma_wait3A_1163, %dma_wait3A_1164, %dma_wait3A_1165] : memref<12x2x16x128xf32, #tpu.memory_space<vmem>> -> memref<1x2x16x128xf32, #tpu.memory_space<vmem>>
        %dma_wait3A_1167 = tpu.memref_squeeze %dma_wait3A_1166 : memref<1x2x16x128xf32, #tpu.memory_space<vmem>> -> memref<2x16x128xf32, #tpu.memory_space<vmem>>
        %dma_wait3A_1168 = arith.constant 0 : i32
        %dma_wait3A_1169 = arith.constant 0 : i32
        %dma_wait3A_1170 = tpu.memref_slice %arg4[%dma_wait3A_1168, %dma_wait3A_1169] : memref<16x1000000xf32, #tpu.memory_space<hbm>> -> memref<16x128xf32, #tpu.memory_space<hbm>>
        tpu.wait_dma2 semaphore(%arg14 : memref<!tpu.dma_semaphore, #tpu.memory_space<semaphore_mem>>) src(%dma_wait3A_1170 : memref<16x128xf32, #tpu.memory_space<hbm>>) dst(%dma_wait3A_1167 : memref<2x16x128xf32, #tpu.memory_space<vmem>>)
      } else {
      }
      %rem3A_1002 = arith.constant 12 : i32
      %rem3A_1003 = arith.remsi %sub3A_994, %rem3A_1002 : i32
      %eq3A_1004 = arith.constant 1 : i32
      %eq3A_1005 = arith.cmpi eq, %rem3A_1003, %eq3A_1004 : i32
      %convert_element_type3A_1006 = arith.extui %eq3A_1005 : i1 to i32
      %cond3A_1007 = arith.constant 0 : i32
      %cond3A_1008 = arith.cmpi ne, %convert_element_type3A_1006, %cond3A_1007 : i32
      scf.if %cond3A_1008 {
        %dma_wait3A_1137 = arith.constant 0 : i32
        %dma_wait3A_1138 = arith.constant 0 : i32
        %dma_wait3A_1139 = arith.constant 0 : i32
        %dma_wait3A_1140 = arith.constant 0 : i32
        %dma_wait3A_1141 = tpu.memref_slice %arg9[%dma_wait3A_1137, %dma_wait3A_1138, %dma_wait3A_1139, %dma_wait3A_1140] : memref<12x2x16x128xf32, #tpu.memory_space<vmem>> -> memref<1x2x16x128xf32, #tpu.memory_space<vmem>>
        %dma_wait3A_1142 = tpu.memref_squeeze %dma_wait3A_1141 : memref<1x2x16x128xf32, #tpu.memory_space<vmem>> -> memref<2x16x128xf32, #tpu.memory_space<vmem>>
        %dma_wait3A_1143 = arith.constant 0 : i32
        %dma_wait3A_1144 = arith.constant 0 : i32
        %dma_wait3A_1145 = tpu.memref_slice %arg4[%dma_wait3A_1143, %dma_wait3A_1144] : memref<16x1000000xf32, #tpu.memory_space<hbm>> -> memref<16x128xf32, #tpu.memory_space<hbm>>
        %dma_wait3A_1146 = arith.constant 0 : i32
        %dma_wait3A_1147 = arith.constant 0 : i32
        %dma_wait3A_1148 = arith.constant 0 : i32
        %dma_wait3A_1149 = tpu.memref_slice %arg9[%dma_wait3A_1137, %dma_wait3A_1146, %dma_wait3A_1147, %dma_wait3A_1148] : memref<12x2x16x128xf32, #tpu.memory_space<vmem>> -> memref<1x2x16x128xf32, #tpu.memory_space<vmem>>
        %dma_wait3A_1150 = tpu.memref_squeeze %dma_wait3A_1149 : memref<1x2x16x128xf32, #tpu.memory_space<vmem>> -> memref<2x16x128xf32, #tpu.memory_space<vmem>>
        %dma_wait3A_1151 = arith.constant 0 : i32
        %dma_wait3A_1152 = arith.constant 0 : i32
        %dma_wait3A_1153 = tpu.memref_slice %arg4[%dma_wait3A_1151, %dma_wait3A_1152] : memref<16x1000000xf32, #tpu.memory_space<hbm>> -> memref<16x128xf32, #tpu.memory_space<hbm>>
        tpu.wait_dma2 semaphore(%arg15 : memref<!tpu.dma_semaphore, #tpu.memory_space<semaphore_mem>>) src(%dma_wait3A_1153 : memref<16x128xf32, #tpu.memory_space<hbm>>) dst(%dma_wait3A_1150 : memref<2x16x128xf32, #tpu.memory_space<vmem>>)
        %dma_wait3A_1154 = arith.constant 0 : i32
        %dma_wait3A_1155 = arith.constant 0 : i32
        %dma_wait3A_1156 = arith.constant 0 : i32
        %dma_wait3A_1157 = arith.constant 0 : i32
        %dma_wait3A_1158 = tpu.memref_slice %arg10[%dma_wait3A_1154, %dma_wait3A_1155, %dma_wait3A_1156, %dma_wait3A_1157] : memref<12x2x16x128xf32, #tpu.memory_space<vmem>> -> memref<1x2x16x128xf32, #tpu.memory_space<vmem>>
        %dma_wait3A_1159 = tpu.memref_squeeze %dma_wait3A_1158 : memref<1x2x16x128xf32, #tpu.memory_space<vmem>> -> memref<2x16x128xf32, #tpu.memory_space<vmem>>
        %dma_wait3A_1160 = arith.constant 0 : i32
        %dma_wait3A_1161 = arith.constant 0 : i32
        %dma_wait3A_1162 = tpu.memref_slice %arg4[%dma_wait3A_1160, %dma_wait3A_1161] : memref<16x1000000xf32, #tpu.memory_space<hbm>> -> memref<16x128xf32, #tpu.memory_space<hbm>>
        %dma_wait3A_1163 = arith.constant 0 : i32
        %dma_wait3A_1164 = arith.constant 0 : i32
        %dma_wait3A_1165 = arith.constant 0 : i32
        %dma_wait3A_1166 = tpu.memref_slice %arg10[%dma_wait3A_1154, %dma_wait3A_1163, %dma_wait3A_1164, %dma_wait3A_1165] : memref<12x2x16x128xf32, #tpu.memory_space<vmem>> -> memref<1x2x16x128xf32, #tpu.memory_space<vmem>>
        %dma_wait3A_1167 = tpu.memref_squeeze %dma_wait3A_1166 : memref<1x2x16x128xf32, #tpu.memory_space<vmem>> -> memref<2x16x128xf32, #tpu.memory_space<vmem>>
        %dma_wait3A_1168 = arith.constant 0 : i32
        %dma_wait3A_1169 = arith.constant 0 : i32
        %dma_wait3A_1170 = tpu.memref_slice %arg4[%dma_wait3A_1168, %dma_wait3A_1169] : memref<16x1000000xf32, #tpu.memory_space<hbm>> -> memref<16x128xf32, #tpu.memory_space<hbm>>
        tpu.wait_dma2 semaphore(%arg15 : memref<!tpu.dma_semaphore, #tpu.memory_space<semaphore_mem>>) src(%dma_wait3A_1170 : memref<16x128xf32, #tpu.memory_space<hbm>>) dst(%dma_wait3A_1167 : memref<2x16x128xf32, #tpu.memory_space<vmem>>)
      } else {
      }
      %rem3A_1009 = arith.constant 12 : i32
      %rem3A_1010 = arith.remsi %sub3A_994, %rem3A_1009 : i32
      %eq3A_1011 = arith.constant 2 : i32
      %eq3A_1012 = arith.cmpi eq, %rem3A_1010, %eq3A_1011 : i32
      %convert_element_type3A_1013 = arith.extui %eq3A_1012 : i1 to i32
      %cond3A_1014 = arith.constant 0 : i32
      %cond3A_1015 = arith.cmpi ne, %convert_element_type3A_1013, %cond3A_1014 : i32
      scf.if %cond3A_1015 {
        %dma_wait3A_1137 = arith.constant 0 : i32
        %dma_wait3A_1138 = arith.constant 0 : i32
        %dma_wait3A_1139 = arith.constant 0 : i32
        %dma_wait3A_1140 = arith.constant 0 : i32
        %dma_wait3A_1141 = tpu.memref_slice %arg9[%dma_wait3A_1137, %dma_wait3A_1138, %dma_wait3A_1139, %dma_wait3A_1140] : memref<12x2x16x128xf32, #tpu.memory_space<vmem>> -> memref<1x2x16x128xf32, #tpu.memory_space<vmem>>
        %dma_wait3A_1142 = tpu.memref_squeeze %dma_wait3A_1141 : memref<1x2x16x128xf32, #tpu.memory_space<vmem>> -> memref<2x16x128xf32, #tpu.memory_space<vmem>>
        %dma_wait3A_1143 = arith.constant 0 : i32
        %dma_wait3A_1144 = arith.constant 0 : i32
        %dma_wait3A_1145 = tpu.memref_slice %arg4[%dma_wait3A_1143, %dma_wait3A_1144] : memref<16x1000000xf32, #tpu.memory_space<hbm>> -> memref<16x128xf32, #tpu.memory_space<hbm>>
        %dma_wait3A_1146 = arith.constant 0 : i32
        %dma_wait3A_1147 = arith.constant 0 : i32
        %dma_wait3A_1148 = arith.constant 0 : i32
        %dma_wait3A_1149 = tpu.memref_slice %arg9[%dma_wait3A_1137, %dma_wait3A_1146, %dma_wait3A_1147, %dma_wait3A_1148] : memref<12x2x16x128xf32, #tpu.memory_space<vmem>> -> memref<1x2x16x128xf32, #tpu.memory_space<vmem>>
        %dma_wait3A_1150 = tpu.memref_squeeze %dma_wait3A_1149 : memref<1x2x16x128xf32, #tpu.memory_space<vmem>> -> memref<2x16x128xf32, #tpu.memory_space<vmem>>
        %dma_wait3A_1151 = arith.constant 0 : i32
        %dma_wait3A_1152 = arith.constant 0 : i32
        %dma_wait3A_1153 = tpu.memref_slice %arg4[%dma_wait3A_1151, %dma_wait3A_1152] : memref<16x1000000xf32, #tpu.memory_space<hbm>> -> memref<16x128xf32, #tpu.memory_space<hbm>>
        tpu.wait_dma2 semaphore(%arg16 : memref<!tpu.dma_semaphore, #tpu.memory_space<semaphore_mem>>) src(%dma_wait3A_1153 : memref<16x128xf32, #tpu.memory_space<hbm>>) dst(%dma_wait3A_1150 : memref<2x16x128xf32, #tpu.memory_space<vmem>>)
        %dma_wait3A_1154 = arith.constant 0 : i32
        %dma_wait3A_1155 = arith.constant 0 : i32
        %dma_wait3A_1156 = arith.constant 0 : i32
        %dma_wait3A_1157 = arith.constant 0 : i32
        %dma_wait3A_1158 = tpu.memref_slice %arg10[%dma_wait3A_1154, %dma_wait3A_1155, %dma_wait3A_1156, %dma_wait3A_1157] : memref<12x2x16x128xf32, #tpu.memory_space<vmem>> -> memref<1x2x16x128xf32, #tpu.memory_space<vmem>>
        %dma_wait3A_1159 = tpu.memref_squeeze %dma_wait3A_1158 : memref<1x2x16x128xf32, #tpu.memory_space<vmem>> -> memref<2x16x128xf32, #tpu.memory_space<vmem>>
        %dma_wait3A_1160 = arith.constant 0 : i32
        %dma_wait3A_1161 = arith.constant 0 : i32
        %dma_wait3A_1162 = tpu.memref_slice %arg4[%dma_wait3A_1160, %dma_wait3A_1161] : memref<16x1000000xf32, #tpu.memory_space<hbm>> -> memref<16x128xf32, #tpu.memory_space<hbm>>
        %dma_wait3A_1163 = arith.constant 0 : i32
        %dma_wait3A_1164 = arith.constant 0 : i32
        %dma_wait3A_1165 = arith.constant 0 : i32
        %dma_wait3A_1166 = tpu.memref_slice %arg10[%dma_wait3A_1154, %dma_wait3A_1163, %dma_wait3A_1164, %dma_wait3A_1165] : memref<12x2x16x128xf32, #tpu.memory_space<vmem>> -> memref<1x2x16x128xf32, #tpu.memory_space<vmem>>
        %dma_wait3A_1167 = tpu.memref_squeeze %dma_wait3A_1166 : memref<1x2x16x128xf32, #tpu.memory_space<vmem>> -> memref<2x16x128xf32, #tpu.memory_space<vmem>>
        %dma_wait3A_1168 = arith.constant 0 : i32
        %dma_wait3A_1169 = arith.constant 0 : i32
        %dma_wait3A_1170 = tpu.memref_slice %arg4[%dma_wait3A_1168, %dma_wait3A_1169] : memref<16x1000000xf32, #tpu.memory_space<hbm>> -> memref<16x128xf32, #tpu.memory_space<hbm>>
        tpu.wait_dma2 semaphore(%arg16 : memref<!tpu.dma_semaphore, #tpu.memory_space<semaphore_mem>>) src(%dma_wait3A_1170 : memref<16x128xf32, #tpu.memory_space<hbm>>) dst(%dma_wait3A_1167 : memref<2x16x128xf32, #tpu.memory_space<vmem>>)
      } else {
      }
      %rem3A_1016 = arith.constant 12 : i32
      %rem3A_1017 = arith.remsi %sub3A_994, %rem3A_1016 : i32
      %eq3A_1018 = arith.constant 3 : i32
      %eq3A_1019 = arith.cmpi eq, %rem3A_1017, %eq3A_1018 : i32
      %convert_element_type3A_1020 = arith.extui %eq3A_1019 : i1 to i32
      %cond3A_1021 = arith.constant 0 : i32
      %cond3A_1022 = arith.cmpi ne, %convert_element_type3A_1020, %cond3A_1021 : i32
      scf.if %cond3A_1022 {
        %dma_wait3A_1137 = arith.constant 0 : i32
        %dma_wait3A_1138 = arith.constant 0 : i32
        %dma_wait3A_1139 = arith.constant 0 : i32
        %dma_wait3A_1140 = arith.constant 0 : i32
        %dma_wait3A_1141 = tpu.memref_slice %arg9[%dma_wait3A_1137, %dma_wait3A_1138, %dma_wait3A_1139, %dma_wait3A_1140] : memref<12x2x16x128xf32, #tpu.memory_space<vmem>> -> memref<1x2x16x128xf32, #tpu.memory_space<vmem>>
        %dma_wait3A_1142 = tpu.memref_squeeze %dma_wait3A_1141 : memref<1x2x16x128xf32, #tpu.memory_space<vmem>> -> memref<2x16x128xf32, #tpu.memory_space<vmem>>
        %dma_wait3A_1143 = arith.constant 0 : i32
        %dma_wait3A_1144 = arith.constant 0 : i32
        %dma_wait3A_1145 = tpu.memref_slice %arg4[%dma_wait3A_1143, %dma_wait3A_1144] : memref<16x1000000xf32, #tpu.memory_space<hbm>> -> memref<16x128xf32, #tpu.memory_space<hbm>>
        %dma_wait3A_1146 = arith.constant 0 : i32
        %dma_wait3A_1147 = arith.constant 0 : i32
        %dma_wait3A_1148 = arith.constant 0 : i32
        %dma_wait3A_1149 = tpu.memref_slice %arg9[%dma_wait3A_1137, %dma_wait3A_1146, %dma_wait3A_1147, %dma_wait3A_1148] : memref<12x2x16x128xf32, #tpu.memory_space<vmem>> -> memref<1x2x16x128xf32, #tpu.memory_space<vmem>>
        %dma_wait3A_1150 = tpu.memref_squeeze %dma_wait3A_1149 : memref<1x2x16x128xf32, #tpu.memory_space<vmem>> -> memref<2x16x128xf32, #tpu.memory_space<vmem>>
        %dma_wait3A_1151 = arith.constant 0 : i32
        %dma_wait3A_1152 = arith.constant 0 : i32
        %dma_wait3A_1153 = tpu.memref_slice %arg4[%dma_wait3A_1151, %dma_wait3A_1152] : memref<16x1000000xf32, #tpu.memory_space<hbm>> -> memref<16x128xf32, #tpu.memory_space<hbm>>
        tpu.wait_dma2 semaphore(%arg17 : memref<!tpu.dma_semaphore, #tpu.memory_space<semaphore_mem>>) src(%dma_wait3A_1153 : memref<16x128xf32, #tpu.memory_space<hbm>>) dst(%dma_wait3A_1150 : memref<2x16x128xf32, #tpu.memory_space<vmem>>)
        %dma_wait3A_1154 = arith.constant 0 : i32
        %dma_wait3A_1155 = arith.constant 0 : i32
        %dma_wait3A_1156 = arith.constant 0 : i32
        %dma_wait3A_1157 = arith.constant 0 : i32
        %dma_wait3A_1158 = tpu.memref_slice %arg10[%dma_wait3A_1154, %dma_wait3A_1155, %dma_wait3A_1156, %dma_wait3A_1157] : memref<12x2x16x128xf32, #tpu.memory_space<vmem>> -> memref<1x2x16x128xf32, #tpu.memory_space<vmem>>
        %dma_wait3A_1159 = tpu.memref_squeeze %dma_wait3A_1158 : memref<1x2x16x128xf32, #tpu.memory_space<vmem>> -> memref<2x16x128xf32, #tpu.memory_space<vmem>>
        %dma_wait3A_1160 = arith.constant 0 : i32
        %dma_wait3A_1161 = arith.constant 0 : i32
        %dma_wait3A_1162 = tpu.memref_slice %arg4[%dma_wait3A_1160, %dma_wait3A_1161] : memref<16x1000000xf32, #tpu.memory_space<hbm>> -> memref<16x128xf32, #tpu.memory_space<hbm>>
        %dma_wait3A_1163 = arith.constant 0 : i32
        %dma_wait3A_1164 = arith.constant 0 : i32
        %dma_wait3A_1165 = arith.constant 0 : i32
        %dma_wait3A_1166 = tpu.memref_slice %arg10[%dma_wait3A_1154, %dma_wait3A_1163, %dma_wait3A_1164, %dma_wait3A_1165] : memref<12x2x16x128xf32, #tpu.memory_space<vmem>> -> memref<1x2x16x128xf32, #tpu.memory_space<vmem>>
        %dma_wait3A_1167 = tpu.memref_squeeze %dma_wait3A_1166 : memref<1x2x16x128xf32, #tpu.memory_space<vmem>> -> memref<2x16x128xf32, #tpu.memory_space<vmem>>
        %dma_wait3A_1168 = arith.constant 0 : i32
        %dma_wait3A_1169 = arith.constant 0 : i32
        %dma_wait3A_1170 = tpu.memref_slice %arg4[%dma_wait3A_1168, %dma_wait3A_1169] : memref<16x1000000xf32, #tpu.memory_space<hbm>> -> memref<16x128xf32, #tpu.memory_space<hbm>>
        tpu.wait_dma2 semaphore(%arg17 : memref<!tpu.dma_semaphore, #tpu.memory_space<semaphore_mem>>) src(%dma_wait3A_1170 : memref<16x128xf32, #tpu.memory_space<hbm>>) dst(%dma_wait3A_1167 : memref<2x16x128xf32, #tpu.memory_space<vmem>>)
      } else {
      }
      %rem3A_1023 = arith.constant 12 : i32
      %rem3A_1024 = arith.remsi %sub3A_994, %rem3A_1023 : i32
      %eq3A_1025 = arith.constant 4 : i32
      %eq3A_1026 = arith.cmpi eq, %rem3A_1024, %eq3A_1025 : i32
      %convert_element_type3A_1027 = arith.extui %eq3A_1026 : i1 to i32
      %cond3A_1028 = arith.constant 0 : i32
      %cond3A_1029 = arith.cmpi ne, %convert_element_type3A_1027, %cond3A_1028 : i32
      scf.if %cond3A_1029 {
        %dma_wait3A_1137 = arith.constant 0 : i32
        %dma_wait3A_1138 = arith.constant 0 : i32
        %dma_wait3A_1139 = arith.constant 0 : i32
        %dma_wait3A_1140 = arith.constant 0 : i32
        %dma_wait3A_1141 = tpu.memref_slice %arg9[%dma_wait3A_1137, %dma_wait3A_1138, %dma_wait3A_1139, %dma_wait3A_1140] : memref<12x2x16x128xf32, #tpu.memory_space<vmem>> -> memref<1x2x16x128xf32, #tpu.memory_space<vmem>>
        %dma_wait3A_1142 = tpu.memref_squeeze %dma_wait3A_1141 : memref<1x2x16x128xf32, #tpu.memory_space<vmem>> -> memref<2x16x128xf32, #tpu.memory_space<vmem>>
        %dma_wait3A_1143 = arith.constant 0 : i32
        %dma_wait3A_1144 = arith.constant 0 : i32
        %dma_wait3A_1145 = tpu.memref_slice %arg4[%dma_wait3A_1143, %dma_wait3A_1144] : memref<16x1000000xf32, #tpu.memory_space<hbm>> -> memref<16x128xf32, #tpu.memory_space<hbm>>
        %dma_wait3A_1146 = arith.constant 0 : i32
        %dma_wait3A_1147 = arith.constant 0 : i32
        %dma_wait3A_1148 = arith.constant 0 : i32
        %dma_wait3A_1149 = tpu.memref_slice %arg9[%dma_wait3A_1137, %dma_wait3A_1146, %dma_wait3A_1147, %dma_wait3A_1148] : memref<12x2x16x128xf32, #tpu.memory_space<vmem>> -> memref<1x2x16x128xf32, #tpu.memory_space<vmem>>
        %dma_wait3A_1150 = tpu.memref_squeeze %dma_wait3A_1149 : memref<1x2x16x128xf32, #tpu.memory_space<vmem>> -> memref<2x16x128xf32, #tpu.memory_space<vmem>>
        %dma_wait3A_1151 = arith.constant 0 : i32
        %dma_wait3A_1152 = arith.constant 0 : i32
        %dma_wait3A_1153 = tpu.memref_slice %arg4[%dma_wait3A_1151, %dma_wait3A_1152] : memref<16x1000000xf32, #tpu.memory_space<hbm>> -> memref<16x128xf32, #tpu.memory_space<hbm>>
        tpu.wait_dma2 semaphore(%arg18 : memref<!tpu.dma_semaphore, #tpu.memory_space<semaphore_mem>>) src(%dma_wait3A_1153 : memref<16x128xf32, #tpu.memory_space<hbm>>) dst(%dma_wait3A_1150 : memref<2x16x128xf32, #tpu.memory_space<vmem>>)
        %dma_wait3A_1154 = arith.constant 0 : i32
        %dma_wait3A_1155 = arith.constant 0 : i32
        %dma_wait3A_1156 = arith.constant 0 : i32
        %dma_wait3A_1157 = arith.constant 0 : i32
        %dma_wait3A_1158 = tpu.memref_slice %arg10[%dma_wait3A_1154, %dma_wait3A_1155, %dma_wait3A_1156, %dma_wait3A_1157] : memref<12x2x16x128xf32, #tpu.memory_space<vmem>> -> memref<1x2x16x128xf32, #tpu.memory_space<vmem>>
        %dma_wait3A_1159 = tpu.memref_squeeze %dma_wait3A_1158 : memref<1x2x16x128xf32, #tpu.memory_space<vmem>> -> memref<2x16x128xf32, #tpu.memory_space<vmem>>
        %dma_wait3A_1160 = arith.constant 0 : i32
        %dma_wait3A_1161 = arith.constant 0 : i32
        %dma_wait3A_1162 = tpu.memref_slice %arg4[%dma_wait3A_1160, %dma_wait3A_1161] : memref<16x1000000xf32, #tpu.memory_space<hbm>> -> memref<16x128xf32, #tpu.memory_space<hbm>>
        %dma_wait3A_1163 = arith.constant 0 : i32
        %dma_wait3A_1164 = arith.constant 0 : i32
        %dma_wait3A_1165 = arith.constant 0 : i32
        %dma_wait3A_1166 = tpu.memref_slice %arg10[%dma_wait3A_1154, %dma_wait3A_1163, %dma_wait3A_1164, %dma_wait3A_1165] : memref<12x2x16x128xf32, #tpu.memory_space<vmem>> -> memref<1x2x16x128xf32, #tpu.memory_space<vmem>>
        %dma_wait3A_1167 = tpu.memref_squeeze %dma_wait3A_1166 : memref<1x2x16x128xf32, #tpu.memory_space<vmem>> -> memref<2x16x128xf32, #tpu.memory_space<vmem>>
        %dma_wait3A_1168 = arith.constant 0 : i32
        %dma_wait3A_1169 = arith.constant 0 : i32
        %dma_wait3A_1170 = tpu.memref_slice %arg4[%dma_wait3A_1168, %dma_wait3A_1169] : memref<16x1000000xf32, #tpu.memory_space<hbm>> -> memref<16x128xf32, #tpu.memory_space<hbm>>
        tpu.wait_dma2 semaphore(%arg18 : memref<!tpu.dma_semaphore, #tpu.memory_space<semaphore_mem>>) src(%dma_wait3A_1170 : memref<16x128xf32, #tpu.memory_space<hbm>>) dst(%dma_wait3A_1167 : memref<2x16x128xf32, #tpu.memory_space<vmem>>)
      } else {
      }
      %rem3A_1030 = arith.constant 12 : i32
      %rem3A_1031 = arith.remsi %sub3A_994, %rem3A_1030 : i32
      %eq3A_1032 = arith.constant 5 : i32
      %eq3A_1033 = arith.cmpi eq, %rem3A_1031, %eq3A_1032 : i32
      %convert_element_type3A_1034 = arith.extui %eq3A_1033 : i1 to i32
      %cond3A_1035 = arith.constant 0 : i32
      %cond3A_1036 = arith.cmpi ne, %convert_element_type3A_1034, %cond3A_1035 : i32
      scf.if %cond3A_1036 {
        %dma_wait3A_1137 = arith.constant 0 : i32
        %dma_wait3A_1138 = arith.constant 0 : i32
        %dma_wait3A_1139 = arith.constant 0 : i32
        %dma_wait3A_1140 = arith.constant 0 : i32
        %dma_wait3A_1141 = tpu.memref_slice %arg9[%dma_wait3A_1137, %dma_wait3A_1138, %dma_wait3A_1139, %dma_wait3A_1140] : memref<12x2x16x128xf32, #tpu.memory_space<vmem>> -> memref<1x2x16x128xf32, #tpu.memory_space<vmem>>
        %dma_wait3A_1142 = tpu.memref_squeeze %dma_wait3A_1141 : memref<1x2x16x128xf32, #tpu.memory_space<vmem>> -> memref<2x16x128xf32, #tpu.memory_space<vmem>>
        %dma_wait3A_1143 = arith.constant 0 : i32
        %dma_wait3A_1144 = arith.constant 0 : i32
        %dma_wait3A_1145 = tpu.memref_slice %arg4[%dma_wait3A_1143, %dma_wait3A_1144] : memref<16x1000000xf32, #tpu.memory_space<hbm>> -> memref<16x128xf32, #tpu.memory_space<hbm>>
        %dma_wait3A_1146 = arith.constant 0 : i32
        %dma_wait3A_1147 = arith.constant 0 : i32
        %dma_wait3A_1148 = arith.constant 0 : i32
        %dma_wait3A_1149 = tpu.memref_slice %arg9[%dma_wait3A_1137, %dma_wait3A_1146, %dma_wait3A_1147, %dma_wait3A_1148] : memref<12x2x16x128xf32, #tpu.memory_space<vmem>> -> memref<1x2x16x128xf32, #tpu.memory_space<vmem>>
        %dma_wait3A_1150 = tpu.memref_squeeze %dma_wait3A_1149 : memref<1x2x16x128xf32, #tpu.memory_space<vmem>> -> memref<2x16x128xf32, #tpu.memory_space<vmem>>
        %dma_wait3A_1151 = arith.constant 0 : i32
        %dma_wait3A_1152 = arith.constant 0 : i32
        %dma_wait3A_1153 = tpu.memref_slice %arg4[%dma_wait3A_1151, %dma_wait3A_1152] : memref<16x1000000xf32, #tpu.memory_space<hbm>> -> memref<16x128xf32, #tpu.memory_space<hbm>>
        tpu.wait_dma2 semaphore(%arg19 : memref<!tpu.dma_semaphore, #tpu.memory_space<semaphore_mem>>) src(%dma_wait3A_1153 : memref<16x128xf32, #tpu.memory_space<hbm>>) dst(%dma_wait3A_1150 : memref<2x16x128xf32, #tpu.memory_space<vmem>>)
        %dma_wait3A_1154 = arith.constant 0 : i32
        %dma_wait3A_1155 = arith.constant 0 : i32
        %dma_wait3A_1156 = arith.constant 0 : i32
        %dma_wait3A_1157 = arith.constant 0 : i32
        %dma_wait3A_1158 = tpu.memref_slice %arg10[%dma_wait3A_1154, %dma_wait3A_1155, %dma_wait3A_1156, %dma_wait3A_1157] : memref<12x2x16x128xf32, #tpu.memory_space<vmem>> -> memref<1x2x16x128xf32, #tpu.memory_space<vmem>>
        %dma_wait3A_1159 = tpu.memref_squeeze %dma_wait3A_1158 : memref<1x2x16x128xf32, #tpu.memory_space<vmem>> -> memref<2x16x128xf32, #tpu.memory_space<vmem>>
        %dma_wait3A_1160 = arith.constant 0 : i32
        %dma_wait3A_1161 = arith.constant 0 : i32
        %dma_wait3A_1162 = tpu.memref_slice %arg4[%dma_wait3A_1160, %dma_wait3A_1161] : memref<16x1000000xf32, #tpu.memory_space<hbm>> -> memref<16x128xf32, #tpu.memory_space<hbm>>
        %dma_wait3A_1163 = arith.constant 0 : i32
        %dma_wait3A_1164 = arith.constant 0 : i32
        %dma_wait3A_1165 = arith.constant 0 : i32
        %dma_wait3A_1166 = tpu.memref_slice %arg10[%dma_wait3A_1154, %dma_wait3A_1163, %dma_wait3A_1164, %dma_wait3A_1165] : memref<12x2x16x128xf32, #tpu.memory_space<vmem>> -> memref<1x2x16x128xf32, #tpu.memory_space<vmem>>
        %dma_wait3A_1167 = tpu.memref_squeeze %dma_wait3A_1166 : memref<1x2x16x128xf32, #tpu.memory_space<vmem>> -> memref<2x16x128xf32, #tpu.memory_space<vmem>>
        %dma_wait3A_1168 = arith.constant 0 : i32
        %dma_wait3A_1169 = arith.constant 0 : i32
        %dma_wait3A_1170 = tpu.memref_slice %arg4[%dma_wait3A_1168, %dma_wait3A_1169] : memref<16x1000000xf32, #tpu.memory_space<hbm>> -> memref<16x128xf32, #tpu.memory_space<hbm>>
        tpu.wait_dma2 semaphore(%arg19 : memref<!tpu.dma_semaphore, #tpu.memory_space<semaphore_mem>>) src(%dma_wait3A_1170 : memref<16x128xf32, #tpu.memory_space<hbm>>) dst(%dma_wait3A_1167 : memref<2x16x128xf32, #tpu.memory_space<vmem>>)
      } else {
      }
      %rem3A_1037 = arith.constant 12 : i32
      %rem3A_1038 = arith.remsi %sub3A_994, %rem3A_1037 : i32
      %eq3A_1039 = arith.constant 6 : i32
      %eq3A_1040 = arith.cmpi eq, %rem3A_1038, %eq3A_1039 : i32
      %convert_element_type3A_1041 = arith.extui %eq3A_1040 : i1 to i32
      %cond3A_1042 = arith.constant 0 : i32
      %cond3A_1043 = arith.cmpi ne, %convert_element_type3A_1041, %cond3A_1042 : i32
      scf.if %cond3A_1043 {
        %dma_wait3A_1137 = arith.constant 0 : i32
        %dma_wait3A_1138 = arith.constant 0 : i32
        %dma_wait3A_1139 = arith.constant 0 : i32
        %dma_wait3A_1140 = arith.constant 0 : i32
        %dma_wait3A_1141 = tpu.memref_slice %arg9[%dma_wait3A_1137, %dma_wait3A_1138, %dma_wait3A_1139, %dma_wait3A_1140] : memref<12x2x16x128xf32, #tpu.memory_space<vmem>> -> memref<1x2x16x128xf32, #tpu.memory_space<vmem>>
        %dma_wait3A_1142 = tpu.memref_squeeze %dma_wait3A_1141 : memref<1x2x16x128xf32, #tpu.memory_space<vmem>> -> memref<2x16x128xf32, #tpu.memory_space<vmem>>
        %dma_wait3A_1143 = arith.constant 0 : i32
        %dma_wait3A_1144 = arith.constant 0 : i32
        %dma_wait3A_1145 = tpu.memref_slice %arg4[%dma_wait3A_1143, %dma_wait3A_1144] : memref<16x1000000xf32, #tpu.memory_space<hbm>> -> memref<16x128xf32, #tpu.memory_space<hbm>>
        %dma_wait3A_1146 = arith.constant 0 : i32
        %dma_wait3A_1147 = arith.constant 0 : i32
        %dma_wait3A_1148 = arith.constant 0 : i32
        %dma_wait3A_1149 = tpu.memref_slice %arg9[%dma_wait3A_1137, %dma_wait3A_1146, %dma_wait3A_1147, %dma_wait3A_1148] : memref<12x2x16x128xf32, #tpu.memory_space<vmem>> -> memref<1x2x16x128xf32, #tpu.memory_space<vmem>>
        %dma_wait3A_1150 = tpu.memref_squeeze %dma_wait3A_1149 : memref<1x2x16x128xf32, #tpu.memory_space<vmem>> -> memref<2x16x128xf32, #tpu.memory_space<vmem>>
        %dma_wait3A_1151 = arith.constant 0 : i32
        %dma_wait3A_1152 = arith.constant 0 : i32
        %dma_wait3A_1153 = tpu.memref_slice %arg4[%dma_wait3A_1151, %dma_wait3A_1152] : memref<16x1000000xf32, #tpu.memory_space<hbm>> -> memref<16x128xf32, #tpu.memory_space<hbm>>
        tpu.wait_dma2 semaphore(%arg20 : memref<!tpu.dma_semaphore, #tpu.memory_space<semaphore_mem>>) src(%dma_wait3A_1153 : memref<16x128xf32, #tpu.memory_space<hbm>>) dst(%dma_wait3A_1150 : memref<2x16x128xf32, #tpu.memory_space<vmem>>)
        %dma_wait3A_1154 = arith.constant 0 : i32
        %dma_wait3A_1155 = arith.constant 0 : i32
        %dma_wait3A_1156 = arith.constant 0 : i32
        %dma_wait3A_1157 = arith.constant 0 : i32
        %dma_wait3A_1158 = tpu.memref_slice %arg10[%dma_wait3A_1154, %dma_wait3A_1155, %dma_wait3A_1156, %dma_wait3A_1157] : memref<12x2x16x128xf32, #tpu.memory_space<vmem>> -> memref<1x2x16x128xf32, #tpu.memory_space<vmem>>
        %dma_wait3A_1159 = tpu.memref_squeeze %dma_wait3A_1158 : memref<1x2x16x128xf32, #tpu.memory_space<vmem>> -> memref<2x16x128xf32, #tpu.memory_space<vmem>>
        %dma_wait3A_1160 = arith.constant 0 : i32
        %dma_wait3A_1161 = arith.constant 0 : i32
        %dma_wait3A_1162 = tpu.memref_slice %arg4[%dma_wait3A_1160, %dma_wait3A_1161] : memref<16x1000000xf32, #tpu.memory_space<hbm>> -> memref<16x128xf32, #tpu.memory_space<hbm>>
        %dma_wait3A_1163 = arith.constant 0 : i32
        %dma_wait3A_1164 = arith.constant 0 : i32
        %dma_wait3A_1165 = arith.constant 0 : i32
        %dma_wait3A_1166 = tpu.memref_slice %arg10[%dma_wait3A_1154, %dma_wait3A_1163, %dma_wait3A_1164, %dma_wait3A_1165] : memref<12x2x16x128xf32, #tpu.memory_space<vmem>> -> memref<1x2x16x128xf32, #tpu.memory_space<vmem>>
        %dma_wait3A_1167 = tpu.memref_squeeze %dma_wait3A_1166 : memref<1x2x16x128xf32, #tpu.memory_space<vmem>> -> memref<2x16x128xf32, #tpu.memory_space<vmem>>
        %dma_wait3A_1168 = arith.constant 0 : i32
        %dma_wait3A_1169 = arith.constant 0 : i32
        %dma_wait3A_1170 = tpu.memref_slice %arg4[%dma_wait3A_1168, %dma_wait3A_1169] : memref<16x1000000xf32, #tpu.memory_space<hbm>> -> memref<16x128xf32, #tpu.memory_space<hbm>>
        tpu.wait_dma2 semaphore(%arg20 : memref<!tpu.dma_semaphore, #tpu.memory_space<semaphore_mem>>) src(%dma_wait3A_1170 : memref<16x128xf32, #tpu.memory_space<hbm>>) dst(%dma_wait3A_1167 : memref<2x16x128xf32, #tpu.memory_space<vmem>>)
      } else {
      }
      %rem3A_1044 = arith.constant 12 : i32
      %rem3A_1045 = arith.remsi %sub3A_994, %rem3A_1044 : i32
      %eq3A_1046 = arith.constant 7 : i32
      %eq3A_1047 = arith.cmpi eq, %rem3A_1045, %eq3A_1046 : i32
      %convert_element_type3A_1048 = arith.extui %eq3A_1047 : i1 to i32
      %cond3A_1049 = arith.constant 0 : i32
      %cond3A_1050 = arith.cmpi ne, %convert_element_type3A_1048, %cond3A_1049 : i32
      scf.if %cond3A_1050 {
        %dma_wait3A_1137 = arith.constant 0 : i32
        %dma_wait3A_1138 = arith.constant 0 : i32
        %dma_wait3A_1139 = arith.constant 0 : i32
        %dma_wait3A_1140 = arith.constant 0 : i32
        %dma_wait3A_1141 = tpu.memref_slice %arg9[%dma_wait3A_1137, %dma_wait3A_1138, %dma_wait3A_1139, %dma_wait3A_1140] : memref<12x2x16x128xf32, #tpu.memory_space<vmem>> -> memref<1x2x16x128xf32, #tpu.memory_space<vmem>>
        %dma_wait3A_1142 = tpu.memref_squeeze %dma_wait3A_1141 : memref<1x2x16x128xf32, #tpu.memory_space<vmem>> -> memref<2x16x128xf32, #tpu.memory_space<vmem>>
        %dma_wait3A_1143 = arith.constant 0 : i32
        %dma_wait3A_1144 = arith.constant 0 : i32
        %dma_wait3A_1145 = tpu.memref_slice %arg4[%dma_wait3A_1143, %dma_wait3A_1144] : memref<16x1000000xf32, #tpu.memory_space<hbm>> -> memref<16x128xf32, #tpu.memory_space<hbm>>
        %dma_wait3A_1146 = arith.constant 0 : i32
        %dma_wait3A_1147 = arith.constant 0 : i32
        %dma_wait3A_1148 = arith.constant 0 : i32
        %dma_wait3A_1149 = tpu.memref_slice %arg9[%dma_wait3A_1137, %dma_wait3A_1146, %dma_wait3A_1147, %dma_wait3A_1148] : memref<12x2x16x128xf32, #tpu.memory_space<vmem>> -> memref<1x2x16x128xf32, #tpu.memory_space<vmem>>
        %dma_wait3A_1150 = tpu.memref_squeeze %dma_wait3A_1149 : memref<1x2x16x128xf32, #tpu.memory_space<vmem>> -> memref<2x16x128xf32, #tpu.memory_space<vmem>>
        %dma_wait3A_1151 = arith.constant 0 : i32
        %dma_wait3A_1152 = arith.constant 0 : i32
        %dma_wait3A_1153 = tpu.memref_slice %arg4[%dma_wait3A_1151, %dma_wait3A_1152] : memref<16x1000000xf32, #tpu.memory_space<hbm>> -> memref<16x128xf32, #tpu.memory_space<hbm>>
        tpu.wait_dma2 semaphore(%arg21 : memref<!tpu.dma_semaphore, #tpu.memory_space<semaphore_mem>>) src(%dma_wait3A_1153 : memref<16x128xf32, #tpu.memory_space<hbm>>) dst(%dma_wait3A_1150 : memref<2x16x128xf32, #tpu.memory_space<vmem>>)
        %dma_wait3A_1154 = arith.constant 0 : i32
        %dma_wait3A_1155 = arith.constant 0 : i32
        %dma_wait3A_1156 = arith.constant 0 : i32
        %dma_wait3A_1157 = arith.constant 0 : i32
        %dma_wait3A_1158 = tpu.memref_slice %arg10[%dma_wait3A_1154, %dma_wait3A_1155, %dma_wait3A_1156, %dma_wait3A_1157] : memref<12x2x16x128xf32, #tpu.memory_space<vmem>> -> memref<1x2x16x128xf32, #tpu.memory_space<vmem>>
        %dma_wait3A_1159 = tpu.memref_squeeze %dma_wait3A_1158 : memref<1x2x16x128xf32, #tpu.memory_space<vmem>> -> memref<2x16x128xf32, #tpu.memory_space<vmem>>
        %dma_wait3A_1160 = arith.constant 0 : i32
        %dma_wait3A_1161 = arith.constant 0 : i32
        %dma_wait3A_1162 = tpu.memref_slice %arg4[%dma_wait3A_1160, %dma_wait3A_1161] : memref<16x1000000xf32, #tpu.memory_space<hbm>> -> memref<16x128xf32, #tpu.memory_space<hbm>>
        %dma_wait3A_1163 = arith.constant 0 : i32
        %dma_wait3A_1164 = arith.constant 0 : i32
        %dma_wait3A_1165 = arith.constant 0 : i32
        %dma_wait3A_1166 = tpu.memref_slice %arg10[%dma_wait3A_1154, %dma_wait3A_1163, %dma_wait3A_1164, %dma_wait3A_1165] : memref<12x2x16x128xf32, #tpu.memory_space<vmem>> -> memref<1x2x16x128xf32, #tpu.memory_space<vmem>>
        %dma_wait3A_1167 = tpu.memref_squeeze %dma_wait3A_1166 : memref<1x2x16x128xf32, #tpu.memory_space<vmem>> -> memref<2x16x128xf32, #tpu.memory_space<vmem>>
        %dma_wait3A_1168 = arith.constant 0 : i32
        %dma_wait3A_1169 = arith.constant 0 : i32
        %dma_wait3A_1170 = tpu.memref_slice %arg4[%dma_wait3A_1168, %dma_wait3A_1169] : memref<16x1000000xf32, #tpu.memory_space<hbm>> -> memref<16x128xf32, #tpu.memory_space<hbm>>
        tpu.wait_dma2 semaphore(%arg21 : memref<!tpu.dma_semaphore, #tpu.memory_space<semaphore_mem>>) src(%dma_wait3A_1170 : memref<16x128xf32, #tpu.memory_space<hbm>>) dst(%dma_wait3A_1167 : memref<2x16x128xf32, #tpu.memory_space<vmem>>)
      } else {
      }
      %rem3A_1051 = arith.constant 12 : i32
      %rem3A_1052 = arith.remsi %sub3A_994, %rem3A_1051 : i32
      %eq3A_1053 = arith.constant 8 : i32
      %eq3A_1054 = arith.cmpi eq, %rem3A_1052, %eq3A_1053 : i32
      %convert_element_type3A_1055 = arith.extui %eq3A_1054 : i1 to i32
      %cond3A_1056 = arith.constant 0 : i32
      %cond3A_1057 = arith.cmpi ne, %convert_element_type3A_1055, %cond3A_1056 : i32
      scf.if %cond3A_1057 {
        %dma_wait3A_1137 = arith.constant 0 : i32
        %dma_wait3A_1138 = arith.constant 0 : i32
        %dma_wait3A_1139 = arith.constant 0 : i32
        %dma_wait3A_1140 = arith.constant 0 : i32
        %dma_wait3A_1141 = tpu.memref_slice %arg9[%dma_wait3A_1137, %dma_wait3A_1138, %dma_wait3A_1139, %dma_wait3A_1140] : memref<12x2x16x128xf32, #tpu.memory_space<vmem>> -> memref<1x2x16x128xf32, #tpu.memory_space<vmem>>
        %dma_wait3A_1142 = tpu.memref_squeeze %dma_wait3A_1141 : memref<1x2x16x128xf32, #tpu.memory_space<vmem>> -> memref<2x16x128xf32, #tpu.memory_space<vmem>>
        %dma_wait3A_1143 = arith.constant 0 : i32
        %dma_wait3A_1144 = arith.constant 0 : i32
        %dma_wait3A_1145 = tpu.memref_slice %arg4[%dma_wait3A_1143, %dma_wait3A_1144] : memref<16x1000000xf32, #tpu.memory_space<hbm>> -> memref<16x128xf32, #tpu.memory_space<hbm>>
        %dma_wait3A_1146 = arith.constant 0 : i32
        %dma_wait3A_1147 = arith.constant 0 : i32
        %dma_wait3A_1148 = arith.constant 0 : i32
        %dma_wait3A_1149 = tpu.memref_slice %arg9[%dma_wait3A_1137, %dma_wait3A_1146, %dma_wait3A_1147, %dma_wait3A_1148] : memref<12x2x16x128xf32, #tpu.memory_space<vmem>> -> memref<1x2x16x128xf32, #tpu.memory_space<vmem>>
        %dma_wait3A_1150 = tpu.memref_squeeze %dma_wait3A_1149 : memref<1x2x16x128xf32, #tpu.memory_space<vmem>> -> memref<2x16x128xf32, #tpu.memory_space<vmem>>
        %dma_wait3A_1151 = arith.constant 0 : i32
        %dma_wait3A_1152 = arith.constant 0 : i32
        %dma_wait3A_1153 = tpu.memref_slice %arg4[%dma_wait3A_1151, %dma_wait3A_1152] : memref<16x1000000xf32, #tpu.memory_space<hbm>> -> memref<16x128xf32, #tpu.memory_space<hbm>>
        tpu.wait_dma2 semaphore(%arg22 : memref<!tpu.dma_semaphore, #tpu.memory_space<semaphore_mem>>) src(%dma_wait3A_1153 : memref<16x128xf32, #tpu.memory_space<hbm>>) dst(%dma_wait3A_1150 : memref<2x16x128xf32, #tpu.memory_space<vmem>>)
        %dma_wait3A_1154 = arith.constant 0 : i32
        %dma_wait3A_1155 = arith.constant 0 : i32
        %dma_wait3A_1156 = arith.constant 0 : i32
        %dma_wait3A_1157 = arith.constant 0 : i32
        %dma_wait3A_1158 = tpu.memref_slice %arg10[%dma_wait3A_1154, %dma_wait3A_1155, %dma_wait3A_1156, %dma_wait3A_1157] : memref<12x2x16x128xf32, #tpu.memory_space<vmem>> -> memref<1x2x16x128xf32, #tpu.memory_space<vmem>>
        %dma_wait3A_1159 = tpu.memref_squeeze %dma_wait3A_1158 : memref<1x2x16x128xf32, #tpu.memory_space<vmem>> -> memref<2x16x128xf32, #tpu.memory_space<vmem>>
        %dma_wait3A_1160 = arith.constant 0 : i32
        %dma_wait3A_1161 = arith.constant 0 : i32
        %dma_wait3A_1162 = tpu.memref_slice %arg4[%dma_wait3A_1160, %dma_wait3A_1161] : memref<16x1000000xf32, #tpu.memory_space<hbm>> -> memref<16x128xf32, #tpu.memory_space<hbm>>
        %dma_wait3A_1163 = arith.constant 0 : i32
        %dma_wait3A_1164 = arith.constant 0 : i32
        %dma_wait3A_1165 = arith.constant 0 : i32
        %dma_wait3A_1166 = tpu.memref_slice %arg10[%dma_wait3A_1154, %dma_wait3A_1163, %dma_wait3A_1164, %dma_wait3A_1165] : memref<12x2x16x128xf32, #tpu.memory_space<vmem>> -> memref<1x2x16x128xf32, #tpu.memory_space<vmem>>
        %dma_wait3A_1167 = tpu.memref_squeeze %dma_wait3A_1166 : memref<1x2x16x128xf32, #tpu.memory_space<vmem>> -> memref<2x16x128xf32, #tpu.memory_space<vmem>>
        %dma_wait3A_1168 = arith.constant 0 : i32
        %dma_wait3A_1169 = arith.constant 0 : i32
        %dma_wait3A_1170 = tpu.memref_slice %arg4[%dma_wait3A_1168, %dma_wait3A_1169] : memref<16x1000000xf32, #tpu.memory_space<hbm>> -> memref<16x128xf32, #tpu.memory_space<hbm>>
        tpu.wait_dma2 semaphore(%arg22 : memref<!tpu.dma_semaphore, #tpu.memory_space<semaphore_mem>>) src(%dma_wait3A_1170 : memref<16x128xf32, #tpu.memory_space<hbm>>) dst(%dma_wait3A_1167 : memref<2x16x128xf32, #tpu.memory_space<vmem>>)
      } else {
      }
      %rem3A_1058 = arith.constant 12 : i32
      %rem3A_1059 = arith.remsi %sub3A_994, %rem3A_1058 : i32
      %eq3A_1060 = arith.constant 9 : i32
      %eq3A_1061 = arith.cmpi eq, %rem3A_1059, %eq3A_1060 : i32
      %convert_element_type3A_1062 = arith.extui %eq3A_1061 : i1 to i32
      %cond3A_1063 = arith.constant 0 : i32
      %cond3A_1064 = arith.cmpi ne, %convert_element_type3A_1062, %cond3A_1063 : i32
      scf.if %cond3A_1064 {
        %dma_wait3A_1137 = arith.constant 0 : i32
        %dma_wait3A_1138 = arith.constant 0 : i32
        %dma_wait3A_1139 = arith.constant 0 : i32
        %dma_wait3A_1140 = arith.constant 0 : i32
        %dma_wait3A_1141 = tpu.memref_slice %arg9[%dma_wait3A_1137, %dma_wait3A_1138, %dma_wait3A_1139, %dma_wait3A_1140] : memref<12x2x16x128xf32, #tpu.memory_space<vmem>> -> memref<1x2x16x128xf32, #tpu.memory_space<vmem>>
        %dma_wait3A_1142 = tpu.memref_squeeze %dma_wait3A_1141 : memref<1x2x16x128xf32, #tpu.memory_space<vmem>> -> memref<2x16x128xf32, #tpu.memory_space<vmem>>
        %dma_wait3A_1143 = arith.constant 0 : i32
        %dma_wait3A_1144 = arith.constant 0 : i32
        %dma_wait3A_1145 = tpu.memref_slice %arg4[%dma_wait3A_1143, %dma_wait3A_1144] : memref<16x1000000xf32, #tpu.memory_space<hbm>> -> memref<16x128xf32, #tpu.memory_space<hbm>>
        %dma_wait3A_1146 = arith.constant 0 : i32
        %dma_wait3A_1147 = arith.constant 0 : i32
        %dma_wait3A_1148 = arith.constant 0 : i32
        %dma_wait3A_1149 = tpu.memref_slice %arg9[%dma_wait3A_1137, %dma_wait3A_1146, %dma_wait3A_1147, %dma_wait3A_1148] : memref<12x2x16x128xf32, #tpu.memory_space<vmem>> -> memref<1x2x16x128xf32, #tpu.memory_space<vmem>>
        %dma_wait3A_1150 = tpu.memref_squeeze %dma_wait3A_1149 : memref<1x2x16x128xf32, #tpu.memory_space<vmem>> -> memref<2x16x128xf32, #tpu.memory_space<vmem>>
        %dma_wait3A_1151 = arith.constant 0 : i32
        %dma_wait3A_1152 = arith.constant 0 : i32
        %dma_wait3A_1153 = tpu.memref_slice %arg4[%dma_wait3A_1151, %dma_wait3A_1152] : memref<16x1000000xf32, #tpu.memory_space<hbm>> -> memref<16x128xf32, #tpu.memory_space<hbm>>
        tpu.wait_dma2 semaphore(%arg23 : memref<!tpu.dma_semaphore, #tpu.memory_space<semaphore_mem>>) src(%dma_wait3A_1153 : memref<16x128xf32, #tpu.memory_space<hbm>>) dst(%dma_wait3A_1150 : memref<2x16x128xf32, #tpu.memory_space<vmem>>)
        %dma_wait3A_1154 = arith.constant 0 : i32
        %dma_wait3A_1155 = arith.constant 0 : i32
        %dma_wait3A_1156 = arith.constant 0 : i32
        %dma_wait3A_1157 = arith.constant 0 : i32
        %dma_wait3A_1158 = tpu.memref_slice %arg10[%dma_wait3A_1154, %dma_wait3A_1155, %dma_wait3A_1156, %dma_wait3A_1157] : memref<12x2x16x128xf32, #tpu.memory_space<vmem>> -> memref<1x2x16x128xf32, #tpu.memory_space<vmem>>
        %dma_wait3A_1159 = tpu.memref_squeeze %dma_wait3A_1158 : memref<1x2x16x128xf32, #tpu.memory_space<vmem>> -> memref<2x16x128xf32, #tpu.memory_space<vmem>>
        %dma_wait3A_1160 = arith.constant 0 : i32
        %dma_wait3A_1161 = arith.constant 0 : i32
        %dma_wait3A_1162 = tpu.memref_slice %arg4[%dma_wait3A_1160, %dma_wait3A_1161] : memref<16x1000000xf32, #tpu.memory_space<hbm>> -> memref<16x128xf32, #tpu.memory_space<hbm>>
        %dma_wait3A_1163 = arith.constant 0 : i32
        %dma_wait3A_1164 = arith.constant 0 : i32
        %dma_wait3A_1165 = arith.constant 0 : i32
        %dma_wait3A_1166 = tpu.memref_slice %arg10[%dma_wait3A_1154, %dma_wait3A_1163, %dma_wait3A_1164, %dma_wait3A_1165] : memref<12x2x16x128xf32, #tpu.memory_space<vmem>> -> memref<1x2x16x128xf32, #tpu.memory_space<vmem>>
        %dma_wait3A_1167 = tpu.memref_squeeze %dma_wait3A_1166 : memref<1x2x16x128xf32, #tpu.memory_space<vmem>> -> memref<2x16x128xf32, #tpu.memory_space<vmem>>
        %dma_wait3A_1168 = arith.constant 0 : i32
        %dma_wait3A_1169 = arith.constant 0 : i32
        %dma_wait3A_1170 = tpu.memref_slice %arg4[%dma_wait3A_1168, %dma_wait3A_1169] : memref<16x1000000xf32, #tpu.memory_space<hbm>> -> memref<16x128xf32, #tpu.memory_space<hbm>>
        tpu.wait_dma2 semaphore(%arg23 : memref<!tpu.dma_semaphore, #tpu.memory_space<semaphore_mem>>) src(%dma_wait3A_1170 : memref<16x128xf32, #tpu.memory_space<hbm>>) dst(%dma_wait3A_1167 : memref<2x16x128xf32, #tpu.memory_space<vmem>>)
      } else {
      }
      %rem3A_1065 = arith.constant 12 : i32
      %rem3A_1066 = arith.remsi %sub3A_994, %rem3A_1065 : i32
      %eq3A_1067 = arith.constant 10 : i32
      %eq3A_1068 = arith.cmpi eq, %rem3A_1066, %eq3A_1067 : i32
      %convert_element_type3A_1069 = arith.extui %eq3A_1068 : i1 to i32
      %cond3A_1070 = arith.constant 0 : i32
      %cond3A_1071 = arith.cmpi ne, %convert_element_type3A_1069, %cond3A_1070 : i32
      scf.if %cond3A_1071 {
        %dma_wait3A_1137 = arith.constant 0 : i32
        %dma_wait3A_1138 = arith.constant 0 : i32
        %dma_wait3A_1139 = arith.constant 0 : i32
        %dma_wait3A_1140 = arith.constant 0 : i32
        %dma_wait3A_1141 = tpu.memref_slice %arg9[%dma_wait3A_1137, %dma_wait3A_1138, %dma_wait3A_1139, %dma_wait3A_1140] : memref<12x2x16x128xf32, #tpu.memory_space<vmem>> -> memref<1x2x16x128xf32, #tpu.memory_space<vmem>>
        %dma_wait3A_1142 = tpu.memref_squeeze %dma_wait3A_1141 : memref<1x2x16x128xf32, #tpu.memory_space<vmem>> -> memref<2x16x128xf32, #tpu.memory_space<vmem>>
        %dma_wait3A_1143 = arith.constant 0 : i32
        %dma_wait3A_1144 = arith.constant 0 : i32
        %dma_wait3A_1145 = tpu.memref_slice %arg4[%dma_wait3A_1143, %dma_wait3A_1144] : memref<16x1000000xf32, #tpu.memory_space<hbm>> -> memref<16x128xf32, #tpu.memory_space<hbm>>
        %dma_wait3A_1146 = arith.constant 0 : i32
        %dma_wait3A_1147 = arith.constant 0 : i32
        %dma_wait3A_1148 = arith.constant 0 : i32
        %dma_wait3A_1149 = tpu.memref_slice %arg9[%dma_wait3A_1137, %dma_wait3A_1146, %dma_wait3A_1147, %dma_wait3A_1148] : memref<12x2x16x128xf32, #tpu.memory_space<vmem>> -> memref<1x2x16x128xf32, #tpu.memory_space<vmem>>
        %dma_wait3A_1150 = tpu.memref_squeeze %dma_wait3A_1149 : memref<1x2x16x128xf32, #tpu.memory_space<vmem>> -> memref<2x16x128xf32, #tpu.memory_space<vmem>>
        %dma_wait3A_1151 = arith.constant 0 : i32
        %dma_wait3A_1152 = arith.constant 0 : i32
        %dma_wait3A_1153 = tpu.memref_slice %arg4[%dma_wait3A_1151, %dma_wait3A_1152] : memref<16x1000000xf32, #tpu.memory_space<hbm>> -> memref<16x128xf32, #tpu.memory_space<hbm>>
        tpu.wait_dma2 semaphore(%arg24 : memref<!tpu.dma_semaphore, #tpu.memory_space<semaphore_mem>>) src(%dma_wait3A_1153 : memref<16x128xf32, #tpu.memory_space<hbm>>) dst(%dma_wait3A_1150 : memref<2x16x128xf32, #tpu.memory_space<vmem>>)
        %dma_wait3A_1154 = arith.constant 0 : i32
        %dma_wait3A_1155 = arith.constant 0 : i32
        %dma_wait3A_1156 = arith.constant 0 : i32
        %dma_wait3A_1157 = arith.constant 0 : i32
        %dma_wait3A_1158 = tpu.memref_slice %arg10[%dma_wait3A_1154, %dma_wait3A_1155, %dma_wait3A_1156, %dma_wait3A_1157] : memref<12x2x16x128xf32, #tpu.memory_space<vmem>> -> memref<1x2x16x128xf32, #tpu.memory_space<vmem>>
        %dma_wait3A_1159 = tpu.memref_squeeze %dma_wait3A_1158 : memref<1x2x16x128xf32, #tpu.memory_space<vmem>> -> memref<2x16x128xf32, #tpu.memory_space<vmem>>
        %dma_wait3A_1160 = arith.constant 0 : i32
        %dma_wait3A_1161 = arith.constant 0 : i32
        %dma_wait3A_1162 = tpu.memref_slice %arg4[%dma_wait3A_1160, %dma_wait3A_1161] : memref<16x1000000xf32, #tpu.memory_space<hbm>> -> memref<16x128xf32, #tpu.memory_space<hbm>>
        %dma_wait3A_1163 = arith.constant 0 : i32
        %dma_wait3A_1164 = arith.constant 0 : i32
        %dma_wait3A_1165 = arith.constant 0 : i32
        %dma_wait3A_1166 = tpu.memref_slice %arg10[%dma_wait3A_1154, %dma_wait3A_1163, %dma_wait3A_1164, %dma_wait3A_1165] : memref<12x2x16x128xf32, #tpu.memory_space<vmem>> -> memref<1x2x16x128xf32, #tpu.memory_space<vmem>>
        %dma_wait3A_1167 = tpu.memref_squeeze %dma_wait3A_1166 : memref<1x2x16x128xf32, #tpu.memory_space<vmem>> -> memref<2x16x128xf32, #tpu.memory_space<vmem>>
        %dma_wait3A_1168 = arith.constant 0 : i32
        %dma_wait3A_1169 = arith.constant 0 : i32
        %dma_wait3A_1170 = tpu.memref_slice %arg4[%dma_wait3A_1168, %dma_wait3A_1169] : memref<16x1000000xf32, #tpu.memory_space<hbm>> -> memref<16x128xf32, #tpu.memory_space<hbm>>
        tpu.wait_dma2 semaphore(%arg24 : memref<!tpu.dma_semaphore, #tpu.memory_space<semaphore_mem>>) src(%dma_wait3A_1170 : memref<16x128xf32, #tpu.memory_space<hbm>>) dst(%dma_wait3A_1167 : memref<2x16x128xf32, #tpu.memory_space<vmem>>)
      } else {
      }
      %rem3A_1072 = arith.constant 12 : i32
      %rem3A_1073 = arith.remsi %sub3A_994, %rem3A_1072 : i32
      %eq3A_1074 = arith.constant 11 : i32
      %eq3A_1075 = arith.cmpi eq, %rem3A_1073, %eq3A_1074 : i32
      %convert_element_type3A_1076 = arith.extui %eq3A_1075 : i1 to i32
      %cond3A_1077 = arith.constant 0 : i32
      %cond3A_1078 = arith.cmpi ne, %convert_element_type3A_1076, %cond3A_1077 : i32
      scf.if %cond3A_1078 {
        %dma_wait3A_1137 = arith.constant 0 : i32
        %dma_wait3A_1138 = arith.constant 0 : i32
        %dma_wait3A_1139 = arith.constant 0 : i32
        %dma_wait3A_1140 = arith.constant 0 : i32
        %dma_wait3A_1141 = tpu.memref_slice %arg9[%dma_wait3A_1137, %dma_wait3A_1138, %dma_wait3A_1139, %dma_wait3A_1140] : memref<12x2x16x128xf32, #tpu.memory_space<vmem>> -> memref<1x2x16x128xf32, #tpu.memory_space<vmem>>
        %dma_wait3A_1142 = tpu.memref_squeeze %dma_wait3A_1141 : memref<1x2x16x128xf32, #tpu.memory_space<vmem>> -> memref<2x16x128xf32, #tpu.memory_space<vmem>>
        %dma_wait3A_1143 = arith.constant 0 : i32
        %dma_wait3A_1144 = arith.constant 0 : i32
        %dma_wait3A_1145 = tpu.memref_slice %arg4[%dma_wait3A_1143, %dma_wait3A_1144] : memref<16x1000000xf32, #tpu.memory_space<hbm>> -> memref<16x128xf32, #tpu.memory_space<hbm>>
        %dma_wait3A_1146 = arith.constant 0 : i32
        %dma_wait3A_1147 = arith.constant 0 : i32
        %dma_wait3A_1148 = arith.constant 0 : i32
        %dma_wait3A_1149 = tpu.memref_slice %arg9[%dma_wait3A_1137, %dma_wait3A_1146, %dma_wait3A_1147, %dma_wait3A_1148] : memref<12x2x16x128xf32, #tpu.memory_space<vmem>> -> memref<1x2x16x128xf32, #tpu.memory_space<vmem>>
        %dma_wait3A_1150 = tpu.memref_squeeze %dma_wait3A_1149 : memref<1x2x16x128xf32, #tpu.memory_space<vmem>> -> memref<2x16x128xf32, #tpu.memory_space<vmem>>
        %dma_wait3A_1151 = arith.constant 0 : i32
        %dma_wait3A_1152 = arith.constant 0 : i32
        %dma_wait3A_1153 = tpu.memref_slice %arg4[%dma_wait3A_1151, %dma_wait3A_1152] : memref<16x1000000xf32, #tpu.memory_space<hbm>> -> memref<16x128xf32, #tpu.memory_space<hbm>>
        tpu.wait_dma2 semaphore(%arg25 : memref<!tpu.dma_semaphore, #tpu.memory_space<semaphore_mem>>) src(%dma_wait3A_1153 : memref<16x128xf32, #tpu.memory_space<hbm>>) dst(%dma_wait3A_1150 : memref<2x16x128xf32, #tpu.memory_space<vmem>>)
        %dma_wait3A_1154 = arith.constant 0 : i32
        %dma_wait3A_1155 = arith.constant 0 : i32
        %dma_wait3A_1156 = arith.constant 0 : i32
        %dma_wait3A_1157 = arith.constant 0 : i32
        %dma_wait3A_1158 = tpu.memref_slice %arg10[%dma_wait3A_1154, %dma_wait3A_1155, %dma_wait3A_1156, %dma_wait3A_1157] : memref<12x2x16x128xf32, #tpu.memory_space<vmem>> -> memref<1x2x16x128xf32, #tpu.memory_space<vmem>>
        %dma_wait3A_1159 = tpu.memref_squeeze %dma_wait3A_1158 : memref<1x2x16x128xf32, #tpu.memory_space<vmem>> -> memref<2x16x128xf32, #tpu.memory_space<vmem>>
        %dma_wait3A_1160 = arith.constant 0 : i32
        %dma_wait3A_1161 = arith.constant 0 : i32
        %dma_wait3A_1162 = tpu.memref_slice %arg4[%dma_wait3A_1160, %dma_wait3A_1161] : memref<16x1000000xf32, #tpu.memory_space<hbm>> -> memref<16x128xf32, #tpu.memory_space<hbm>>
        %dma_wait3A_1163 = arith.constant 0 : i32
        %dma_wait3A_1164 = arith.constant 0 : i32
        %dma_wait3A_1165 = arith.constant 0 : i32
        %dma_wait3A_1166 = tpu.memref_slice %arg10[%dma_wait3A_1154, %dma_wait3A_1163, %dma_wait3A_1164, %dma_wait3A_1165] : memref<12x2x16x128xf32, #tpu.memory_space<vmem>> -> memref<1x2x16x128xf32, #tpu.memory_space<vmem>>
        %dma_wait3A_1167 = tpu.memref_squeeze %dma_wait3A_1166 : memref<1x2x16x128xf32, #tpu.memory_space<vmem>> -> memref<2x16x128xf32, #tpu.memory_space<vmem>>
        %dma_wait3A_1168 = arith.constant 0 : i32
        %dma_wait3A_1169 = arith.constant 0 : i32
        %dma_wait3A_1170 = tpu.memref_slice %arg4[%dma_wait3A_1168, %dma_wait3A_1169] : memref<16x1000000xf32, #tpu.memory_space<hbm>> -> memref<16x128xf32, #tpu.memory_space<hbm>>
        tpu.wait_dma2 semaphore(%arg25 : memref<!tpu.dma_semaphore, #tpu.memory_space<semaphore_mem>>) src(%dma_wait3A_1170 : memref<16x128xf32, #tpu.memory_space<hbm>>) dst(%dma_wait3A_1167 : memref<2x16x128xf32, #tpu.memory_space<vmem>>)
      } else {
      }
      %rem3A_1079 = arith.constant 12 : i32
      %rem3A_1080 = arith.remsi %sub3A_994, %rem3A_1079 : i32
      %mul3A_1081 = arith.constant 2 : i32
      %mul3A_1082 = arith.muli %sub3A_994, %mul3A_1081 : i32
      %get3A_1083 = arith.index_cast %mul3A_1082 : i32 to index
      %get3A_1084 = tpu.vector_load %arg7[%get3A_1083] {strides = array<i32>} : memref<528xi32, #tpu.memory_space<vmem>>, vector<16xi32>,
      %mul3A_1085 = arith.constant 2 : i32
      %mul3A_1086 = arith.muli %sub3A_994, %mul3A_1085 : i32
      %get3A_1087 = arith.index_cast %mul3A_1086 : i32 to index
      %get3A_1088 = tpu.vector_load %arg8[%get3A_1087] {strides = array<i32>} : memref<528xi32, #tpu.memory_space<vmem>>, vector<16xi32>,
      %rem3A_1089 = arith.constant 8 : i32
      %rem3A_1090 = arith.remsi %sub3A_994, %rem3A_1089 : i32
      %mul3A_1091 = arith.constant 2 : i32
      %mul3A_1092 = arith.muli %rem3A_1090, %mul3A_1091 : i32
      %broadcast_in_dim3A = vector.broadcast %rem3A_1080 : i32 to vector<16xi32>
      %broadcast_in_dim3A_1093 = arith.constant 0 : i32
      %broadcast_in_dim3A_1094 = vector.broadcast %broadcast_in_dim3A_1093 : i32 to vector<16xi32>
      %slice3A_1095 = vector.extract_strided_slice %get3A_1084 {offsets = [0], sizes = [1], strides = [1]} : vector<16xi32> to vector<1xi32>
      %squeeze3A_1096 = vector.extract %slice3A_1095[0] : i32 from vector<1xi32>
      %and3A = arith.constant 127 : i32
      %and3A_1097 = arith.andi %squeeze3A_1096, %and3A : i32
      %broadcast_in_dim3A_1098 = vector.broadcast %and3A_1097 : i32 to vector<16xi32>
      %slice3A_1099 = vector.extract_strided_slice %get3A_1088 {offsets = [0], sizes = [1], strides = [1]} : vector<16xi32> to vector<1xi32>
      %squeeze3A_1100 = vector.extract %slice3A_1099[0] : i32 from vector<1xi32>
      %and3A_1101 = arith.constant 127 : i32
      %and3A_1102 = arith.andi %squeeze3A_1100, %and3A_1101 : i32
      %broadcast_in_dim3A_1103 = vector.broadcast %and3A_1102 : i32 to vector<16xi32>
      %gather3A = tpu.vector_load_idx %arg9[%broadcast_in_dim3A, %broadcast_in_dim3A_1094, %iota3A, %broadcast_in_dim3A_1098] : memref<12x2x16x128xf32, #tpu.memory_space<vmem>>[vector<16xi32>, vector<16xi32>, vector<16xi32>, vector<16xi32>], vector<16xf32>,
      %gather3A_1104 = tpu.vector_load_idx %arg10[%broadcast_in_dim3A, %broadcast_in_dim3A_1094, %iota3A, %broadcast_in_dim3A_1103] : memref<12x2x16x128xf32, #tpu.memory_space<vmem>>[vector<16xi32>, vector<16xi32>, vector<16xi32>, vector<16xi32>], vector<16xf32>,
      %mul3A_1105 = arith.mulf %gather3A, %gather3A_1104 : vector<16xf32>
      %add3A_1106 = arith.constant 0 : i32
      %add3A_1107 = arith.addi %mul3A_1092, %add3A_1106 : i32
      %swap3A = arith.index_cast %add3A_1107 : i32 to index
      %swap3A_1108 = arith.constant 0 : index
      %swap3A_1109 = tpu.vector_load %arg11[%swap3A, %swap3A_1108] {strides = array<i32>} : memref<16x16xf32, #tpu.memory_space<vmem>>, vector<16xf32>,
      tpu.vector_store %arg11[%swap3A, %swap3A_1108], %mul3A_1105 {strides = array<i32>} : memref<16x16xf32, #tpu.memory_space<vmem>>, vector<16xf32>,
      %broadcast_in_dim3A_1110 = arith.constant 1 : i32
      %broadcast_in_dim3A_1111 = vector.broadcast %broadcast_in_dim3A_1110 : i32 to vector<16xi32>
      %slice3A_1112 = vector.extract_strided_slice %get3A_1084 {offsets = [1], sizes = [1], strides = [1]} : vector<16xi32> to vector<1xi32>
      %squeeze3A_1113 = vector.extract %slice3A_1112[0] : i32 from vector<1xi32>
      %and3A_1114 = arith.constant 127 : i32
      %and3A_1115 = arith.andi %squeeze3A_1113, %and3A_1114 : i32
      %broadcast_in_dim3A_1116 = vector.broadcast %and3A_1115 : i32 to vector<16xi32>
      %slice3A_1117 = vector.extract_strided_slice %get3A_1088 {offsets = [1], sizes = [1], strides = [1]} : vector<16xi32> to vector<1xi32>
      %squeeze3A_1118 = vector.extract %slice3A_1117[0] : i32 from vector<1xi32>
      %and3A_1119 = arith.constant 127 : i32
      %and3A_1120 = arith.andi %squeeze3A_1118, %and3A_1119 : i32
      %broadcast_in_dim3A_1121 = vector.broadcast %and3A_1120 : i32 to vector<16xi32>
      %gather3A_1122 = tpu.vector_load_idx %arg9[%broadcast_in_dim3A, %broadcast_in_dim3A_1111, %iota3A, %broadcast_in_dim3A_1116] : memref<12x2x16x128xf32, #tpu.memory_space<vmem>>[vector<16xi32>, vector<16xi32>, vector<16xi32>, vector<16xi32>], vector<16xf32>,
      %gather3A_1123 = tpu.vector_load_idx %arg10[%broadcast_in_dim3A, %broadcast_in_dim3A_1111, %iota3A, %broadcast_in_dim3A_1121] : memref<12x2x16x128xf32, #tpu.memory_space<vmem>>[vector<16xi32>, vector<16xi32>, vector<16xi32>, vector<16xi32>], vector<16xf32>,
      %mul3A_1124 = arith.mulf %gather3A_1122, %gather3A_1123 : vector<16xf32>
      %add3A_1125 = arith.constant 1 : i32
      %add3A_1126 = arith.addi %mul3A_1092, %add3A_1125 : i32
      %swap3A_1127 = arith.index_cast %add3A_1126 : i32 to index
      %swap3A_1128 = arith.constant 0 : index
      %swap3A_1129 = tpu.vector_load %arg11[%swap3A_1127, %swap3A_1128] {strides = array<i32>} : memref<16x16xf32, #tpu.memory_space<vmem>>, vector<16xf32>,
      tpu.vector_store %arg11[%swap3A_1127, %swap3A_1128], %mul3A_1124 {strides = array<i32>} : memref<16x16xf32, #tpu.memory_space<vmem>>, vector<16xf32>,
      %rem3A_1130 = arith.constant 8 : i32
      %rem3A_1131 = arith.remsi %sub3A_994, %rem3A_1130 : i32
      %eq3A_1132 = arith.constant 7 : i32
      %eq3A_1133 = arith.cmpi eq, %rem3A_1131, %eq3A_1132 : i32
      %convert_element_type3A_1134 = arith.extui %eq3A_1133 : i1 to i32
      %cond3A_1135 = arith.constant 0 : i32
      %cond3A_1136 = arith.cmpi ne, %convert_element_type3A_1134, %cond3A_1135 : i32
      scf.if %cond3A_1136 {
        %broadcast_in_dim3A_1137 = arith.constant 0.000000e+00 : f32
        %broadcast_in_dim3A_1138 = vector.broadcast %broadcast_in_dim3A_1137 : f32 to vector<16xf32>
        %broadcast_in_dim3A_1139 = arith.constant 0 : i32
        %broadcast_in_dim3A_1140 = vector.broadcast %broadcast_in_dim3A_1139 : i32 to vector<16xi32>
        %gather3A_1141 = tpu.vector_load_idx %arg11[%iota3A, %broadcast_in_dim3A_1140] : memref<16x16xf32, #tpu.memory_space<vmem>>[vector<16xi32>, vector<16xi32>], vector<16xf32>,
        %add3A_1142 = arith.addf %broadcast_in_dim3A_1138, %gather3A_1141 : vector<16xf32>
        %broadcast_in_dim3A_1143 = arith.constant 1 : i32
        %broadcast_in_dim3A_1144 = vector.broadcast %broadcast_in_dim3A_1143 : i32 to vector<16xi32>
        %gather3A_1145 = tpu.vector_load_idx %arg11[%iota3A, %broadcast_in_dim3A_1144] : memref<16x16xf32, #tpu.memory_space<vmem>>[vector<16xi32>, vector<16xi32>], vector<16xf32>,
        %add3A_1146 = arith.addf %add3A_1142, %gather3A_1145 : vector<16xf32>
        %broadcast_in_dim3A_1147 = arith.constant 2 : i32
        %broadcast_in_dim3A_1148 = vector.broadcast %broadcast_in_dim3A_1147 : i32 to vector<16xi32>
        %gather3A_1149 = tpu.vector_load_idx %arg11[%iota3A, %broadcast_in_dim3A_1148] : memref<16x16xf32, #tpu.memory_space<vmem>>[vector<16xi32>, vector<16xi32>], vector<16xf32>,
        %add3A_1150 = arith.addf %add3A_1146, %gather3A_1149 : vector<16xf32>
        %broadcast_in_dim3A_1151 = arith.constant 3 : i32
        %broadcast_in_dim3A_1152 = vector.broadcast %broadcast_in_dim3A_1151 : i32 to vector<16xi32>
        %gather3A_1153 = tpu.vector_load_idx %arg11[%iota3A, %broadcast_in_dim3A_1152] : memref<16x16xf32, #tpu.memory_space<vmem>>[vector<16xi32>, vector<16xi32>], vector<16xf32>,
        %add3A_1154 = arith.addf %add3A_1150, %gather3A_1153 : vector<16xf32>
        %broadcast_in_dim3A_1155 = arith.constant 4 : i32
        %broadcast_in_dim3A_1156 = vector.broadcast %broadcast_in_dim3A_1155 : i32 to vector<16xi32>
        %gather3A_1157 = tpu.vector_load_idx %arg11[%iota3A, %broadcast_in_dim3A_1156] : memref<16x16xf32, #tpu.memory_space<vmem>>[vector<16xi32>, vector<16xi32>], vector<16xf32>,
        %add3A_1158 = arith.addf %add3A_1154, %gather3A_1157 : vector<16xf32>
        %broadcast_in_dim3A_1159 = arith.constant 5 : i32
        %broadcast_in_dim3A_1160 = vector.broadcast %broadcast_in_dim3A_1159 : i32 to vector<16xi32>
        %gather3A_1161 = tpu.vector_load_idx %arg11[%iota3A, %broadcast_in_dim3A_1160] : memref<16x16xf32, #tpu.memory_space<vmem>>[vector<16xi32>, vector<16xi32>], vector<16xf32>,
        %add3A_1162 = arith.addf %add3A_1158, %gather3A_1161 : vector<16xf32>
        %broadcast_in_dim3A_1163 = arith.constant 6 : i32
        %broadcast_in_dim3A_1164 = vector.broadcast %broadcast_in_dim3A_1163 : i32 to vector<16xi32>
        %gather3A_1165 = tpu.vector_load_idx %arg11[%iota3A, %broadcast_in_dim3A_1164] : memref<16x16xf32, #tpu.memory_space<vmem>>[vector<16xi32>, vector<16xi32>], vector<16xf32>,
        %add3A_1166 = arith.addf %add3A_1162, %gather3A_1165 : vector<16xf32>
        %broadcast_in_dim3A_1167 = arith.constant 7 : i32
        %broadcast_in_dim3A_1168 = vector.broadcast %broadcast_in_dim3A_1167 : i32 to vector<16xi32>
        %gather3A_1169 = tpu.vector_load_idx %arg11[%iota3A, %broadcast_in_dim3A_1168] : memref<16x16xf32, #tpu.memory_space<vmem>>[vector<16xi32>, vector<16xi32>], vector<16xf32>,
        %add3A_1170 = arith.addf %add3A_1166, %gather3A_1169 : vector<16xf32>
        %broadcast_in_dim3A_1171 = arith.constant 8 : i32
        %broadcast_in_dim3A_1172 = vector.broadcast %broadcast_in_dim3A_1171 : i32 to vector<16xi32>
        %gather3A_1173 = tpu.vector_load_idx %arg11[%iota3A, %broadcast_in_dim3A_1172] : memref<16x16xf32, #tpu.memory_space<vmem>>[vector<16xi32>, vector<16xi32>], vector<16xf32>,
        %add3A_1174 = arith.addf %add3A_1170, %gather3A_1173 : vector<16xf32>
        %broadcast_in_dim3A_1175 = arith.constant 9 : i32
        %broadcast_in_dim3A_1176 = vector.broadcast %broadcast_in_dim3A_1175 : i32 to vector<16xi32>
        %gather3A_1177 = tpu.vector_load_idx %arg11[%iota3A, %broadcast_in_dim3A_1176] : memref<16x16xf32, #tpu.memory_space<vmem>>[vector<16xi32>, vector<16xi32>], vector<16xf32>,
        %add3A_1178 = arith.addf %add3A_1174, %gather3A_1177 : vector<16xf32>
        %broadcast_in_dim3A_1179 = arith.constant 10 : i32
        %broadcast_in_dim3A_1180 = vector.broadcast %broadcast_in_dim3A_1179 : i32 to vector<16xi32>
        %gather3A_1181 = tpu.vector_load_idx %arg11[%iota3A, %broadcast_in_dim3A_1180] : memref<16x16xf32, #tpu.memory_space<vmem>>[vector<16xi32>, vector<16xi32>], vector<16xf32>,
        %add3A_1182 = arith.addf %add3A_1178, %gather3A_1181 : vector<16xf32>
        %broadcast_in_dim3A_1183 = arith.constant 11 : i32
        %broadcast_in_dim3A_1184 = vector.broadcast %broadcast_in_dim3A_1183 : i32 to vector<16xi32>
        %gather3A_1185 = tpu.vector_load_idx %arg11[%iota3A, %broadcast_in_dim3A_1184] : memref<16x16xf32, #tpu.memory_space<vmem>>[vector<16xi32>, vector<16xi32>], vector<16xf32>,
        %add3A_1186 = arith.addf %add3A_1182, %gather3A_1185 : vector<16xf32>
        %broadcast_in_dim3A_1187 = arith.constant 12 : i32
        %broadcast_in_dim3A_1188 = vector.broadcast %broadcast_in_dim3A_1187 : i32 to vector<16xi32>
        %gather3A_1189 = tpu.vector_load_idx %arg11[%iota3A, %broadcast_in_dim3A_1188] : memref<16x16xf32, #tpu.memory_space<vmem>>[vector<16xi32>, vector<16xi32>], vector<16xf32>,
        %add3A_1190 = arith.addf %add3A_1186, %gather3A_1189 : vector<16xf32>
        %broadcast_in_dim3A_1191 = arith.constant 13 : i32
        %broadcast_in_dim3A_1192 = vector.broadcast %broadcast_in_dim3A_1191 : i32 to vector<16xi32>
        %gather3A_1193 = tpu.vector_load_idx %arg11[%iota3A, %broadcast_in_dim3A_1192] : memref<16x16xf32, #tpu.memory_space<vmem>>[vector<16xi32>, vector<16xi32>], vector<16xf32>,
        %add3A_1194 = arith.addf %add3A_1190, %gather3A_1193 : vector<16xf32>
        %broadcast_in_dim3A_1195 = arith.constant 14 : i32
        %broadcast_in_dim3A_1196 = vector.broadcast %broadcast_in_dim3A_1195 : i32 to vector<16xi32>
        %gather3A_1197 = tpu.vector_load_idx %arg11[%iota3A, %broadcast_in_dim3A_1196] : memref<16x16xf32, #tpu.memory_space<vmem>>[vector<16xi32>, vector<16xi32>], vector<16xf32>,
        %add3A_1198 = arith.addf %add3A_1194, %gather3A_1197 : vector<16xf32>
        %broadcast_in_dim3A_1199 = arith.constant 15 : i32
        %broadcast_in_dim3A_1200 = vector.broadcast %broadcast_in_dim3A_1199 : i32 to vector<16xi32>
        %gather3A_1201 = tpu.vector_load_idx %arg11[%iota3A, %broadcast_in_dim3A_1200] : memref<16x16xf32, #tpu.memory_space<vmem>>[vector<16xi32>, vector<16xi32>], vector<16xf32>,
        %add3A_1202 = arith.addf %add3A_1198, %gather3A_1201 : vector<16xf32>
        %sub3A_1203 = arith.constant 7 : i32
        %sub3A_1204 = arith.subi %sub3A_994, %sub3A_1203 : i32
        %mul3A_1205 = arith.constant 2 : i32
        %mul3A_1206 = arith.muli %sub3A_1204, %mul3A_1205 : i32
        %swap3A_1207 = arith.index_cast %mul3A_1206 : i32 to index
        %swap3A_1208 = tpu.vector_load %arg12[%swap3A_1207] {strides = array<i32>} : memref<512xf32, #tpu.memory_space<vmem>>, vector<16xf32>,
        tpu.vector_store %arg12[%swap3A_1207], %add3A_1202 {strides = array<i32>} : memref<512xf32, #tpu.memory_space<vmem>>, vector<16xf32>,
      } else {
      }
    }
    %scan3A_992 = arith.constant 256 : i32
    "tpu.region"() ({
      %run_scoped3A = tpu.sem_alloc : memref<!tpu.dma_semaphore, #tpu.memory_space<semaphore_mem>>
      %dma_start3A_993 = tpu.memref_slice %arg6[%multiple_of3A] : memref<16384xf32, #tpu.memory_space<hbm>> -> memref<512xf32, #tpu.memory_space<hbm>>
      %dma_start3A_994 = tpu.memref_slice %arg6[%multiple_of3A] : memref<16384xf32, #tpu.memory_space<hbm>> -> memref<512xf32, #tpu.memory_space<hbm>>
      tpu.enqueue_dma source(%arg12 : memref<512xf32, #tpu.memory_space<vmem>>) target(%dma_start3A_994 : memref<512xf32, #tpu.memory_space<hbm>>) target_semaphore(%run_scoped3A : memref<!tpu.dma_semaphore, #tpu.memory_space<semaphore_mem>>)
      %dma_wait3A_995 = tpu.memref_slice %arg6[%multiple_of3A] : memref<16384xf32, #tpu.memory_space<hbm>> -> memref<512xf32, #tpu.memory_space<hbm>>
      %dma_wait3A_996 = tpu.memref_slice %arg6[%multiple_of3A] : memref<16384xf32, #tpu.memory_space<hbm>> -> memref<512xf32, #tpu.memory_space<hbm>>
      tpu.wait_dma2 semaphore(%run_scoped3A : memref<!tpu.dma_semaphore, #tpu.memory_space<semaphore_mem>>) src(%arg12 : memref<512xf32, #tpu.memory_space<vmem>>) dst(%dma_wait3A_996 : memref<512xf32, #tpu.memory_space<hbm>>)
      tpu.yield
    }) : () -> ()
    return
  }
}

</mosaic_0001>

<sc_bundles>
// kernel: kernel.3.cloned.1.call-start
scs
__scs_entry_jumppad:
0x0: {  	(pc) =	sbr.rel $0x88, $3  }
0x1: {  	(tag) =	ssettag $0x0;
	lr =	simm.s32 $0x1  }
0x2: {  	[smem:$0x3F9E] =	sst lr;
	_ =	strace $0xD0000000  }
0x3: {  	_ = 	snop  }
0x4: {  	_ = 	snop  }
0x5: {  	_ = 	snop  }
0x6: {  	_ = 	snop  }
0x7: {  	_ = 	snop  }
__scs_overlays_trampoline_lowered:
0x8: {  	[smem:$0x3FAD] =	sst s0  }
0x9: {  	[smem:$0x3FAE] =	sst s1  }
0xa: {  	[smem:$0x3FAF] =	sst s2  }
0xb: {  	[smem:$0x3FB0] =	sst s3  }
0xc: {  	[smem:$0x3FB1] =	sst s4  }
0xd: {  	[smem:$0x3FB2] =	sst s5  }
0xe: {  	[smem:$0x3FB3] =	sst s6  }
0xf: {  	[smem:$0x3FB4] =	sst s7  }
0x10: {  	[smem:$0x3FB5] =	sst s8  }
0x11: {  	[smem:$0x3FB6] =	sst s9;
	s0 =	simm.s32 @!p0 $0x0  }
0x12: {  	s1 =	sld [smem:$0x3F9C];
	s0 =	simm.s32 @p0 $0x1  }
0x13: {  	[smem:$0x3FB7] =	sst s0;
	s0 =	simm.s32 @!p1 $0x0  }
0x14: {  	s2 =	sld [smem:$0x3F9B];
	s0 =	simm.s32 @p1 $0x1  }
0x15: {  	[smem:$0x3FB8] =	sst s0;
	s0 =	simm.s32 @!p2 $0x0  }
0x16: {  	s3 =	sld [smem:$0x3FDB];
	s0 =	simm.s32 @p2 $0x1  }
0x17: {  	s4 =	simm.s32 $0x1BF5;
	[smem:$0x3FBA] =	sst s0  }
0x18: {  	s0 =	sld [smem:$0x3F9D];
	_ =	swait.ge [sflag:s4], $0x0  }
0x19: {  	s7 =	sld [smem:$0x3F9E]  }
0x1a: {  	s8 =	sadd.s32 $0xFFFFE003, lr  }
0x1b: {  	s9 =	sadd.s32 $0xFFFFFEF7, lr;
	s5 =	simm.s32 $0xFFFFFFFF;
	p2 =	slt.u32 s8, $0xFFFFF086  }
0x1c: {  	p1 =	slt.u32 s9, $0xF7A;
	s5 =	simm.s32 @!p2 $0x0  }
0x1d: {  	s5 =	simm.s32 @p1 $0x1;
	p0 =	seq.s32 s7, s2  }
0x1e: {  	s7 =	smul.u32 @!p0 $0xF7A, s2;
	p2 =	seq.s32 @!p0 s5, $0x0  }
0x1f: {  	s9 =	smul.u32 $0xF7A, s1;
	s8 =	simm.s32 @!p0 $0x1BF5;
	p2 =	por !p2, p0  }
0x20: {  	[sflag:s8] =	ssyncset.s32 @!p0 $0xFFFFF086;
	s6 =	sadd.s32 @!p0 s3, s7;
	s7 =	simm.s32 @!p0 $0x108  }
0x21: {  	s3 =	sadd.s32 s3, s9;
	s6 =	sadd.s32 @!p0 $0x88, s6;
	s7 =	simm.s32 @p2 $0x1082  }
0x22: {  	[simem:s7], [sflag:s8] =	dma.local @!p0 [hbm:s6], $0xF7A  }
0x23: {  	s9 =	sor.u32 $0xD0000000, s2;
	s6 =	simm.s32 $0x108;
	_ =	swait.ge @!p0 [sflag:s8], $0x0  }
0x24: {  	s3 =	sadd.s32 $0x88, s3;
	s6 =	simm.s32 @!p1 $0x1082;
	[sflag:s4] =	ssyncset.s32 $0xFFFFF086  }
0x25: {  	[simem:s6], [sflag:s4] =	dma.local [hbm:s3], $0xF7A  }
0x26: {  	[smem:$0x3F9E] =	sst s1;
	(tag) =	ssettag s2;
	_ =	strace s9  }
0x27: {  	s1 =	sld [smem:$0x3FAE]  }
0x28: {  	s2 =	sld [smem:$0x3FAF]  }
0x29: {  	s4 =	sld [smem:$0x3FB1]  }
0x2a: {  	p0 =	seq.s32 s5, $0x0;
	s5 =	sld [smem:$0x3FB2]  }
0x2b: {  	s6 =	sld [smem:$0x3FB3]  }
0x2c: {  	s7 =	sld [smem:$0x3FB4]  }
0x2d: {  	s3 =	simm.s32 $0x108;
	s8 =	sld [smem:$0x3FB5]  }
0x2e: {  	s3 =	simm.s32 @!p0 $0x1082;
	s9 =	sld [smem:$0x3FB6]  }
0x2f: {  	lr =	sadd.s32 s0, s3;
	s0 =	sld [smem:$0x3FAD]  }
0x30: {  	s3 =	sld [smem:$0x3FB0]  }
0x31: {  	[smem:$0x3FB9] =	sst s10  }
0x32: {  	s10 =	sld [smem:$0x3FB7];
	_ =	sdelay $0x3  }
0x33: {  	p0 =	seq.s32 s10, $0x1;
	s10 =	sld [smem:$0x3FB9];
	_ =	sdelay $0x3  }
0x34: {  	[smem:$0x3FB9] =	sst s10  }
0x35: {  	s10 =	sld [smem:$0x3FB8];
	_ =	sdelay $0x3  }
0x36: {  	p1 =	seq.s32 s10, $0x1;
	s10 =	sld [smem:$0x3FB9];
	_ =	sdelay $0x3  }
0x37: {  	[smem:$0x3FB9] =	sst s10  }
0x38: {  	s10 =	sld [smem:$0x3FBA]  }
0x39: {  	_ = 	snop;
	(pc) =	sbr.ind lr, $3  }
0x3a: {  	_ = 	snop  }
0x3b: {  	_ = 	snop  }
0x3c: {  	p2 =	seq.s32 s10, $0x1;
	s10 =	sld [smem:$0x3FB9]  }
0x3d: {  	_ =	shalt  }
0x3e: {  	_ =	shalt  }
0x3f: {  	_ =	shalt  }
0x40: {  	_ =	shalt  }
0x41: {  	_ =	shalt  }
0x42: {  	_ =	shalt  }
0x43: {  	_ =	shalt  }
0x44: {  	_ =	shalt  }
0x45: {  	_ =	shalt  }
0x46: {  	_ =	shalt  }
0x47: {  	_ =	shalt  }
0x48: {  	_ =	shalt  }
0x49: {  	_ =	shalt  }
0x4a: {  	_ =	shalt  }
0x4b: {  	_ =	shalt  }
0x4c: {  	_ =	shalt  }
0x4d: {  	_ =	shalt  }
0x4e: {  	_ =	shalt  }
0x4f: {  	_ =	shalt  }
0x50: {  	_ =	shalt  }
0x51: {  	_ =	shalt  }
0x52: {  	_ =	shalt  }
0x53: {  	_ =	shalt  }
0x54: {  	_ =	shalt  }
0x55: {  	_ =	shalt  }
0x56: {  	_ =	shalt  }
0x57: {  	_ =	shalt  }
0x58: {  	_ =	shalt  }
0x59: {  	_ =	shalt  }
0x5a: {  	_ =	shalt  }
0x5b: {  	_ =	shalt  }
0x5c: {  	_ =	shalt  }
0x5d: {  	_ =	shalt  }
0x5e: {  	_ =	shalt  }
0x5f: {  	_ =	shalt  }
0x60: {  	_ =	shalt  }
0x61: {  	_ =	shalt  }
0x62: {  	_ =	shalt  }
0x63: {  	_ =	shalt  }
0x64: {  	_ =	shalt  }
0x65: {  	_ =	shalt  }
0x66: {  	_ =	shalt  }
0x67: {  	_ =	shalt  }
0x68: {  	_ =	shalt  }
0x69: {  	_ =	shalt  }
0x6a: {  	_ =	shalt  }
0x6b: {  	_ =	shalt  }
0x6c: {  	_ =	shalt  }
0x6d: {  	_ =	shalt  }
0x6e: {  	_ =	shalt  }
0x6f: {  	_ =	shalt  }
0x70: {  	_ =	shalt  }
0x71: {  	_ =	shalt  }
0x72: {  	_ =	shalt  }
0x73: {  	_ =	shalt  }
0x74: {  	_ =	shalt  }
0x75: {  	_ =	shalt  }
0x76: {  	_ =	shalt  }
0x77: {  	_ =	shalt  }
0x78: {  	_ =	shalt  }
0x79: {  	_ =	shalt  }
0x7a: {  	_ =	shalt  }
0x7b: {  	_ =	shalt  }
0x7c: {  	_ =	shalt  }
0x7d: {  	_ =	shalt  }
0x7e: {  	_ =	shalt  }
0x7f: {  	_ =	shalt  }
0x80: {  	_ =	shalt  }
0x81: {  	_ =	shalt  }
0x82: {  	_ =	shalt  }
0x83: {  	_ =	shalt  }
0x84: {  	_ =	shalt  }
0x85: {  	_ =	shalt  }
0x86: {  	_ =	shalt  }
0x87: {  	_ =	shalt  }
.Lfunc_end0:
.L_simem_size_0:
called_computation_lowered:
.L_overlay_start_0:
0x88: {  	s2 =	sld [smem:$0x3FD9]  }
0x89: {  	s3 =	sld [smem:$0x3FFE];
	_ =	sdelay $0x1  }
0x8a: {  	s1 =	srdreg.scid  }
0x8b: {  	s0 =	sand.u32 $0x1, s1  }
0x8c: {  	s17 =	sshll.u32 s0, $0xA;
	s2 =	sadd.s32 s3, s2  }
0x8d: {  	s2 =	sadd.s32 s2, s17  }
0x8e: {  	[smem:$0x3FC5] =	sst s2  }
0x8f: {  	_ = 	snop  }
0x90: {  	s2 =	sld [smem:$0x3FC8]  }
0x91: {  	s18 =	sld [smem:$0x3FC7]  }
0x92: {  	s4 =	sld [smem:$0x3FD0];
	(tm) =	ssettm $0x1  }
0x93: {  	s5 =	sld [smem:$0x3FFB];
	_ =	sdelay $0x3  }
0x94: {  	_ =	strace s5  }
0x95: {  	s5 =	sld [smem:$0x3FFC];
	_ =	sdelay $0x3  }
0x96: {  	_ =	strace s5  }
0x97: {  	s5 =	sld [smem:$0x3FFD];
	_ =	sdelay $0x3  }
0x98: {  	_ =	strace s5  }
0x99: {  	_ =	strace $0x8FFFFFFF  }
0x9a: {  	s19 =	sld [smem:$0x3FDB];
	_ =	sdelay $0x1  }
0x9b: {  	s6 =	simm.s32 $_scs_section_size  }
0x9c: {  	s7 =	simm.s32 $_size__tile_overlayer_lowered;
	s8 =	simm.s32 $_tile_overlayer_lowered  }
0x9d: {  	s22 =	simm.s32 $0x1BFF;
	s21 =	sshll.u32 s8, $0x1;
	s5 =	sadd.s32 s6, s19  }
0x9e: {  	s9 =	simm.s32 $0x0;
	s20 =	sshll.u32 s7, $0x1;
	s7 =	sadd.s32 s21, s5  }
0x9f: {  	[timem:s9], [sflag:s22] =	dma.local [hbm:s7], s20  }
0xa0: {  	_ =	swait.ge [sflag:s22], s20  }
0xa1: {  	s6 =	ssub.s32 $0x0, s20;
	[sflag:s22] =	ssyncset.done $0x0  }
0xa2: {  	[sflag:s22] =	ssyncadd.s32 s6;
	_ =	sdelay $0x1  }
0xa3: {  	s23 =	simm.s32 $0x1B8B  }
0xa4: {  	_ =	swait.ge [sflag:s23], $0x1  }
0xa5: {  	[sflag:s23] =	ssyncset.done $0x0  }
0xa6: {  	s25 =	simm.s32 $0x1B8E;
	s24 =	sld [smem:$0x3FFE];
	[sflag:s23] =	ssyncadd.s32 $0xFFFFFFFF  }
0xa7: {  	s26 =	simm.s32 $execute0_lowered;
	[smem:$0x3FD2] =	sst s25  }
0xa8: {  	s7 =	sshll.u32 s26, $0x1;
	_ =	strace $0x80000046;
	[dreg:$0x1] =	wrdreg $0xFFFFFFFF  }
0xa9: {  	s28 =	simm.s32 $_size_execute0_lowered;
	s5 =	sadd.s32 s5, s7;
	[dreg:$0x0] =	wrdreg $0x0  }
0xaa: {  	s7 =	sshll.u32 s28, $0x1;
	[dreg:$0x2] =	wrdreg s5  }
0xab: {  	[dreg:$0x3] =	wrdreg s7  }
0xac: {  	[dreg:$0x4] =	wrdreg $0xC0  }
0xad: {  	_ =	task [dreg:s9], $0x5FFFF  }
0xae: {  	[dreg:$0x1] =	wrdreg $0xFFFFFFFF  }
0xaf: {  	[dreg:$0x0] =	wrdreg $0x60  }
0xb0: {  	[dreg:$0x2] =	wrdreg s24  }
0xb1: {  	[dreg:$0x3] =	wrdreg s2  }
0xb2: {  	[dreg:$0x4] =	wrdreg s18  }
0xb3: {  	[dreg:$0x5] =	wrdreg s4  }
0xb4: {  	[dreg:$0x6] =	wrdreg $0x9  }
0xb5: {  	_ =	task.clear_ibuf [dreg:s9], $0x7FFFF;
	_ =	strace $0x90000046  }
0xb6: {  	s29 =	simm.s32 $0x9;
	_ =	strace $0x80000048  }
0xb7: {  	_ =	swait.ge [sflag:s29], $0x1  }
0xb8: {  	[sflag:s29] =	ssyncadd.s32 $0xFFFFFFFF  }
0xb9: {  	_ =	strace $0x90000048  }
0xba: {  	_ =	sfence  }
0xbb: {  	s30 =	sld [smem:$0x0];
	_ =	sdelay $0x2  }
0xbc: {  	s31 =	sshll.u32 s1, $0xD;
	s1 =	sshrl.u32 s1, $0x2  }
0xbd: {  	s3 =	sand.u32 $0x4000, s31;
	s1 =	sadd.s32 s1, s30  }
0xbe: {  	s0 =	sor.u32 s3, s0;
	s1 =	sshll.u32 s1, $0x11  }
0xbf: {  	s0 =	sor.u32 s1, s0  }
0xc0: {  	s0 =	sadd.s32 $0x8F2B, s0  }
0xc1: {  	[sflag:s0] =	ssyncadd.remote.s32 $0x1  }
0xc2: {  	_ =	sfence.sel $0xFFFF  }
0xc3: {  	[dreg:$0x0] =	wrdreg $0xFFFFFFFF;
	(pc) =	sbr.abs _section_cstart, $3  }
0xc4: {  	[dreg:$0x1] =	wrdreg $0xFFFFFFFF  }
0xc5: {  	_ =	task.clear_ibuf [dreg:s9], $0x2FFFF;
	_ =	strace $0x9FFFFFFF  }
0xc6: {  	(tm) =	ssettm $0x7FFFFFFF  }
0xc7: {  	_ =	shalt  }
tec
execute0_lowered:
.L_overlay_start_1:
0x0: {  	(tag) =	ssettag $0x1  }
0x1: {  	s0 =	rddreg [dreg:$0x0]  }
0x2: {  	s2 =	rddreg [dreg:$0x1]  }
0x3: {  	s3 =	rddreg [dreg:$0x2];
	s1 =	srdreg.scid  }
0x4: {  	s7 =	rddreg [dreg:$0x3];
	s4 =	stileid.u32  }
0x5: {  	s9 =	simm.s32 $0x1;
	s11 =	simm.s32 $0x400;
	s12 =	simm.s32 $0x7A1400  }
0x6: {  	s13 =	simm.s32 $0x500;
	s14 =	simm.s32 $0xC500;
	s15 =	simm.s32 $0xA500  }
0x7: {  	s16 =	simm.s32 $0x16500;
	s17 =	simm.s32 $0xAD00;
	s18 =	simm.s32 $0x16D00  }
0x8: {  	s19 =	simm.s32 $0x18D00;
	s20 =	simm.s32 $0xE;
	s21 =	simm.s32 $0x0  }
0x9: {  	s1 =	sand.u32 $0x1, s1;
	s5 =	sshll.u32 s4, $0x7;
	s4 =	simm.s32 $0x0  }
0xa: {  	v0 =	vlaneseq.u32;
	s6 =	sshll.u32 s1, $0x6;
	s1 =	ssub.s32 $0x2, s1;
	[smem:$0x7FF] =	sst s4  }
0xb: {  	v0 =	vmul.u32 $0x80, v0;
	s8 =	sor.u32 s6, s5;
	s31 =	sshrl.u32 s1, $0x1;
	_ =	strace $0x80000047  }
0xc: {  	s0 =	sadd.s32 s8, s0;
	s1 =	ssub.s32 s1, s31;
	s7 =	sadd.s32 s7, s8  }
0xd: {  	v1 =	vor.u32 $0x800, v0;
	s5 =	sadd.s32 $0xE00, s0;
	s6 =	sadd.s32 $0x600, s0;
	s8 =	smax.u32 s1, $0x1  }
.LBB2_1:
0xe: {  	[tilespmem:s4], [sflag:$0x1] =	stream.linear.gather [hbm4b:s5+s4], $0x200, $0x38;
	[tilespmem:$0x18F00] =	vst v63  }
0xf: {  	_ =	swait.ge [sflag:s9], $0x200  }
0x10: {  	[sflag:s9] =	ssyncset.done $0x0  }
0x11: {  	s0 =	simm.s32 $0x280;
	[sflag:s9] =	ssyncadd.s32 $0xFFFFFE00  }
0x12: {  	[tilespmem:s0], [sflag:$0x1] =	stream.linear.gather [hbm4b:s6+s4], $0x200, $0x38;
	[tilespmem:$0x18F00] =	vst v63  }
0x13: {  	_ =	swait.ge [sflag:s9], $0x200  }
0x14: {  	[sflag:s9] =	ssyncset.done $0x0  }
0x15: {  	[sflag:s9] =	ssyncadd.s32 $0xFFFFFE00  }
0x16: {  	v2 =	vld [tilespmem:$0x0];
	_ =	sdelay $0x1  }
0x17: {  	v3 =	vld [tilespmem:$0x280];
	_ =	sdelay $0x2  }
0x18: {  	(v2sf) =	vpush v2, $0x0;
	_ =	sdelay $0x1  }
0x19: {  	(v2sf) =	vpush v3, $0x0;
	_ =	sdelay $0x2  }
0x1a: {  	(v2sf) =	vpush v2, $0x1;
	_ =	sdelay $0x2  }
0x1b: {  	(v2sf) =	vpush v3, $0x1;
	_ =	sdelay $0x6  }
0x1c: {  	s22 =	spop (v2sf)  }
0x1d: {  	s22 =	sand.u32 $0xFFFFF80, s22  }
0x1e: {  	s0 =	spop (v2sf);
	s22 =	sadd.s32 s2, s22  }
0x1f: {  	[tilespmem:s13], [sflag:$0x2] =	stream.strided.gather [hbm4b:s22+s11], $0x800, s12, s11, $0x38;
	[tilespmem:$0x18F00] =	vst v63  }
0x20: {  	s22 =	sand.u32 $0xFFFFF80, s0  }
0x21: {  	s1 =	spop (v2sf);
	s22 =	sadd.s32 s3, s22  }
0x22: {  	[tilespmem:s14], [sflag:$0x2] =	stream.strided.gather [hbm4b:s22+s11], $0x800, s12, s11, $0x38;
	[tilespmem:$0x18F00] =	vst v63  }
0x23: {  	s22 =	sand.u32 $0xFFFFF80, s1  }
0x24: {  	s10 =	simm.s32 $0xD00;
	s23 =	spop (v2sf);
	s22 =	sadd.s32 s2, s22  }
0x25: {  	[tilespmem:s10], [sflag:$0x2] =	stream.strided.gather [hbm4b:s22+s11], $0x800, s12, s11, $0x38;
	[tilespmem:$0x18F00] =	vst v63  }
0x26: {  	s22 =	sand.u32 $0xFFFFF80, s23  }
0x27: {  	s24 =	simm.s32 $0xCD00;
	s22 =	sadd.s32 s3, s22  }
0x28: {  	[tilespmem:s24], [sflag:$0x2] =	stream.strided.gather [hbm4b:s22+s11], $0x800, s12, s11, $0x38;
	[tilespmem:$0x18F00] =	vst v63  }
0x29: {  	v2 =	vld [tilespmem:$0x2];
	_ =	sdelay $0x1  }
0x2a: {  	v3 =	vld [tilespmem:$0x282];
	_ =	sdelay $0x2  }
0x2b: {  	(v2sf) =	vpush v2, $0x0;
	_ =	sdelay $0x1  }
0x2c: {  	(v2sf) =	vpush v3, $0x0;
	_ =	sdelay $0x2  }
0x2d: {  	(v2sf) =	vpush v2, $0x1;
	_ =	sdelay $0x2  }
0x2e: {  	(v2sf) =	vpush v3, $0x1;
	_ =	sdelay $0x6  }
0x2f: {  	s25 =	spop (v2sf)  }
0x30: {  	s22 =	sand.u32 $0xFFFFF80, s25  }
0x31: {  	s26 =	simm.s32 $0x1500;
	s28 =	spop (v2sf);
	s22 =	sadd.s32 s2, s22  }
0x32: {  	[tilespmem:s26], [sflag:$0x3] =	stream.strided.gather [hbm4b:s22+s11], $0x800, s12, s11, $0x38;
	[tilespmem:$0x18F00] =	vst v63  }
0x33: {  	s22 =	sand.u32 $0xFFFFF80, s28  }
0x34: {  	s29 =	simm.s32 $0xD500;
	s30 =	spop (v2sf);
	s22 =	sadd.s32 s3, s22  }
0x35: {  	[tilespmem:s29], [sflag:$0x3] =	stream.strided.gather [hbm4b:s22+s11], $0x800, s12, s11, $0x38;
	[tilespmem:$0x18F00] =	vst v63  }
0x36: {  	s22 =	sand.u32 $0xFFFFF80, s30  }
0x37: {  	s31 =	simm.s32 $0x1D00;
	s1 =	spop (v2sf);
	s22 =	sadd.s32 s2, s22  }
0x38: {  	[tilespmem:s31], [sflag:$0x3] =	stream.strided.gather [hbm4b:s22+s11], $0x800, s12, s11, $0x38;
	[tilespmem:$0x18F00] =	vst v63  }
0x39: {  	s22 =	sand.u32 $0xFFFFF80, s1  }
0x3a: {  	s10 =	simm.s32 $0xDD00;
	s22 =	sadd.s32 s3, s22  }
0x3b: {  	[tilespmem:s10], [sflag:$0x3] =	stream.strided.gather [hbm4b:s22+s11], $0x800, s12, s11, $0x38;
	[tilespmem:$0x18F00] =	vst v63  }
0x3c: {  	v2 =	vld [tilespmem:$0x4];
	_ =	sdelay $0x1  }
0x3d: {  	v3 =	vld [tilespmem:$0x284];
	_ =	sdelay $0x2  }
0x3e: {  	(v2sf) =	vpush v2, $0x0;
	_ =	sdelay $0x1  }
0x3f: {  	(v2sf) =	vpush v3, $0x0;
	_ =	sdelay $0x2  }
0x40: {  	(v2sf) =	vpush v2, $0x1;
	_ =	sdelay $0x2  }
0x41: {  	(v2sf) =	vpush v3, $0x1;
	_ =	sdelay $0x6  }
0x42: {  	s23 =	spop (v2sf)  }
0x43: {  	s22 =	sand.u32 $0xFFFFF80, s23  }
0x44: {  	s24 =	simm.s32 $0x2500;
	s25 =	spop (v2sf);
	s22 =	sadd.s32 s2, s22  }
0x45: {  	[tilespmem:s24], [sflag:$0x4] =	stream.strided.gather [hbm4b:s22+s11], $0x800, s12, s11, $0x38;
	[tilespmem:$0x18F00] =	vst v63  }
0x46: {  	s22 =	sand.u32 $0xFFFFF80, s25  }
0x47: {  	s26 =	simm.s32 $0xE500;
	s28 =	spop (v2sf);
	s22 =	sadd.s32 s3, s22  }
0x48: {  	[tilespmem:s26], [sflag:$0x4] =	stream.strided.gather [hbm4b:s22+s11], $0x800, s12, s11, $0x38;
	[tilespmem:$0x18F00] =	vst v63  }
0x49: {  	s22 =	sand.u32 $0xFFFFF80, s28  }
0x4a: {  	s29 =	simm.s32 $0x2D00;
	s30 =	spop (v2sf);
	s22 =	sadd.s32 s2, s22  }
0x4b: {  	[tilespmem:s29], [sflag:$0x4] =	stream.strided.gather [hbm4b:s22+s11], $0x800, s12, s11, $0x38;
	[tilespmem:$0x18F00] =	vst v63  }
0x4c: {  	s22 =	sand.u32 $0xFFFFF80, s30  }
0x4d: {  	s31 =	simm.s32 $0xED00;
	s22 =	sadd.s32 s3, s22  }
0x4e: {  	[tilespmem:s31], [sflag:$0x4] =	stream.strided.gather [hbm4b:s22+s11], $0x800, s12, s11, $0x38;
	[tilespmem:$0x18F00] =	vst v63  }
0x4f: {  	v2 =	vld [tilespmem:$0x6];
	_ =	sdelay $0x1  }
0x50: {  	v3 =	vld [tilespmem:$0x286];
	_ =	sdelay $0x2  }
0x51: {  	(v2sf) =	vpush v2, $0x0;
	_ =	sdelay $0x1  }
0x52: {  	(v2sf) =	vpush v3, $0x0;
	_ =	sdelay $0x2  }
0x53: {  	(v2sf) =	vpush v2, $0x1;
	_ =	sdelay $0x2  }
0x54: {  	(v2sf) =	vpush v3, $0x1;
	_ =	sdelay $0x6  }
0x55: {  	s1 =	spop (v2sf)  }
0x56: {  	s22 =	sand.u32 $0xFFFFF80, s1  }
0x57: {  	s10 =	simm.s32 $0x3500;
	s23 =	spop (v2sf);
	s22 =	sadd.s32 s2, s22  }
0x58: {  	[tilespmem:s10], [sflag:$0x5] =	stream.strided.gather [hbm4b:s22+s11], $0x800, s12, s11, $0x38;
	[tilespmem:$0x18F00] =	vst v63  }
0x59: {  	s22 =	sand.u32 $0xFFFFF80, s23  }
0x5a: {  	s24 =	simm.s32 $0xF500;
	s25 =	spop (v2sf);
	s22 =	sadd.s32 s3, s22  }
0x5b: {  	[tilespmem:s24], [sflag:$0x5] =	stream.strided.gather [hbm4b:s22+s11], $0x800, s12, s11, $0x38;
	[tilespmem:$0x18F00] =	vst v63  }
0x5c: {  	s22 =	sand.u32 $0xFFFFF80, s25  }
0x5d: {  	s26 =	simm.s32 $0x3D00;
	s28 =	spop (v2sf);
	s22 =	sadd.s32 s2, s22  }
0x5e: {  	[tilespmem:s26], [sflag:$0x5] =	stream.strided.gather [hbm4b:s22+s11], $0x800, s12, s11, $0x38;
	[tilespmem:$0x18F00] =	vst v63  }
0x5f: {  	s22 =	sand.u32 $0xFFFFF80, s28  }
0x60: {  	s29 =	simm.s32 $0xFD00;
	s22 =	sadd.s32 s3, s22  }
0x61: {  	[tilespmem:s29], [sflag:$0x5] =	stream.strided.gather [hbm4b:s22+s11], $0x800, s12, s11, $0x38;
	[tilespmem:$0x18F00] =	vst v63  }
0x62: {  	v2 =	vld [tilespmem:$0x8];
	_ =	sdelay $0x1  }
0x63: {  	v3 =	vld [tilespmem:$0x288];
	_ =	sdelay $0x2  }
0x64: {  	(v2sf) =	vpush v2, $0x0;
	_ =	sdelay $0x1  }
0x65: {  	(v2sf) =	vpush v3, $0x0;
	_ =	sdelay $0x2  }
0x66: {  	(v2sf) =	vpush v2, $0x1;
	_ =	sdelay $0x2  }
0x67: {  	(v2sf) =	vpush v3, $0x1;
	_ =	sdelay $0x6  }
0x68: {  	s30 =	spop (v2sf)  }
0x69: {  	s22 =	sand.u32 $0xFFFFF80, s30  }
0x6a: {  	s31 =	simm.s32 $0x4500;
	s1 =	spop (v2sf);
	s22 =	sadd.s32 s2, s22  }
0x6b: {  	[tilespmem:s31], [sflag:$0x6] =	stream.strided.gather [hbm4b:s22+s11], $0x800, s12, s11, $0x38;
	[tilespmem:$0x18F00] =	vst v63  }
0x6c: {  	s22 =	sand.u32 $0xFFFFF80, s1  }
0x6d: {  	s10 =	simm.s32 $0x10500;
	s23 =	spop (v2sf);
	s22 =	sadd.s32 s3, s22  }
0x6e: {  	[tilespmem:s10], [sflag:$0x6] =	stream.strided.gather [hbm4b:s22+s11], $0x800, s12, s11, $0x38;
	[tilespmem:$0x18F00] =	vst v63  }
0x6f: {  	s22 =	sand.u32 $0xFFFFF80, s23  }
0x70: {  	s24 =	simm.s32 $0x4D00;
	s25 =	spop (v2sf);
	s22 =	sadd.s32 s2, s22  }
0x71: {  	[tilespmem:s24], [sflag:$0x6] =	stream.strided.gather [hbm4b:s22+s11], $0x800, s12, s11, $0x38;
	[tilespmem:$0x18F00] =	vst v63  }
0x72: {  	s22 =	sand.u32 $0xFFFFF80, s25  }
0x73: {  	s26 =	simm.s32 $0x10D00;
	s22 =	sadd.s32 s3, s22  }
0x74: {  	[tilespmem:s26], [sflag:$0x6] =	stream.strided.gather [hbm4b:s22+s11], $0x800, s12, s11, $0x38;
	[tilespmem:$0x18F00] =	vst v63  }
0x75: {  	v2 =	vld [tilespmem:$0xA];
	_ =	sdelay $0x1  }
0x76: {  	v3 =	vld [tilespmem:$0x28A];
	_ =	sdelay $0x2  }
0x77: {  	(v2sf) =	vpush v2, $0x0;
	_ =	sdelay $0x1  }
0x78: {  	(v2sf) =	vpush v3, $0x0;
	_ =	sdelay $0x2  }
0x79: {  	(v2sf) =	vpush v2, $0x1;
	_ =	sdelay $0x2  }
0x7a: {  	(v2sf) =	vpush v3, $0x1;
	_ =	sdelay $0x6  }
0x7b: {  	s28 =	spop (v2sf)  }
0x7c: {  	s22 =	sand.u32 $0xFFFFF80, s28  }
0x7d: {  	s29 =	simm.s32 $0x5500;
	s30 =	spop (v2sf);
	s22 =	sadd.s32 s2, s22  }
0x7e: {  	[tilespmem:s29], [sflag:$0x7] =	stream.strided.gather [hbm4b:s22+s11], $0x800, s12, s11, $0x38;
	[tilespmem:$0x18F00] =	vst v63  }
0x7f: {  	s22 =	sand.u32 $0xFFFFF80, s30  }
0x80: {  	s31 =	simm.s32 $0x11500;
	s1 =	spop (v2sf);
	s22 =	sadd.s32 s3, s22  }
0x81: {  	[tilespmem:s31], [sflag:$0x7] =	stream.strided.gather [hbm4b:s22+s11], $0x800, s12, s11, $0x38;
	[tilespmem:$0x18F00] =	vst v63  }
0x82: {  	s22 =	sand.u32 $0xFFFFF80, s1  }
0x83: {  	s10 =	simm.s32 $0x5D00;
	s23 =	spop (v2sf);
	s22 =	sadd.s32 s2, s22  }
0x84: {  	[tilespmem:s10], [sflag:$0x7] =	stream.strided.gather [hbm4b:s22+s11], $0x800, s12, s11, $0x38;
	[tilespmem:$0x18F00] =	vst v63  }
0x85: {  	s22 =	sand.u32 $0xFFFFF80, s23  }
0x86: {  	s24 =	simm.s32 $0x11D00;
	s22 =	sadd.s32 s3, s22  }
0x87: {  	[tilespmem:s24], [sflag:$0x7] =	stream.strided.gather [hbm4b:s22+s11], $0x800, s12, s11, $0x38;
	[tilespmem:$0x18F00] =	vst v63  }
0x88: {  	v2 =	vld [tilespmem:$0xC];
	_ =	sdelay $0x1  }
0x89: {  	v3 =	vld [tilespmem:$0x28C];
	_ =	sdelay $0x2  }
0x8a: {  	(v2sf) =	vpush v2, $0x0;
	_ =	sdelay $0x1  }
0x8b: {  	(v2sf) =	vpush v3, $0x0;
	_ =	sdelay $0x2  }
0x8c: {  	(v2sf) =	vpush v2, $0x1;
	_ =	sdelay $0x2  }
0x8d: {  	(v2sf) =	vpush v3, $0x1;
	_ =	sdelay $0x6  }
0x8e: {  	s25 =	spop (v2sf)  }
0x8f: {  	s22 =	sand.u32 $0xFFFFF80, s25  }
0x90: {  	s26 =	simm.s32 $0x6500;
	s28 =	spop (v2sf);
	s22 =	sadd.s32 s2, s22  }
0x91: {  	[tilespmem:s26], [sflag:$0x8] =	stream.strided.gather [hbm4b:s22+s11], $0x800, s12, s11, $0x38;
	[tilespmem:$0x18F00] =	vst v63  }
0x92: {  	s22 =	sand.u32 $0xFFFFF80, s28  }
0x93: {  	s29 =	simm.s32 $0x12500;
	s30 =	spop (v2sf);
	s22 =	sadd.s32 s3, s22  }
0x94: {  	[tilespmem:s29], [sflag:$0x8] =	stream.strided.gather [hbm4b:s22+s11], $0x800, s12, s11, $0x38;
	[tilespmem:$0x18F00] =	vst v63  }
0x95: {  	s22 =	sand.u32 $0xFFFFF80, s30  }
0x96: {  	s31 =	simm.s32 $0x6D00;
	s1 =	spop (v2sf);
	s22 =	sadd.s32 s2, s22  }
0x97: {  	[tilespmem:s31], [sflag:$0x8] =	stream.strided.gather [hbm4b:s22+s11], $0x800, s12, s11, $0x38;
	[tilespmem:$0x18F00] =	vst v63  }
0x98: {  	s22 =	sand.u32 $0xFFFFF80, s1  }
0x99: {  	s10 =	simm.s32 $0x12D00;
	s22 =	sadd.s32 s3, s22  }
0x9a: {  	[tilespmem:s10], [sflag:$0x8] =	stream.strided.gather [hbm4b:s22+s11], $0x800, s12, s11, $0x38;
	[tilespmem:$0x18F00] =	vst v63  }
0x9b: {  	v2 =	vld [tilespmem:$0xE];
	_ =	sdelay $0x1  }
0x9c: {  	v3 =	vld [tilespmem:$0x28E];
	_ =	sdelay $0x2  }
0x9d: {  	(v2sf) =	vpush v2, $0x0;
	_ =	sdelay $0x1  }
0x9e: {  	(v2sf) =	vpush v3, $0x0;
	_ =	sdelay $0x2  }
0x9f: {  	(v2sf) =	vpush v2, $0x1;
	_ =	sdelay $0x2  }
0xa0: {  	(v2sf) =	vpush v3, $0x1;
	_ =	sdelay $0x6  }
0xa1: {  	s23 =	spop (v2sf)  }
0xa2: {  	s22 =	sand.u32 $0xFFFFF80, s23  }
0xa3: {  	s24 =	simm.s32 $0x7500;
	s25 =	spop (v2sf);
	s22 =	sadd.s32 s2, s22  }
0xa4: {  	[tilespmem:s24], [sflag:$0x9] =	stream.strided.gather [hbm4b:s22+s11], $0x800, s12, s11, $0x38;
	[tilespmem:$0x18F00] =	vst v63  }
0xa5: {  	s22 =	sand.u32 $0xFFFFF80, s25  }
0xa6: {  	s26 =	simm.s32 $0x13500;
	s28 =	spop (v2sf);
	s22 =	sadd.s32 s3, s22  }
0xa7: {  	[tilespmem:s26], [sflag:$0x9] =	stream.strided.gather [hbm4b:s22+s11], $0x800, s12, s11, $0x38;
	[tilespmem:$0x18F00] =	vst v63  }
0xa8: {  	s22 =	sand.u32 $0xFFFFF80, s28  }
0xa9: {  	s29 =	simm.s32 $0x7D00;
	s30 =	spop (v2sf);
	s22 =	sadd.s32 s2, s22  }
0xaa: {  	[tilespmem:s29], [sflag:$0x9] =	stream.strided.gather [hbm4b:s22+s11], $0x800, s12, s11, $0x38;
	[tilespmem:$0x18F00] =	vst v63  }
0xab: {  	s22 =	sand.u32 $0xFFFFF80, s30  }
0xac: {  	s31 =	simm.s32 $0x13D00;
	s22 =	sadd.s32 s3, s22  }
0xad: {  	[tilespmem:s31], [sflag:$0x9] =	stream.strided.gather [hbm4b:s22+s11], $0x800, s12, s11, $0x38;
	[tilespmem:$0x18F00] =	vst v63  }
0xae: {  	v2 =	vld [tilespmem:$0x10];
	_ =	sdelay $0x1  }
0xaf: {  	v3 =	vld [tilespmem:$0x290];
	_ =	sdelay $0x2  }
0xb0: {  	(v2sf) =	vpush v2, $0x0;
	_ =	sdelay $0x1  }
0xb1: {  	(v2sf) =	vpush v3, $0x0;
	_ =	sdelay $0x2  }
0xb2: {  	(v2sf) =	vpush v2, $0x1;
	_ =	sdelay $0x2  }
0xb3: {  	(v2sf) =	vpush v3, $0x1;
	_ =	sdelay $0x6  }
0xb4: {  	s1 =	spop (v2sf)  }
0xb5: {  	s22 =	sand.u32 $0xFFFFF80, s1  }
0xb6: {  	s10 =	simm.s32 $0x8500;
	s23 =	spop (v2sf);
	s22 =	sadd.s32 s2, s22  }
0xb7: {  	[tilespmem:s10], [sflag:$0xA] =	stream.strided.gather [hbm4b:s22+s11], $0x800, s12, s11, $0x38;
	[tilespmem:$0x18F00] =	vst v63  }
0xb8: {  	s22 =	sand.u32 $0xFFFFF80, s23  }
0xb9: {  	s24 =	simm.s32 $0x14500;
	s25 =	spop (v2sf);
	s22 =	sadd.s32 s3, s22  }
0xba: {  	[tilespmem:s24], [sflag:$0xA] =	stream.strided.gather [hbm4b:s22+s11], $0x800, s12, s11, $0x38;
	[tilespmem:$0x18F00] =	vst v63  }
0xbb: {  	s22 =	sand.u32 $0xFFFFF80, s25  }
0xbc: {  	s26 =	simm.s32 $0x8D00;
	s28 =	spop (v2sf);
	s22 =	sadd.s32 s2, s22  }
0xbd: {  	[tilespmem:s26], [sflag:$0xA] =	stream.strided.gather [hbm4b:s22+s11], $0x800, s12, s11, $0x38;
	[tilespmem:$0x18F00] =	vst v63  }
0xbe: {  	s22 =	sand.u32 $0xFFFFF80, s28  }
0xbf: {  	s29 =	simm.s32 $0x14D00;
	s22 =	sadd.s32 s3, s22  }
0xc0: {  	[tilespmem:s29], [sflag:$0xA] =	stream.strided.gather [hbm4b:s22+s11], $0x800, s12, s11, $0x38;
	[tilespmem:$0x18F00] =	vst v63  }
0xc1: {  	v2 =	vld [tilespmem:$0x12];
	_ =	sdelay $0x1  }
0xc2: {  	v3 =	vld [tilespmem:$0x292];
	_ =	sdelay $0x2  }
0xc3: {  	(v2sf) =	vpush v2, $0x0;
	_ =	sdelay $0x1  }
0xc4: {  	(v2sf) =	vpush v3, $0x0;
	_ =	sdelay $0x2  }
0xc5: {  	(v2sf) =	vpush v2, $0x1;
	_ =	sdelay $0x2  }
0xc6: {  	(v2sf) =	vpush v3, $0x1;
	_ =	sdelay $0x6  }
0xc7: {  	s30 =	spop (v2sf)  }
0xc8: {  	s22 =	sand.u32 $0xFFFFF80, s30  }
0xc9: {  	s31 =	simm.s32 $0x9500;
	s0 =	spop (v2sf);
	s22 =	sadd.s32 s2, s22  }
0xca: {  	[tilespmem:s31], [sflag:$0xB] =	stream.strided.gather [hbm4b:s22+s11], $0x800, s12, s11, $0x38;
	[tilespmem:$0x18F00] =	vst v63  }
0xcb: {  	s22 =	sand.u32 $0xFFFFF80, s0  }
0xcc: {  	s1 =	simm.s32 $0x15500;
	s10 =	spop (v2sf);
	s22 =	sadd.s32 s3, s22  }
0xcd: {  	[tilespmem:s1], [sflag:$0xB] =	stream.strided.gather [hbm4b:s22+s11], $0x800, s12, s11, $0x38;
	[tilespmem:$0x18F00] =	vst v63  }
0xce: {  	s22 =	sand.u32 $0xFFFFF80, s10  }
0xcf: {  	s23 =	simm.s32 $0x9D00;
	s24 =	spop (v2sf);
	s22 =	sadd.s32 s2, s22  }
0xd0: {  	[tilespmem:s23], [sflag:$0xB] =	stream.strided.gather [hbm4b:s22+s11], $0x800, s12, s11, $0x38;
	[tilespmem:$0x18F00] =	vst v63  }
0xd1: {  	s22 =	sand.u32 $0xFFFFF80, s24  }
0xd2: {  	s25 =	simm.s32 $0x15D00;
	s22 =	sadd.s32 s3, s22  }
0xd3: {  	[tilespmem:s25], [sflag:$0xB] =	stream.strided.gather [hbm4b:s22+s11], $0x800, s12, s11, $0x38;
	[tilespmem:$0x18F00] =	vst v63  }
0xd4: {  	v2 =	vld [tilespmem:$0x14]  }
0xd5: {  	v3 =	vld [tilespmem:$0x294];
	_ =	sdelay $0x3  }
0xd6: {  	(v2sf) =	vpush v2, $0x0  }
0xd7: {  	(v2sf) =	vpush v3, $0x0  }
0xd8: {  	(v2sf) =	vpush v2, $0x1;
	_ =	sdelay $0x3  }
0xd9: {  	(v2sf) =	vpush v3, $0x1;
	_ =	sdelay $0x8  }
0xda: {  	s26 =	spop (v2sf)  }
0xdb: {  	s22 =	sand.u32 $0xFFFFF80, s26;
	s23 =	spop (v2sf)  }
0xdc: {  	s22 =	sadd.s32 s2, s22;
	s28 =	sand.u32 $0xFFFFF80, s23;
	s29 =	spop (v2sf)  }
0xdd: {  	[tilespmem:s15], [sflag:$0xC] =	stream.strided.gather [hbm4b:s22+s11], $0x800, s12, s11, $0x38;
	[tilespmem:$0x18F00] =	vst v63  }
0xde: {  	s22 =	sadd.s32 s3, s28;
	s30 =	sand.u32 $0xFFFFF80, s29  }
0xdf: {  	[tilespmem:s16], [sflag:$0xC] =	stream.strided.gather [hbm4b:s22+s11], $0x800, s12, s11, $0x38;
	[tilespmem:$0x18F00] =	vst v63  }
0xe0: {  	s31 =	spop (v2sf);
	s22 =	sadd.s32 s2, s30  }
0xe1: {  	[tilespmem:s17], [sflag:$0xC] =	stream.strided.gather [hbm4b:s22+s11], $0x800, s12, s11, $0x38;
	[tilespmem:$0x18F00] =	vst v63  }
0xe2: {  	s22 =	sand.u32 $0xFFFFF80, s31  }
0xe3: {  	s24 =	simm.s32 $0x0;
	s22 =	sadd.s32 s3, s22  }
0xe4: {  	[tilespmem:s18], [sflag:$0xC] =	stream.strided.gather [hbm4b:s22+s11], $0x800, s12, s11, $0x38;
	[tilespmem:$0x18F00] =	vst v63  }
0xe5: {  	s25 =	simm.s32 $0x0;
	s23 =	simm.s32 $0x18CF2;
	s22 =	simm.s32 $0x296  }
.LBB2_2:
0xe6: {  	s26 =	sadd.s32 $0xB, s25  }
0xe7: {  	p0 =	sgt.u32 s26, $0xFF  }
.Ltmp0:
0xe8: {  	_ = 	snop;
	(pc) =	sbr.rel @p0 .LBB2_6-.Ltmp0, $1  }
0xe9: {  	_ =	sdelay $0x3  }
0xea: {  	v2 =	vld [tilespmem:s24+$0x16]  }
0xeb: {  	v3 =	vld [tilespmem:s22+$0x0];
	_ =	sdelay $0x3  }
0xec: {  	(v2sf) =	vpush v2, $0x0  }
0xed: {  	(v2sf) =	vpush v3, $0x0  }
0xee: {  	(v2sf) =	vpush v2, $0x1  }
0xef: {  	(v2sf) =	vpush v3, $0x1;
	_ =	sdelay $0x3  }
0xf0: {  	s28 =	smul.u32 $0xAB, s26;
	_ =	sdelay $0x1  }
0xf1: {  	s28 =	sshrl.u32 s28, $0xB  }
0xf2: {  	s28 =	sand.u32 $0x1F, s28  }
0xf3: {  	s28 =	smul.u32 $0xC, s28;
	_ =	sdelay $0x1  }
0xf4: {  	s1 =	ssub.s32 s26, s28  }
0xf5: {  	s31 =	sand.u32 $0xFF, s1  }
0xf6: {  	p0 =	sgt.s32 s31, $0x5;
	s29 =	spop (v2sf)  }
.Ltmp1:
0xf7: {  	s30 =	spop (v2sf);
	(pc) =	sbr.rel @p0 .LBB2_5-.Ltmp1, $4  }
0xf8: {  	s29 =	sand.u32 $0xFFFFF80, s29;
	s0 =	spop (v2sf)  }
0xf9: {  	s28 =	sadd.s32 s2, s29;
	s29 =	sand.u32 $0xFFFFF80, s30;
	s30 =	spop (v2sf)  }
0xfa: {  	s0 =	sand.u32 $0xFFFFF80, s0;
	s10 =	sand.u32 $0xFFFFF80, s30  }
0xfb: {  	s30 =	sadd.s32 s3, s29;
	s29 =	sadd.s32 s2, s0;
	s26 =	sadd.s32 s3, s10  }
0xfc: {  	p0 =	sgt.s32 s31, $0x2  }
0xfd: {  	p1 =	seq.s32 @p0 s31, $0x3  }
0xfe: {  	p2 =	por !p1, !p0  }
0xff: {  	s0 =	simm.s32 @!p2 $0x400;
	s1 =	simm.s32 @!p2 $0x7A1400;
	s10 =	simm.s32 @!p2 $0x3500  }
0x100: {  	[tilespmem:s10], [sflag:$0x5] =	stream.strided.gather @!p2 [hbm4b:s28+s0], $0x800, s1, s0, $0x38;
	[tilespmem:$0x18F00] =	vst v63  }
0x101: {  	s10 =	simm.s32 @!p2 $0xF500  }
0x102: {  	[tilespmem:s10], [sflag:$0x5] =	stream.strided.gather @!p2 [hbm4b:s30+s0], $0x800, s1, s0, $0x38;
	[tilespmem:$0x18F00] =	vst v63  }
0x103: {  	s10 =	simm.s32 @!p2 $0x3D00  }
0x104: {  	[tilespmem:s10], [sflag:$0x5] =	stream.strided.gather @!p2 [hbm4b:s29+s0], $0x800, s1, s0, $0x38;
	[tilespmem:$0x18F00] =	vst v63  }
0x105: {  	s10 =	simm.s32 @!p2 $0xFD00  }
0x106: {  	[tilespmem:s10], [sflag:$0x5] =	stream.strided.gather @!p2 [hbm4b:s26+s0], $0x800, s1, s0, $0x38;
	[tilespmem:$0x18F00] =	vst v63  }
0x107: {  	p2 =	por p1, !p0  }
0x108: {  	p2 =	seq.s32 @!p2 s31, $0x4  }
0x109: {  	p3 =	por @p0 !p2, p1  }
0x10a: {  	p3 =	por p3, !p0  }
0x10b: {  	s0 =	simm.s32 @!p3 $0x400;
	s1 =	simm.s32 @!p3 $0x7A1400;
	s10 =	simm.s32 @!p3 $0x4500  }
0x10c: {  	[tilespmem:s10], [sflag:$0x6] =	stream.strided.gather @!p3 [hbm4b:s28+s0], $0x800, s1, s0, $0x38;
	[tilespmem:$0x18F00] =	vst v63  }
0x10d: {  	s10 =	simm.s32 @!p3 $0x10500  }
0x10e: {  	[tilespmem:s10], [sflag:$0x6] =	stream.strided.gather @!p3 [hbm4b:s30+s0], $0x800, s1, s0, $0x38;
	[tilespmem:$0x18F00] =	vst v63  }
0x10f: {  	p1 =	por @p0 p2, p1;
	s10 =	simm.s32 @!p3 $0x4D00  }
0x110: {  	[tilespmem:s10], [sflag:$0x6] =	stream.strided.gather @!p3 [hbm4b:s29+s0], $0x800, s1, s0, $0x38;
	[tilespmem:$0x18F00] =	vst v63  }
0x111: {  	p1 =	por p1, !p0;
	s10 =	simm.s32 @!p3 $0x10D00  }
0x112: {  	[tilespmem:s10], [sflag:$0x6] =	stream.strided.gather @!p3 [hbm4b:s26+s0], $0x800, s1, s0, $0x38;
	[tilespmem:$0x18F00] =	vst v63  }
0x113: {  	s0 =	simm.s32 @!p1 $0x400;
	s1 =	simm.s32 @!p1 $0x7A1400;
	s10 =	simm.s32 @!p1 $0x5500  }
0x114: {  	[tilespmem:s10], [sflag:$0x7] =	stream.strided.gather @!p1 [hbm4b:s28+s0], $0x800, s1, s0, $0x38;
	[tilespmem:$0x18F00] =	vst v63  }
0x115: {  	s10 =	simm.s32 @!p1 $0x11500  }
0x116: {  	[tilespmem:s10], [sflag:$0x7] =	stream.strided.gather @!p1 [hbm4b:s30+s0], $0x800, s1, s0, $0x38;
	[tilespmem:$0x18F00] =	vst v63  }
0x117: {  	s10 =	simm.s32 @!p1 $0x5D00  }
0x118: {  	[tilespmem:s10], [sflag:$0x7] =	stream.strided.gather @!p1 [hbm4b:s29+s0], $0x800, s1, s0, $0x38;
	[tilespmem:$0x18F00] =	vst v63  }
0x119: {  	s10 =	simm.s32 @!p1 $0x11D00  }
0x11a: {  	[tilespmem:s10], [sflag:$0x7] =	stream.strided.gather @!p1 [hbm4b:s26+s0], $0x800, s1, s0, $0x38;
	[tilespmem:$0x18F00] =	vst v63  }
0x11b: {  	p1 =	seq.s32 @!p0 s31, $0x0  }
0x11c: {  	p2 =	por !p1, p0  }
0x11d: {  	s0 =	simm.s32 @!p2 $0x400;
	s1 =	simm.s32 @!p2 $0x7A1400;
	s10 =	simm.s32 @!p2 $0x500  }
0x11e: {  	[tilespmem:s10], [sflag:$0x2] =	stream.strided.gather @!p2 [hbm4b:s28+s0], $0x800, s1, s0, $0x38;
	[tilespmem:$0x18F00] =	vst v63  }
0x11f: {  	s10 =	simm.s32 @!p2 $0xC500  }
0x120: {  	[tilespmem:s10], [sflag:$0x2] =	stream.strided.gather @!p2 [hbm4b:s30+s0], $0x800, s1, s0, $0x38;
	[tilespmem:$0x18F00] =	vst v63  }
0x121: {  	s10 =	simm.s32 @!p2 $0xD00  }
0x122: {  	[tilespmem:s10], [sflag:$0x2] =	stream.strided.gather @!p2 [hbm4b:s29+s0], $0x800, s1, s0, $0x38;
	[tilespmem:$0x18F00] =	vst v63  }
0x123: {  	s10 =	simm.s32 @!p2 $0xCD00  }
0x124: {  	[tilespmem:s10], [sflag:$0x2] =	stream.strided.gather @!p2 [hbm4b:s26+s0], $0x800, s1, s0, $0x38;
	[tilespmem:$0x18F00] =	vst v63  }
0x125: {  	p2 =	por p1, p0  }
0x126: {  	p2 =	seq.s32 @!p2 s31, $0x1  }
0x127: {  	p3 =	por @!p0 !p2, p1  }
0x128: {  	p3 =	por p3, p0  }
0x129: {  	s0 =	simm.s32 @!p3 $0x400;
	s1 =	simm.s32 @!p3 $0x7A1400;
	s10 =	simm.s32 @!p3 $0x1500  }
0x12a: {  	[tilespmem:s10], [sflag:$0x3] =	stream.strided.gather @!p3 [hbm4b:s28+s0], $0x800, s1, s0, $0x38;
	[tilespmem:$0x18F00] =	vst v63  }
0x12b: {  	s10 =	simm.s32 @!p3 $0xD500  }
0x12c: {  	[tilespmem:s10], [sflag:$0x3] =	stream.strided.gather @!p3 [hbm4b:s30+s0], $0x800, s1, s0, $0x38;
	[tilespmem:$0x18F00] =	vst v63  }
0x12d: {  	p1 =	por @!p0 p2, p1;
	s10 =	simm.s32 @!p3 $0x1D00  }
0x12e: {  	[tilespmem:s10], [sflag:$0x3] =	stream.strided.gather @!p3 [hbm4b:s29+s0], $0x800, s1, s0, $0x38;
	[tilespmem:$0x18F00] =	vst v63  }
0x12f: {  	p0 =	por p1, p0;
	s10 =	simm.s32 @!p3 $0xDD00  }
0x130: {  	[tilespmem:s10], [sflag:$0x3] =	stream.strided.gather @!p3 [hbm4b:s26+s0], $0x800, s1, s0, $0x38;
	[tilespmem:$0x18F00] =	vst v63  }
0x131: {  	s0 =	simm.s32 @!p0 $0x400;
	s1 =	simm.s32 @!p0 $0x7A1400;
	s10 =	simm.s32 @!p0 $0x2500  }
0x132: {  	[tilespmem:s10], [sflag:$0x4] =	stream.strided.gather @!p0 [hbm4b:s28+s0], $0x800, s1, s0, $0x38;
	[tilespmem:$0x18F00] =	vst v63  }
0x133: {  	s10 =	simm.s32 @!p0 $0xE500  }
0x134: {  	[tilespmem:s10], [sflag:$0x4] =	stream.strided.gather @!p0 [hbm4b:s30+s0], $0x800, s1, s0, $0x38;
	[tilespmem:$0x18F00] =	vst v63  }
.Ltmp2:
0x135: {  	_ = 	snop;
	(pc) =	sbr.rel .LBB2_6-.Ltmp2, $4  }
0x136: {  	s10 =	simm.s32 @!p0 $0x2D00  }
0x137: {  	[tilespmem:s10], [sflag:$0x4] =	stream.strided.gather @!p0 [hbm4b:s29+s0], $0x800, s1, s0, $0x38;
	[tilespmem:$0x18F00] =	vst v63  }
0x138: {  	s10 =	simm.s32 @!p0 $0xED00  }
0x139: {  	[tilespmem:s10], [sflag:$0x4] =	stream.strided.gather @!p0 [hbm4b:s26+s0], $0x800, s1, s0, $0x38;
	[tilespmem:$0x18F00] =	vst v63  }
.LBB2_5:
0x13a: {  	p0 =	sgt.s32 s31, $0x8  }
0x13b: {  	p1 =	seq.s32 @p0 s31, $0x9  }
0x13c: {  	p2 =	por !p1, !p0  }
0x13d: {  	s0 =	simm.s32 @!p2 $0x400;
	s1 =	simm.s32 @!p2 $0x7A1400;
	s10 =	simm.s32 @!p2 $0x9500  }
0x13e: {  	[tilespmem:s10], [sflag:$0xB] =	stream.strided.gather @!p2 [hbm4b:s28+s0], $0x800, s1, s0, $0x38;
	[tilespmem:$0x18F00] =	vst v63  }
0x13f: {  	s10 =	simm.s32 @!p2 $0x15500  }
0x140: {  	[tilespmem:s10], [sflag:$0xB] =	stream.strided.gather @!p2 [hbm4b:s30+s0], $0x800, s1, s0, $0x38;
	[tilespmem:$0x18F00] =	vst v63  }
0x141: {  	s10 =	simm.s32 @!p2 $0x9D00  }
0x142: {  	[tilespmem:s10], [sflag:$0xB] =	stream.strided.gather @!p2 [hbm4b:s29+s0], $0x800, s1, s0, $0x38;
	[tilespmem:$0x18F00] =	vst v63  }
0x143: {  	s10 =	simm.s32 @!p2 $0x15D00  }
0x144: {  	[tilespmem:s10], [sflag:$0xB] =	stream.strided.gather @!p2 [hbm4b:s26+s0], $0x800, s1, s0, $0x38;
	[tilespmem:$0x18F00] =	vst v63  }
0x145: {  	p2 =	por p1, !p0  }
0x146: {  	p2 =	seq.s32 @!p2 s31, $0xA  }
0x147: {  	p3 =	por @p0 !p2, p1  }
0x148: {  	p3 =	por p3, !p0  }
0x149: {  	s0 =	simm.s32 @!p3 $0x400;
	s1 =	simm.s32 @!p3 $0x7A1400;
	s10 =	simm.s32 @!p3 $0xA500  }
0x14a: {  	[tilespmem:s10], [sflag:$0xC] =	stream.strided.gather @!p3 [hbm4b:s28+s0], $0x800, s1, s0, $0x38;
	[tilespmem:$0x18F00] =	vst v63  }
0x14b: {  	s10 =	simm.s32 @!p3 $0x16500  }
0x14c: {  	[tilespmem:s10], [sflag:$0xC] =	stream.strided.gather @!p3 [hbm4b:s30+s0], $0x800, s1, s0, $0x38;
	[tilespmem:$0x18F00] =	vst v63  }
0x14d: {  	p1 =	por @p0 p2, p1;
	s10 =	simm.s32 @!p3 $0xAD00  }
0x14e: {  	[tilespmem:s10], [sflag:$0xC] =	stream.strided.gather @!p3 [hbm4b:s29+s0], $0x800, s1, s0, $0x38;
	[tilespmem:$0x18F00] =	vst v63  }
0x14f: {  	p1 =	por p1, !p0;
	s10 =	simm.s32 @!p3 $0x16D00  }
0x150: {  	[tilespmem:s10], [sflag:$0xC] =	stream.strided.gather @!p3 [hbm4b:s26+s0], $0x800, s1, s0, $0x38;
	[tilespmem:$0x18F00] =	vst v63  }
0x151: {  	s0 =	simm.s32 @!p1 $0x400;
	s1 =	simm.s32 @!p1 $0x7A1400;
	s10 =	simm.s32 @!p1 $0xB500  }
0x152: {  	[tilespmem:s10], [sflag:$0xD] =	stream.strided.gather @!p1 [hbm4b:s28+s0], $0x800, s1, s0, $0x38;
	[tilespmem:$0x18F00] =	vst v63  }
0x153: {  	s10 =	simm.s32 @!p1 $0x17500  }
0x154: {  	[tilespmem:s10], [sflag:$0xD] =	stream.strided.gather @!p1 [hbm4b:s30+s0], $0x800, s1, s0, $0x38;
	[tilespmem:$0x18F00] =	vst v63  }
0x155: {  	s10 =	simm.s32 @!p1 $0xBD00  }
0x156: {  	[tilespmem:s10], [sflag:$0xD] =	stream.strided.gather @!p1 [hbm4b:s29+s0], $0x800, s1, s0, $0x38;
	[tilespmem:$0x18F00] =	vst v63  }
0x157: {  	s10 =	simm.s32 @!p1 $0x17D00  }
0x158: {  	[tilespmem:s10], [sflag:$0xD] =	stream.strided.gather @!p1 [hbm4b:s26+s0], $0x800, s1, s0, $0x38;
	[tilespmem:$0x18F00] =	vst v63  }
0x159: {  	p1 =	seq.s32 @!p0 s31, $0x6  }
0x15a: {  	p2 =	por !p1, p0  }
0x15b: {  	s0 =	simm.s32 @!p2 $0x400;
	s1 =	simm.s32 @!p2 $0x7A1400;
	s10 =	simm.s32 @!p2 $0x6500  }
0x15c: {  	[tilespmem:s10], [sflag:$0x8] =	stream.strided.gather @!p2 [hbm4b:s28+s0], $0x800, s1, s0, $0x38;
	[tilespmem:$0x18F00] =	vst v63  }
0x15d: {  	s10 =	simm.s32 @!p2 $0x12500  }
0x15e: {  	[tilespmem:s10], [sflag:$0x8] =	stream.strided.gather @!p2 [hbm4b:s30+s0], $0x800, s1, s0, $0x38;
	[tilespmem:$0x18F00] =	vst v63  }
0x15f: {  	s10 =	simm.s32 @!p2 $0x6D00  }
0x160: {  	[tilespmem:s10], [sflag:$0x8] =	stream.strided.gather @!p2 [hbm4b:s29+s0], $0x800, s1, s0, $0x38;
	[tilespmem:$0x18F00] =	vst v63  }
0x161: {  	s10 =	simm.s32 @!p2 $0x12D00  }
0x162: {  	[tilespmem:s10], [sflag:$0x8] =	stream.strided.gather @!p2 [hbm4b:s26+s0], $0x800, s1, s0, $0x38;
	[tilespmem:$0x18F00] =	vst v63  }
0x163: {  	p2 =	por p1, p0  }
0x164: {  	p2 =	seq.s32 @!p2 s31, $0x7  }
0x165: {  	p3 =	por @!p0 !p2, p1  }
0x166: {  	p3 =	por p3, p0  }
0x167: {  	s0 =	simm.s32 @!p3 $0x400;
	s1 =	simm.s32 @!p3 $0x7A1400;
	s10 =	simm.s32 @!p3 $0x7500  }
0x168: {  	[tilespmem:s10], [sflag:$0x9] =	stream.strided.gather @!p3 [hbm4b:s28+s0], $0x800, s1, s0, $0x38;
	[tilespmem:$0x18F00] =	vst v63  }
0x169: {  	s10 =	simm.s32 @!p3 $0x13500  }
0x16a: {  	[tilespmem:s10], [sflag:$0x9] =	stream.strided.gather @!p3 [hbm4b:s30+s0], $0x800, s1, s0, $0x38;
	[tilespmem:$0x18F00] =	vst v63  }
0x16b: {  	p1 =	por @!p0 p2, p1;
	s10 =	simm.s32 @!p3 $0x7D00  }
0x16c: {  	[tilespmem:s10], [sflag:$0x9] =	stream.strided.gather @!p3 [hbm4b:s29+s0], $0x800, s1, s0, $0x38;
	[tilespmem:$0x18F00] =	vst v63  }
0x16d: {  	p0 =	por p1, p0;
	s10 =	simm.s32 @!p3 $0x13D00  }
0x16e: {  	[tilespmem:s10], [sflag:$0x9] =	stream.strided.gather @!p3 [hbm4b:s26+s0], $0x800, s1, s0, $0x38;
	[tilespmem:$0x18F00] =	vst v63  }
0x16f: {  	s0 =	simm.s32 @!p0 $0x400;
	s1 =	simm.s32 @!p0 $0x7A1400;
	s10 =	simm.s32 @!p0 $0x8500  }
0x170: {  	[tilespmem:s10], [sflag:$0xA] =	stream.strided.gather @!p0 [hbm4b:s28+s0], $0x800, s1, s0, $0x38;
	[tilespmem:$0x18F00] =	vst v63  }
0x171: {  	s10 =	simm.s32 @!p0 $0x14500  }
0x172: {  	[tilespmem:s10], [sflag:$0xA] =	stream.strided.gather @!p0 [hbm4b:s30+s0], $0x800, s1, s0, $0x38;
	[tilespmem:$0x18F00] =	vst v63  }
0x173: {  	s10 =	simm.s32 @!p0 $0x8D00  }
0x174: {  	[tilespmem:s10], [sflag:$0xA] =	stream.strided.gather @!p0 [hbm4b:s29+s0], $0x800, s1, s0, $0x38;
	[tilespmem:$0x18F00] =	vst v63  }
0x175: {  	s10 =	simm.s32 @!p0 $0x14D00  }
0x176: {  	[tilespmem:s10], [sflag:$0xA] =	stream.strided.gather @!p0 [hbm4b:s26+s0], $0x800, s1, s0, $0x38;
	[tilespmem:$0x18F00] =	vst v63  }
.LBB2_6:
0x177: {  	s0 =	smul.u32 $0x2AAB, s25;
	_ =	sdelay $0x1  }
0x178: {  	s1 =	sshrl.u32 s0, $0x1F;
	s0 =	sshra.s32 s0, $0x11  }
0x179: {  	s0 =	sadd.s32 s1, s0  }
0x17a: {  	s0 =	smul.u32 $0xC, s0;
	_ =	sdelay $0x1  }
0x17b: {  	s26 =	ssub.s32 s25, s0  }
0x17c: {  	s28 =	sand.u32 $0xFFFF, s26  }
0x17d: {  	p0 =	sgt.s32 s28, $0x5  }
.Ltmp3:
0x17e: {  	_ = 	snop;
	(pc) =	sbr.rel @p0 .LBB2_17-.Ltmp3, $1  }
0x17f: {  	_ =	sdelay $0x3  }
0x180: {  	p0 =	sgt.s32 s28, $0x2  }
.Ltmp4:
0x181: {  	_ = 	snop;
	(pc) =	sbr.rel @p0 .LBB2_13-.Ltmp4, $1  }
0x182: {  	_ =	sdelay $0x3  }
0x183: {  	p0 =	seq.s32 s28, $0x0  }
.Ltmp5:
0x184: {  	_ = 	snop;
	(pc) =	sbr.rel @p0 .LBB2_9-.Ltmp5, $1  }
0x185: {  	_ =	sdelay $0x3  }
0x186: {  	p0 =	seq.s32 s28, $0x1  }
.Ltmp6:
0x187: {  	_ = 	snop;
	(pc) =	sbr.rel @p0 .LBB2_26-.Ltmp6, $1  }
0x188: {  	_ =	sdelay $0x3  }
0x189: {  	p0 =	seq.s32 s28, $0x2  }
.Ltmp7:
0x18a: {  	_ = 	snop;
	(pc) =	sbr.rel @!p0 .LBB2_34-.Ltmp7, $1  }
0x18b: {  	_ =	sdelay $0x3  }
.Ltmp8:
0x18c: {  	(pc) =	sbr.rel .LBB2_33-.Ltmp8, $2  }
0x18d: {  	_ =	sdelay $0x2  }
0x18e: {  	s28 =	simm.s32 $0x4  }
.LBB2_17:
0x18f: {  	p0 =	sgt.s32 s28, $0x8  }
.Ltmp9:
0x190: {  	_ = 	snop;
	(pc) =	sbr.rel @p0 .LBB2_22-.Ltmp9, $1  }
0x191: {  	_ =	sdelay $0x3  }
0x192: {  	p0 =	seq.s32 s28, $0x6  }
.Ltmp10:
0x193: {  	_ = 	snop;
	(pc) =	sbr.rel @p0 .LBB2_29-.Ltmp10, $1  }
0x194: {  	_ =	sdelay $0x3  }
0x195: {  	p0 =	seq.s32 s28, $0x7  }
.Ltmp11:
0x196: {  	_ = 	snop;
	(pc) =	sbr.rel @p0 .LBB2_30-.Ltmp11, $1  }
0x197: {  	_ =	sdelay $0x3  }
0x198: {  	p0 =	seq.s32 s28, $0x8  }
.Ltmp12:
0x199: {  	_ = 	snop;
	(pc) =	sbr.rel @!p0 .LBB2_34-.Ltmp12, $1  }
0x19a: {  	_ =	sdelay $0x3  }
.Ltmp13:
0x19b: {  	(pc) =	sbr.rel .LBB2_33-.Ltmp13, $2  }
0x19c: {  	_ =	sdelay $0x2  }
0x19d: {  	s28 =	simm.s32 $0xA  }
.LBB2_13:
0x19e: {  	p0 =	seq.s32 s28, $0x3  }
.Ltmp14:
0x19f: {  	_ = 	snop;
	(pc) =	sbr.rel @p0 .LBB2_27-.Ltmp14, $1  }
0x1a0: {  	_ =	sdelay $0x3  }
0x1a1: {  	p0 =	seq.s32 s28, $0x4  }
.Ltmp15:
0x1a2: {  	_ = 	snop;
	(pc) =	sbr.rel @p0 .LBB2_28-.Ltmp15, $1  }
0x1a3: {  	_ =	sdelay $0x3  }
0x1a4: {  	p0 =	seq.s32 s28, $0x5  }
.Ltmp16:
0x1a5: {  	_ = 	snop;
	(pc) =	sbr.rel @!p0 .LBB2_34-.Ltmp16, $1  }
0x1a6: {  	_ =	sdelay $0x3  }
.Ltmp17:
0x1a7: {  	(pc) =	sbr.rel .LBB2_33-.Ltmp17, $2  }
0x1a8: {  	_ =	sdelay $0x2  }
0x1a9: {  	s28 =	simm.s32 $0x7  }
.LBB2_22:
0x1aa: {  	p0 =	seq.s32 s28, $0x9  }
.Ltmp18:
0x1ab: {  	_ = 	snop;
	(pc) =	sbr.rel @p0 .LBB2_31-.Ltmp18, $1  }
0x1ac: {  	_ =	sdelay $0x3  }
0x1ad: {  	p0 =	seq.s32 s28, $0xA  }
.Ltmp19:
0x1ae: {  	_ = 	snop;
	(pc) =	sbr.rel @p0 .LBB2_32-.Ltmp19, $1  }
0x1af: {  	_ =	sdelay $0x3  }
0x1b0: {  	p0 =	seq.s32 s28, $0xB  }
.Ltmp20:
0x1b1: {  	_ = 	snop;
	(pc) =	sbr.rel @!p0 .LBB2_34-.Ltmp20, $1  }
0x1b2: {  	_ =	sdelay $0x3  }
.Ltmp21:
0x1b3: {  	(pc) =	sbr.rel .LBB2_33-.Ltmp21, $2  }
0x1b4: {  	_ =	sdelay $0x2  }
0x1b5: {  	s28 =	simm.s32 $0xD  }
.LBB2_9:
.Ltmp22:
0x1b6: {  	(pc) =	sbr.rel .LBB2_33-.Ltmp22, $2  }
0x1b7: {  	_ =	sdelay $0x2  }
0x1b8: {  	s28 =	simm.s32 $0x2  }
.LBB2_29:
.Ltmp23:
0x1b9: {  	(pc) =	sbr.rel .LBB2_33-.Ltmp23, $2  }
0x1ba: {  	_ =	sdelay $0x2  }
0x1bb: {  	s28 =	simm.s32 $0x8  }
.LBB2_27:
.Ltmp24:
0x1bc: {  	(pc) =	sbr.rel .LBB2_33-.Ltmp24, $2  }
0x1bd: {  	_ =	sdelay $0x2  }
0x1be: {  	s28 =	simm.s32 $0x5  }
.LBB2_31:
.Ltmp25:
0x1bf: {  	(pc) =	sbr.rel .LBB2_33-.Ltmp25, $2  }
0x1c0: {  	_ =	sdelay $0x2  }
0x1c1: {  	s28 =	simm.s32 $0xB  }
.LBB2_26:
.Ltmp26:
0x1c2: {  	(pc) =	sbr.rel .LBB2_33-.Ltmp26, $2  }
0x1c3: {  	_ =	sdelay $0x2  }
0x1c4: {  	s28 =	simm.s32 $0x3  }
.LBB2_30:
.Ltmp27:
0x1c5: {  	(pc) =	sbr.rel .LBB2_33-.Ltmp27, $2  }
0x1c6: {  	_ =	sdelay $0x2  }
0x1c7: {  	s28 =	simm.s32 $0x9  }
.LBB2_28:
.Ltmp28:
0x1c8: {  	(pc) =	sbr.rel .LBB2_33-.Ltmp28, $2  }
0x1c9: {  	_ =	sdelay $0x2  }
0x1ca: {  	s28 =	simm.s32 $0x6  }
.LBB2_32:
0x1cb: {  	s28 =	simm.s32 $0xC  }
.LBB2_33:
0x1cc: {  	_ =	swait.ge [sflag:s28], $0x1000  }
0x1cd: {  	[sflag:s28] =	ssyncset.done $0x0  }
0x1ce: {  	[sflag:s28] =	ssyncadd.s32 $0xFFFFF000  }
0x1cf: {  	_ =	swait.ge [sflag:s28], $0x1000  }
0x1d0: {  	[sflag:s28] =	ssyncset.done $0x0  }
0x1d1: {  	[sflag:s28] =	ssyncadd.s32 $0xFFFFF000  }
.LBB2_34:
0x1d2: {  	v2 =	vld [tilespmem:s24+$0x0]  }
0x1d3: {  	v3 =	vld [tilespmem:s22+$0xFFFFFFEA];
	_ =	sdelay $0x3  }
0x1d4: {  	(v2sf) =	vpush v2, $0x0  }
0x1d5: {  	(v2sf) =	vpush v3, $0x0;
	_ =	sdelay $0x7  }
0x1d6: {  	(v2sf) =	vpush v2, $0x1  }
0x1d7: {  	(v2sf) =	vpush v3, $0x1;
	_ =	sdelay $0x2  }
0x1d8: {  	s0 =	sshll.u32 s26, $0x10  }
0x1d9: {  	s0 =	sshra.s32 s0, $0x10  }
0x1da: {  	s0 =	sshll.u32 s0, $0xC;
	s1 =	spop (v2sf)  }
0x1db: {  	v2 =	vor.u32 s0, v0;
	s10 =	spop (v2sf);
	s1 =	sand.u32 $0x7F, s1  }
0x1dc: {  	s10 =	sand.u32 $0x7F, s10;
	v3 =	vor.u32 s1, v2  }
0x1dd: {  	v2 =	vor.u32 s10, v2;
	_ =	sdelay $0x1  }
0x1de: {  	s28 =	sshll.u32 s25, $0x10  }
0x1df: {  	s1 =	sshra.s32 s28, $0x1F  }
0x1e0: {  	s1 =	sand.u32 $0x7, s1;
	v3 =	vld.idx.msk [tilespmem:v3+s13+$0x0], $0xffff  }
0x1e1: {  	s1 =	sadd.s32 s1, s25;
	v2 =	vld.idx.msk [tilespmem:v2+s14+$0x0], $0xffff  }
0x1e2: {  	s29 =	spop (v2sf);
	s1 =	sand.u32 $0xFFFFFFF8, s1  }
0x1e3: {  	v4 =	vor.u32 s0, v1;
	s10 =	sand.u32 $0x7F, s29;
	s30 =	spop (v2sf);
	s1 =	ssub.s32 s25, s1  }
0x1e4: {  	s26 =	sand.u32 $0x7F, s30;
	v5 =	vor.u32 s10, v4;
	s31 =	sshll.u32 s1, $0x10  }
0x1e5: {  	v4 =	vor.u32 s26, v4;
	s0 =	sshra.s32 s31, $0x10  }
0x1e6: {  	s0 =	sshll.u32 s0, $0xA;
	v2 =	vmul.f32 v2, v3  }
0x1e7: {  	s0 =	sshra.s32 s0, $0x2  }
0x1e8: {  	[tilespmem:s0+$0x18500] =	vst v2  }
0x1e9: {  	s1 =	sand.u32 $0xFFFF, s1;
	v2 =	vld.idx.msk [tilespmem:v5+s13+$0x0], $0xffff  }
0x1ea: {  	p0 =	sne.s32 s1, $0x7;
	v3 =	vld.idx.msk [tilespmem:v4+s14+$0x0], $0xffff  }
0x1eb: {  	v4 =	vlaneseq.u32 @!p0  }
0x1ec: {  	v4 =	vmul.u32 @!p0 $0x80, v4;
	_ =	sdelay $0x2  }
0x1ed: {  	v2 =	vmul.f32 v3, v2;
	v3 =	vor.u32 @!p0 $0x1, v4;
	_ =	sdelay $0x1  }
0x1ee: {  	[tilespmem:s0+$0x18580] =	vst v2;
	s0 =	simm.s32 @!p0 $0x18500;
	v2 =	vor.u32 @!p0 $0x2, v4  }
0x1ef: {  	v5 =	vld.idx.msk @!p0 [tilespmem:v4+s0+$0x0], $0xffff  }
0x1f0: {  	v6 =	vor.u32 @!p0 $0x3, v4  }
0x1f1: {  	v3 =	vld.idx.msk @!p0 [tilespmem:v3+s0+$0x0], $0xffff  }
0x1f2: {  	v7 =	vor.u32 @!p0 $0x4, v4  }
0x1f3: {  	v2 =	vld.idx.msk @!p0 [tilespmem:v2+s0+$0x0], $0xffff  }
0x1f4: {  	v8 =	vor.u32 @!p0 $0x5, v4;
	v5 =	vadd.f32 @!p0 $0.0e+00, v5  }
0x1f5: {  	v6 =	vld.idx.msk @!p0 [tilespmem:v6+s0+$0x0], $0xffff  }
0x1f6: {  	v3 =	vadd.f32 @!p0 v3, v5;
	v5 =	vor.u32 @!p0 $0x6, v4  }
0x1f7: {  	v7 =	vld.idx.msk @!p0 [tilespmem:v7+s0+$0x0], $0xffff  }
0x1f8: {  	v2 =	vadd.f32 @!p0 v2, v3;
	v3 =	vor.u32 @!p0 $0x7, v4  }
0x1f9: {  	v8 =	vld.idx.msk @!p0 [tilespmem:v8+s0+$0x0], $0xffff  }
0x1fa: {  	v2 =	vadd.f32 @!p0 v6, v2;
	v6 =	vor.u32 @!p0 $0x8, v4  }
0x1fb: {  	v5 =	vld.idx.msk @!p0 [tilespmem:v5+s0+$0x0], $0xffff  }
0x1fc: {  	v2 =	vadd.f32 @!p0 v7, v2;
	v7 =	vor.u32 @!p0 $0x9, v4  }
0x1fd: {  	v3 =	vld.idx.msk @!p0 [tilespmem:v3+s0+$0x0], $0xffff  }
0x1fe: {  	v2 =	vadd.f32 @!p0 v8, v2;
	v8 =	vor.u32 @!p0 $0xA, v4  }
0x1ff: {  	v6 =	vld.idx.msk @!p0 [tilespmem:v6+s0+$0x0], $0xffff  }
0x200: {  	v2 =	vadd.f32 @!p0 v5, v2;
	v5 =	vor.u32 @!p0 $0xB, v4  }
0x201: {  	v7 =	vld.idx.msk @!p0 [tilespmem:v7+s0+$0x0], $0xffff  }
0x202: {  	v2 =	vadd.f32 @!p0 v3, v2;
	v3 =	vor.u32 @!p0 $0xC, v4  }
0x203: {  	v8 =	vld.idx.msk @!p0 [tilespmem:v8+s0+$0x0], $0xffff  }
0x204: {  	v2 =	vadd.f32 @!p0 v6, v2;
	v6 =	vor.u32 @!p0 $0xD, v4  }
0x205: {  	v5 =	vld.idx.msk @!p0 [tilespmem:v5+s0+$0x0], $0xffff  }
0x206: {  	v2 =	vadd.f32 @!p0 v7, v2;
	v7 =	vor.u32 @!p0 $0xE, v4  }
0x207: {  	v3 =	vld.idx.msk @!p0 [tilespmem:v3+s0+$0x0], $0xffff  }
0x208: {  	v4 =	vor.u32 @!p0 $0xF, v4;
	v2 =	vadd.f32 @!p0 v8, v2  }
0x209: {  	v6 =	vld.idx.msk @!p0 [tilespmem:v6+s0+$0x0], $0xffff  }
0x20a: {  	v2 =	vadd.f32 @!p0 v5, v2  }
0x20b: {  	v5 =	vld.idx.msk @!p0 [tilespmem:v7+s0+$0x0], $0xffff  }
0x20c: {  	v2 =	vadd.f32 @!p0 v3, v2  }
0x20d: {  	v3 =	vld.idx.msk @!p0 [tilespmem:v4+s0+$0x0], $0xffff  }
0x20e: {  	v2 =	vadd.f32 @!p0 v6, v2;
	_ =	sdelay $0x1  }
0x20f: {  	v2 =	vadd.f32 @!p0 v5, v2;
	_ =	sdelay $0x1  }
0x210: {  	v2 =	vadd.f32 @!p0 v3, v2  }
0x211: {  	s25 =	sadd.s32 $0x1, s25  }
0x212: {  	[tilespmem:s23+$0x0] =	vst @!p0 v2;
	p0 =	sne.s32 s25, $0x100  }
.Ltmp29:
0x213: {  	_ = 	snop;
	(pc) =	sbr.rel @p0 .LBB2_2-.Ltmp29, $2  }
0x214: {  	_ =	sdelay $0x2  }
0x215: {  	s24 =	sadd.s32 $0x2, s24;
	s22 =	sadd.s32 $0x2, s22;
	s23 =	sadd.s32 $0x2, s23  }
0x216: {  	s21 =	sadd.s32 $0x1, s21  }
0x217: {  	p0 =	sne.s32 s21, s8  }
.Ltmp30:
0x218: {  	_ = 	snop;
	(pc) =	sbr.rel @p0 .LBB2_1-.Ltmp30, $4  }
0x219: {  	[hbm4b:s7+s4] =	stream.linear.scatter [tilespmem:s19], [sflag:$0xE], $0x200, $0x38;
	[tilespmem:$0x18F00] =	vst v63  }
0x21a: {  	_ =	swait.ge [sflag:s20], $0x200  }
0x21b: {  	[sflag:s20] =	ssyncset.done $0x0  }
0x21c: {  	[sflag:s20] =	ssyncadd.s32 $0xFFFFFE00  }
0x21d: {  	_ =	sfence.sel $0x180000  }
0x21e: {  	[bflag:$0x0] =	sbarrier.arrive $0xFFFF  }
0x21f: {  	_ =	strace $0x90000047  }
0x220: {  	s0 =	stileid.u32;
	[bflag:$0x2] =	sbarrier.arrive $0xFFFF  }
0x221: {  	p0 =	sne.s32 s0, $0x0;
	s0 =	rddreg [dreg:$0x4]  }
0x222: {  	s0 =	sadd.s32 @!p0 $0x100000, s0  }
0x223: {  	[sflag:s0] =	ssyncadd.tile.s32 @!p0 $0x1;
	_ =	shalt  }
.Lfunc_end2:
_tile_overlayer_lowered:
.L_overlay_start_2:
0x224: {  	(tag) =	ssettag $0x2  }
0x225: {  	s0 =	rddreg [dreg:$0x0];
	s2 =	stileid.u32  }
0x226: {  	s1 =	rddreg [dreg:$0x1];
	p0 =	sne.s32 s2, $0x0  }
0x227: {  	s3 =	rddreg [dreg:$0x2];
	[bflag:$0x3] =	sbarrier.arrive $0xFFFF;
	s2 =	simm.s32 @!p0 $0x1C0E  }
0x228: {  	[timem:s3], [sflag:s2] =	dma.local @!p0 [hbm:s0], s1  }
0x229: {  	s0 =	simm.s32 @!p0 $0xE  }
0x22a: {  	_ =	swait.ge @!p0 [sflag:s0], s1  }
0x22b: {  	s1 =	ssub.s32 @!p0 $0x0, s1;
	[sflag:s0] =	ssyncset.done @!p0 $0x0  }
0x22c: {  	[sflag:s0] =	ssyncadd.s32 @!p0 s1  }
0x22d: {  	[bflag:$0x3] =	sbarrier.arrive $0xFFFF  }
0x22e: {  	_ =	shalt  }

</sc_bundles>
